<compile_context>
chip_gen: v7x
topology: tpu7x:2x2x1
jax: 0.10.2.dev20260603
libtpu: 0.0.44.dev20260713+nightly
codegen_flags: <defaults>
</compile_context>

<pallas_src>
import functools

import jax
import jax.numpy as jnp
from jax import lax
from jax.experimental import pallas as pl
from jax.experimental.pallas import tpu as pltpu
from jax.experimental.pallas import tpu_sc as plsc

_NMEANS = 2000
_NKNOT = _NMEANS + 4
_NPAD = 2048
_L = 16


def _tdigest_cdf_body(x_hbm, means_hbm, weights_hbm, out_hbm,
                      e_v, c_v, stage_m, cumw_s, w_v,
                      xbuf_a, obuf_a, xbuf_b, obuf_b,
                      lv32, lv16, lv8, lv4, lv2, lv1,
                      isem_a, osem_a, isem_b, osem_b,
                      *, n_total, n_workers, chunk):
    wid = lax.axis_index("s") * 2 + lax.axis_index("c")
    per_w = n_total // n_workers
    base = wid * per_w

    pltpu.sync_copy(means_hbm, stage_m)
    pltpu.sync_copy(weights_hbm, w_v)

    iota = lax.iota(jnp.int32, _L)
    lane15 = jnp.full((_L,), _L - 1, jnp.int32)
    _dnums = lax.GatherDimensionNumbers(
        offset_dims=(), collapsed_slice_dims=(0,), start_index_map=(0,))

    def _perm(v, idx):
        return lax.gather(v, idx[:, None], _dnums, slice_sizes=(1,),
                          mode=lax.GatherScatterMode.PROMISE_IN_BOUNDS)

    def _cumsum16(v):
        for sh in (1, 2, 4, 8):
            g = _perm(v, jnp.maximum(iota - sh, 0))
            v = v + jnp.where(iota >= sh, g, 0.0)
        return v

    def cum_body(i, carry):
        wv = w_v[pl.ds(i * _L, _L)]
        c = _cumsum16(wv) + carry
        cumw_s[pl.ds(i * _L, _L)] = c - wv * 0.5
        return _perm(c, lane15)

    total_v = lax.fori_loop(0, _NMEANS // _L, cum_body,
                            jnp.zeros((_L,), jnp.float32))
    inv_w = 1.0 / total_v

    zero_i = jnp.zeros((_L,), jnp.int32)
    m0 = plsc.load_gather(stage_m, [zero_i])
    mn = plsc.load_gather(stage_m, [zero_i + (_NMEANS - 1)])
    mean_min = m0 - 1.0
    mean_max = mn + 1.0

    mn_bits = plsc.bitcast(mn, jnp.int32)
    nb_bits = jnp.where(mn > 0.0, mn_bits - 1,
                        jnp.where(mn < 0.0, mn_bits + 1,
                                  jnp.full((_L,), -2**31, jnp.int32)))
    nb = plsc.bitcast(nb_bits, jnp.float32)
    e_first = jnp.minimum(mean_min, nb)
    inf_v = jnp.full((_L,), jnp.inf, jnp.float32)
    zero_f = jnp.zeros((_L,), jnp.float32)

    def knot_body(k, _):
        posv = k * _L + iota
        srcc = jnp.clip(posv - 2, 0, _NMEANS - 1)
        g = plsc.load_gather(stage_m, [srcc])
        e = jnp.minimum(g, nb)
        e = jnp.where(posv == 0, e_first, e)
        e = jnp.where(posv == _NKNOT - 1, mean_max, e)
        e = jnp.where(posv >= _NKNOT, inf_v, e)
        e_v[pl.ds(k * _L, _L)] = e
        q = plsc.load_gather(cumw_s, [srcc])
        q = jnp.where(posv <= 1, zero_f, q)
        q = jnp.where(posv >= _NKNOT - 2, total_v, q)
        c_v[pl.ds(k * _L, _L)] = q
        return 0

    lax.fori_loop(0, _NPAD // _L, knot_body, 0)

    t1 = plsc.load_gather(e_v, [iota * 128 + 127])
    t2 = plsc.load_gather(e_v, [iota * 128 + 63])

    lv_tables = ((lv32, 32, 6), (lv16, 16, 5), (lv8, 8, 4),
                 (lv4, 4, 3), (lv2, 2, 2), (lv1, 1, 1))
    for arr, s, _sh in lv_tables:
        n_lv = _NPAD // (2 * s)

        def lv_body(k, _, arr=arr, s=s):
            idxv = (k * _L + iota) * (2 * s) + (s - 1)
            arr[pl.ds(k * _L, _L)] = plsc.load_gather(e_v, [idxv])
            return 0

        lax.fori_loop(0, n_lv // _L, lv_body, 0)

    def make_compute(xbuf, obuf):
      def compute_vreg(j):
        xv = xbuf[pl.ds(j * _L, _L)]
        lo4 = zero_i
        for step in (8, 4, 2, 1):
            g = _perm(t1, lo4 + (step - 1))
            lo4 = jnp.where(g < xv, lo4 + step, lo4)
        g5 = _perm(t2, lo4)
        lo = lo4 * 128 + jnp.where(g5 < xv, 64, 0)
        for arr, s, sh in lv_tables:
            probe = plsc.load_gather(arr, [lo >> sh])
            lo = jnp.where(probe < xv, lo + s, lo)
        u = jnp.clip(lo, 1, _NKNOT - 1)
        u1 = u - 1
        e1 = plsc.load_gather(e_v, [u1])
        e2 = plsc.load_gather(e_v, [u])
        c1 = plsc.load_gather(c_v, [u1])
        c2 = plsc.load_gather(c_v, [u])
        xc = jnp.clip(xv, e1, e2)
        z1 = xc - e1
        z2 = e2 - xc
        den = z1 + z2
        safe = jnp.where(den == 0.0, 1.0, den)
        wa = (c1 * z1 + c2 * z2) / safe
        obuf[pl.ds(j * _L, _L)] = wa * inv_w
      return compute_vreg

    bufs = ((xbuf_a, obuf_a, isem_a, osem_a),
            (xbuf_b, obuf_b, isem_b, osem_b))
    nch = per_w // chunk

    def _in_copy(g, xb, sem):
        return pltpu.make_async_copy(
            x_hbm.at[pl.ds(base + g * chunk, chunk)], xb, sem)

    def _out_copy(g, ob, sem):
        return pltpu.make_async_copy(
            ob, out_hbm.at[pl.ds(base + g * chunk, chunk)], sem)

    _in_copy(0, xbuf_a, isem_a).start()

    def pair_body(i, _):
        for b in range(2):
            g = 2 * i + b
            xb, ob, isem, osem = bufs[b]
            xb2, _ob2, isem2, _osem2 = bufs[1 - b]

            @pl.when(g + 1 < nch)
            def _():
                _in_copy(g + 1, xb2, isem2).start()

            _in_copy(g, xb, isem).wait()

            @pl.when(g >= 2)
            def _():
                _out_copy(g - 2, ob, osem).wait()

            plsc.parallel_loop(0, chunk // _L, unroll=32)(
                make_compute(xb, ob))
            _out_copy(g, ob, osem).start()
        return 0

    lax.fori_loop(0, nch // 2, pair_body, 0)
    _out_copy(nch - 2, obuf_a, osem_a).wait()
    _out_copy(nch - 1, obuf_b, osem_b).wait()


def kernel(x, processed_means, processed_weights):
    n_total = x.shape[0]
    info = plsc.get_sparse_core_info()
    n_workers = info.num_cores * info.num_subcores
    chunk = 16384
    mesh = plsc.VectorSubcoreMesh(core_axis_name="c", subcore_axis_name="s")
    body = functools.partial(_tdigest_cdf_body, n_total=n_total,
                             n_workers=n_workers, chunk=chunk)
    fn = pl.kernel(
        body,
        out_type=jax.ShapeDtypeStruct((n_total,), jnp.float32),
        mesh=mesh,
        compiler_params=pltpu.CompilerParams(needs_layout_passes=False),
        scratch_types=[
            pltpu.VMEM((_NPAD,), jnp.float32),
            pltpu.VMEM((_NPAD,), jnp.float32),
            pltpu.VMEM((_NMEANS,), jnp.float32),
            pltpu.VMEM((_NMEANS,), jnp.float32),
            pltpu.VMEM((_NMEANS,), jnp.float32),
            pltpu.VMEM((chunk,), jnp.float32),
            pltpu.VMEM((chunk,), jnp.float32),
            pltpu.VMEM((chunk,), jnp.float32),
            pltpu.VMEM((chunk,), jnp.float32),
            pltpu.VMEM((32,), jnp.float32),
            pltpu.VMEM((64,), jnp.float32),
            pltpu.VMEM((128,), jnp.float32),
            pltpu.VMEM((256,), jnp.float32),
            pltpu.VMEM((512,), jnp.float32),
            pltpu.VMEM((1024,), jnp.float32),
            pltpu.SemaphoreType.DMA,
            pltpu.SemaphoreType.DMA,
            pltpu.SemaphoreType.DMA,
            pltpu.SemaphoreType.DMA,
        ],
    )
    return fn(x, processed_means.astype(jnp.float32),
              processed_weights.astype(jnp.float32))

# --- scband reference (transcript-rebuilt; emitter-appended) ---
"""Pipeline reference for scband-tdigest-11982958756761 (READ-ONLY COPY).

The authoritative reference and input builder live on the scoring server;
editing this copy changes nothing except your own understanding.
"""

import jax, jax.numpy as jnp
import numpy as np


def _weighted_average(x1, w1, x2, w2):
    # t-digest weightedAverage: interpolate and clamp to the [min,max] of endpoints
    denom = w1 + w2
    safe = jnp.where(denom == 0.0, 1.0, denom)
    wa = (x1 * w1 + x2 * w2) / safe
    lo = jnp.minimum(x1, x2)
    hi = jnp.maximum(x1, x2)
    return jnp.clip(wa, lo, hi)


def setup_inputs(seed: int = 0) -> dict:
    key = jax.random.key(seed)
    k1, k2, k3 = jax.random.split(key, 3)
    x = jax.random.normal(k1, (8388608,), dtype=jnp.float32)
    # processed digest state: compression=1000 -> up to 2000 processed centroids
    processed_means = jnp.sort(jax.random.normal(k2, (2000,), dtype=jnp.float32))
    processed_weights = jax.random.uniform(k3, (2000,), dtype=jnp.float32) * 100.0 + 1.0
    return {"x": x, "processed_means": processed_means, "processed_weights": processed_weights}


def reference(x, processed_means, processed_weights):
    # Faithful translation of TDigest.cdf for a processed digest with n_processed > 1.
    means = processed_means
    weights = processed_weights
    processed_weight = jnp.sum(weights)
    # midpoint cumulative weights as maintained by the digest after _process
    cumulative_weights = jnp.cumsum(weights) - weights / 2.0
    mean_min = means[0] - 1.0
    mean_max = means[-1] + 1.0
    n = means.shape[0]

    at_min = x <= mean_min
    at_max = x >= mean_max
    mask = ~(at_min | at_max)

    # left tail: mask & (x <= m0)
    m0 = means[0]
    w0 = weights[0]
    tail_l = mask & (x <= m0)
    denom_l = m0 - mean_min
    safe_l = jnp.where(denom_l == 0.0, 1.0, denom_l)
    val_l = jnp.where(denom_l > 0.0, 0.0,
                      (x - mean_min) / safe_l * w0 / processed_weight / 2.0)

    # right tail: mask & (x >= mn)
    mn = means[-1]
    wn = weights[-1]
    tail_r = mask & (x >= mn)
    denom_r = mean_max - mn
    safe_r = jnp.where(denom_r == 0.0, 1.0, denom_r)
    val_r = jnp.where(denom_r > 0.0, 1.0,
                      1.0 - (mean_max - x) / safe_r * wn / processed_weight / 2.0)

    mid = mask & ~(tail_l | tail_r)
    upper = jnp.clip(jnp.searchsorted(means, x), 1, n - 1)
    z1 = x - means[upper - 1]
    z2 = means[upper] - x
    interp = _weighted_average(cumulative_weights[upper - 1], z1,
                               cumulative_weights[upper], z2) / processed_weight

    out = jnp.zeros_like(x)
    out = jnp.where(at_max, 1.0, out)
    out = jnp.where(tail_l, val_l, out)
    out = jnp.where(tail_r, val_r, out)
    out = jnp.where(mid, interp, out)
    return out

if __name__ == "__main__":
    import jax
    _d = setup_inputs()
    print(jax.jit(kernel)(*tuple(_d.values())))

</pallas_src>

<mosaic_0001>
#map = affine_map<(d0, d1) -> (0)>
module attributes {stable_mosaic.version = 14 : i64} {
  func.func @_tdigest_cdf_body(%arg0: i32, %arg1: i32, %arg2: memref<8388608xf32, #tpu.memory_space<hbm>>, %arg3: memref<2000xf32, #tpu.memory_space<hbm>>, %arg4: memref<2000xf32, #tpu.memory_space<hbm>>, %arg5: memref<8388608xf32, #tpu.memory_space<hbm>>, %arg6: memref<2048xf32, #tpu.memory_space<vmem>>, %arg7: memref<2048xf32, #tpu.memory_space<vmem>>, %arg8: memref<2000xf32, #tpu.memory_space<vmem>>, %arg9: memref<2000xf32, #tpu.memory_space<vmem>>, %arg10: memref<2000xf32, #tpu.memory_space<vmem>>, %arg11: memref<16384xf32, #tpu.memory_space<vmem>>, %arg12: memref<16384xf32, #tpu.memory_space<vmem>>, %arg13: memref<16384xf32, #tpu.memory_space<vmem>>, %arg14: memref<16384xf32, #tpu.memory_space<vmem>>, %arg15: memref<32xf32, #tpu.memory_space<vmem>>, %arg16: memref<64xf32, #tpu.memory_space<vmem>>, %arg17: memref<128xf32, #tpu.memory_space<vmem>>, %arg18: memref<256xf32, #tpu.memory_space<vmem>>, %arg19: memref<512xf32, #tpu.memory_space<vmem>>, %arg20: memref<1024xf32, #tpu.memory_space<vmem>>, %arg21: memref<!tpu.dma_semaphore, #tpu.memory_space<semaphore_mem>>, %arg22: memref<!tpu.dma_semaphore, #tpu.memory_space<semaphore_mem>>, %arg23: memref<!tpu.dma_semaphore, #tpu.memory_space<semaphore_mem>>, %arg24: memref<!tpu.dma_semaphore, #tpu.memory_space<semaphore_mem>>) attributes {dimension_semantics = [#tpu.dimension_semantics<core_parallel>, #tpu.dimension_semantics<subcore_parallel>], iteration_bounds = array<i64: 2, 16>, scalar_prefetch = 0 : i64, scratch_operands = 19 : i64, tpu.core_type = #tpu.core_type<sc_vector_subcore>, window_params = [{transform_indices = #map}, {transform_indices = #map}, {transform_indices = #map}, {transform_indices = #map}]} {
    %mul3A = arith.constant 2 : i32
    %mul3A_0 = arith.muli %arg1, %mul3A : i32
    %add3A = arith.addi %mul3A_0, %arg0 : i32
    %mul3A_1 = arith.constant 262144 : i32
    %mul3A_2 = arith.muli %add3A, %mul3A_1 : i32
    "tpu.region"() ({
      %run_scoped3A = tpu.sem_alloc : memref<!tpu.dma_semaphore, #tpu.memory_space<semaphore_mem>>
      tpu.enqueue_dma source(%arg3 : memref<2000xf32, #tpu.memory_space<hbm>>) target(%arg8 : memref<2000xf32, #tpu.memory_space<vmem>>) target_semaphore(%run_scoped3A : memref<!tpu.dma_semaphore, #tpu.memory_space<semaphore_mem>>)
      tpu.wait_dma2 semaphore(%run_scoped3A : memref<!tpu.dma_semaphore, #tpu.memory_space<semaphore_mem>>) src(%arg3 : memref<2000xf32, #tpu.memory_space<hbm>>) dst(%arg8 : memref<2000xf32, #tpu.memory_space<vmem>>)
      tpu.yield
    }) : () -> ()
    "tpu.region"() ({
      %run_scoped3A = tpu.sem_alloc : memref<!tpu.dma_semaphore, #tpu.memory_space<semaphore_mem>>
      tpu.enqueue_dma source(%arg4 : memref<2000xf32, #tpu.memory_space<hbm>>) target(%arg10 : memref<2000xf32, #tpu.memory_space<vmem>>) target_semaphore(%run_scoped3A : memref<!tpu.dma_semaphore, #tpu.memory_space<semaphore_mem>>)
      tpu.wait_dma2 semaphore(%run_scoped3A : memref<!tpu.dma_semaphore, #tpu.memory_space<semaphore_mem>>) src(%arg4 : memref<2000xf32, #tpu.memory_space<hbm>>) dst(%arg10 : memref<2000xf32, #tpu.memory_space<vmem>>)
      tpu.yield
    }) : () -> ()
    %iota3A = tpu.iota {dimensions = array<i32: 0>} : vector<16xi32>
    %broadcast_in_dim3A = arith.constant 15 : i32
    %broadcast_in_dim3A_3 = vector.broadcast %broadcast_in_dim3A : i32 to vector<16xi32>
    %broadcast_in_dim3A_4 = arith.constant 0.000000e+00 : f32
    %broadcast_in_dim3A_5 = vector.broadcast %broadcast_in_dim3A_4 : f32 to vector<16xf32>
    %scan3A = arith.constant 0 : i32
    %scan3A_6 = arith.constant 125 : i32
    %scan3A_7 = arith.addi %scan3A, %scan3A_6 : i32
    %scan3A_8 = arith.constant 1 : i32
    %scan3A_9 = scf.for %scan3A_122 = %scan3A to %scan3A_7 step %scan3A_8 iter_args(%scan3A_123 = %broadcast_in_dim3A_5) -> (vector<16xf32>)  : i32 {
      %mul3A_124 = arith.constant 16 : i32
      %mul3A_125 = arith.muli %scan3A_122, %mul3A_124 : i32
      %get3A = arith.index_cast %mul3A_125 : i32 to index
      %get3A_126 = tpu.vector_load %arg10[%get3A] {strides = array<i32>} : memref<2000xf32, #tpu.memory_space<vmem>>, vector<16xf32>,
      %sub3A_127 = arith.constant 1 : i32
      %sub3A_128 = vector.broadcast %sub3A_127 : i32 to vector<16xi32>
      %sub3A_129 = arith.subi %iota3A, %sub3A_128 : vector<16xi32>
      %max3A = arith.constant 0 : i32
      %max3A_130 = vector.broadcast %max3A : i32 to vector<16xi32>
      %max3A_131 = arith.maxsi %sub3A_129, %max3A_130 : vector<16xi32>
      %broadcast_in_dim3A_132 = vector.shape_cast %max3A_131 : vector<16xi32> to vector<16x1xi32>
      %gather3A_133 = vector.shape_cast %broadcast_in_dim3A_132 : vector<16x1xi32> to vector<16xi32>
      %gather3A_134 = tpu.dynamic_gather %get3A_126[%gather3A_133] in [0] : vector<16xf32>, vector<16xi32> -> vector<16xf32>
      %ge3A = arith.constant 1 : i32
      %ge3A_135 = vector.broadcast %ge3A : i32 to vector<16xi32>
      %ge3A_136 = arith.cmpi sge, %iota3A, %ge3A_135 : vector<16xi32>
      %jit3A = arith.constant 0.000000e+00 : f32
      %broadcast_in_dim3A_137 = vector.broadcast %jit3A : f32 to vector<16xf32>
      %select_n3A_138 = arith.select %ge3A_136, %gather3A_134, %broadcast_in_dim3A_137 : vector<16xi1>, vector<16xf32>
      %add3A_139 = arith.addf %get3A_126, %select_n3A_138 : vector<16xf32>
      %sub3A_140 = arith.constant 2 : i32
      %sub3A_141 = vector.broadcast %sub3A_140 : i32 to vector<16xi32>
      %sub3A_142 = arith.subi %iota3A, %sub3A_141 : vector<16xi32>
      %max3A_143 = arith.constant 0 : i32
      %max3A_144 = vector.broadcast %max3A_143 : i32 to vector<16xi32>
      %max3A_145 = arith.maxsi %sub3A_142, %max3A_144 : vector<16xi32>
      %broadcast_in_dim3A_146 = vector.shape_cast %max3A_145 : vector<16xi32> to vector<16x1xi32>
      %gather3A_147 = vector.shape_cast %broadcast_in_dim3A_146 : vector<16x1xi32> to vector<16xi32>
      %gather3A_148 = tpu.dynamic_gather %add3A_139[%gather3A_147] in [0] : vector<16xf32>, vector<16xi32> -> vector<16xf32>
      %ge3A_149 = arith.constant 2 : i32
      %ge3A_150 = vector.broadcast %ge3A_149 : i32 to vector<16xi32>
      %ge3A_151 = arith.cmpi sge, %iota3A, %ge3A_150 : vector<16xi32>
      %jit3A_152 = arith.constant 0.000000e+00 : f32
      %broadcast_in_dim3A_153 = vector.broadcast %jit3A_152 : f32 to vector<16xf32>
      %select_n3A_154 = arith.select %ge3A_151, %gather3A_148, %broadcast_in_dim3A_153 : vector<16xi1>, vector<16xf32>
      %add3A_155 = arith.addf %add3A_139, %select_n3A_154 : vector<16xf32>
      %sub3A_156 = arith.constant 4 : i32
      %sub3A_157 = vector.broadcast %sub3A_156 : i32 to vector<16xi32>
      %sub3A_158 = arith.subi %iota3A, %sub3A_157 : vector<16xi32>
      %max3A_159 = arith.constant 0 : i32
      %max3A_160 = vector.broadcast %max3A_159 : i32 to vector<16xi32>
      %max3A_161 = arith.maxsi %sub3A_158, %max3A_160 : vector<16xi32>
      %broadcast_in_dim3A_162 = vector.shape_cast %max3A_161 : vector<16xi32> to vector<16x1xi32>
      %gather3A_163 = vector.shape_cast %broadcast_in_dim3A_162 : vector<16x1xi32> to vector<16xi32>
      %gather3A_164 = tpu.dynamic_gather %add3A_155[%gather3A_163] in [0] : vector<16xf32>, vector<16xi32> -> vector<16xf32>
      %ge3A_165 = arith.constant 4 : i32
      %ge3A_166 = vector.broadcast %ge3A_165 : i32 to vector<16xi32>
      %ge3A_167 = arith.cmpi sge, %iota3A, %ge3A_166 : vector<16xi32>
      %jit3A_168 = arith.constant 0.000000e+00 : f32
      %broadcast_in_dim3A_169 = vector.broadcast %jit3A_168 : f32 to vector<16xf32>
      %select_n3A_170 = arith.select %ge3A_167, %gather3A_164, %broadcast_in_dim3A_169 : vector<16xi1>, vector<16xf32>
      %add3A_171 = arith.addf %add3A_155, %select_n3A_170 : vector<16xf32>
      %sub3A_172 = arith.constant 8 : i32
      %sub3A_173 = vector.broadcast %sub3A_172 : i32 to vector<16xi32>
      %sub3A_174 = arith.subi %iota3A, %sub3A_173 : vector<16xi32>
      %max3A_175 = arith.constant 0 : i32
      %max3A_176 = vector.broadcast %max3A_175 : i32 to vector<16xi32>
      %max3A_177 = arith.maxsi %sub3A_174, %max3A_176 : vector<16xi32>
      %broadcast_in_dim3A_178 = vector.shape_cast %max3A_177 : vector<16xi32> to vector<16x1xi32>
      %gather3A_179 = vector.shape_cast %broadcast_in_dim3A_178 : vector<16x1xi32> to vector<16xi32>
      %gather3A_180 = tpu.dynamic_gather %add3A_171[%gather3A_179] in [0] : vector<16xf32>, vector<16xi32> -> vector<16xf32>
      %ge3A_181 = arith.constant 8 : i32
      %ge3A_182 = vector.broadcast %ge3A_181 : i32 to vector<16xi32>
      %ge3A_183 = arith.cmpi sge, %iota3A, %ge3A_182 : vector<16xi32>
      %jit3A_184 = arith.constant 0.000000e+00 : f32
      %broadcast_in_dim3A_185 = vector.broadcast %jit3A_184 : f32 to vector<16xf32>
      %select_n3A_186 = arith.select %ge3A_183, %gather3A_180, %broadcast_in_dim3A_185 : vector<16xi1>, vector<16xf32>
      %add3A_187 = arith.addf %add3A_171, %select_n3A_186 : vector<16xf32>
      %add3A_188 = arith.addf %add3A_187, %scan3A_123 : vector<16xf32>
      %mul3A_189 = arith.constant 5.000000e-01 : f32
      %mul3A_190 = vector.broadcast %mul3A_189 : f32 to vector<16xf32>
      %mul3A_191 = arith.mulf %get3A_126, %mul3A_190 : vector<16xf32>
      %sub3A_192 = arith.subf %add3A_188, %mul3A_191 : vector<16xf32>
      %mul3A_193 = arith.constant 16 : i32
      %mul3A_194 = arith.muli %scan3A_122, %mul3A_193 : i32
      %swap3A = arith.index_cast %mul3A_194 : i32 to index
      %swap3A_195 = tpu.vector_load %arg9[%swap3A] {strides = array<i32>} : memref<2000xf32, #tpu.memory_space<vmem>>, vector<16xf32>,
      tpu.vector_store %arg9[%swap3A], %sub3A_192 {strides = array<i32>} : memref<2000xf32, #tpu.memory_space<vmem>>, vector<16xf32>,
      %broadcast_in_dim3A_196 = vector.shape_cast %broadcast_in_dim3A_3 : vector<16xi32> to vector<16x1xi32>
      %gather3A_197 = vector.shape_cast %broadcast_in_dim3A_196 : vector<16x1xi32> to vector<16xi32>
      %gather3A_198 = tpu.dynamic_gather %add3A_188[%gather3A_197] in [0] : vector<16xf32>, vector<16xi32> -> vector<16xf32>
      scf.yield %gather3A_198 : vector<16xf32>
    }
    %scan3A_10 = arith.constant 125 : i32
    %div3A = arith.constant 1.000000e+00 : f32
    %div3A_11 = vector.broadcast %div3A : f32 to vector<16xf32>
    %div3A_12 = arith.divf %div3A_11, %scan3A_9 : vector<16xf32>
    %broadcast_in_dim3A_13 = arith.constant 0 : i32
    %broadcast_in_dim3A_14 = vector.broadcast %broadcast_in_dim3A_13 : i32 to vector<16xi32>
    %gather3A = tpu.vector_load_idx %arg8[%broadcast_in_dim3A_14] : memref<2000xf32, #tpu.memory_space<vmem>>[vector<16xi32>], vector<16xf32>,
    %add3A_15 = arith.constant 1999 : i32
    %add3A_16 = vector.broadcast %add3A_15 : i32 to vector<16xi32>
    %add3A_17 = arith.addi %broadcast_in_dim3A_14, %add3A_16 : vector<16xi32>
    %gather3A_18 = tpu.vector_load_idx %arg8[%add3A_17] : memref<2000xf32, #tpu.memory_space<vmem>>[vector<16xi32>], vector<16xf32>,
    %sub3A = arith.constant 1.000000e+00 : f32
    %sub3A_19 = vector.broadcast %sub3A : f32 to vector<16xf32>
    %sub3A_20 = arith.subf %gather3A, %sub3A_19 : vector<16xf32>
    %add3A_21 = arith.constant 1.000000e+00 : f32
    %add3A_22 = vector.broadcast %add3A_21 : f32 to vector<16xf32>
    %add3A_23 = arith.addf %gather3A_18, %add3A_22 : vector<16xf32>
    %bitcast3A = vector.bitcast %gather3A_18 : vector<16xf32> to vector<16xi32>
    %gt3A = arith.constant 0.000000e+00 : f32
    %gt3A_24 = vector.broadcast %gt3A : f32 to vector<16xf32>
    %gt3A_25 = arith.cmpf ogt, %gather3A_18, %gt3A_24 : vector<16xf32>
    %sub3A_26 = arith.constant 1 : i32
    %sub3A_27 = vector.broadcast %sub3A_26 : i32 to vector<16xi32>
    %sub3A_28 = arith.subi %bitcast3A, %sub3A_27 : vector<16xi32>
    %lt3A = arith.constant 0.000000e+00 : f32
    %lt3A_29 = vector.broadcast %lt3A : f32 to vector<16xf32>
    %lt3A_30 = arith.cmpf olt, %gather3A_18, %lt3A_29 : vector<16xf32>
    %add3A_31 = arith.constant 1 : i32
    %add3A_32 = vector.broadcast %add3A_31 : i32 to vector<16xi32>
    %add3A_33 = arith.addi %bitcast3A, %add3A_32 : vector<16xi32>
    %broadcast_in_dim3A_34 = arith.constant -2147483648 : i32
    %broadcast_in_dim3A_35 = vector.broadcast %broadcast_in_dim3A_34 : i32 to vector<16xi32>
    %select_n3A = arith.select %lt3A_30, %add3A_33, %broadcast_in_dim3A_35 : vector<16xi1>, vector<16xi32>
    %select_n3A_36 = arith.select %gt3A_25, %sub3A_28, %select_n3A : vector<16xi1>, vector<16xi32>
    %bitcast3A_37 = vector.bitcast %select_n3A_36 : vector<16xi32> to vector<16xf32>
    %min3A = arith.minimumf %sub3A_20, %bitcast3A_37 : vector<16xf32>
    %broadcast_in_dim3A_38 = arith.constant 0x7F800000 : f32
    %broadcast_in_dim3A_39 = vector.broadcast %broadcast_in_dim3A_38 : f32 to vector<16xf32>
    %broadcast_in_dim3A_40 = arith.constant 0.000000e+00 : f32
    %broadcast_in_dim3A_41 = vector.broadcast %broadcast_in_dim3A_40 : f32 to vector<16xf32>
    %scan3A_42 = arith.constant 0 : i32
    %scan3A_43 = arith.constant 0 : i32
    %scan3A_44 = arith.constant 128 : i32
    %scan3A_45 = arith.addi %scan3A_43, %scan3A_44 : i32
    %scan3A_46 = arith.constant 1 : i32
    %scan3A_47 = scf.for %scan3A_122 = %scan3A_43 to %scan3A_45 step %scan3A_46 iter_args(%scan3A_123 = %scan3A_42) -> (i32)  : i32 {
      %mul3A_124 = arith.constant 16 : i32
      %mul3A_125 = arith.muli %scan3A_122, %mul3A_124 : i32
      %add3A_126 = vector.broadcast %mul3A_125 : i32 to vector<16xi32>
      %add3A_127 = arith.addi %add3A_126, %iota3A : vector<16xi32>
      %sub3A_128 = arith.constant 2 : i32
      %sub3A_129 = vector.broadcast %sub3A_128 : i32 to vector<16xi32>
      %sub3A_130 = arith.subi %add3A_127, %sub3A_129 : vector<16xi32>
      %jit3A = arith.constant 0 : i32
      %jit3A_131 = arith.constant 1999 : i32
      %max3A = vector.broadcast %jit3A : i32 to vector<16xi32>
      %max3A_132 = arith.maxsi %max3A, %sub3A_130 : vector<16xi32>
      %min3A_133 = vector.broadcast %jit3A_131 : i32 to vector<16xi32>
      %min3A_134 = arith.minsi %min3A_133, %max3A_132 : vector<16xi32>
      %gather3A_135 = tpu.vector_load_idx %arg8[%min3A_134] : memref<2000xf32, #tpu.memory_space<vmem>>[vector<16xi32>], vector<16xf32>,
      %min3A_136 = arith.minimumf %gather3A_135, %bitcast3A_37 : vector<16xf32>
      %eq3A = arith.constant 0 : i32
      %eq3A_137 = vector.broadcast %eq3A : i32 to vector<16xi32>
      %eq3A_138 = arith.cmpi eq, %add3A_127, %eq3A_137 : vector<16xi32>
      %select_n3A_139 = arith.select %eq3A_138, %min3A, %min3A_136 : vector<16xi1>, vector<16xf32>
      %eq3A_140 = arith.constant 2003 : i32
      %eq3A_141 = vector.broadcast %eq3A_140 : i32 to vector<16xi32>
      %eq3A_142 = arith.cmpi eq, %add3A_127, %eq3A_141 : vector<16xi32>
      %select_n3A_143 = arith.select %eq3A_142, %add3A_23, %select_n3A_139 : vector<16xi1>, vector<16xf32>
      %ge3A = arith.constant 2004 : i32
      %ge3A_144 = vector.broadcast %ge3A : i32 to vector<16xi32>
      %ge3A_145 = arith.cmpi sge, %add3A_127, %ge3A_144 : vector<16xi32>
      %select_n3A_146 = arith.select %ge3A_145, %broadcast_in_dim3A_39, %select_n3A_143 : vector<16xi1>, vector<16xf32>
      %mul3A_147 = arith.constant 16 : i32
      %mul3A_148 = arith.muli %scan3A_122, %mul3A_147 : i32
      %swap3A = arith.index_cast %mul3A_148 : i32 to index
      %swap3A_149 = tpu.vector_load %arg6[%swap3A] {strides = array<i32>} : memref<2048xf32, #tpu.memory_space<vmem>>, vector<16xf32>,
      tpu.vector_store %arg6[%swap3A], %select_n3A_146 {strides = array<i32>} : memref<2048xf32, #tpu.memory_space<vmem>>, vector<16xf32>,
      %gather3A_150 = tpu.vector_load_idx %arg9[%min3A_134] : memref<2000xf32, #tpu.memory_space<vmem>>[vector<16xi32>], vector<16xf32>,
      %le3A = arith.constant 1 : i32
      %le3A_151 = vector.broadcast %le3A : i32 to vector<16xi32>
      %le3A_152 = arith.cmpi sle, %add3A_127, %le3A_151 : vector<16xi32>
      %select_n3A_153 = arith.select %le3A_152, %broadcast_in_dim3A_41, %gather3A_150 : vector<16xi1>, vector<16xf32>
      %ge3A_154 = arith.constant 2002 : i32
      %ge3A_155 = vector.broadcast %ge3A_154 : i32 to vector<16xi32>
      %ge3A_156 = arith.cmpi sge, %add3A_127, %ge3A_155 : vector<16xi32>
      %select_n3A_157 = arith.select %ge3A_156, %scan3A_9, %select_n3A_153 : vector<16xi1>, vector<16xf32>
      %mul3A_158 = arith.constant 16 : i32
      %mul3A_159 = arith.muli %scan3A_122, %mul3A_158 : i32
      %swap3A_160 = arith.index_cast %mul3A_159 : i32 to index
      %swap3A_161 = tpu.vector_load %arg7[%swap3A_160] {strides = array<i32>} : memref<2048xf32, #tpu.memory_space<vmem>>, vector<16xf32>,
      tpu.vector_store %arg7[%swap3A_160], %select_n3A_157 {strides = array<i32>} : memref<2048xf32, #tpu.memory_space<vmem>>, vector<16xf32>,
      %scan3A_162 = arith.constant 0 : i32
      scf.yield %scan3A_162 : i32
    }
    %scan3A_48 = arith.constant 128 : i32
    %mul3A_49 = arith.constant 128 : i32
    %mul3A_50 = vector.broadcast %mul3A_49 : i32 to vector<16xi32>
    %mul3A_51 = arith.muli %iota3A, %mul3A_50 : vector<16xi32>
    %add3A_52 = arith.constant 127 : i32
    %add3A_53 = vector.broadcast %add3A_52 : i32 to vector<16xi32>
    %add3A_54 = arith.addi %mul3A_51, %add3A_53 : vector<16xi32>
    %gather3A_55 = tpu.vector_load_idx %arg6[%add3A_54] : memref<2048xf32, #tpu.memory_space<vmem>>[vector<16xi32>], vector<16xf32>,
    %mul3A_56 = arith.constant 128 : i32
    %mul3A_57 = vector.broadcast %mul3A_56 : i32 to vector<16xi32>
    %mul3A_58 = arith.muli %iota3A, %mul3A_57 : vector<16xi32>
    %add3A_59 = arith.constant 63 : i32
    %add3A_60 = vector.broadcast %add3A_59 : i32 to vector<16xi32>
    %add3A_61 = arith.addi %mul3A_58, %add3A_60 : vector<16xi32>
    %gather3A_62 = tpu.vector_load_idx %arg6[%add3A_61] : memref<2048xf32, #tpu.memory_space<vmem>>[vector<16xi32>], vector<16xf32>,
    %scan3A_63 = arith.constant 0 : i32
    %scan3A_64 = arith.constant 0 : i32
    %scan3A_65 = arith.constant 2 : i32
    %scan3A_66 = arith.addi %scan3A_64, %scan3A_65 : i32
    %scan3A_67 = arith.constant 1 : i32
    %scan3A_68 = scf.for %scan3A_122 = %scan3A_64 to %scan3A_66 step %scan3A_67 iter_args(%scan3A_123 = %scan3A_63) -> (i32)  : i32 {
      %mul3A_124 = arith.constant 16 : i32
      %mul3A_125 = arith.muli %scan3A_122, %mul3A_124 : i32
      %add3A_126 = vector.broadcast %mul3A_125 : i32 to vector<16xi32>
      %add3A_127 = arith.addi %add3A_126, %iota3A : vector<16xi32>
      %mul3A_128 = arith.constant 64 : i32
      %mul3A_129 = vector.broadcast %mul3A_128 : i32 to vector<16xi32>
      %mul3A_130 = arith.muli %add3A_127, %mul3A_129 : vector<16xi32>
      %add3A_131 = arith.constant 31 : i32
      %add3A_132 = vector.broadcast %add3A_131 : i32 to vector<16xi32>
      %add3A_133 = arith.addi %mul3A_130, %add3A_132 : vector<16xi32>
      %gather3A_134 = tpu.vector_load_idx %arg6[%add3A_133] : memref<2048xf32, #tpu.memory_space<vmem>>[vector<16xi32>], vector<16xf32>,
      %mul3A_135 = arith.constant 16 : i32
      %mul3A_136 = arith.muli %scan3A_122, %mul3A_135 : i32
      %swap3A = arith.index_cast %mul3A_136 : i32 to index
      %swap3A_137 = tpu.vector_load %arg15[%swap3A] {strides = array<i32>} : memref<32xf32, #tpu.memory_space<vmem>>, vector<16xf32>,
      tpu.vector_store %arg15[%swap3A], %gather3A_134 {strides = array<i32>} : memref<32xf32, #tpu.memory_space<vmem>>, vector<16xf32>,
      %scan3A_138 = arith.constant 0 : i32
      scf.yield %scan3A_138 : i32
    }
    %scan3A_69 = arith.constant 2 : i32
    %scan3A_70 = arith.constant 0 : i32
    %scan3A_71 = arith.constant 0 : i32
    %scan3A_72 = arith.constant 4 : i32
    %scan3A_73 = arith.addi %scan3A_71, %scan3A_72 : i32
    %scan3A_74 = arith.constant 1 : i32
    %scan3A_75 = scf.for %scan3A_122 = %scan3A_71 to %scan3A_73 step %scan3A_74 iter_args(%scan3A_123 = %scan3A_70) -> (i32)  : i32 {
      %mul3A_124 = arith.constant 16 : i32
      %mul3A_125 = arith.muli %scan3A_122, %mul3A_124 : i32
      %add3A_126 = vector.broadcast %mul3A_125 : i32 to vector<16xi32>
      %add3A_127 = arith.addi %add3A_126, %iota3A : vector<16xi32>
      %mul3A_128 = arith.constant 32 : i32
      %mul3A_129 = vector.broadcast %mul3A_128 : i32 to vector<16xi32>
      %mul3A_130 = arith.muli %add3A_127, %mul3A_129 : vector<16xi32>
      %add3A_131 = arith.constant 15 : i32
      %add3A_132 = vector.broadcast %add3A_131 : i32 to vector<16xi32>
      %add3A_133 = arith.addi %mul3A_130, %add3A_132 : vector<16xi32>
      %gather3A_134 = tpu.vector_load_idx %arg6[%add3A_133] : memref<2048xf32, #tpu.memory_space<vmem>>[vector<16xi32>], vector<16xf32>,
      %mul3A_135 = arith.constant 16 : i32
      %mul3A_136 = arith.muli %scan3A_122, %mul3A_135 : i32
      %swap3A = arith.index_cast %mul3A_136 : i32 to index
      %swap3A_137 = tpu.vector_load %arg16[%swap3A] {strides = array<i32>} : memref<64xf32, #tpu.memory_space<vmem>>, vector<16xf32>,
      tpu.vector_store %arg16[%swap3A], %gather3A_134 {strides = array<i32>} : memref<64xf32, #tpu.memory_space<vmem>>, vector<16xf32>,
      %scan3A_138 = arith.constant 0 : i32
      scf.yield %scan3A_138 : i32
    }
    %scan3A_76 = arith.constant 4 : i32
    %scan3A_77 = arith.constant 0 : i32
    %scan3A_78 = arith.constant 0 : i32
    %scan3A_79 = arith.constant 8 : i32
    %scan3A_80 = arith.addi %scan3A_78, %scan3A_79 : i32
    %scan3A_81 = arith.constant 1 : i32
    %scan3A_82 = scf.for %scan3A_122 = %scan3A_78 to %scan3A_80 step %scan3A_81 iter_args(%scan3A_123 = %scan3A_77) -> (i32)  : i32 {
      %mul3A_124 = arith.constant 16 : i32
      %mul3A_125 = arith.muli %scan3A_122, %mul3A_124 : i32
      %add3A_126 = vector.broadcast %mul3A_125 : i32 to vector<16xi32>
      %add3A_127 = arith.addi %add3A_126, %iota3A : vector<16xi32>
      %mul3A_128 = arith.constant 16 : i32
      %mul3A_129 = vector.broadcast %mul3A_128 : i32 to vector<16xi32>
      %mul3A_130 = arith.muli %add3A_127, %mul3A_129 : vector<16xi32>
      %add3A_131 = arith.constant 7 : i32
      %add3A_132 = vector.broadcast %add3A_131 : i32 to vector<16xi32>
      %add3A_133 = arith.addi %mul3A_130, %add3A_132 : vector<16xi32>
      %gather3A_134 = tpu.vector_load_idx %arg6[%add3A_133] : memref<2048xf32, #tpu.memory_space<vmem>>[vector<16xi32>], vector<16xf32>,
      %mul3A_135 = arith.constant 16 : i32
      %mul3A_136 = arith.muli %scan3A_122, %mul3A_135 : i32
      %swap3A = arith.index_cast %mul3A_136 : i32 to index
      %swap3A_137 = tpu.vector_load %arg17[%swap3A] {strides = array<i32>} : memref<128xf32, #tpu.memory_space<vmem>>, vector<16xf32>,
      tpu.vector_store %arg17[%swap3A], %gather3A_134 {strides = array<i32>} : memref<128xf32, #tpu.memory_space<vmem>>, vector<16xf32>,
      %scan3A_138 = arith.constant 0 : i32
      scf.yield %scan3A_138 : i32
    }
    %scan3A_83 = arith.constant 8 : i32
    %scan3A_84 = arith.constant 0 : i32
    %scan3A_85 = arith.constant 0 : i32
    %scan3A_86 = arith.constant 16 : i32
    %scan3A_87 = arith.addi %scan3A_85, %scan3A_86 : i32
    %scan3A_88 = arith.constant 1 : i32
    %scan3A_89 = scf.for %scan3A_122 = %scan3A_85 to %scan3A_87 step %scan3A_88 iter_args(%scan3A_123 = %scan3A_84) -> (i32)  : i32 {
      %mul3A_124 = arith.constant 16 : i32
      %mul3A_125 = arith.muli %scan3A_122, %mul3A_124 : i32
      %add3A_126 = vector.broadcast %mul3A_125 : i32 to vector<16xi32>
      %add3A_127 = arith.addi %add3A_126, %iota3A : vector<16xi32>
      %mul3A_128 = arith.constant 8 : i32
      %mul3A_129 = vector.broadcast %mul3A_128 : i32 to vector<16xi32>
      %mul3A_130 = arith.muli %add3A_127, %mul3A_129 : vector<16xi32>
      %add3A_131 = arith.constant 3 : i32
      %add3A_132 = vector.broadcast %add3A_131 : i32 to vector<16xi32>
      %add3A_133 = arith.addi %mul3A_130, %add3A_132 : vector<16xi32>
      %gather3A_134 = tpu.vector_load_idx %arg6[%add3A_133] : memref<2048xf32, #tpu.memory_space<vmem>>[vector<16xi32>], vector<16xf32>,
      %mul3A_135 = arith.constant 16 : i32
      %mul3A_136 = arith.muli %scan3A_122, %mul3A_135 : i32
      %swap3A = arith.index_cast %mul3A_136 : i32 to index
      %swap3A_137 = tpu.vector_load %arg18[%swap3A] {strides = array<i32>} : memref<256xf32, #tpu.memory_space<vmem>>, vector<16xf32>,
      tpu.vector_store %arg18[%swap3A], %gather3A_134 {strides = array<i32>} : memref<256xf32, #tpu.memory_space<vmem>>, vector<16xf32>,
      %scan3A_138 = arith.constant 0 : i32
      scf.yield %scan3A_138 : i32
    }
    %scan3A_90 = arith.constant 16 : i32
    %scan3A_91 = arith.constant 0 : i32
    %scan3A_92 = arith.constant 0 : i32
    %scan3A_93 = arith.constant 32 : i32
    %scan3A_94 = arith.addi %scan3A_92, %scan3A_93 : i32
    %scan3A_95 = arith.constant 1 : i32
    %scan3A_96 = scf.for %scan3A_122 = %scan3A_92 to %scan3A_94 step %scan3A_95 iter_args(%scan3A_123 = %scan3A_91) -> (i32)  : i32 {
      %mul3A_124 = arith.constant 16 : i32
      %mul3A_125 = arith.muli %scan3A_122, %mul3A_124 : i32
      %add3A_126 = vector.broadcast %mul3A_125 : i32 to vector<16xi32>
      %add3A_127 = arith.addi %add3A_126, %iota3A : vector<16xi32>
      %mul3A_128 = arith.constant 4 : i32
      %mul3A_129 = vector.broadcast %mul3A_128 : i32 to vector<16xi32>
      %mul3A_130 = arith.muli %add3A_127, %mul3A_129 : vector<16xi32>
      %add3A_131 = arith.constant 1 : i32
      %add3A_132 = vector.broadcast %add3A_131 : i32 to vector<16xi32>
      %add3A_133 = arith.addi %mul3A_130, %add3A_132 : vector<16xi32>
      %gather3A_134 = tpu.vector_load_idx %arg6[%add3A_133] : memref<2048xf32, #tpu.memory_space<vmem>>[vector<16xi32>], vector<16xf32>,
      %mul3A_135 = arith.constant 16 : i32
      %mul3A_136 = arith.muli %scan3A_122, %mul3A_135 : i32
      %swap3A = arith.index_cast %mul3A_136 : i32 to index
      %swap3A_137 = tpu.vector_load %arg19[%swap3A] {strides = array<i32>} : memref<512xf32, #tpu.memory_space<vmem>>, vector<16xf32>,
      tpu.vector_store %arg19[%swap3A], %gather3A_134 {strides = array<i32>} : memref<512xf32, #tpu.memory_space<vmem>>, vector<16xf32>,
      %scan3A_138 = arith.constant 0 : i32
      scf.yield %scan3A_138 : i32
    }
    %scan3A_97 = arith.constant 32 : i32
    %scan3A_98 = arith.constant 0 : i32
    %scan3A_99 = arith.constant 0 : i32
    %scan3A_100 = arith.constant 64 : i32
    %scan3A_101 = arith.addi %scan3A_99, %scan3A_100 : i32
    %scan3A_102 = arith.constant 1 : i32
    %scan3A_103 = scf.for %scan3A_122 = %scan3A_99 to %scan3A_101 step %scan3A_102 iter_args(%scan3A_123 = %scan3A_98) -> (i32)  : i32 {
      %mul3A_124 = arith.constant 16 : i32
      %mul3A_125 = arith.muli %scan3A_122, %mul3A_124 : i32
      %add3A_126 = vector.broadcast %mul3A_125 : i32 to vector<16xi32>
      %add3A_127 = arith.addi %add3A_126, %iota3A : vector<16xi32>
      %mul3A_128 = arith.constant 2 : i32
      %mul3A_129 = vector.broadcast %mul3A_128 : i32 to vector<16xi32>
      %mul3A_130 = arith.muli %add3A_127, %mul3A_129 : vector<16xi32>
      %add3A_131 = arith.constant 0 : i32
      %add3A_132 = vector.broadcast %add3A_131 : i32 to vector<16xi32>
      %add3A_133 = arith.addi %mul3A_130, %add3A_132 : vector<16xi32>
      %gather3A_134 = tpu.vector_load_idx %arg6[%add3A_133] : memref<2048xf32, #tpu.memory_space<vmem>>[vector<16xi32>], vector<16xf32>,
      %mul3A_135 = arith.constant 16 : i32
      %mul3A_136 = arith.muli %scan3A_122, %mul3A_135 : i32
      %swap3A = arith.index_cast %mul3A_136 : i32 to index
      %swap3A_137 = tpu.vector_load %arg20[%swap3A] {strides = array<i32>} : memref<1024xf32, #tpu.memory_space<vmem>>, vector<16xf32>,
      tpu.vector_store %arg20[%swap3A], %gather3A_134 {strides = array<i32>} : memref<1024xf32, #tpu.memory_space<vmem>>, vector<16xf32>,
      %scan3A_138 = arith.constant 0 : i32
      scf.yield %scan3A_138 : i32
    }
    %scan3A_104 = arith.constant 64 : i32
    %add3A_105 = arith.constant 0 : i32
    %add3A_106 = arith.addi %mul3A_2, %add3A_105 : i32
    %dma_start3A = tpu.memref_slice %arg2[%add3A_106] : memref<8388608xf32, #tpu.memory_space<hbm>> -> memref<16384xf32, #tpu.memory_space<hbm>>
    %dma_start3A_107 = tpu.memref_slice %arg2[%add3A_106] : memref<8388608xf32, #tpu.memory_space<hbm>> -> memref<16384xf32, #tpu.memory_space<hbm>>
    tpu.enqueue_dma source(%dma_start3A_107 : memref<16384xf32, #tpu.memory_space<hbm>>) target(%arg11 : memref<16384xf32, #tpu.memory_space<vmem>>) target_semaphore(%arg21 : memref<!tpu.dma_semaphore, #tpu.memory_space<semaphore_mem>>)
    %scan3A_108 = arith.constant 0 : i32
    %scan3A_109 = arith.constant 0 : i32
    %scan3A_110 = arith.constant 8 : i32
    %scan3A_111 = arith.addi %scan3A_109, %scan3A_110 : i32
    %scan3A_112 = arith.constant 1 : i32
    %scan3A_113 = scf.for %scan3A_122 = %scan3A_109 to %scan3A_111 step %scan3A_112 iter_args(%scan3A_123 = %scan3A_108) -> (i32)  : i32 {
      %mul3A_124 = arith.constant 2 : i32
      %mul3A_125 = arith.muli %mul3A_124, %scan3A_122 : i32
      %add3A_126 = arith.constant 0 : i32
      %add3A_127 = arith.addi %mul3A_125, %add3A_126 : i32
      %add3A_128 = arith.constant 1 : i32
      %add3A_129 = arith.addi %add3A_127, %add3A_128 : i32
      %lt3A_130 = arith.constant 16 : i32
      %lt3A_131 = arith.cmpi slt, %add3A_129, %lt3A_130 : i32
      %convert_element_type3A = arith.extui %lt3A_131 : i1 to i32
      %cond3A = arith.constant 0 : i32
      %cond3A_132 = arith.cmpi ne, %convert_element_type3A, %cond3A : i32
      scf.if %cond3A_132 {
        %add3A_179 = arith.constant 1 : i32
        %add3A_180 = arith.addi %add3A_127, %add3A_179 : i32
        %mul3A_181 = arith.constant 16384 : i32
        %mul3A_182 = arith.muli %add3A_180, %mul3A_181 : i32
        %add3A_183 = arith.addi %mul3A_2, %mul3A_182 : i32
        %dma_start3A_184 = tpu.memref_slice %arg2[%add3A_183] : memref<8388608xf32, #tpu.memory_space<hbm>> -> memref<16384xf32, #tpu.memory_space<hbm>>
        %dma_start3A_185 = tpu.memref_slice %arg2[%add3A_183] : memref<8388608xf32, #tpu.memory_space<hbm>> -> memref<16384xf32, #tpu.memory_space<hbm>>
        tpu.enqueue_dma source(%dma_start3A_185 : memref<16384xf32, #tpu.memory_space<hbm>>) target(%arg13 : memref<16384xf32, #tpu.memory_space<vmem>>) target_semaphore(%arg23 : memref<!tpu.dma_semaphore, #tpu.memory_space<semaphore_mem>>)
      } else {
      }
      %mul3A_133 = arith.constant 16384 : i32
      %mul3A_134 = arith.muli %add3A_127, %mul3A_133 : i32
      %add3A_135 = arith.addi %mul3A_2, %mul3A_134 : i32
      %dma_wait3A_136 = tpu.memref_slice %arg2[%add3A_135] : memref<8388608xf32, #tpu.memory_space<hbm>> -> memref<16384xf32, #tpu.memory_space<hbm>>
      %dma_wait3A_137 = tpu.memref_slice %arg2[%add3A_135] : memref<8388608xf32, #tpu.memory_space<hbm>> -> memref<16384xf32, #tpu.memory_space<hbm>>
      tpu.wait_dma2 semaphore(%arg21 : memref<!tpu.dma_semaphore, #tpu.memory_space<semaphore_mem>>) src(%dma_wait3A_137 : memref<16384xf32, #tpu.memory_space<hbm>>) dst(%arg11 : memref<16384xf32, #tpu.memory_space<vmem>>)
      %ge3A = arith.constant 2 : i32
      %ge3A_138 = arith.cmpi sge, %add3A_127, %ge3A : i32
      %convert_element_type3A_139 = arith.extui %ge3A_138 : i1 to i32
      %cond3A_140 = arith.constant 0 : i32
      %cond3A_141 = arith.cmpi ne, %convert_element_type3A_139, %cond3A_140 : i32
      scf.if %cond3A_141 {
        %sub3A_179 = arith.constant 2 : i32
        %sub3A_180 = arith.subi %add3A_127, %sub3A_179 : i32
        %mul3A_181 = arith.constant 16384 : i32
        %mul3A_182 = arith.muli %sub3A_180, %mul3A_181 : i32
        %add3A_183 = arith.addi %mul3A_2, %mul3A_182 : i32
        %dma_wait3A_184 = tpu.memref_slice %arg5[%add3A_183] : memref<8388608xf32, #tpu.memory_space<hbm>> -> memref<16384xf32, #tpu.memory_space<hbm>>
        %dma_wait3A_185 = tpu.memref_slice %arg5[%add3A_183] : memref<8388608xf32, #tpu.memory_space<hbm>> -> memref<16384xf32, #tpu.memory_space<hbm>>
        tpu.wait_dma2 semaphore(%arg22 : memref<!tpu.dma_semaphore, #tpu.memory_space<semaphore_mem>>) src(%arg12 : memref<16384xf32, #tpu.memory_space<vmem>>) dst(%dma_wait3A_185 : memref<16384xf32, #tpu.memory_space<hbm>>)
      } else {
      }
      %parallel_loop3A = arith.constant 0 : i32
      %parallel_loop3A_142 = arith.constant 1024 : i32
      %parallel_loop3A_143 = arith.constant 1 : i32
      scf.for %parallel_loop3A_179 = %parallel_loop3A to %parallel_loop3A_142 step %parallel_loop3A_143  : i32 {
        %parallel_loop3A_180 = arith.constant 16 : i32
        %parallel_loop3A_181 = arith.muli %parallel_loop3A_179, %parallel_loop3A_180 : i32
        %parallel_loop3A_182 = arith.index_cast %parallel_loop3A_181 : i32 to index
        %parallel_loop3A_183 = tpu.vector_load %arg11[%parallel_loop3A_182] {strides = array<i32>} : memref<16384xf32, #tpu.memory_space<vmem>>, vector<16xf32>,
        %parallel_loop3A_184 = arith.constant 7 : i32
        %parallel_loop3A_185 = vector.broadcast %parallel_loop3A_184 : i32 to vector<16xi32>
        %parallel_loop3A_186 = arith.addi %broadcast_in_dim3A_14, %parallel_loop3A_185 : vector<16xi32>
        %parallel_loop3A_187 = vector.shape_cast %parallel_loop3A_186 : vector<16xi32> to vector<16x1xi32>
        %parallel_loop3A_188 = vector.shape_cast %parallel_loop3A_187 : vector<16x1xi32> to vector<16xi32>
        %parallel_loop3A_189 = tpu.dynamic_gather %gather3A_55[%parallel_loop3A_188] in [0] : vector<16xf32>, vector<16xi32> -> vector<16xf32>
        %parallel_loop3A_190 = arith.cmpf olt, %parallel_loop3A_189, %parallel_loop3A_183 : vector<16xf32>
        %parallel_loop3A_191 = arith.constant 8 : i32
        %parallel_loop3A_192 = vector.broadcast %parallel_loop3A_191 : i32 to vector<16xi32>
        %parallel_loop3A_193 = arith.addi %broadcast_in_dim3A_14, %parallel_loop3A_192 : vector<16xi32>
        %parallel_loop3A_194 = arith.select %parallel_loop3A_190, %parallel_loop3A_193, %broadcast_in_dim3A_14 : vector<16xi1>, vector<16xi32>
        %parallel_loop3A_195 = arith.constant 3 : i32
        %parallel_loop3A_196 = vector.broadcast %parallel_loop3A_195 : i32 to vector<16xi32>
        %parallel_loop3A_197 = arith.addi %parallel_loop3A_194, %parallel_loop3A_196 : vector<16xi32>
        %parallel_loop3A_198 = vector.shape_cast %parallel_loop3A_197 : vector<16xi32> to vector<16x1xi32>
        %parallel_loop3A_199 = vector.shape_cast %parallel_loop3A_198 : vector<16x1xi32> to vector<16xi32>
        %parallel_loop3A_200 = tpu.dynamic_gather %gather3A_55[%parallel_loop3A_199] in [0] : vector<16xf32>, vector<16xi32> -> vector<16xf32>
        %parallel_loop3A_201 = arith.cmpf olt, %parallel_loop3A_200, %parallel_loop3A_183 : vector<16xf32>
        %parallel_loop3A_202 = arith.constant 4 : i32
        %parallel_loop3A_203 = vector.broadcast %parallel_loop3A_202 : i32 to vector<16xi32>
        %parallel_loop3A_204 = arith.addi %parallel_loop3A_194, %parallel_loop3A_203 : vector<16xi32>
        %parallel_loop3A_205 = arith.select %parallel_loop3A_201, %parallel_loop3A_204, %parallel_loop3A_194 : vector<16xi1>, vector<16xi32>
        %parallel_loop3A_206 = arith.constant 1 : i32
        %parallel_loop3A_207 = vector.broadcast %parallel_loop3A_206 : i32 to vector<16xi32>
        %parallel_loop3A_208 = arith.addi %parallel_loop3A_205, %parallel_loop3A_207 : vector<16xi32>
        %parallel_loop3A_209 = vector.shape_cast %parallel_loop3A_208 : vector<16xi32> to vector<16x1xi32>
        %parallel_loop3A_210 = vector.shape_cast %parallel_loop3A_209 : vector<16x1xi32> to vector<16xi32>
        %parallel_loop3A_211 = tpu.dynamic_gather %gather3A_55[%parallel_loop3A_210] in [0] : vector<16xf32>, vector<16xi32> -> vector<16xf32>
        %parallel_loop3A_212 = arith.cmpf olt, %parallel_loop3A_211, %parallel_loop3A_183 : vector<16xf32>
        %parallel_loop3A_213 = arith.constant 2 : i32
        %parallel_loop3A_214 = vector.broadcast %parallel_loop3A_213 : i32 to vector<16xi32>
        %parallel_loop3A_215 = arith.addi %parallel_loop3A_205, %parallel_loop3A_214 : vector<16xi32>
        %parallel_loop3A_216 = arith.select %parallel_loop3A_212, %parallel_loop3A_215, %parallel_loop3A_205 : vector<16xi1>, vector<16xi32>
        %parallel_loop3A_217 = arith.constant 0 : i32
        %parallel_loop3A_218 = vector.broadcast %parallel_loop3A_217 : i32 to vector<16xi32>
        %parallel_loop3A_219 = arith.addi %parallel_loop3A_216, %parallel_loop3A_218 : vector<16xi32>
        %parallel_loop3A_220 = vector.shape_cast %parallel_loop3A_219 : vector<16xi32> to vector<16x1xi32>
        %parallel_loop3A_221 = vector.shape_cast %parallel_loop3A_220 : vector<16x1xi32> to vector<16xi32>
        %parallel_loop3A_222 = tpu.dynamic_gather %gather3A_55[%parallel_loop3A_221] in [0] : vector<16xf32>, vector<16xi32> -> vector<16xf32>
        %parallel_loop3A_223 = arith.cmpf olt, %parallel_loop3A_222, %parallel_loop3A_183 : vector<16xf32>
        %parallel_loop3A_224 = arith.constant 1 : i32
        %parallel_loop3A_225 = vector.broadcast %parallel_loop3A_224 : i32 to vector<16xi32>
        %parallel_loop3A_226 = arith.addi %parallel_loop3A_216, %parallel_loop3A_225 : vector<16xi32>
        %parallel_loop3A_227 = arith.select %parallel_loop3A_223, %parallel_loop3A_226, %parallel_loop3A_216 : vector<16xi1>, vector<16xi32>
        %parallel_loop3A_228 = vector.shape_cast %parallel_loop3A_227 : vector<16xi32> to vector<16x1xi32>
        %parallel_loop3A_229 = vector.shape_cast %parallel_loop3A_228 : vector<16x1xi32> to vector<16xi32>
        %parallel_loop3A_230 = tpu.dynamic_gather %gather3A_62[%parallel_loop3A_229] in [0] : vector<16xf32>, vector<16xi32> -> vector<16xf32>
        %parallel_loop3A_231 = arith.constant 128 : i32
        %parallel_loop3A_232 = vector.broadcast %parallel_loop3A_231 : i32 to vector<16xi32>
        %parallel_loop3A_233 = arith.muli %parallel_loop3A_227, %parallel_loop3A_232 : vector<16xi32>
        %parallel_loop3A_234 = arith.cmpf olt, %parallel_loop3A_230, %parallel_loop3A_183 : vector<16xf32>
        %parallel_loop3A_235 = arith.constant 64 : i32
        %parallel_loop3A_236 = arith.constant 0 : i32
        %parallel_loop3A_237 = vector.broadcast %parallel_loop3A_235 : i32 to vector<16xi32>
        %parallel_loop3A_238 = vector.broadcast %parallel_loop3A_236 : i32 to vector<16xi32>
        %parallel_loop3A_239 = arith.select %parallel_loop3A_234, %parallel_loop3A_237, %parallel_loop3A_238 : vector<16xi1>, vector<16xi32>
        %parallel_loop3A_240 = arith.addi %parallel_loop3A_233, %parallel_loop3A_239 : vector<16xi32>
        %parallel_loop3A_241 = arith.constant 6 : i32
        %parallel_loop3A_242 = vector.broadcast %parallel_loop3A_241 : i32 to vector<16xi32>
        %parallel_loop3A_243 = arith.shrsi %parallel_loop3A_240, %parallel_loop3A_242 : vector<16xi32>
        %parallel_loop3A_244 = tpu.vector_load_idx %arg15[%parallel_loop3A_243] : memref<32xf32, #tpu.memory_space<vmem>>[vector<16xi32>], vector<16xf32>,
        %parallel_loop3A_245 = arith.cmpf olt, %parallel_loop3A_244, %parallel_loop3A_183 : vector<16xf32>
        %parallel_loop3A_246 = arith.constant 32 : i32
        %parallel_loop3A_247 = vector.broadcast %parallel_loop3A_246 : i32 to vector<16xi32>
        %parallel_loop3A_248 = arith.addi %parallel_loop3A_240, %parallel_loop3A_247 : vector<16xi32>
        %parallel_loop3A_249 = arith.select %parallel_loop3A_245, %parallel_loop3A_248, %parallel_loop3A_240 : vector<16xi1>, vector<16xi32>
        %parallel_loop3A_250 = arith.constant 5 : i32
        %parallel_loop3A_251 = vector.broadcast %parallel_loop3A_250 : i32 to vector<16xi32>
        %parallel_loop3A_252 = arith.shrsi %parallel_loop3A_249, %parallel_loop3A_251 : vector<16xi32>
        %parallel_loop3A_253 = tpu.vector_load_idx %arg16[%parallel_loop3A_252] : memref<64xf32, #tpu.memory_space<vmem>>[vector<16xi32>], vector<16xf32>,
        %parallel_loop3A_254 = arith.cmpf olt, %parallel_loop3A_253, %parallel_loop3A_183 : vector<16xf32>
        %parallel_loop3A_255 = arith.constant 16 : i32
        %parallel_loop3A_256 = vector.broadcast %parallel_loop3A_255 : i32 to vector<16xi32>
        %parallel_loop3A_257 = arith.addi %parallel_loop3A_249, %parallel_loop3A_256 : vector<16xi32>
        %parallel_loop3A_258 = arith.select %parallel_loop3A_254, %parallel_loop3A_257, %parallel_loop3A_249 : vector<16xi1>, vector<16xi32>
        %parallel_loop3A_259 = arith.constant 4 : i32
        %parallel_loop3A_260 = vector.broadcast %parallel_loop3A_259 : i32 to vector<16xi32>
        %parallel_loop3A_261 = arith.shrsi %parallel_loop3A_258, %parallel_loop3A_260 : vector<16xi32>
        %parallel_loop3A_262 = tpu.vector_load_idx %arg17[%parallel_loop3A_261] : memref<128xf32, #tpu.memory_space<vmem>>[vector<16xi32>], vector<16xf32>,
        %parallel_loop3A_263 = arith.cmpf olt, %parallel_loop3A_262, %parallel_loop3A_183 : vector<16xf32>
        %parallel_loop3A_264 = arith.constant 8 : i32
        %parallel_loop3A_265 = vector.broadcast %parallel_loop3A_264 : i32 to vector<16xi32>
        %parallel_loop3A_266 = arith.addi %parallel_loop3A_258, %parallel_loop3A_265 : vector<16xi32>
        %parallel_loop3A_267 = arith.select %parallel_loop3A_263, %parallel_loop3A_266, %parallel_loop3A_258 : vector<16xi1>, vector<16xi32>
        %parallel_loop3A_268 = arith.constant 3 : i32
        %parallel_loop3A_269 = vector.broadcast %parallel_loop3A_268 : i32 to vector<16xi32>
        %parallel_loop3A_270 = arith.shrsi %parallel_loop3A_267, %parallel_loop3A_269 : vector<16xi32>
        %parallel_loop3A_271 = tpu.vector_load_idx %arg18[%parallel_loop3A_270] : memref<256xf32, #tpu.memory_space<vmem>>[vector<16xi32>], vector<16xf32>,
        %parallel_loop3A_272 = arith.cmpf olt, %parallel_loop3A_271, %parallel_loop3A_183 : vector<16xf32>
        %parallel_loop3A_273 = arith.constant 4 : i32
        %parallel_loop3A_274 = vector.broadcast %parallel_loop3A_273 : i32 to vector<16xi32>
        %parallel_loop3A_275 = arith.addi %parallel_loop3A_267, %parallel_loop3A_274 : vector<16xi32>
        %parallel_loop3A_276 = arith.select %parallel_loop3A_272, %parallel_loop3A_275, %parallel_loop3A_267 : vector<16xi1>, vector<16xi32>
        %parallel_loop3A_277 = arith.constant 2 : i32
        %parallel_loop3A_278 = vector.broadcast %parallel_loop3A_277 : i32 to vector<16xi32>
        %parallel_loop3A_279 = arith.shrsi %parallel_loop3A_276, %parallel_loop3A_278 : vector<16xi32>
        %parallel_loop3A_280 = tpu.vector_load_idx %arg19[%parallel_loop3A_279] : memref<512xf32, #tpu.memory_space<vmem>>[vector<16xi32>], vector<16xf32>,
        %parallel_loop3A_281 = arith.cmpf olt, %parallel_loop3A_280, %parallel_loop3A_183 : vector<16xf32>
        %parallel_loop3A_282 = arith.constant 2 : i32
        %parallel_loop3A_283 = vector.broadcast %parallel_loop3A_282 : i32 to vector<16xi32>
        %parallel_loop3A_284 = arith.addi %parallel_loop3A_276, %parallel_loop3A_283 : vector<16xi32>
        %parallel_loop3A_285 = arith.select %parallel_loop3A_281, %parallel_loop3A_284, %parallel_loop3A_276 : vector<16xi1>, vector<16xi32>
        %parallel_loop3A_286 = arith.constant 1 : i32
        %parallel_loop3A_287 = vector.broadcast %parallel_loop3A_286 : i32 to vector<16xi32>
        %parallel_loop3A_288 = arith.shrsi %parallel_loop3A_285, %parallel_loop3A_287 : vector<16xi32>
        %parallel_loop3A_289 = tpu.vector_load_idx %arg20[%parallel_loop3A_288] : memref<1024xf32, #tpu.memory_space<vmem>>[vector<16xi32>], vector<16xf32>,
        %parallel_loop3A_290 = arith.cmpf olt, %parallel_loop3A_289, %parallel_loop3A_183 : vector<16xf32>
        %parallel_loop3A_291 = arith.constant 1 : i32
        %parallel_loop3A_292 = vector.broadcast %parallel_loop3A_291 : i32 to vector<16xi32>
        %parallel_loop3A_293 = arith.addi %parallel_loop3A_285, %parallel_loop3A_292 : vector<16xi32>
        %parallel_loop3A_294 = arith.select %parallel_loop3A_290, %parallel_loop3A_293, %parallel_loop3A_285 : vector<16xi1>, vector<16xi32>
        %parallel_loop3A_295 = arith.constant 1 : i32
        %parallel_loop3A_296 = arith.constant 2003 : i32
        %parallel_loop3A_297 = vector.broadcast %parallel_loop3A_295 : i32 to vector<16xi32>
        %parallel_loop3A_298 = arith.maxsi %parallel_loop3A_297, %parallel_loop3A_294 : vector<16xi32>
        %parallel_loop3A_299 = vector.broadcast %parallel_loop3A_296 : i32 to vector<16xi32>
        %parallel_loop3A_300 = arith.minsi %parallel_loop3A_299, %parallel_loop3A_298 : vector<16xi32>
        %parallel_loop3A_301 = arith.constant 1 : i32
        %parallel_loop3A_302 = vector.broadcast %parallel_loop3A_301 : i32 to vector<16xi32>
        %parallel_loop3A_303 = arith.subi %parallel_loop3A_300, %parallel_loop3A_302 : vector<16xi32>
        %parallel_loop3A_304 = tpu.vector_load_idx %arg6[%parallel_loop3A_303] : memref<2048xf32, #tpu.memory_space<vmem>>[vector<16xi32>], vector<16xf32>,
        %parallel_loop3A_305 = tpu.vector_load_idx %arg6[%parallel_loop3A_300] : memref<2048xf32, #tpu.memory_space<vmem>>[vector<16xi32>], vector<16xf32>,
        %parallel_loop3A_306 = tpu.vector_load_idx %arg7[%parallel_loop3A_303] : memref<2048xf32, #tpu.memory_space<vmem>>[vector<16xi32>], vector<16xf32>,
        %parallel_loop3A_307 = tpu.vector_load_idx %arg7[%parallel_loop3A_300] : memref<2048xf32, #tpu.memory_space<vmem>>[vector<16xi32>], vector<16xf32>,
        %parallel_loop3A_308 = arith.maximumf %parallel_loop3A_304, %parallel_loop3A_183 : vector<16xf32>
        %parallel_loop3A_309 = arith.minimumf %parallel_loop3A_305, %parallel_loop3A_308 : vector<16xf32>
        %parallel_loop3A_310 = arith.subf %parallel_loop3A_309, %parallel_loop3A_304 : vector<16xf32>
        %parallel_loop3A_311 = arith.subf %parallel_loop3A_305, %parallel_loop3A_309 : vector<16xf32>
        %parallel_loop3A_312 = arith.addf %parallel_loop3A_310, %parallel_loop3A_311 : vector<16xf32>
        %parallel_loop3A_313 = arith.constant 0.000000e+00 : f32
        %parallel_loop3A_314 = vector.broadcast %parallel_loop3A_313 : f32 to vector<16xf32>
        %parallel_loop3A_315 = arith.cmpf oeq, %parallel_loop3A_312, %parallel_loop3A_314 : vector<16xf32>
        %parallel_loop3A_316 = arith.constant 1.000000e+00 : f32
        %parallel_loop3A_317 = vector.broadcast %parallel_loop3A_316 : f32 to vector<16xf32>
        %parallel_loop3A_318 = arith.select %parallel_loop3A_315, %parallel_loop3A_317, %parallel_loop3A_312 : vector<16xi1>, vector<16xf32>
        %parallel_loop3A_319 = arith.mulf %parallel_loop3A_306, %parallel_loop3A_310 : vector<16xf32>
        %parallel_loop3A_320 = arith.mulf %parallel_loop3A_307, %parallel_loop3A_311 : vector<16xf32>
        %parallel_loop3A_321 = arith.addf %parallel_loop3A_319, %parallel_loop3A_320 : vector<16xf32>
        %parallel_loop3A_322 = arith.divf %parallel_loop3A_321, %parallel_loop3A_318 : vector<16xf32>
        %parallel_loop3A_323 = arith.mulf %parallel_loop3A_322, %div3A_12 : vector<16xf32>
        %parallel_loop3A_324 = arith.constant 16 : i32
        %parallel_loop3A_325 = arith.muli %parallel_loop3A_179, %parallel_loop3A_324 : i32
        %parallel_loop3A_326 = arith.index_cast %parallel_loop3A_325 : i32 to index
        %parallel_loop3A_327 = tpu.vector_load %arg12[%parallel_loop3A_326] {strides = array<i32>} : memref<16384xf32, #tpu.memory_space<vmem>>, vector<16xf32>,
        tpu.vector_store %arg12[%parallel_loop3A_326], %parallel_loop3A_323 {strides = array<i32>} : memref<16384xf32, #tpu.memory_space<vmem>>, vector<16xf32>,
      } {sc.loop_unroll_factor = 32 : i64, sc.parallel_access}
      %mul3A_144 = arith.constant 16384 : i32
      %mul3A_145 = arith.muli %add3A_127, %mul3A_144 : i32
      %add3A_146 = arith.addi %mul3A_2, %mul3A_145 : i32
      %dma_start3A_147 = tpu.memref_slice %arg5[%add3A_146] : memref<8388608xf32, #tpu.memory_space<hbm>> -> memref<16384xf32, #tpu.memory_space<hbm>>
      %dma_start3A_148 = tpu.memref_slice %arg5[%add3A_146] : memref<8388608xf32, #tpu.memory_space<hbm>> -> memref<16384xf32, #tpu.memory_space<hbm>>
      tpu.enqueue_dma source(%arg12 : memref<16384xf32, #tpu.memory_space<vmem>>) target(%dma_start3A_148 : memref<16384xf32, #tpu.memory_space<hbm>>) target_semaphore(%arg22 : memref<!tpu.dma_semaphore, #tpu.memory_space<semaphore_mem>>)
      %mul3A_149 = arith.constant 2 : i32
      %mul3A_150 = arith.muli %mul3A_149, %scan3A_122 : i32
      %add3A_151 = arith.constant 1 : i32
      %add3A_152 = arith.addi %mul3A_150, %add3A_151 : i32
      %add3A_153 = arith.constant 1 : i32
      %add3A_154 = arith.addi %add3A_152, %add3A_153 : i32
      %lt3A_155 = arith.constant 16 : i32
      %lt3A_156 = arith.cmpi slt, %add3A_154, %lt3A_155 : i32
      %convert_element_type3A_157 = arith.extui %lt3A_156 : i1 to i32
      %cond3A_158 = arith.constant 0 : i32
      %cond3A_159 = arith.cmpi ne, %convert_element_type3A_157, %cond3A_158 : i32
      scf.if %cond3A_159 {
        %add3A_179 = arith.constant 1 : i32
        %add3A_180 = arith.addi %add3A_152, %add3A_179 : i32
        %mul3A_181 = arith.constant 16384 : i32
        %mul3A_182 = arith.muli %add3A_180, %mul3A_181 : i32
        %add3A_183 = arith.addi %mul3A_2, %mul3A_182 : i32
        %dma_start3A_184 = tpu.memref_slice %arg2[%add3A_183] : memref<8388608xf32, #tpu.memory_space<hbm>> -> memref<16384xf32, #tpu.memory_space<hbm>>
        %dma_start3A_185 = tpu.memref_slice %arg2[%add3A_183] : memref<8388608xf32, #tpu.memory_space<hbm>> -> memref<16384xf32, #tpu.memory_space<hbm>>
        tpu.enqueue_dma source(%dma_start3A_185 : memref<16384xf32, #tpu.memory_space<hbm>>) target(%arg11 : memref<16384xf32, #tpu.memory_space<vmem>>) target_semaphore(%arg21 : memref<!tpu.dma_semaphore, #tpu.memory_space<semaphore_mem>>)
      } else {
      }
      %mul3A_160 = arith.constant 16384 : i32
      %mul3A_161 = arith.muli %add3A_152, %mul3A_160 : i32
      %add3A_162 = arith.addi %mul3A_2, %mul3A_161 : i32
      %dma_wait3A_163 = tpu.memref_slice %arg2[%add3A_162] : memref<8388608xf32, #tpu.memory_space<hbm>> -> memref<16384xf32, #tpu.memory_space<hbm>>
      %dma_wait3A_164 = tpu.memref_slice %arg2[%add3A_162] : memref<8388608xf32, #tpu.memory_space<hbm>> -> memref<16384xf32, #tpu.memory_space<hbm>>
      tpu.wait_dma2 semaphore(%arg23 : memref<!tpu.dma_semaphore, #tpu.memory_space<semaphore_mem>>) src(%dma_wait3A_164 : memref<16384xf32, #tpu.memory_space<hbm>>) dst(%arg13 : memref<16384xf32, #tpu.memory_space<vmem>>)
      %ge3A_165 = arith.constant 2 : i32
      %ge3A_166 = arith.cmpi sge, %add3A_152, %ge3A_165 : i32
      %convert_element_type3A_167 = arith.extui %ge3A_166 : i1 to i32
      %cond3A_168 = arith.constant 0 : i32
      %cond3A_169 = arith.cmpi ne, %convert_element_type3A_167, %cond3A_168 : i32
      scf.if %cond3A_169 {
        %sub3A_179 = arith.constant 2 : i32
        %sub3A_180 = arith.subi %add3A_152, %sub3A_179 : i32
        %mul3A_181 = arith.constant 16384 : i32
        %mul3A_182 = arith.muli %sub3A_180, %mul3A_181 : i32
        %add3A_183 = arith.addi %mul3A_2, %mul3A_182 : i32
        %dma_wait3A_184 = tpu.memref_slice %arg5[%add3A_183] : memref<8388608xf32, #tpu.memory_space<hbm>> -> memref<16384xf32, #tpu.memory_space<hbm>>
        %dma_wait3A_185 = tpu.memref_slice %arg5[%add3A_183] : memref<8388608xf32, #tpu.memory_space<hbm>> -> memref<16384xf32, #tpu.memory_space<hbm>>
        tpu.wait_dma2 semaphore(%arg24 : memref<!tpu.dma_semaphore, #tpu.memory_space<semaphore_mem>>) src(%arg14 : memref<16384xf32, #tpu.memory_space<vmem>>) dst(%dma_wait3A_185 : memref<16384xf32, #tpu.memory_space<hbm>>)
      } else {
      }
      %parallel_loop3A_170 = arith.constant 0 : i32
      %parallel_loop3A_171 = arith.constant 1024 : i32
      %parallel_loop3A_172 = arith.constant 1 : i32
      scf.for %parallel_loop3A_179 = %parallel_loop3A_170 to %parallel_loop3A_171 step %parallel_loop3A_172  : i32 {
        %parallel_loop3A_180 = arith.constant 16 : i32
        %parallel_loop3A_181 = arith.muli %parallel_loop3A_179, %parallel_loop3A_180 : i32
        %parallel_loop3A_182 = arith.index_cast %parallel_loop3A_181 : i32 to index
        %parallel_loop3A_183 = tpu.vector_load %arg13[%parallel_loop3A_182] {strides = array<i32>} : memref<16384xf32, #tpu.memory_space<vmem>>, vector<16xf32>,
        %parallel_loop3A_184 = arith.constant 7 : i32
        %parallel_loop3A_185 = vector.broadcast %parallel_loop3A_184 : i32 to vector<16xi32>
        %parallel_loop3A_186 = arith.addi %broadcast_in_dim3A_14, %parallel_loop3A_185 : vector<16xi32>
        %parallel_loop3A_187 = vector.shape_cast %parallel_loop3A_186 : vector<16xi32> to vector<16x1xi32>
        %parallel_loop3A_188 = vector.shape_cast %parallel_loop3A_187 : vector<16x1xi32> to vector<16xi32>
        %parallel_loop3A_189 = tpu.dynamic_gather %gather3A_55[%parallel_loop3A_188] in [0] : vector<16xf32>, vector<16xi32> -> vector<16xf32>
        %parallel_loop3A_190 = arith.cmpf olt, %parallel_loop3A_189, %parallel_loop3A_183 : vector<16xf32>
        %parallel_loop3A_191 = arith.constant 8 : i32
        %parallel_loop3A_192 = vector.broadcast %parallel_loop3A_191 : i32 to vector<16xi32>
        %parallel_loop3A_193 = arith.addi %broadcast_in_dim3A_14, %parallel_loop3A_192 : vector<16xi32>
        %parallel_loop3A_194 = arith.select %parallel_loop3A_190, %parallel_loop3A_193, %broadcast_in_dim3A_14 : vector<16xi1>, vector<16xi32>
        %parallel_loop3A_195 = arith.constant 3 : i32
        %parallel_loop3A_196 = vector.broadcast %parallel_loop3A_195 : i32 to vector<16xi32>
        %parallel_loop3A_197 = arith.addi %parallel_loop3A_194, %parallel_loop3A_196 : vector<16xi32>
        %parallel_loop3A_198 = vector.shape_cast %parallel_loop3A_197 : vector<16xi32> to vector<16x1xi32>
        %parallel_loop3A_199 = vector.shape_cast %parallel_loop3A_198 : vector<16x1xi32> to vector<16xi32>
        %parallel_loop3A_200 = tpu.dynamic_gather %gather3A_55[%parallel_loop3A_199] in [0] : vector<16xf32>, vector<16xi32> -> vector<16xf32>
        %parallel_loop3A_201 = arith.cmpf olt, %parallel_loop3A_200, %parallel_loop3A_183 : vector<16xf32>
        %parallel_loop3A_202 = arith.constant 4 : i32
        %parallel_loop3A_203 = vector.broadcast %parallel_loop3A_202 : i32 to vector<16xi32>
        %parallel_loop3A_204 = arith.addi %parallel_loop3A_194, %parallel_loop3A_203 : vector<16xi32>
        %parallel_loop3A_205 = arith.select %parallel_loop3A_201, %parallel_loop3A_204, %parallel_loop3A_194 : vector<16xi1>, vector<16xi32>
        %parallel_loop3A_206 = arith.constant 1 : i32
        %parallel_loop3A_207 = vector.broadcast %parallel_loop3A_206 : i32 to vector<16xi32>
        %parallel_loop3A_208 = arith.addi %parallel_loop3A_205, %parallel_loop3A_207 : vector<16xi32>
        %parallel_loop3A_209 = vector.shape_cast %parallel_loop3A_208 : vector<16xi32> to vector<16x1xi32>
        %parallel_loop3A_210 = vector.shape_cast %parallel_loop3A_209 : vector<16x1xi32> to vector<16xi32>
        %parallel_loop3A_211 = tpu.dynamic_gather %gather3A_55[%parallel_loop3A_210] in [0] : vector<16xf32>, vector<16xi32> -> vector<16xf32>
        %parallel_loop3A_212 = arith.cmpf olt, %parallel_loop3A_211, %parallel_loop3A_183 : vector<16xf32>
        %parallel_loop3A_213 = arith.constant 2 : i32
        %parallel_loop3A_214 = vector.broadcast %parallel_loop3A_213 : i32 to vector<16xi32>
        %parallel_loop3A_215 = arith.addi %parallel_loop3A_205, %parallel_loop3A_214 : vector<16xi32>
        %parallel_loop3A_216 = arith.select %parallel_loop3A_212, %parallel_loop3A_215, %parallel_loop3A_205 : vector<16xi1>, vector<16xi32>
        %parallel_loop3A_217 = arith.constant 0 : i32
        %parallel_loop3A_218 = vector.broadcast %parallel_loop3A_217 : i32 to vector<16xi32>
        %parallel_loop3A_219 = arith.addi %parallel_loop3A_216, %parallel_loop3A_218 : vector<16xi32>
        %parallel_loop3A_220 = vector.shape_cast %parallel_loop3A_219 : vector<16xi32> to vector<16x1xi32>
        %parallel_loop3A_221 = vector.shape_cast %parallel_loop3A_220 : vector<16x1xi32> to vector<16xi32>
        %parallel_loop3A_222 = tpu.dynamic_gather %gather3A_55[%parallel_loop3A_221] in [0] : vector<16xf32>, vector<16xi32> -> vector<16xf32>
        %parallel_loop3A_223 = arith.cmpf olt, %parallel_loop3A_222, %parallel_loop3A_183 : vector<16xf32>
        %parallel_loop3A_224 = arith.constant 1 : i32
        %parallel_loop3A_225 = vector.broadcast %parallel_loop3A_224 : i32 to vector<16xi32>
        %parallel_loop3A_226 = arith.addi %parallel_loop3A_216, %parallel_loop3A_225 : vector<16xi32>
        %parallel_loop3A_227 = arith.select %parallel_loop3A_223, %parallel_loop3A_226, %parallel_loop3A_216 : vector<16xi1>, vector<16xi32>
        %parallel_loop3A_228 = vector.shape_cast %parallel_loop3A_227 : vector<16xi32> to vector<16x1xi32>
        %parallel_loop3A_229 = vector.shape_cast %parallel_loop3A_228 : vector<16x1xi32> to vector<16xi32>
        %parallel_loop3A_230 = tpu.dynamic_gather %gather3A_62[%parallel_loop3A_229] in [0] : vector<16xf32>, vector<16xi32> -> vector<16xf32>
        %parallel_loop3A_231 = arith.constant 128 : i32
        %parallel_loop3A_232 = vector.broadcast %parallel_loop3A_231 : i32 to vector<16xi32>
        %parallel_loop3A_233 = arith.muli %parallel_loop3A_227, %parallel_loop3A_232 : vector<16xi32>
        %parallel_loop3A_234 = arith.cmpf olt, %parallel_loop3A_230, %parallel_loop3A_183 : vector<16xf32>
        %parallel_loop3A_235 = arith.constant 64 : i32
        %parallel_loop3A_236 = arith.constant 0 : i32
        %parallel_loop3A_237 = vector.broadcast %parallel_loop3A_235 : i32 to vector<16xi32>
        %parallel_loop3A_238 = vector.broadcast %parallel_loop3A_236 : i32 to vector<16xi32>
        %parallel_loop3A_239 = arith.select %parallel_loop3A_234, %parallel_loop3A_237, %parallel_loop3A_238 : vector<16xi1>, vector<16xi32>
        %parallel_loop3A_240 = arith.addi %parallel_loop3A_233, %parallel_loop3A_239 : vector<16xi32>
        %parallel_loop3A_241 = arith.constant 6 : i32
        %parallel_loop3A_242 = vector.broadcast %parallel_loop3A_241 : i32 to vector<16xi32>
        %parallel_loop3A_243 = arith.shrsi %parallel_loop3A_240, %parallel_loop3A_242 : vector<16xi32>
        %parallel_loop3A_244 = tpu.vector_load_idx %arg15[%parallel_loop3A_243] : memref<32xf32, #tpu.memory_space<vmem>>[vector<16xi32>], vector<16xf32>,
        %parallel_loop3A_245 = arith.cmpf olt, %parallel_loop3A_244, %parallel_loop3A_183 : vector<16xf32>
        %parallel_loop3A_246 = arith.constant 32 : i32
        %parallel_loop3A_247 = vector.broadcast %parallel_loop3A_246 : i32 to vector<16xi32>
        %parallel_loop3A_248 = arith.addi %parallel_loop3A_240, %parallel_loop3A_247 : vector<16xi32>
        %parallel_loop3A_249 = arith.select %parallel_loop3A_245, %parallel_loop3A_248, %parallel_loop3A_240 : vector<16xi1>, vector<16xi32>
        %parallel_loop3A_250 = arith.constant 5 : i32
        %parallel_loop3A_251 = vector.broadcast %parallel_loop3A_250 : i32 to vector<16xi32>
        %parallel_loop3A_252 = arith.shrsi %parallel_loop3A_249, %parallel_loop3A_251 : vector<16xi32>
        %parallel_loop3A_253 = tpu.vector_load_idx %arg16[%parallel_loop3A_252] : memref<64xf32, #tpu.memory_space<vmem>>[vector<16xi32>], vector<16xf32>,
        %parallel_loop3A_254 = arith.cmpf olt, %parallel_loop3A_253, %parallel_loop3A_183 : vector<16xf32>
        %parallel_loop3A_255 = arith.constant 16 : i32
        %parallel_loop3A_256 = vector.broadcast %parallel_loop3A_255 : i32 to vector<16xi32>
        %parallel_loop3A_257 = arith.addi %parallel_loop3A_249, %parallel_loop3A_256 : vector<16xi32>
        %parallel_loop3A_258 = arith.select %parallel_loop3A_254, %parallel_loop3A_257, %parallel_loop3A_249 : vector<16xi1>, vector<16xi32>
        %parallel_loop3A_259 = arith.constant 4 : i32
        %parallel_loop3A_260 = vector.broadcast %parallel_loop3A_259 : i32 to vector<16xi32>
        %parallel_loop3A_261 = arith.shrsi %parallel_loop3A_258, %parallel_loop3A_260 : vector<16xi32>
        %parallel_loop3A_262 = tpu.vector_load_idx %arg17[%parallel_loop3A_261] : memref<128xf32, #tpu.memory_space<vmem>>[vector<16xi32>], vector<16xf32>,
        %parallel_loop3A_263 = arith.cmpf olt, %parallel_loop3A_262, %parallel_loop3A_183 : vector<16xf32>
        %parallel_loop3A_264 = arith.constant 8 : i32
        %parallel_loop3A_265 = vector.broadcast %parallel_loop3A_264 : i32 to vector<16xi32>
        %parallel_loop3A_266 = arith.addi %parallel_loop3A_258, %parallel_loop3A_265 : vector<16xi32>
        %parallel_loop3A_267 = arith.select %parallel_loop3A_263, %parallel_loop3A_266, %parallel_loop3A_258 : vector<16xi1>, vector<16xi32>
        %parallel_loop3A_268 = arith.constant 3 : i32
        %parallel_loop3A_269 = vector.broadcast %parallel_loop3A_268 : i32 to vector<16xi32>
        %parallel_loop3A_270 = arith.shrsi %parallel_loop3A_267, %parallel_loop3A_269 : vector<16xi32>
        %parallel_loop3A_271 = tpu.vector_load_idx %arg18[%parallel_loop3A_270] : memref<256xf32, #tpu.memory_space<vmem>>[vector<16xi32>], vector<16xf32>,
        %parallel_loop3A_272 = arith.cmpf olt, %parallel_loop3A_271, %parallel_loop3A_183 : vector<16xf32>
        %parallel_loop3A_273 = arith.constant 4 : i32
        %parallel_loop3A_274 = vector.broadcast %parallel_loop3A_273 : i32 to vector<16xi32>
        %parallel_loop3A_275 = arith.addi %parallel_loop3A_267, %parallel_loop3A_274 : vector<16xi32>
        %parallel_loop3A_276 = arith.select %parallel_loop3A_272, %parallel_loop3A_275, %parallel_loop3A_267 : vector<16xi1>, vector<16xi32>
        %parallel_loop3A_277 = arith.constant 2 : i32
        %parallel_loop3A_278 = vector.broadcast %parallel_loop3A_277 : i32 to vector<16xi32>
        %parallel_loop3A_279 = arith.shrsi %parallel_loop3A_276, %parallel_loop3A_278 : vector<16xi32>
        %parallel_loop3A_280 = tpu.vector_load_idx %arg19[%parallel_loop3A_279] : memref<512xf32, #tpu.memory_space<vmem>>[vector<16xi32>], vector<16xf32>,
        %parallel_loop3A_281 = arith.cmpf olt, %parallel_loop3A_280, %parallel_loop3A_183 : vector<16xf32>
        %parallel_loop3A_282 = arith.constant 2 : i32
        %parallel_loop3A_283 = vector.broadcast %parallel_loop3A_282 : i32 to vector<16xi32>
        %parallel_loop3A_284 = arith.addi %parallel_loop3A_276, %parallel_loop3A_283 : vector<16xi32>
        %parallel_loop3A_285 = arith.select %parallel_loop3A_281, %parallel_loop3A_284, %parallel_loop3A_276 : vector<16xi1>, vector<16xi32>
        %parallel_loop3A_286 = arith.constant 1 : i32
        %parallel_loop3A_287 = vector.broadcast %parallel_loop3A_286 : i32 to vector<16xi32>
        %parallel_loop3A_288 = arith.shrsi %parallel_loop3A_285, %parallel_loop3A_287 : vector<16xi32>
        %parallel_loop3A_289 = tpu.vector_load_idx %arg20[%parallel_loop3A_288] : memref<1024xf32, #tpu.memory_space<vmem>>[vector<16xi32>], vector<16xf32>,
        %parallel_loop3A_290 = arith.cmpf olt, %parallel_loop3A_289, %parallel_loop3A_183 : vector<16xf32>
        %parallel_loop3A_291 = arith.constant 1 : i32
        %parallel_loop3A_292 = vector.broadcast %parallel_loop3A_291 : i32 to vector<16xi32>
        %parallel_loop3A_293 = arith.addi %parallel_loop3A_285, %parallel_loop3A_292 : vector<16xi32>
        %parallel_loop3A_294 = arith.select %parallel_loop3A_290, %parallel_loop3A_293, %parallel_loop3A_285 : vector<16xi1>, vector<16xi32>
        %parallel_loop3A_295 = arith.constant 1 : i32
        %parallel_loop3A_296 = arith.constant 2003 : i32
        %parallel_loop3A_297 = vector.broadcast %parallel_loop3A_295 : i32 to vector<16xi32>
        %parallel_loop3A_298 = arith.maxsi %parallel_loop3A_297, %parallel_loop3A_294 : vector<16xi32>
        %parallel_loop3A_299 = vector.broadcast %parallel_loop3A_296 : i32 to vector<16xi32>
        %parallel_loop3A_300 = arith.minsi %parallel_loop3A_299, %parallel_loop3A_298 : vector<16xi32>
        %parallel_loop3A_301 = arith.constant 1 : i32
        %parallel_loop3A_302 = vector.broadcast %parallel_loop3A_301 : i32 to vector<16xi32>
        %parallel_loop3A_303 = arith.subi %parallel_loop3A_300, %parallel_loop3A_302 : vector<16xi32>
        %parallel_loop3A_304 = tpu.vector_load_idx %arg6[%parallel_loop3A_303] : memref<2048xf32, #tpu.memory_space<vmem>>[vector<16xi32>], vector<16xf32>,
        %parallel_loop3A_305 = tpu.vector_load_idx %arg6[%parallel_loop3A_300] : memref<2048xf32, #tpu.memory_space<vmem>>[vector<16xi32>], vector<16xf32>,
        %parallel_loop3A_306 = tpu.vector_load_idx %arg7[%parallel_loop3A_303] : memref<2048xf32, #tpu.memory_space<vmem>>[vector<16xi32>], vector<16xf32>,
        %parallel_loop3A_307 = tpu.vector_load_idx %arg7[%parallel_loop3A_300] : memref<2048xf32, #tpu.memory_space<vmem>>[vector<16xi32>], vector<16xf32>,
        %parallel_loop3A_308 = arith.maximumf %parallel_loop3A_304, %parallel_loop3A_183 : vector<16xf32>
        %parallel_loop3A_309 = arith.minimumf %parallel_loop3A_305, %parallel_loop3A_308 : vector<16xf32>
        %parallel_loop3A_310 = arith.subf %parallel_loop3A_309, %parallel_loop3A_304 : vector<16xf32>
        %parallel_loop3A_311 = arith.subf %parallel_loop3A_305, %parallel_loop3A_309 : vector<16xf32>
        %parallel_loop3A_312 = arith.addf %parallel_loop3A_310, %parallel_loop3A_311 : vector<16xf32>
        %parallel_loop3A_313 = arith.constant 0.000000e+00 : f32
        %parallel_loop3A_314 = vector.broadcast %parallel_loop3A_313 : f32 to vector<16xf32>
        %parallel_loop3A_315 = arith.cmpf oeq, %parallel_loop3A_312, %parallel_loop3A_314 : vector<16xf32>
        %parallel_loop3A_316 = arith.constant 1.000000e+00 : f32
        %parallel_loop3A_317 = vector.broadcast %parallel_loop3A_316 : f32 to vector<16xf32>
        %parallel_loop3A_318 = arith.select %parallel_loop3A_315, %parallel_loop3A_317, %parallel_loop3A_312 : vector<16xi1>, vector<16xf32>
        %parallel_loop3A_319 = arith.mulf %parallel_loop3A_306, %parallel_loop3A_310 : vector<16xf32>
        %parallel_loop3A_320 = arith.mulf %parallel_loop3A_307, %parallel_loop3A_311 : vector<16xf32>
        %parallel_loop3A_321 = arith.addf %parallel_loop3A_319, %parallel_loop3A_320 : vector<16xf32>
        %parallel_loop3A_322 = arith.divf %parallel_loop3A_321, %parallel_loop3A_318 : vector<16xf32>
        %parallel_loop3A_323 = arith.mulf %parallel_loop3A_322, %div3A_12 : vector<16xf32>
        %parallel_loop3A_324 = arith.constant 16 : i32
        %parallel_loop3A_325 = arith.muli %parallel_loop3A_179, %parallel_loop3A_324 : i32
        %parallel_loop3A_326 = arith.index_cast %parallel_loop3A_325 : i32 to index
        %parallel_loop3A_327 = tpu.vector_load %arg14[%parallel_loop3A_326] {strides = array<i32>} : memref<16384xf32, #tpu.memory_space<vmem>>, vector<16xf32>,
        tpu.vector_store %arg14[%parallel_loop3A_326], %parallel_loop3A_323 {strides = array<i32>} : memref<16384xf32, #tpu.memory_space<vmem>>, vector<16xf32>,
      } {sc.loop_unroll_factor = 32 : i64, sc.parallel_access}
      %mul3A_173 = arith.constant 16384 : i32
      %mul3A_174 = arith.muli %add3A_152, %mul3A_173 : i32
      %add3A_175 = arith.addi %mul3A_2, %mul3A_174 : i32
      %dma_start3A_176 = tpu.memref_slice %arg5[%add3A_175] : memref<8388608xf32, #tpu.memory_space<hbm>> -> memref<16384xf32, #tpu.memory_space<hbm>>
      %dma_start3A_177 = tpu.memref_slice %arg5[%add3A_175] : memref<8388608xf32, #tpu.memory_space<hbm>> -> memref<16384xf32, #tpu.memory_space<hbm>>
      tpu.enqueue_dma source(%arg14 : memref<16384xf32, #tpu.memory_space<vmem>>) target(%dma_start3A_177 : memref<16384xf32, #tpu.memory_space<hbm>>) target_semaphore(%arg24 : memref<!tpu.dma_semaphore, #tpu.memory_space<semaphore_mem>>)
      %scan3A_178 = arith.constant 0 : i32
      scf.yield %scan3A_178 : i32
    }
    %scan3A_114 = arith.constant 8 : i32
    %add3A_115 = arith.constant 229376 : i32
    %add3A_116 = arith.addi %mul3A_2, %add3A_115 : i32
    %dma_wait3A = tpu.memref_slice %arg5[%add3A_116] : memref<8388608xf32, #tpu.memory_space<hbm>> -> memref<16384xf32, #tpu.memory_space<hbm>>
    %dma_wait3A_117 = tpu.memref_slice %arg5[%add3A_116] : memref<8388608xf32, #tpu.memory_space<hbm>> -> memref<16384xf32, #tpu.memory_space<hbm>>
    tpu.wait_dma2 semaphore(%arg22 : memref<!tpu.dma_semaphore, #tpu.memory_space<semaphore_mem>>) src(%arg12 : memref<16384xf32, #tpu.memory_space<vmem>>) dst(%dma_wait3A_117 : memref<16384xf32, #tpu.memory_space<hbm>>)
    %add3A_118 = arith.constant 245760 : i32
    %add3A_119 = arith.addi %mul3A_2, %add3A_118 : i32
    %dma_wait3A_120 = tpu.memref_slice %arg5[%add3A_119] : memref<8388608xf32, #tpu.memory_space<hbm>> -> memref<16384xf32, #tpu.memory_space<hbm>>
    %dma_wait3A_121 = tpu.memref_slice %arg5[%add3A_119] : memref<8388608xf32, #tpu.memory_space<hbm>> -> memref<16384xf32, #tpu.memory_space<hbm>>
    tpu.wait_dma2 semaphore(%arg24 : memref<!tpu.dma_semaphore, #tpu.memory_space<semaphore_mem>>) src(%arg14 : memref<16384xf32, #tpu.memory_space<vmem>>) dst(%dma_wait3A_121 : memref<16384xf32, #tpu.memory_space<hbm>>)
    return
  }
}

</mosaic_0001>

<sc_bundles>
// kernel: kernel.3.cloned.1.call-start
scs
__scs_entry_jumppad:
0x0: {  	(pc) =	sbr.rel $0x88, $3  }
0x1: {  	(tag) =	ssettag $0x0;
	lr =	simm.s32 $0x1  }
0x2: {  	[smem:$0x3F9E] =	sst lr;
	_ =	strace $0xD0000000  }
0x3: {  	_ = 	snop  }
0x4: {  	_ = 	snop  }
0x5: {  	_ = 	snop  }
0x6: {  	_ = 	snop  }
0x7: {  	_ = 	snop  }
__scs_overlays_trampoline_lowered:
0x8: {  	[smem:$0x3FAD] =	sst s0  }
0x9: {  	[smem:$0x3FAE] =	sst s1  }
0xa: {  	[smem:$0x3FAF] =	sst s2  }
0xb: {  	[smem:$0x3FB0] =	sst s3  }
0xc: {  	[smem:$0x3FB1] =	sst s4  }
0xd: {  	[smem:$0x3FB2] =	sst s5  }
0xe: {  	[smem:$0x3FB3] =	sst s6  }
0xf: {  	[smem:$0x3FB4] =	sst s7  }
0x10: {  	[smem:$0x3FB5] =	sst s8  }
0x11: {  	[smem:$0x3FB6] =	sst s9;
	s0 =	simm.s32 @!p0 $0x0  }
0x12: {  	s1 =	sld [smem:$0x3F9C];
	s0 =	simm.s32 @p0 $0x1  }
0x13: {  	[smem:$0x3FB7] =	sst s0;
	s0 =	simm.s32 @!p1 $0x0  }
0x14: {  	s2 =	sld [smem:$0x3F9B];
	s0 =	simm.s32 @p1 $0x1  }
0x15: {  	[smem:$0x3FB8] =	sst s0;
	s0 =	simm.s32 @!p2 $0x0  }
0x16: {  	s3 =	sld [smem:$0x3FDB];
	s0 =	simm.s32 @p2 $0x1  }
0x17: {  	s4 =	simm.s32 $0x1BF5;
	[smem:$0x3FBA] =	sst s0  }
0x18: {  	s0 =	sld [smem:$0x3F9D];
	_ =	swait.ge [sflag:s4], $0x0  }
0x19: {  	s7 =	sld [smem:$0x3F9E]  }
0x1a: {  	s8 =	sadd.s32 $0xFFFFE003, lr  }
0x1b: {  	s9 =	sadd.s32 $0xFFFFFEF7, lr;
	s5 =	simm.s32 $0xFFFFFFFF;
	p2 =	slt.u32 s8, $0xFFFFF086  }
0x1c: {  	p1 =	slt.u32 s9, $0xF7A;
	s5 =	simm.s32 @!p2 $0x0  }
0x1d: {  	s5 =	simm.s32 @p1 $0x1;
	p0 =	seq.s32 s7, s2  }
0x1e: {  	s7 =	smul.u32 @!p0 $0xF7A, s2;
	p2 =	seq.s32 @!p0 s5, $0x0  }
0x1f: {  	s9 =	smul.u32 $0xF7A, s1;
	s8 =	simm.s32 @!p0 $0x1BF5;
	p2 =	por !p2, p0  }
0x20: {  	[sflag:s8] =	ssyncset.s32 @!p0 $0xFFFFF086;
	s6 =	sadd.s32 @!p0 s3, s7;
	s7 =	simm.s32 @!p0 $0x108  }
0x21: {  	s3 =	sadd.s32 s3, s9;
	s6 =	sadd.s32 @!p0 $0x88, s6;
	s7 =	simm.s32 @p2 $0x1082  }
0x22: {  	[simem:s7], [sflag:s8] =	dma.local @!p0 [hbm:s6], $0xF7A  }
0x23: {  	s9 =	sor.u32 $0xD0000000, s2;
	s6 =	simm.s32 $0x108;
	_ =	swait.ge @!p0 [sflag:s8], $0x0  }
0x24: {  	s3 =	sadd.s32 $0x88, s3;
	s6 =	simm.s32 @!p1 $0x1082;
	[sflag:s4] =	ssyncset.s32 $0xFFFFF086  }
0x25: {  	[simem:s6], [sflag:s4] =	dma.local [hbm:s3], $0xF7A  }
0x26: {  	[smem:$0x3F9E] =	sst s1;
	(tag) =	ssettag s2;
	_ =	strace s9  }
0x27: {  	s1 =	sld [smem:$0x3FAE]  }
0x28: {  	s2 =	sld [smem:$0x3FAF]  }
0x29: {  	s4 =	sld [smem:$0x3FB1]  }
0x2a: {  	p0 =	seq.s32 s5, $0x0;
	s5 =	sld [smem:$0x3FB2]  }
0x2b: {  	s6 =	sld [smem:$0x3FB3]  }
0x2c: {  	s7 =	sld [smem:$0x3FB4]  }
0x2d: {  	s3 =	simm.s32 $0x108;
	s8 =	sld [smem:$0x3FB5]  }
0x2e: {  	s3 =	simm.s32 @!p0 $0x1082;
	s9 =	sld [smem:$0x3FB6]  }
0x2f: {  	lr =	sadd.s32 s0, s3;
	s0 =	sld [smem:$0x3FAD]  }
0x30: {  	s3 =	sld [smem:$0x3FB0]  }
0x31: {  	[smem:$0x3FB9] =	sst s10  }
0x32: {  	s10 =	sld [smem:$0x3FB7];
	_ =	sdelay $0x3  }
0x33: {  	p0 =	seq.s32 s10, $0x1;
	s10 =	sld [smem:$0x3FB9];
	_ =	sdelay $0x3  }
0x34: {  	[smem:$0x3FB9] =	sst s10  }
0x35: {  	s10 =	sld [smem:$0x3FB8];
	_ =	sdelay $0x3  }
0x36: {  	p1 =	seq.s32 s10, $0x1;
	s10 =	sld [smem:$0x3FB9];
	_ =	sdelay $0x3  }
0x37: {  	[smem:$0x3FB9] =	sst s10  }
0x38: {  	s10 =	sld [smem:$0x3FBA]  }
0x39: {  	_ = 	snop;
	(pc) =	sbr.ind lr, $3  }
0x3a: {  	_ = 	snop  }
0x3b: {  	_ = 	snop  }
0x3c: {  	p2 =	seq.s32 s10, $0x1;
	s10 =	sld [smem:$0x3FB9]  }
0x3d: {  	_ =	shalt  }
0x3e: {  	_ =	shalt  }
0x3f: {  	_ =	shalt  }
0x40: {  	_ =	shalt  }
0x41: {  	_ =	shalt  }
0x42: {  	_ =	shalt  }
0x43: {  	_ =	shalt  }
0x44: {  	_ =	shalt  }
0x45: {  	_ =	shalt  }
0x46: {  	_ =	shalt  }
0x47: {  	_ =	shalt  }
0x48: {  	_ =	shalt  }
0x49: {  	_ =	shalt  }
0x4a: {  	_ =	shalt  }
0x4b: {  	_ =	shalt  }
0x4c: {  	_ =	shalt  }
0x4d: {  	_ =	shalt  }
0x4e: {  	_ =	shalt  }
0x4f: {  	_ =	shalt  }
0x50: {  	_ =	shalt  }
0x51: {  	_ =	shalt  }
0x52: {  	_ =	shalt  }
0x53: {  	_ =	shalt  }
0x54: {  	_ =	shalt  }
0x55: {  	_ =	shalt  }
0x56: {  	_ =	shalt  }
0x57: {  	_ =	shalt  }
0x58: {  	_ =	shalt  }
0x59: {  	_ =	shalt  }
0x5a: {  	_ =	shalt  }
0x5b: {  	_ =	shalt  }
0x5c: {  	_ =	shalt  }
0x5d: {  	_ =	shalt  }
0x5e: {  	_ =	shalt  }
0x5f: {  	_ =	shalt  }
0x60: {  	_ =	shalt  }
0x61: {  	_ =	shalt  }
0x62: {  	_ =	shalt  }
0x63: {  	_ =	shalt  }
0x64: {  	_ =	shalt  }
0x65: {  	_ =	shalt  }
0x66: {  	_ =	shalt  }
0x67: {  	_ =	shalt  }
0x68: {  	_ =	shalt  }
0x69: {  	_ =	shalt  }
0x6a: {  	_ =	shalt  }
0x6b: {  	_ =	shalt  }
0x6c: {  	_ =	shalt  }
0x6d: {  	_ =	shalt  }
0x6e: {  	_ =	shalt  }
0x6f: {  	_ =	shalt  }
0x70: {  	_ =	shalt  }
0x71: {  	_ =	shalt  }
0x72: {  	_ =	shalt  }
0x73: {  	_ =	shalt  }
0x74: {  	_ =	shalt  }
0x75: {  	_ =	shalt  }
0x76: {  	_ =	shalt  }
0x77: {  	_ =	shalt  }
0x78: {  	_ =	shalt  }
0x79: {  	_ =	shalt  }
0x7a: {  	_ =	shalt  }
0x7b: {  	_ =	shalt  }
0x7c: {  	_ =	shalt  }
0x7d: {  	_ =	shalt  }
0x7e: {  	_ =	shalt  }
0x7f: {  	_ =	shalt  }
0x80: {  	_ =	shalt  }
0x81: {  	_ =	shalt  }
0x82: {  	_ =	shalt  }
0x83: {  	_ =	shalt  }
0x84: {  	_ =	shalt  }
0x85: {  	_ =	shalt  }
0x86: {  	_ =	shalt  }
0x87: {  	_ =	shalt  }
.Lfunc_end0:
.L_simem_size_0:
called_computation_lowered:
.L_overlay_start_0:
0x88: {  	s2 =	sld [smem:$0x3FD9]  }
0x89: {  	s3 =	sld [smem:$0x3FFE];
	_ =	sdelay $0x1  }
0x8a: {  	s1 =	srdreg.scid  }
0x8b: {  	s0 =	sand.u32 $0x1, s1  }
0x8c: {  	s18 =	sshll.u32 s0, $0xA;
	s2 =	sadd.s32 s3, s2  }
0x8d: {  	s2 =	sadd.s32 s2, s18  }
0x8e: {  	[smem:$0x3FC5] =	sst s2  }
0x8f: {  	_ = 	snop  }
0x90: {  	s2 =	sld [smem:$0x3FC9]  }
0x91: {  	s19 =	sld [smem:$0x3FC8]  }
0x92: {  	s4 =	sld [smem:$0x3FC7]  }
0x93: {  	s5 =	sld [smem:$0x3FD0];
	(tm) =	ssettm $0x1  }
0x94: {  	s6 =	sld [smem:$0x3FFB];
	_ =	sdelay $0x3  }
0x95: {  	_ =	strace s6  }
0x96: {  	s6 =	sld [smem:$0x3FFC];
	_ =	sdelay $0x3  }
0x97: {  	_ =	strace s6  }
0x98: {  	s6 =	sld [smem:$0x3FFD];
	_ =	sdelay $0x3  }
0x99: {  	_ =	strace s6  }
0x9a: {  	_ =	strace $0x8FFFFFFF  }
0x9b: {  	s20 =	sld [smem:$0x3FDB];
	_ =	sdelay $0x1  }
0x9c: {  	s7 =	simm.s32 $_scs_section_size  }
0x9d: {  	s8 =	simm.s32 $_size__tile_overlayer_lowered;
	s9 =	simm.s32 $_tile_overlayer_lowered  }
0x9e: {  	s23 =	simm.s32 $0x1BFF;
	s22 =	sshll.u32 s9, $0x1;
	s6 =	sadd.s32 s7, s20  }
0x9f: {  	s10 =	simm.s32 $0x0;
	s21 =	sshll.u32 s8, $0x1;
	s8 =	sadd.s32 s22, s6  }
0xa0: {  	[timem:s10], [sflag:s23] =	dma.local [hbm:s8], s21  }
0xa1: {  	_ =	swait.ge [sflag:s23], s21  }
0xa2: {  	s7 =	ssub.s32 $0x0, s21;
	[sflag:s23] =	ssyncset.done $0x0  }
0xa3: {  	[sflag:s23] =	ssyncadd.s32 s7;
	_ =	sdelay $0x1  }
0xa4: {  	s24 =	simm.s32 $0x1B8B  }
0xa5: {  	_ =	swait.ge [sflag:s24], $0x1  }
0xa6: {  	[sflag:s24] =	ssyncset.done $0x0  }
0xa7: {  	s25 =	simm.s32 $0x1B8E;
	[sflag:s24] =	ssyncadd.s32 $0xFFFFFFFF  }
0xa8: {  	s26 =	simm.s32 $execute0_lowered;
	[smem:$0x3FD2] =	sst s25  }
0xa9: {  	s7 =	sshll.u32 s26, $0x1;
	_ =	strace $0x80000046;
	[dreg:$0x1] =	wrdreg $0xFFFFFFFF  }
0xaa: {  	s28 =	simm.s32 $_size_execute0_lowered;
	s6 =	sadd.s32 s6, s7;
	[dreg:$0x0] =	wrdreg $0x0  }
0xab: {  	s7 =	sshll.u32 s28, $0x1;
	[dreg:$0x2] =	wrdreg s6  }
0xac: {  	[dreg:$0x3] =	wrdreg s7  }
0xad: {  	[dreg:$0x4] =	wrdreg $0xC0  }
0xae: {  	_ =	task [dreg:s10], $0x5FFFF  }
0xaf: {  	[dreg:$0x1] =	wrdreg $0xFFFFFFFF  }
0xb0: {  	[dreg:$0x0] =	wrdreg $0x60  }
0xb1: {  	[dreg:$0x2] =	wrdreg s2  }
0xb2: {  	[dreg:$0x3] =	wrdreg s19  }
0xb3: {  	[dreg:$0x4] =	wrdreg s4  }
0xb4: {  	[dreg:$0x5] =	wrdreg s5  }
0xb5: {  	[dreg:$0x6] =	wrdreg $0x9  }
0xb6: {  	_ =	task.clear_ibuf [dreg:s10], $0x7FFFF;
	_ =	strace $0x90000046  }
0xb7: {  	s29 =	simm.s32 $0x9;
	_ =	strace $0x80000048  }
0xb8: {  	_ =	swait.ge [sflag:s29], $0x1  }
0xb9: {  	[sflag:s29] =	ssyncadd.s32 $0xFFFFFFFF  }
0xba: {  	_ =	strace $0x90000048  }
0xbb: {  	_ =	sfence  }
0xbc: {  	s30 =	sld [smem:$0x0];
	_ =	sdelay $0x2  }
0xbd: {  	s31 =	sshll.u32 s1, $0xD;
	s1 =	sshrl.u32 s1, $0x2  }
0xbe: {  	s3 =	sand.u32 $0x4000, s31;
	s1 =	sadd.s32 s1, s30  }
0xbf: {  	s0 =	sor.u32 s3, s0;
	s1 =	sshll.u32 s1, $0x11  }
0xc0: {  	s0 =	sor.u32 s1, s0  }
0xc1: {  	s0 =	sadd.s32 $0x8F2B, s0  }
0xc2: {  	[sflag:s0] =	ssyncadd.remote.s32 $0x1  }
0xc3: {  	_ =	sfence.sel $0xFFFF  }
0xc4: {  	[dreg:$0x0] =	wrdreg $0xFFFFFFFF;
	(pc) =	sbr.abs _section_cstart, $3  }
0xc5: {  	[dreg:$0x1] =	wrdreg $0xFFFFFFFF  }
0xc6: {  	_ =	task.clear_ibuf [dreg:s10], $0x2FFFF;
	_ =	strace $0x9FFFFFFF  }
0xc7: {  	(tm) =	ssettm $0x7FFFFFFF  }
tec
execute0_lowered:
.L_overlay_start_1:
0x0: {  	(tag) =	ssettag $0x1  }
0x1: {  	v0 =	vimm.s32 $0x65432100  }
0x2: {  	v1 =	vimm.s32 $0xEDCBA987;
	v2 =	vimm.s32 $0xDCBA9876;
	v3 =	vimm.s32 $0x54321000  }
0x3: {  	v4 =	vimm.s32 $0xBA987654;
	v5 =	vimm.s32 $0x32100000;
	vm1 =	vcmask $0x300  }
0x4: {  	vm2 =	vcmask $0xB08;
	v6 =	vimm.s32 $0x7060504;
	v2 =	vunpack.c.l.s4.s8 v2  }
0x5: {  	vm3 =	vcmask $0x3F30;
	v3 =	vunpack.c.l.s4.s8 v3;
	v4 =	vunpack.c.l.s4.s8 v4  }
0x6: {  	v0 =	vunpack.c.l.s4.s8 v0;
	v5 =	vunpack.c.l.s4.s8 v5;
	v2 =	vunpack.c.0.s8.s32 v2  }
0x7: {  	v1 =	vunpack.c.l.s4.s8 v1;
	v3 =	vunpack.c.0.s8.s32 v3;
	v4 =	vunpack.c.0.s8.s32 v4  }
0x8: {  	v6 =	vunpack.c.0.s8.s32 v6;
	v5 =	vunpack.c.0.s8.s32 v5;
	v2 =	vand.u32 $0xF, v2  }
0x9: {  	v2 =	vcombine.low v3, v2;
	v3 =	vand.u32 $0xF, v4;
	v4 =	vimm.s32 $0x7DC  }
0xa: {  	v0 =	vunpack.c.0.s8.s32 v0;
	v4 =	vsel vm1, $0x7D3, v4;
	vm1 =	vcmask $0x704  }
0xb: {  	v3 =	vcombine.low v5, v3;
	v5 =	vimm.s32 $0xE40000;
	v4 =	vsel vm1, $0x7D2, v4  }
0xc: {  	v5 =	vunpack.c.l.s2.s4 v5;
	v4 =	vsel vm2, $0x7D1, v4;
	vm2 =	vcmask $0xF0C  }
0xd: {  	v1 =	vunpack.c.0.s8.s32 v1;
	v4 =	vsel vm2, $0x7D0, v4;
	vm2 =	vcmask $0x1310  }
0xe: {  	v5 =	vunpack.c.l.s4.s8 v5;
	v4 =	vsel vm2, $0x7D7, v4;
	vm2 =	vcmask $0x1714  }
0xf: {  	v1 =	vand.u32 $0xF, v1;
	v4 =	vsel vm2, $0x7D6, v4;
	vm2 =	vcmask $0x1B18  }
0x10: {  	v5 =	vunpack.c.0.s8.s32 v5;
	v4 =	vsel vm2, $0x7D5, v4;
	vm2 =	vcmask $0x1F1C  }
0x11: {  	v0 =	vcombine.low v0, v1;
	v4 =	vsel vm2, $0x7D4, v4;
	vm2 =	vcmask $0x2320  }
0x12: {  	s0 =	rddreg [dreg:$0x0];
	s6 =	simm.s32 $0x0;
	v5 =	vand.u32 $0x3, v5;
	v7 =	vsel vm2, $0x7DB, v4;
	vm2 =	vcmask $0x2724  }
0x13: {  	[smem:$0x7FF] =	sst s6;
	v4 =	vsel vm3, v6, v5;
	vm3 =	vcmask $0x2B28;
	v5 =	vsel vm2, $0x7DA, v7  }
0x14: {  	s4 =	rddreg [dreg:$0x3];
	_ =	strace $0x80000047;
	[tilespmem:$0x1FFA0] =	vst v0;
	v6 =	vsel vm3, $0x7D9, v5;
	vm3 =	vcmask $0x2F2C  }
0x15: {  	v1 =	vlaneseq.u32;
	[tilespmem:$0x1FFB0] =	vst v2;
	v6 =	vsel vm3, $0x7D8, v6;
	vm3 =	vcmask $0x3330  }
0x16: {  	s1 =	srdreg.scid;
	v10 =	vmul.u32 $0x80, v1;
	[tilespmem:$0x1FFC0] =	vst v3;
	v6 =	vsel vm3, $0x7DF, v6;
	vm3 =	vcmask $0x3734  }
0x17: {  	s3 =	stileid.u32;
	s12 =	simm.s32 $0x1000;
	s13 =	simm.s32 $0x5;
	v7 =	vadd.s32 $0xFFFFFFFE, v1;
	[tilespmem:$0x1FFD0] =	vst v4;
	v6 =	vsel vm3, $0x7DE, v6;
	vm3 =	vcmask $0x3B38  }
0x18: {  	s15 =	simm.s32 $0x1800;
	s16 =	simm.s32 $0x2800;
	s17 =	simm.s32 $0xA800;
	[tilespmem:$0x1FFE0] =	vst v7;
	v8 =	vsel vm3, $0x7DD, v6;
	v6 =	vor.u32 $0x7F, v10  }
0x19: {  	s18 =	simm.s32 $0x1;
	s19 =	simm.s32 $0x12800;
	s20 =	simm.s32 $0x12880;
	v12 =	vmul.u32 $0x40, v1;
	[tilespmem:$0x1FF20] =	vst v6  }
0x1a: {  	s21 =	simm.s32 $0x12900;
	s22 =	simm.s32 $0x12980;
	s23 =	simm.s32 $0x12A80;
	v6 =	vor.u32 $0x3F, v10;
	[tilespmem:$0x1FFF0] =	vst v8  }
0x1b: {  	s24 =	simm.s32 $0x12C80;
	s25 =	simm.s32 $0x800;
	s1 =	sand.u32 $0x1, s1;
	v16 =	vmul.u32 $0x20, v1;
	[tilespmem:$0x1FF30] =	vst v6;
	v6 =	vor.u32 $0x1F, v12  }
0x1c: {  	s3 =	sshll.u32 s3, $0x13;
	s2 =	ssub.s32 $0x2, s1;
	s1 =	sshll.u32 s1, $0x12;
	[tilespmem:$0x1FF40] =	vst v6;
	v6 =	vor.u32 $0x41F, v12  }
0x1d: {  	s28 =	simm.s32 $0x3;
	s29 =	simm.s32 $0x4;
	s7 =	sor.u32 s1, s3;
	[tilespmem:$0x1FF50] =	vst v6;
	v6 =	vor.u32 $0xF, v16  }
0x1e: {  	vm0 =	vmmov $0x3;
	v22 =	vimm.s32 $0x0;
	s30 =	simm.s32 $0xE800;
	s5 =	sshrl.u32 s2, $0x1;
	s31 =	sshrl.u32 s7, $0x3;
	[tilespmem:$0x1FF60] =	vst v6;
	v6 =	vor.u32 $0x20F, v16  }
0x1f: {  	s3 =	simm.s32 $0x0;
	s26 =	ssub.s32 s2, s5;
	s2 =	sadd.s32 s0, s31;
	v17 =	vmul.u32 $0x10, v1;
	v18 =	vmul.u32 $0x8, v1;
	[tilespmem:$0x1FF70] =	vst v6;
	v6 =	vor.u32 $0x40F, v16  }
0x20: {  	s9 =	sor.u32 $0x4000, s7;
	s1 =	smax.u32 s26, $0x1;
	[dreg:$0x5] =	wrdreg s2;
	v19 =	vmul.u32 $0x4, v1;
	v20 =	vmul.u32 $0x2, v1;
	[tilespmem:$0x1FF80] =	vst v6;
	v6 =	vor.u32 $0x60F, v16  }
0x21: {  	s10 =	sor.u32 $0x8000, s7;
	s26 =	simm.s32 $0x6800;
	[dreg:$0x6] =	wrdreg s1;
	vm1 =	vmmov $0xf;
	vm2 =	vmmov $0xff;
	v5 =	vimm.s32 $0xF;
	[tilespmem:$0x1FF90] =	vst v6  }
.LBB2_1:
0x22: {  	s1 =	rddreg [dreg:$0x1]  }
0x23: {  	[tilespmem:s12], [sflag:$0x5] =	stream.linear.gather [hbm4b:s1+s6], $0x800, $0x38;
	[tilespmem:$0x13080] =	vst v63  }
0x24: {  	_ =	swait.ge [sflag:s13], $0x800  }
0x25: {  	[sflag:s13] =	ssyncset.done $0x0  }
0x26: {  	[sflag:s13] =	ssyncadd.s32 $0xFFFFF800  }
0x27: {  	s2 =	simm.s32 $0x2000;
	s31 =	rddreg [dreg:$0x2]  }
0x28: {  	[tilespmem:s2], [sflag:$0x5] =	stream.linear.gather [hbm4b:s31+s6], $0x800, $0x38;
	[tilespmem:$0x13080] =	vst v63  }
0x29: {  	_ =	swait.ge [sflag:s13], $0x800  }
0x2a: {  	[sflag:s13] =	ssyncset.done $0x0  }
0x2b: {  	s2 =	simm.s32 $0x0;
	[sflag:s13] =	ssyncadd.s32 $0xFFFFF800  }
0x2c: {  	v6 =	vld [tilespmem:s2+$0x2000];
	_ =	sdelay $0x4  }
0x2d: {  	s1 =	simm.s32 $0x10;
	v23 =	vperm.xlane v6, v0  }
0x2e: {  	vm3 =	veq.s32 v1, $0x0;
	v24 =	vld [tilespmem:s1+$0x2000]  }
0x2f: {  	v23 =	vsel vm3, $0x0, v23  }
0x30: {  	v23 =	vadd.f32 v23, v6;
	_ =	sdelay $0x1  }
0x31: {  	s5 =	simm.s32 $0x20;
	v25 =	vperm.xlane v23, v2  }
0x32: {  	v27 =	vld [tilespmem:s5+$0x2000];
	v26 =	vperm.xlane v24, v0  }
0x33: {  	v25 =	vsel vm0, $0x0, v25  }
0x34: {  	v26 =	vsel vm3, $0x0, v26;
	v23 =	vadd.f32 v25, v23  }
0x35: {  	v25 =	vadd.f32 v26, v24  }
0x36: {  	v26 =	vperm.xlane v23, v3  }
0x37: {  	s8 =	simm.s32 $0x30;
	v29 =	vperm.xlane v27, v0;
	v28 =	vperm.xlane v25, v2  }
0x38: {  	v30 =	vld [tilespmem:s8+$0x2000];
	v26 =	vsel vm1, $0x0, v26  }
0x39: {  	v29 =	vsel vm3, $0x0, v29;
	v28 =	vsel vm0, $0x0, v28;
	v26 =	vadd.f32 v26, v23  }
0x3a: {  	v25 =	vadd.f32 v28, v25;
	v23 =	vmul.f32 $-5.000000000e-01, v6;
	v28 =	vadd.f32 v29, v27  }
0x3b: {  	v6 =	vmul.f32 $-5.000000000e-01, v27;
	v29 =	vperm.xlane v26, v4  }
0x3c: {  	v31 =	vperm.xlane v25, v3;
	v27 =	vperm.xlane v28, v2  }
0x3d: {  	v33 =	vperm.xlane v30, v0;
	v29 =	vsel vm2, $0x0, v29  }
0x3e: {  	s11 =	simm.s32 $0x40;
	v31 =	vsel vm1, $0x0, v31;
	v29 =	vadd.f32 v29, v26;
	v26 =	vsel vm0, $0x0, v27  }
0x3f: {  	v32 =	vimm.f32 $0.0e+00;
	v27 =	vadd.f32 v31, v25;
	v28 =	vadd.f32 v26, v28;
	v26 =	vld [tilespmem:s11+$0x2000]  }
0x40: {  	v24 =	vmul.f32 $-5.000000000e-01, v24;
	v31 =	vsel vm3, $0x0, v33;
	v29 =	vadd.f32 v29, v32  }
0x41: {  	s14 =	simm.s32 $0x140;
	v25 =	vmul.f32 $-5.000000000e-01, v30;
	v30 =	vadd.f32 v31, v30;
	v31 =	vperm.xlane v27, v4  }
.LBB2_2:
0x42: {  	p0 =	sne.s32 s14, $0x1F00;
	v32 =	vperm.xlane v28, v3;
	v9 =	vadd.f32 v23, v29;
	v29 =	vperm.xlane v29, v5;
	v23 =	vmovc v24;
	s31 =	smov.u32 s14;
	s14 =	sadd.s32 $0x40, s14  }
.Ltmp0:
0x43: {  	v24 =	vmovc v6;
	v6 =	vmov v25;
	v34 =	vperm.xlane v30, v2;
	v31 =	vsel vm2, $0x0, v31;
	(pc) =	sbr.rel @p0 .LBB2_2-.Ltmp0, $4  }
0x44: {  	s31 =	sshra.s32 s31, $0x2;
	v35 =	vperm.xlane v26, v0;
	v32 =	vsel vm1, $0x0, v32;
	v31 =	vadd.f32 v31, v27;
	[tilespmem:s2+$0x1800] =	vst v9;
	v33 =	vmovc v26;
	s2 =	smov.u32 s1;
	s1 =	smov.u32 s5  }
0x45: {  	s5 =	smov.u32 s8;
	s8 =	smov.u32 s11;
	s11 =	smov.u32 s31;
	v26 =	vld [tilespmem:s31+$0x2000];
	v25 =	vmul.f32 $-5.000000000e-01, v33;
	v34 =	vsel vm0, $0x0, v34;
	v27 =	vadd.f32 v32, v28  }
0x46: {  	v32 =	vsel vm3, $0x0, v35;
	v28 =	vadd.f32 v34, v30;
	v29 =	vadd.f32 v31, v29  }
0x47: {  	v30 =	vadd.f32 v32, v33;
	v31 =	vperm.xlane v27, v4  }
0x48: {  	_ =	sdelay $0x1  }
0x49: {  	v32 =	vperm.xlane v26, v0  }
0x4a: {  	vm3 =	veq.s32 v1, $0x0;
	v33 =	vperm.xlane v30, v2  }
0x4b: {  	v34 =	vperm.xlane v28, v3;
	v32 =	vsel vm3, $0x0, v32  }
0x4c: {  	v33 =	vsel vm0, $0x0, v33;
	v32 =	vadd.f32 v32, v26  }
0x4d: {  	v34 =	vsel vm1, $0x0, v34;
	v51 =	vadd.f32 v33, v30  }
0x4e: {  	v31 =	vsel vm2, $0x0, v31;
	v28 =	vadd.f32 v34, v28;
	v52 =	vperm.xlane v32, v2  }
0x4f: {  	v53 =	vperm.xlane v29, v5;
	v27 =	vadd.f32 v31, v27;
	v54 =	vperm.xlane v51, v3  }
0x50: {  	v35 =	vperm.xlane v28, v4;
	v33 =	vsel vm0, $0x0, v52  }
0x51: {  	v27 =	vadd.f32 v27, v53;
	v31 =	vsel vm1, $0x0, v54;
	v32 =	vadd.f32 v33, v32  }
0x52: {  	v55 =	vsel vm2, $0x0, v35;
	v30 =	vadd.f32 v31, v51  }
0x53: {  	v56 =	vperm.xlane v27, v5;
	v28 =	vadd.f32 v55, v28;
	v57 =	vperm.xlane v32, v3  }
0x54: {  	v58 =	vperm.xlane v30, v4  }
0x55: {  	v28 =	vadd.f32 v28, v56;
	v59 =	vsel vm1, $0x0, v57  }
0x56: {  	v60 =	vsel vm2, $0x0, v58;
	v31 =	vadd.f32 v59, v32  }
0x57: {  	v61 =	vperm.xlane v28, v5;
	v30 =	vadd.f32 v60, v30  }
0x58: {  	v62 =	vperm.xlane v31, v4  }
0x59: {  	v30 =	vadd.f32 v30, v61  }
0x5a: {  	v63 =	vsel vm2, $0x0, v62  }
0x5b: {  	v23 =	vadd.f32 v23, v29;
	v29 =	vperm.xlane v30, v5;
	v31 =	vadd.f32 v63, v31  }
0x5c: {  	v24 =	vadd.f32 v24, v27  }
0x5d: {  	[tilespmem:s2+$0x1800] =	vst v23;
	v23 =	vmul.f32 $-5.000000000e-01, v26;
	s2 =	simm.s32 $0x0;
	v6 =	vadd.f32 v6, v28;
	v26 =	vadd.f32 v31, v29  }
0x5e: {  	v0 =	vimm.s32 $0x7CF;
	[tilespmem:s1+$0x1800] =	vst v24;
	v24 =	vadd.f32 v25, v30;
	v25 =	vadd.s32 s2, v7  }
0x5f: {  	[tilespmem:s5+$0x1800] =	vst v6;
	vm3 =	vgt.s32 v25, $0x0;
	v6 =	vadd.f32 v23, v26  }
0x60: {  	[tilespmem:s8+$0x1800] =	vst v24;
	v23 =	vnsel vm3, $0x0, v25  }
0x61: {  	v25 =	vmin.u32 v23, $0x7CF;
	[tilespmem:s11+$0x1800] =	vst v6  }
0x62: {  	v6 =	vld.msk [tilespmem:s12+$0x0], $0xffff  }
0x63: {  	v23 =	vld.idx.msk [tilespmem:v0+s12+$0x0], $0xffff;
	_ =	sdelay $0x2  }
0x64: {  	v27 =	vld.idx.msk [tilespmem:v25+s12+$0x0], $0xffff;
	_ =	sdelay $0x1  }
0x65: {  	v28 =	vadd.f32 $-1.000000000e+00, v6;
	vm3 =	vlt.f32 v23, $0.0e+00;
	v6 =	vadd.s32 $0x1, v23  }
0x66: {  	vm4 =	vgt.f32 v23, $0.0e+00;
	v24 =	vadd.s32 $0xFFFFFFFF, v23;
	v29 =	vnsel vm3, $0x80000000, v6  }
0x67: {  	v6 =	vadd.f32 $1.000000000e+00, v23;
	v24 =	vsel vm4, v24, v29;
	v29 =	vmov s2  }
0x68: {  	v23 =	vmin.f32 v28, v24;
	v27 =	vmin.f32 v27, v24;
	vm3 =	veq.s32 v29, v1  }
0x69: {  	v28 =	vor.u32 s2, v1;
	v27 =	vsel vm3, v23, v27;
	vm3 =	veq.s32 v29, v8  }
0x6a: {  	v27 =	vsel vm3, v6, v27;
	vm3 =	vgt.u32 v28, $0x7D3  }
0x6b: {  	v27 =	vsel vm3, $0x7F800000, v27  }
0x6c: {  	[tilespmem:s2+$0x0] =	vst v27  }
0x6d: {  	s5 =	simm.s32 $0x10;
	v27 =	vld.idx.msk [tilespmem:v25+s15+$0x0], $0xffff  }
0x6e: {  	v29 =	vadd.s32 s5, v7  }
0x6f: {  	vm3 =	vgt.s32 v29, $0x0  }
0x70: {  	v25 =	vperm.xlane v26, v5;
	v26 =	vnsel vm3, $0x0, v29  }
0x71: {  	vm15 =	vlt.u32 v28, $0x2;
	v26 =	vmin.u32 v26, $0x7CF  }
0x72: {  	vm3 =	vgt.u32 v28, $0x7D1;
	v27 =	vsel vm15, $0x0, v27  }
0x73: {  	s1 =	simm.s32 $0x800;
	s8 =	simm.s32 $0x20;
	v27 =	vsel vm3, v25, v27  }
.LBB2_4:
0x74: {  	s2 =	sadd.s32 $0x10, s2  }
0x75: {  	[tilespmem:s1+$0x0] =	vst v27;
	s1 =	sadd.s32 $0x10, s1;
	s11 =	smov.u32 s8;
	s14 =	sadd.s32 $0x10, s8  }
0x76: {  	p0 =	sne.s32 s8, $0x7F0;
	v27 =	vld.idx.msk [tilespmem:v26+s12+$0x0], $0xffff;
	_ =	sdelay $0x4  }
0x77: {  	v28 =	vmov s5  }
0x78: {  	vm3 =	veq.s32 v28, v1;
	v27 =	vmin.f32 v27, v24  }
0x79: {  	v29 =	vor.u32 s5, v1;
	s5 =	smov.u32 s11;
	v27 =	vsel vm3, v23, v27;
	vm3 =	veq.s32 v28, v8  }
0x7a: {  	v27 =	vsel vm3, v6, v27;
	vm3 =	vgt.u32 v29, $0x7D3  }
0x7b: {  	v27 =	vsel vm3, $0x7F800000, v27  }
0x7c: {  	[tilespmem:s2+$0x0] =	vst v27  }
0x7d: {  	v27 =	vld.idx.msk [tilespmem:v26+s15+$0x0], $0xffff  }
0x7e: {  	v26 =	vadd.s32 s5, v7  }
0x7f: {  	vm3 =	vgt.s32 v26, $0x0  }
.Ltmp1:
0x80: {  	v26 =	vnsel vm3, $0x0, v26;
	(pc) =	sbr.rel @p0 .LBB2_4-.Ltmp1, $4  }
0x81: {  	v26 =	vmin.u32 v26, $0x7CF  }
0x82: {  	vm3 =	vlt.u32 v29, $0x2  }
0x83: {  	v27 =	vsel vm3, $0x0, v27;
	vm3 =	vgt.u32 v29, $0x7D1  }
0x84: {  	s8 =	smov.u32 s14;
	v27 =	vsel vm3, v25, v27  }
0x85: {  	_ =	sdelay $0x2  }
0x86: {  	[tilespmem:s1+$0x0] =	vst v27  }
0x87: {  	v27 =	vld.idx.msk [tilespmem:v26+s12+$0x0], $0xffff;
	_ =	sdelay $0x3  }
0x88: {  	v28 =	vmov s5  }
0x89: {  	vm3 =	veq.s32 v28, v1;
	v24 =	vmin.f32 v27, v24  }
0x8a: {  	v27 =	vor.u32 s5, v1;
	v23 =	vsel vm3, v23, v24;
	vm3 =	veq.s32 v28, v8  }
0x8b: {  	v6 =	vsel vm3, v6, v23;
	vm3 =	vgt.u32 v27, $0x7D3  }
0x8c: {  	s2 =	sadd.s32 $0x10, s2;
	v6 =	vsel vm3, $0x7F800000, v6  }
0x8d: {  	v0 =	vld [tilespmem:$0x1FF40];
	[tilespmem:s2+$0x0] =	vst v6  }
0x8e: {  	v6 =	vld.idx.msk [tilespmem:v26+s15+$0x0], $0xffff;
	_ =	sdelay $0x3  }
0x8f: {  	v57 =	vld [tilespmem:$0x1FF20];
	vm3 =	vlt.u32 v27, $0x2  }
0x90: {  	v58 =	vld [tilespmem:$0x1FF30];
	v6 =	vsel vm3, $0x0, v6;
	vm3 =	vgt.u32 v27, $0x7D1  }
0x91: {  	s14 =	sadd.s32 $0x10, s1;
	v59 =	vld [tilespmem:$0x1FF50];
	v6 =	vsel vm3, v25, v6  }
0x92: {  	s1 =	simm.s32 $0x0;
	[tilespmem:s14+$0x0] =	vst v6  }
0x93: {  	v6 =	vld.idx.msk [tilespmem:v0+s1+$0x0], $0xffff;
	_ =	sdelay $0x2  }
0x94: {  	v60 =	vld [tilespmem:$0x1FF60]  }
0x95: {  	v23 =	vld.idx.msk [tilespmem:v57+s1+$0x0], $0xffff  }
0x96: {  	v24 =	vld.idx.msk [tilespmem:v58+s1+$0x0], $0xffff;
	[tilespmem:$0x12800] =	vst v6  }
0x97: {  	v6 =	vld.idx.msk [tilespmem:v59+s1+$0x0], $0xffff;
	_ =	sdelay $0x3  }
0x98: {  	v61 =	vld [tilespmem:$0x1FF70]  }
0x99: {  	[tilespmem:$0x12810] =	vst v6  }
0x9a: {  	v6 =	vld.idx.msk [tilespmem:v60+s1+$0x0], $0xffff;
	_ =	sdelay $0x3  }
0x9b: {  	v62 =	vld [tilespmem:$0x1FF80]  }
0x9c: {  	[tilespmem:$0x12880] =	vst v6  }
0x9d: {  	v6 =	vld.idx.msk [tilespmem:v61+s1+$0x0], $0xffff;
	_ =	sdelay $0x3  }
0x9e: {  	v63 =	vld [tilespmem:$0x1FF90]  }
0x9f: {  	[tilespmem:$0x12890] =	vst v6  }
0xa0: {  	v26 =	vld.idx.msk [tilespmem:v62+s1+$0x0], $0xffff;
	_ =	sdelay $0x3  }
0xa1: {  	v6 =	vmov s1  }
0xa2: {  	[tilespmem:$0x128A0] =	vst v26;
	v26 =	vshll.u32 v6, $0x4  }
0xa3: {  	v27 =	vld.idx.msk [tilespmem:v63+s1+$0x0], $0xffff;
	v26 =	vor.u32 v17, v26  }
0xa4: {  	v26 =	vor.u32 $0x7, v26;
	_ =	sdelay $0x3  }
0xa5: {  	s31 =	simm.s32 $0x10;
	[tilespmem:$0x128B0] =	vst v27  }
0xa6: {  	v29 =	vld.idx.msk [tilespmem:v26+s1+$0x0], $0xffff;
	v26 =	vmov s31  }
0xa7: {  	v27 =	vshll.u32 v26, $0x4  }
0xa8: {  	v27 =	vor.u32 v17, v27  }
0xa9: {  	v27 =	vor.u32 $0x7, v27;
	_ =	sdelay $0x2  }
0xaa: {  	s5 =	simm.s32 $0x12900;
	s2 =	simm.s32 $0x20  }
0xab: {  	s8 =	simm.s32 $0x30;
	v28 =	vmov s2;
	[tilespmem:s5+$0x0] =	vst v29  }
.LBB2_6:
0xac: {  	p0 =	sne.s32 s8, $0x70;
	v28 =	vshll.u32 v28, $0x4;
	v29 =	vld.idx.msk [tilespmem:v27+s1+$0x0], $0xffff  }
0xad: {  	v27 =	vor.u32 v17, v28  }
.Ltmp2:
0xae: {  	v27 =	vor.u32 $0x7, v27;
	(pc) =	sbr.rel @p0 .LBB2_6-.Ltmp2, $3  }
0xaf: {  	_ =	sdelay $0x1  }
0xb0: {  	s5 =	sadd.s32 $0x10, s5  }
0xb1: {  	v28 =	vmov s8;
	s8 =	sadd.s32 $0x10, s8;
	[tilespmem:s5+$0x0] =	vst v29  }
0xb2: {  	_ =	sdelay $0x2  }
0xb3: {  	v28 =	vshll.u32 v28, $0x4  }
0xb4: {  	v27 =	vld.idx.msk [tilespmem:v27+s1+$0x0], $0xffff;
	v28 =	vor.u32 v17, v28  }
0xb5: {  	v28 =	vor.u32 $0x7, v28;
	_ =	sdelay $0x2  }
0xb6: {  	s5 =	sadd.s32 $0x10, s5  }
0xb7: {  	v6 =	vshll.u32 v6, $0x3;
	[tilespmem:s5+$0x0] =	vst v27  }
0xb8: {  	v6 =	vor.u32 v18, v6;
	v27 =	vld.idx.msk [tilespmem:v28+s1+$0x0], $0xffff  }
0xb9: {  	v6 =	vor.u32 $0x3, v6;
	_ =	sdelay $0x2  }
0xba: {  	s31 =	sadd.s32 $0x10, s5  }
0xbb: {  	s1 =	simm.s32 $0x0;
	[tilespmem:s31+$0x0] =	vst v27  }
0xbc: {  	v27 =	vld.idx.msk [tilespmem:v6+s1+$0x0], $0xffff;
	v6 =	vshll.u32 v26, $0x3  }
0xbd: {  	v6 =	vor.u32 v18, v6  }
0xbe: {  	v6 =	vor.u32 $0x3, v6;
	_ =	sdelay $0x2  }
0xbf: {  	s5 =	simm.s32 $0x12980  }
0xc0: {  	v26 =	vmov s2;
	s2 =	simm.s32 $0x30;
	[tilespmem:s5+$0x0] =	vst v27  }
.LBB2_8:
0xc1: {  	p0 =	sne.s32 s2, $0xF0;
	v26 =	vshll.u32 v26, $0x3;
	v27 =	vld.idx.msk [tilespmem:v6+s1+$0x0], $0xffff  }
0xc2: {  	v6 =	vor.u32 v18, v26  }
.Ltmp3:
0xc3: {  	v6 =	vor.u32 $0x3, v6;
	(pc) =	sbr.rel @p0 .LBB2_8-.Ltmp3, $3  }
0xc4: {  	_ =	sdelay $0x1  }
0xc5: {  	s5 =	sadd.s32 $0x10, s5  }
0xc6: {  	v26 =	vmov s2;
	s2 =	sadd.s32 $0x10, s2;
	[tilespmem:s5+$0x0] =	vst v27  }
0xc7: {  	_ =	sdelay $0x2  }
0xc8: {  	v26 =	vshll.u32 v26, $0x3  }
0xc9: {  	v6 =	vld.idx.msk [tilespmem:v6+s1+$0x0], $0xffff;
	v26 =	vor.u32 v18, v26  }
0xca: {  	v26 =	vor.u32 $0x3, v26;
	_ =	sdelay $0x2  }
0xcb: {  	s31 =	sadd.s32 $0x10, s5  }
0xcc: {  	s2 =	simm.s32 $0x0;
	[tilespmem:s31+$0x0] =	vst v6  }
0xcd: {  	p3 =	por $0x1, $0x1;
	v26 =	vld.idx.msk [tilespmem:v26+s2+$0x0], $0xffff  }
.Ltmp4:
0xce: {  	_ = 	snop;
	(pc) =	sbr.rel @!p3 .LBB2_15-.Ltmp4, $4  }
0xcf: {  	_ = 	snop  }
0xd0: {  	s5 =	simm.s32 $0x12A80  }
0xd1: {  	s1 =	simm.s32 $0x10;
	p1 =	por $0x0, $0x0;
	s8 =	sadd.s32 $0x10, s31;
	v6 =	vmov s2  }
0xd2: {  	p0 =	por $0x0, $0x0;
	p2 =	por $0x0, $0x0;
	v27 =	vmov v6;
	[tilespmem:s8+$0x0] =	vst v26;
	s8 =	simm.s32 $0x12A80  }
0xd3: {  	p2 =	por $0x1, $0x1  }
.Ltmp5:
0xd4: {  	_ = 	snop;
	(pc) =	sbr.rel @!p2 .LBB2_11-.Ltmp5, $4  }
0xd5: {  	_ = 	snop  }
0xd6: {  	v26 =	vshll.u32 v6, $0x2  }
0xd7: {  	v26 =	vor.u32 v19, v26  }
0xd8: {  	v27 =	vmov s1;
	s8 =	simm.s32 $0x20;
	p1 =	por $0x1, $0x1;
	v26 =	vor.u32 $0x1, v26  }
0xd9: {  	_ =	sdelay $0x3  }
0xda: {  	v28 =	vld.idx.msk [tilespmem:v26+s2+$0x0], $0xffff;
	v26 =	vshll.u32 v27, $0x2  }
0xdb: {  	p3 =	por $0x1, $0x1;
	v26 =	vor.u32 v19, v26  }
.Ltmp6:
0xdc: {  	v26 =	vor.u32 $0x1, v26;
	(pc) =	sbr.rel @!p3 .LBB2_13-.Ltmp6, $2  }
0xdd: {  	_ =	sdelay $0x2  }
0xde: {  	v27 =	vmov s8;
	s11 =	simm.s32 $0x30;
	p2 =	por $0x1, $0x1;
	s8 =	simm.s32 $0x12A80;
	[tilespmem:s5+$0x0] =	vst v28  }
.LBB2_14:
0xdf: {  	p3 =	sne.s32 s11, $0x1F0;
	v27 =	vshll.u32 v27, $0x2;
	v28 =	vld.idx.msk [tilespmem:v26+s2+$0x0], $0xffff  }
0xe0: {  	v26 =	vor.u32 v19, v27  }
.Ltmp7:
0xe1: {  	v26 =	vor.u32 $0x1, v26;
	(pc) =	sbr.rel @p3 .LBB2_14-.Ltmp7, $3  }
0xe2: {  	_ =	sdelay $0x1  }
0xe3: {  	s8 =	sadd.s32 $0x10, s8  }
0xe4: {  	v27 =	vmov s11;
	s11 =	sadd.s32 $0x10, s11;
	[tilespmem:s8+$0x0] =	vst v28  }
.LBB2_15:
0xe5: {  	_ =	sdelay $0x2  }
0xe6: {  	v27 =	vshll.u32 v27, $0x2  }
0xe7: {  	v26 =	vld.idx.msk @p1 [tilespmem:v26+s2+$0x0], $0xffff;
	v27 =	vor.u32 v19, v27  }
0xe8: {  	v27 =	vor.u32 $0x1, v27;
	_ =	sdelay $0x1  }
0xe9: {  	s8 =	sadd.s32 @p2 $0x10, s8;
	s11 =	simm.s32 $0x12A80  }
0xea: {  	s11 =	smov.u32 @p2 s8  }
0xeb: {  	[tilespmem:s11+$0x0] =	vst @p1 v26  }
0xec: {  	v26 =	vld.idx.msk [tilespmem:v27+s2+$0x0], $0xffff;
	s2 =	sadd.s32 @p1 $0x10, s11  }
0xed: {  	s5 =	smov.u32 @p1 s2;
	p1 =	por $0x1, $0x1  }
.Ltmp8:
0xee: {  	_ = 	snop;
	(pc) =	sbr.rel @!p1 .LBB2_16-.Ltmp8, $2  }
0xef: {  	_ =	sdelay $0x2  }
0xf0: {  	s2 =	simm.s32 $0x12C80;
	[tilespmem:s5+$0x0] =	vst v26  }
0xf1: {  	v6 =	vshll.u32 v6, $0x1  }
0xf2: {  	p2 =	por $0x1, $0x1;
	v26 =	vor.u32 v20, v6  }
.Ltmp9:
0xf3: {  	_ = 	snop;
	(pc) =	sbr.rel @!p2 .LBB2_18-.Ltmp9, $2  }
0xf4: {  	_ =	sdelay $0x2  }
0xf5: {  	p1 =	por $0x1, $0x1;
	v6 =	vmov s1;
	s1 =	simm.s32 $0x20;
	v26 =	vld.idx.msk [tilespmem:v26+s6+$0x0], $0xffff  }
0xf6: {  	v6 =	vshll.u32 v6, $0x1  }
0xf7: {  	p2 =	por $0x1, $0x1;
	v27 =	vor.u32 v20, v6  }
.Ltmp10:
0xf8: {  	_ = 	snop;
	(pc) =	sbr.rel @!p2 .LBB2_20-.Ltmp10, $3  }
0xf9: {  	_ =	sdelay $0x1  }
0xfa: {  	[tilespmem:s2+$0x0] =	vst v26  }
0xfb: {  	s5 =	simm.s32 $0x30;
	p0 =	por $0x1, $0x1;
	v6 =	vmov s1;
	s1 =	simm.s32 $0x12C80;
	v26 =	vld.idx.msk [tilespmem:v27+s6+$0x0], $0xffff  }
.LBB2_21:
0xfc: {  	p2 =	sne.s32 s5, $0x3F0;
	v6 =	vshll.u32 v6, $0x1  }
0xfd: {  	v27 =	vor.u32 v20, v6  }
.Ltmp11:
0xfe: {  	(pc) =	sbr.rel @p2 .LBB2_21-.Ltmp11, $4  }
0xff: {  	_ = 	snop  }
0x100: {  	s1 =	sadd.s32 $0x10, s1  }
0x101: {  	[tilespmem:s1+$0x0] =	vst v26  }
0x102: {  	v6 =	vmov s5;
	s5 =	sadd.s32 $0x10, s5;
	v26 =	vld.idx.msk [tilespmem:v27+s6+$0x0], $0xffff  }
.LBB2_22:
0x103: {  	v6 =	vshll.u32 v6, $0x1  }
0x104: {  	v6 =	vor.u32 v20, v6;
	_ =	sdelay $0x1  }
0x105: {  	s1 =	sadd.s32 @p0 $0x10, s1;
	s5 =	simm.s32 $0x12C80;
	(erf) = vrcp.f32 v25  }
0x106: {  	s5 =	smov.u32 @p0 s1  }
0x107: {  	[tilespmem:s5+$0x0] =	vst @p1 v26  }
0x108: {  	v6 =	vld.idx.msk [tilespmem:v6+s6+$0x0], $0xffff;
	_ =	sdelay $0x2  }
0x109: {  	s1 =	sadd.s32 @p1 $0x10, s5  }
0x10a: {  	s2 =	smov.u32 @p1 s1  }
0x10b: {  	s31 =	rddreg [dreg:$0x5];
	v0 =	vimm.s32 $0x7;
	s5 =	simm.s32 $0x0;
	[tilespmem:s2+$0x0] =	vst v6  }
0x10c: {  	v26 =	vperm.xlane v23, v0;
	v25 =	vpop (erf);
	[tilespmem:s16], [sflag:$0x1] =	stream.linear.gather [hbm4b:s31+s5], $0x4000, $0x38;
	[tilespmem:$0x13080] =	vst v63  }
.LBB2_23:
0x10d: {  	s2 =	sshll.u32 s5, $0xF  }
0x10e: {  	s1 =	sadd.s32 s9, s2  }
0x10f: {  	s1 =	sshrl.u32 s1, $0x3  }
0x110: {  	s8 =	sadd.s32 s0, s1  }
0x111: {  	[tilespmem:s17], [sflag:$0x3] =	stream.linear.gather [hbm4b:s8+s6], $0x4000, $0x38;
	[tilespmem:$0x13080] =	vst v63  }
0x112: {  	_ =	swait.ge [sflag:s18], $0x4000  }
0x113: {  	p0 =	seq.s32 s5, $0x0;
	[sflag:s18] =	ssyncset.done $0x0  }
0x114: {  	s8 =	simm.s32 @!p0 $0x2;
	[sflag:s18] =	ssyncadd.s32 $0xFFFFC000  }
0x115: {  	_ =	swait.ge @!p0 [sflag:s8], $0x4000  }
0x116: {  	s11 =	simm.s32 $0x6900;
	s31 =	simm.s32 $0x2900;
	[sflag:s8] =	ssyncset.done @!p0 $0x0  }
0x117: {  	s14 =	sor.u32 s7, s2;
	[sflag:s8] =	ssyncadd.s32 @!p0 $0xFFFFC000;
	s8 =	simm.s32 $0xFFFFFFE0  }
.LBB2_24:
0x118: {  	v33 =	vld [tilespmem:s31+$0xFFFFFF00];
	_ =	sdelay $0x1  }
0x119: {  	v28 =	vld [tilespmem:s31+$0xFFFFFF10];
	_ =	sdelay $0x2  }
0x11a: {  	vm3 =	vlt.f32 v26, v33  }
0x11b: {  	v6 =	vsel vm3, $0x8, v22  }
0x11c: {  	vm3 =	vlt.f32 v26, v28;
	v27 =	vor.u32 $0x3, v6  }
0x11d: {  	v29 =	vsel vm3, $0x8, v22;
	v27 =	vperm.xlane v23, v27  }
0x11e: {  	v30 =	vor.u32 $0x3, v29  }
0x11f: {  	v30 =	vperm.xlane v23, v30;
	vm3 =	vlt.f32 v27, v33;
	v27 =	vor.u32 $0x4, v6  }
0x120: {  	v6 =	vsel vm3, v27, v6  }
0x121: {  	v44 =	vor.u32 $0x4, v29;
	vm3 =	vlt.f32 v30, v28;
	v27 =	vor.u32 $0x1, v6  }
0x122: {  	v29 =	vsel vm3, v44, v29;
	v27 =	vperm.xlane v23, v27  }
0x123: {  	v30 =	vor.u32 $0x1, v29  }
0x124: {  	v30 =	vperm.xlane v23, v30;
	vm3 =	vlt.f32 v27, v33;
	v27 =	vor.u32 $0x2, v6  }
0x125: {  	v6 =	vsel vm3, v27, v6  }
0x126: {  	v45 =	vor.u32 $0x2, v29;
	vm3 =	vlt.f32 v30, v28;
	v27 =	vperm.xlane v23, v6  }
0x127: {  	v29 =	vsel vm3, v45, v29  }
0x128: {  	vm3 =	vlt.f32 v27, v33;
	v27 =	vperm.xlane v23, v29  }
0x129: {  	v46 =	vsel vm3, $0x1, v22  }
0x12a: {  	v6 =	vor.u32 v46, v6;
	vm3 =	vlt.f32 v27, v28  }
0x12b: {  	v27 =	vperm.xlane v24, v6;
	v47 =	vsel vm3, $0x1, v22  }
0x12c: {  	v29 =	vor.u32 v47, v29  }
0x12d: {  	vm3 =	vlt.f32 v27, v33;
	v27 =	vperm.xlane v24, v29  }
0x12e: {  	v6 =	vshll.u32 v6, $0x7;
	v48 =	vsel vm3, $0x40, v22  }
0x12f: {  	v6 =	vor.u32 v48, v6;
	vm3 =	vlt.f32 v27, v28  }
0x130: {  	v27 =	vshll.u32 v29, $0x7;
	v30 =	vshrl.u32 v6, $0x6;
	v49 =	vsel vm3, $0x40, v22  }
0x131: {  	v29 =	vor.u32 v49, v27;
	v27 =	vld [tilespmem:s31+$0xFFFFFF20]  }
0x132: {  	v31 =	vshrl.u32 v29, $0x6;
	_ =	sdelay $0x2  }
0x133: {  	v30 =	vld.idx.msk [tilespmem:v30+s19+$0x0], $0xffff  }
0x134: {  	vm3 =	vlt.f32 v26, v27  }
0x135: {  	v31 =	vld.idx.msk [tilespmem:v31+s19+$0x0], $0xffff;
	v32 =	vsel vm3, $0x8, v22  }
0x136: {  	v34 =	vor.u32 $0x3, v32  }
0x137: {  	v51 =	vperm.xlane v23, v34  }
0x138: {  	v50 =	vor.u32 $0x20, v6;
	v53 =	vor.u32 $0x20, v29;
	vm3 =	vlt.f32 v30, v33  }
0x139: {  	v54 =	vor.u32 $0x4, v32;
	v6 =	vsel vm3, v50, v6;
	vm4 =	vlt.f32 v51, v27  }
0x13a: {  	v52 =	vshrl.u32 v6, $0x5;
	vm3 =	vlt.f32 v31, v28;
	v30 =	vsel vm4, v54, v32  }
0x13b: {  	v29 =	vsel vm3, v53, v29;
	v32 =	vor.u32 $0x1, v30  }
0x13c: {  	v31 =	vshrl.u32 v29, $0x5;
	v32 =	vperm.xlane v23, v32;
	_ =	sdelay $0x1  }
0x13d: {  	v55 =	vor.u32 $0x2, v30;
	vm3 =	vlt.f32 v32, v27  }
0x13e: {  	v34 =	vld.idx.msk [tilespmem:v52+s20+$0x0], $0xffff;
	v30 =	vsel vm3, v55, v30  }
0x13f: {  	v32 =	vperm.xlane v23, v30  }
0x140: {  	v31 =	vld.idx.msk [tilespmem:v31+s20+$0x0], $0xffff  }
0x141: {  	vm13 =	vlt.f32 v32, v27  }
0x142: {  	v32 =	vsel vm13, $0x1, v22  }
0x143: {  	v56 =	vor.u32 $0x10, v6;
	vm3 =	vlt.f32 v34, v33;
	v30 =	vor.u32 v32, v30  }
0x144: {  	v6 =	vsel vm3, v56, v6;
	v32 =	vperm.xlane v24, v30  }
0x145: {  	v57 =	vor.u32 $0x10, v29;
	v34 =	vshrl.u32 v6, $0x4;
	vm3 =	vlt.f32 v31, v28  }
0x146: {  	v31 =	vsel vm3, v57, v29;
	vm3 =	vlt.f32 v32, v27  }
0x147: {  	v58 =	vshll.u32 v30, $0x7;
	v35 =	vshrl.u32 v31, $0x4;
	v59 =	vsel vm3, $0x40, v22  }
0x148: {  	v30 =	vor.u32 v59, v58  }
0x149: {  	v61 =	vshrl.u32 v30, $0x6  }
0x14a: {  	v60 =	vld.idx.msk [tilespmem:v34+s21+$0x0], $0xffff  }
0x14b: {  	v29 =	vld [tilespmem:s31+$0xFFFFFF30]  }
0x14c: {  	v35 =	vld.idx.msk [tilespmem:v35+s21+$0x0], $0xffff;
	_ =	sdelay $0x1  }
0x14d: {  	v34 =	vld.idx.msk [tilespmem:v61+s19+$0x0], $0xffff  }
0x14e: {  	v62 =	vor.u32 $0x8, v6;
	vm3 =	vlt.f32 v60, v33  }
0x14f: {  	v63 =	vor.u32 $0x8, v31;
	v6 =	vsel vm3, v62, v6;
	vm3 =	vlt.f32 v26, v29  }
0x150: {  	v2 =	vor.u32 $0x20, v30;
	vm14 =	vlt.f32 v35, v28;
	v0 =	vsel vm3, $0x8, v22  }
0x151: {  	v36 =	vshrl.u32 v6, $0x3;
	v31 =	vsel vm14, v63, v31;
	v1 =	vor.u32 $0x3, v0  }
0x152: {  	v37 =	vshrl.u32 v31, $0x3;
	v32 =	vperm.xlane v23, v1;
	vm3 =	vlt.f32 v34, v27  }
0x153: {  	v34 =	vsel vm3, v2, v30  }
0x154: {  	v3 =	vor.u32 $0x4, v0;
	vm3 =	vlt.f32 v32, v29;
	v4 =	vshrl.u32 v34, $0x5  }
0x155: {  	v30 =	vsel vm3, v3, v0  }
0x156: {  	v5 =	vld.idx.msk [tilespmem:v36+s22+$0x0], $0xffff;
	v7 =	vor.u32 $0x1, v30  }
0x157: {  	v37 =	vld.idx.msk [tilespmem:v37+s22+$0x0], $0xffff;
	v36 =	vperm.xlane v23, v7;
	_ =	sdelay $0x1  }
0x158: {  	v8 =	vor.u32 $0x2, v30;
	vm3 =	vlt.f32 v36, v29;
	v32 =	vld.idx.msk [tilespmem:v4+s20+$0x0], $0xffff  }
0x159: {  	v36 =	vsel vm3, v8, v30;
	v30 =	vld [tilespmem:s31+$0xFFFFFF40]  }
0x15a: {  	v9 =	vadd.s32 $0x4, v6;
	vm3 =	vlt.f32 v5, v33;
	v38 =	vperm.xlane v23, v36  }
0x15b: {  	v10 =	vadd.s32 $0x4, v31;
	v6 =	vsel vm3, v9, v6;
	vm3 =	vlt.f32 v37, v28  }
0x15c: {  	v11 =	vshrl.u32 v6, $0x2;
	v31 =	vsel vm3, v10, v31;
	vm3 =	vlt.f32 v38, v29  }
0x15d: {  	v12 =	vor.u32 $0x10, v34;
	v38 =	vsel vm3, $0x1, v22;
	vm3 =	vlt.f32 v32, v27  }
0x15e: {  	v36 =	vor.u32 v38, v36;
	v32 =	vsel vm3, v12, v34;
	vm3 =	vlt.f32 v26, v30  }
0x15f: {  	v35 =	vshrl.u32 v31, $0x2;
	v13 =	vperm.xlane v24, v36;
	v39 =	vsel vm3, $0x8, v22  }
0x160: {  	v14 =	vshrl.u32 v32, $0x4;
	v44 =	vor.u32 $0x3, v39  }
0x161: {  	v37 =	vld.idx.msk [tilespmem:v11+s23+$0x0], $0xffff;
	vm3 =	vlt.f32 v13, v29;
	v34 =	vperm.xlane v23, v44  }
0x162: {  	v36 =	vshll.u32 v36, $0x7;
	v40 =	vsel vm3, $0x40, v22  }
0x163: {  	v45 =	vor.u32 $0x4, v39;
	v36 =	vor.u32 v40, v36;
	vm3 =	vlt.f32 v34, v30  }
0x164: {  	v35 =	vld.idx.msk [tilespmem:v35+s23+$0x0], $0xffff;
	v40 =	vshrl.u32 v36, $0x6;
	v34 =	vsel vm3, v45, v39  }
0x165: {  	v38 =	vld.idx.msk [tilespmem:v14+s21+$0x0], $0xffff;
	v39 =	vor.u32 $0x1, v34  }
0x166: {  	v46 =	vadd.s32 $0x2, v6;
	vm3 =	vlt.f32 v37, v33;
	v47 =	vperm.xlane v23, v39  }
0x167: {  	v52 =	vadd.s32 $0x2, v31;
	v6 =	vsel vm3, v46, v6  }
0x168: {  	v50 =	vor.u32 $0x2, v34;
	v48 =	vshrl.u32 v6, $0x1;
	vm15 =	vlt.f32 v47, v30  }
0x169: {  	v51 =	vor.u32 $0x8, v32;
	vm3 =	vlt.f32 v35, v28;
	v49 =	vld.idx.msk [tilespmem:v40+s19+$0x0], $0xffff;
	v34 =	vsel vm15, v50, v34  }
0x16a: {  	vm8 =	vlt.f32 v38, v27;
	v38 =	vsel vm3, v52, v31;
	v31 =	vld [tilespmem:s31+$0xFFFFFF60];
	v53 =	vperm.xlane v23, v34  }
0x16b: {  	v37 =	vsel vm8, v51, v32  }
0x16c: {  	v54 =	vshrl.u32 v37, $0x3;
	vm3 =	vlt.f32 v53, v30  }
0x16d: {  	v56 =	vor.u32 $0x20, v36;
	v55 =	vshrl.u32 v38, $0x1;
	v39 =	vld.idx.msk [tilespmem:v48+s24+$0x0], $0xffff;
	v57 =	vsel vm3, $0x1, v22  }
0x16e: {  	v32 =	vld [tilespmem:s31+$0xFFFFFF50];
	v62 =	vadd.s32 $0x4, v37;
	vm9 =	vlt.f32 v49, v29;
	v34 =	vor.u32 v57, v34  }
0x16f: {  	vm11 =	vlt.f32 v26, v31;
	v36 =	vsel vm9, v56, v36;
	v41 =	vperm.xlane v24, v34  }
0x170: {  	v34 =	vshll.u32 v34, $0x7;
	v1 =	vsel vm11, $0x8, v22;
	v58 =	vshrl.u32 v36, $0x5  }
0x171: {  	v42 =	vld.idx.msk [tilespmem:v54+s22+$0x0], $0xffff;
	v4 =	vor.u32 $0x3, v1;
	v5 =	vor.u32 $0x10, v36;
	vm10 =	vlt.f32 v41, v30  }
0x172: {  	v59 =	vld.idx.msk [tilespmem:v55+s24+$0x0], $0xffff;
	v10 =	vor.u32 $0x4, v1;
	vm3 =	vlt.f32 v39, v33;
	v41 =	vsel vm10, $0x40, v22  }
0x173: {  	v60 =	vsel vm3, $0x1, v22;
	vm3 =	vlt.f32 v26, v32;
	v34 =	vor.u32 v41, v34  }
0x174: {  	v6 =	vadd.s32 v60, v6;
	v43 =	vsel vm3, $0x8, v22;
	v41 =	vshrl.u32 v34, $0x6  }
0x175: {  	v6 =	vmax.u32 v6, $0x1;
	v44 =	vor.u32 $0x3, v43;
	v2 =	vor.u32 $0x4, v43  }
0x176: {  	v13 =	vor.u32 $0x20, v34;
	vm3 =	vlt.f32 v42, v27;
	v63 =	vperm.xlane v23, v44  }
0x177: {  	v61 =	vld.idx.msk [tilespmem:v58+s20+$0x0], $0xffff;
	v35 =	vmin.u32 v6, $0x7D3;
	v37 =	vsel vm3, v62, v37;
	vm3 =	vlt.f32 v59, v28  }
0x178: {  	v46 =	vadd.s32 $0xFFFFFFFF, v35;
	v0 =	vshrl.u32 v37, $0x2;
	vm12 =	vlt.f32 v63, v32  }
0x179: {  	v45 =	vsel vm3, $0x1, v22;
	v6 =	vsel vm12, v2, v43;
	v3 =	vld.idx.msk [tilespmem:v41+s19+$0x0], $0xffff;
	v41 =	vperm.xlane v23, v4  }
0x17a: {  	v51 =	vadd.s32 $0x2, v37;
	v38 =	vadd.s32 v45, v38;
	v7 =	vor.u32 $0x1, v6  }
0x17b: {  	v11 =	vor.u32 $0x2, v6;
	v8 =	vperm.xlane v23, v7;
	vm3 =	vlt.f32 v41, v31  }
0x17c: {  	v38 =	vmax.u32 v38, $0x1;
	vm13 =	vlt.f32 v61, v29;
	v41 =	vsel vm3, v10, v1  }
0x17d: {  	v43 =	vsel vm13, v5, v36;
	v47 =	vld.idx.msk [tilespmem:v46+s6+$0x0], $0xffff;
	vm14 =	vlt.f32 v8, v32;
	v12 =	vor.u32 $0x1, v41  }
0x17e: {  	v9 =	vshrl.u32 v43, $0x4;
	v39 =	vld.idx.msk [tilespmem:v0+s23+$0x0], $0xffff;
	v6 =	vsel vm14, v11, v6;
	v36 =	vperm.xlane v23, v12  }
0x17f: {  	v59 =	vor.u32 $0x8, v43;
	vm3 =	vlt.f32 v3, v30;
	v14 =	vperm.xlane v23, v6  }
0x180: {  	v56 =	vld.idx.msk [tilespmem:v35+s6+$0x0], $0xffff;
	v48 =	vor.u32 $0x2, v41;
	v34 =	vsel vm3, v13, v34;
	vm15 =	vlt.f32 v36, v31  }
0x181: {  	vm3 =	vlt.f32 v14, v32;
	v53 =	vshrl.u32 v34, $0x5;
	v41 =	vsel vm15, v48, v41  }
0x182: {  	v33 =	vmax.f32 v47, v33;
	v49 =	vsel vm3, $0x1, v22;
	v36 =	vperm.xlane v23, v41  }
0x183: {  	vm3 =	vlt.f32 v39, v27;
	v52 =	vld.idx.msk [tilespmem:v9+s21+$0x0], $0xffff;
	v50 =	vor.u32 v49, v6;
	v6 =	vmin.u32 v38, $0x7D3  }
0x184: {  	v37 =	vsel vm3, v51, v37;
	v54 =	vperm.xlane v24, v50;
	vm3 =	vlt.f32 v36, v31  }
0x185: {  	v33 =	vmin.f32 v56, v33;
	v36 =	vadd.s32 $0xFFFFFFFF, v6;
	v55 =	vsel vm3, $0x1, v22  }
0x186: {  	v57 =	vshrl.u32 v37, $0x1;
	vm3 =	vlt.f32 v54, v32;
	v38 =	vor.u32 v55, v41  }
0x187: {  	v60 =	vld.idx.msk [tilespmem:v46+s25+$0x0], $0xffff;
	v39 =	vshll.u32 v50, $0x7;
	v45 =	vsel vm3, $0x40, v22;
	v58 =	vperm.xlane v24, v38  }
0x188: {  	v63 =	vsub.f32 v33, v47;
	v44 =	vld.idx.msk [tilespmem:v53+s20+$0x0], $0xffff;
	vm3 =	vlt.f32 v52, v29;
	v39 =	vor.u32 v45, v39  }
0x189: {  	v42 =	vsel vm3, v59, v43;
	v14 =	vld.idx.msk [tilespmem:v6+s6+$0x0], $0xffff;
	v48 =	vshrl.u32 v39, $0x6;
	vm3 =	vlt.f32 v58, v31  }
0x18a: {  	v40 =	vsub.f32 v56, v33;
	v38 =	vshll.u32 v38, $0x7;
	v49 =	vld.idx.msk [tilespmem:v36+s6+$0x0], $0xffff;
	v62 =	vsel vm3, $0x40, v22  }
0x18b: {  	v61 =	vshrl.u32 v42, $0x3;
	v41 =	vld.idx.msk [tilespmem:v57+s24+$0x0], $0xffff;
	v46 =	vor.u32 v62, v38  }
0x18c: {  	v1 =	vor.u32 $0x10, v34;
	v3 =	vadd.f32 v40, v63;
	v0 =	vshrl.u32 v46, $0x6  }
0x18d: {  	v33 =	vld [tilespmem:s31+$0xFFFFFF70];
	v7 =	vor.u32 $0x20, v39;
	v9 =	vadd.s32 $0x4, v42;
	vm3 =	vlt.f32 v44, v30  }
0x18e: {  	v50 =	vsel vm3, v1, v34;
	vm3 =	veq.f32 v3, $0.0e+00;
	v38 =	vmul.f32 v63, v60;
	v2 =	vld.idx.msk [tilespmem:v48+s19+$0x0], $0xffff  }
0x18f: {  	v36 =	vld.idx.msk [tilespmem:v36+s25+$0x0], $0xffff;
	v51 =	vshrl.u32 v50, $0x4;
	v13 =	vor.u32 $0x20, v46;
	v28 =	vmax.f32 v49, v28  }
0x190: {  	v45 =	vld.idx.msk [tilespmem:v61+s22+$0x0], $0xffff;
	v48 =	vsel vm3, $0x3F800000, v3;
	vm3 =	vlt.f32 v41, v27;
	v28 =	vmin.f32 v14, v28  }
0x191: {  	v5 =	vsel vm3, $0x1, v22;
	v49 =	vsub.f32 v28, v49;
	v28 =	vsub.f32 v14, v28;
	v4 =	vld.idx.msk [tilespmem:v0+s19+$0x0], $0xffff  }
0x192: {  	v34 =	vld [tilespmem:s31+$0xFFFFFF80];
	v60 =	vor.u32 $0x8, v50;
	(erf) = vrcp.f32 v48;
	v37 =	vadd.s32 v5, v37  }
0x193: {  	v6 =	vld.idx.msk [tilespmem:v6+s25+$0x0], $0xffff;
	v37 =	vmax.u32 v37, $0x1;
	vm3 =	vlt.f32 v2, v32;
	v55 =	vadd.f32 v28, v49  }
0x194: {  	v36 =	vmul.f32 v49, v36;
	v44 =	vsel vm3, v7, v39;
	vm3 =	vlt.f32 v26, v33  }
0x195: {  	v8 =	vsel vm3, $0x8, v22;
	vm3 =	vlt.f32 v45, v29;
	v11 =	vshrl.u32 v44, $0x5  }
0x196: {  	v10 =	vld.idx.msk [tilespmem:v51+s21+$0x0], $0xffff;
	v42 =	vsel vm3, v9, v42;
	v12 =	vor.u32 $0x3, v8;
	vm3 =	vlt.f32 v4, v31  }
0x197: {  	v51 =	vperm.xlane v23, v12;
	v41 =	vsel vm3, v13, v46;
	vm3 =	vlt.f32 v26, v34  }
0x198: {  	v6 =	vmul.f32 v28, v6;
	v58 =	vor.u32 $0x4, v8;
	v57 =	vsel vm3, $0x8, v22  }
0x199: {  	vm3 =	vlt.f32 v51, v33;
	v52 =	vshrl.u32 v41, $0x5;
	v59 =	vor.u32 $0x3, v57  }
0x19a: {  	v1 =	vor.u32 $0x10, v44;
	v51 =	vsel vm3, v58, v8;
	v39 =	vperm.xlane v23, v59  }
0x19b: {  	vm3 =	vlt.f32 v10, v30;
	v45 =	vld.idx.msk [tilespmem:v11+s20+$0x0], $0xffff;
	v53 =	vor.u32 $0x4, v57;
	v61 =	vor.u32 $0x1, v51  }
0x19c: {  	v47 =	vsel vm3, v60, v50;
	v50 =	vperm.xlane v23, v61;
	vm3 =	vlt.f32 v39, v34  }
0x19d: {  	v5 =	vor.u32 $0x10, v41;
	v63 =	vor.u32 $0x2, v51;
	v62 =	vsel vm3, v53, v57  }
0x19e: {  	v39 =	vmin.u32 v37, $0x7D3;
	vm3 =	vlt.f32 v50, v33;
	v52 =	vld.idx.msk [tilespmem:v52+s20+$0x0], $0xffff;
	v0 =	vor.u32 $0x1, v62  }
0x19f: {  	v53 =	vadd.s32 $0xFFFFFFFF, v39;
	v46 =	vsel vm3, v63, v51;
	v50 =	vperm.xlane v23, v0  }
0x1a0: {  	v3 =	vshrl.u32 v47, $0x3;
	vm3 =	vlt.f32 v45, v32;
	v51 =	vperm.xlane v23, v46  }
0x1a1: {  	v2 =	vor.u32 $0x2, v62;
	v44 =	vsel vm3, v1, v44;
	vm3 =	vlt.f32 v50, v34  }
0x1a2: {  	v4 =	vshrl.u32 v44, $0x4;
	v37 =	vsel vm3, v2, v62;
	vm3 =	vlt.f32 v51, v33  }
0x1a3: {  	v51 =	vsel vm3, $0x1, v22;
	v54 =	vperm.xlane v23, v37;
	vm3 =	vlt.f32 v52, v31  }
0x1a4: {  	v59 =	vadd.s32 $0x4, v47;
	v8 =	vld.idx.msk [tilespmem:v53+s6+$0x0], $0xffff;
	v46 =	vor.u32 v51, v46;
	v41 =	vsel vm3, v5, v41  }
0x1a5: {  	v56 =	vld.idx.msk [tilespmem:v39+s6+$0x0], $0xffff;
	v51 =	vperm.xlane v24, v46;
	vm3 =	vlt.f32 v54, v34;
	v9 =	vshrl.u32 v41, $0x4  }
0x1a6: {  	v57 =	vshrl.u32 v42, $0x2;
	v62 =	vor.u32 $0x8, v44;
	v7 =	vsel vm3, $0x1, v22  }
0x1a7: {  	v10 =	vld.idx.msk [tilespmem:v3+s22+$0x0], $0xffff;
	v46 =	vshll.u32 v46, $0x7;
	vm3 =	vlt.f32 v51, v33;
	v37 =	vor.u32 v7, v37  }
0x1a8: {  	v45 =	vld.idx.msk [tilespmem:v4+s21+$0x0], $0xffff;
	v63 =	vor.u32 $0x8, v41;
	v11 =	vsel vm3, $0x40, v22;
	v12 =	vperm.xlane v24, v37  }
0x1a9: {  	v27 =	vmax.f32 v8, v27;
	v37 =	vshll.u32 v37, $0x7;
	v46 =	vor.u32 v11, v46  }
0x1aa: {  	v27 =	vmin.f32 v56, v27;
	v13 =	vshrl.u32 v46, $0x6;
	vm3 =	vlt.f32 v12, v34;
	v54 =	vld.idx.msk [tilespmem:v9+s21+$0x0], $0xffff  }
0x1ab: {  	v61 =	vld.idx.msk [tilespmem:v57+s23+$0x0], $0xffff;
	v52 =	vsub.f32 v27, v8;
	v14 =	vsel vm3, $0x40, v22;
	vm3 =	veq.f32 v55, $0.0e+00  }
0x1ac: {  	v35 =	vld.idx.msk [tilespmem:v35+s25+$0x0], $0xffff;
	v58 =	vsel vm3, $0x3F800000, v55;
	v50 =	vor.u32 v14, v37;
	vm3 =	vlt.f32 v10, v30  }
0x1ad: {  	v60 =	vshrl.u32 v50, $0x6;
	v47 =	vsel vm3, v59, v47;
	vm3 =	vlt.f32 v45, v32  }
0x1ae: {  	v39 =	vld.idx.msk [tilespmem:v39+s25+$0x0], $0xffff;
	(erf) = vrcp.f32 v58;
	v37 =	vshrl.u32 v47, $0x2;
	v44 =	vsel vm3, v62, v44  }
0x1af: {  	v55 =	vsub.f32 v56, v27;
	v48 =	vld.idx.msk [tilespmem:v13+s19+$0x0], $0xffff;
	v27 =	vshrl.u32 v44, $0x3;
	vm3 =	vlt.f32 v54, v31  }
0x1b0: {  	v1 =	vadd.s32 $0x2, v42;
	v9 =	vld.idx.msk [tilespmem:v53+s25+$0x0], $0xffff;
	v41 =	vsel vm3, v63, v41;
	vm3 =	vlt.f32 v61, v29  }
0x1b1: {  	v40 =	vmul.f32 v40, v35;
	v2 =	vshrl.u32 v41, $0x3;
	v42 =	vsel vm3, v1, v42  }
0x1b2: {  	v6 =	vadd.f32 v6, v36;
	v8 =	vor.u32 $0x20, v46;
	v43 =	vld.idx.msk [tilespmem:v60+s19+$0x0], $0xffff;
	v10 =	vshrl.u32 v42, $0x1  }
0x1b3: {  	v0 =	vadd.f32 v55, v52;
	v58 =	vadd.s32 $0x2, v47;
	v39 =	vmul.f32 v55, v39;
	v3 =	vld.idx.msk [tilespmem:v37+s23+$0x0], $0xffff  }
0x1b4: {  	v13 =	vadd.f32 v40, v38;
	v61 =	vadd.s32 $0x4, v44;
	vm3 =	vlt.f32 v48, v33;
	v11 =	vld.idx.msk [tilespmem:v27+s22+$0x0], $0xffff  }
0x1b5: {  	v35 =	vld [tilespmem:s31+$0xFFFFFF90];
	v48 =	vmul.f32 v52, v9;
	v46 =	vsel vm3, v8, v46;
	vm3 =	veq.f32 v0, $0.0e+00  }
0x1b6: {  	v14 =	vpop (erf);
	v27 =	vor.u32 $0x20, v50;
	v12 =	vshrl.u32 v46, $0x5;
	v37 =	vsel vm3, $0x3F800000, v0;
	v56 =	vld.idx.msk [tilespmem:v2+s22+$0x0], $0xffff  }
0x1b7: {  	v57 =	vpop (erf);
	v0 =	vadd.s32 $0x4, v41;
	v39 =	vadd.f32 v39, v48;
	vm3 =	vlt.f32 v43, v34;
	v59 =	vld.idx.msk [tilespmem:v10+s24+$0x0], $0xffff  }
0x1b8: {  	v28 =	vmul.f32 v57, v6;
	v40 =	vsel vm3, v27, v50;
	vm3 =	vlt.f32 v3, v30  }
0x1b9: {  	v50 =	vshrl.u32 v40, $0x5;
	v38 =	vsel vm3, v58, v47;
	vm3 =	vlt.f32 v11, v32  }
0x1ba: {  	(erf) = vrcp.f32 v37;
	v44 =	vsel vm3, v61, v44;
	vm3 =	vlt.f32 v26, v35  }
0x1bb: {  	v60 =	vshrl.u32 v38, $0x1;
	v62 =	vld.idx.msk [tilespmem:v12+s20+$0x0], $0xffff;
	v63 =	vsel vm3, $0x8, v22;
	vm3 =	vlt.f32 v56, v31  }
0x1bc: {  	v27 =	vmul.f32 v14, v13;
	v41 =	vsel vm3, v0, v41;
	vm3 =	vlt.f32 v59, v29  }
0x1bd: {  	v11 =	vor.u32 $0x10, v46;
	v1 =	vshrl.u32 v44, $0x2;
	v10 =	vsel vm3, $0x1, v22  }
0x1be: {  	v54 =	vor.u32 $0x10, v40;
	v3 =	vor.u32 $0x3, v63;
	v2 =	vld.idx.msk [tilespmem:v50+s20+$0x0], $0xffff;
	v42 =	vadd.s32 v10, v42  }
0x1bf: {  	v9 =	vshrl.u32 v41, $0x2;
	v50 =	vperm.xlane v23, v3;
	v42 =	vmax.u32 v42, $0x1  }
0x1c0: {  	v12 =	vor.u32 $0x4, v63;
	v43 =	vld.idx.msk [tilespmem:v60+s24+$0x0], $0xffff;
	vm3 =	vlt.f32 v62, v33;
	v42 =	vmin.u32 v42, $0x7D3  }
0x1c1: {  	v46 =	vsel vm3, v11, v46;
	vm3 =	vlt.f32 v50, v35;
	v52 =	vadd.s32 $0xFFFFFFFF, v42  }
0x1c2: {  	v61 =	vadd.s32 $0x2, v44;
	v14 =	vld.idx.msk [tilespmem:v1+s23+$0x0], $0xffff;
	v13 =	vshrl.u32 v46, $0x4;
	v45 =	vsel vm3, v12, v63  }
0x1c3: {  	v62 =	vadd.s32 $0x2, v41;
	vm3 =	vlt.f32 v2, v34;
	v56 =	vor.u32 $0x1, v45  }
0x1c4: {  	v6 =	vld.idx.msk [tilespmem:v9+s23+$0x0], $0xffff;
	v3 =	vor.u32 $0x8, v46;
	v40 =	vsel vm3, v54, v40;
	v57 =	vperm.xlane v23, v56  }
0x1c5: {  	v36 =	vld [tilespmem:s31+$0xFFFFFFA0];
	v60 =	vor.u32 $0x2, v45;
	vm3 =	vlt.f32 v43, v30;
	v58 =	vshrl.u32 v40, $0x4  }
0x1c6: {  	v59 =	vsel vm3, $0x1, v22;
	v8 =	vor.u32 $0x8, v40;
	vm3 =	vlt.f32 v57, v35;
	v12 =	vld.idx.msk [tilespmem:v52+s6+$0x0], $0xffff  }
0x1c7: {  	v38 =	vadd.s32 v59, v38;
	v45 =	vsel vm3, v60, v45;
	vm3 =	vlt.f32 v14, v32;
	v50 =	vld.idx.msk [tilespmem:v13+s21+$0x0], $0xffff  }
0x1c8: {  	v38 =	vmax.u32 v38, $0x1;
	v13 =	vld.idx.msk [tilespmem:v42+s6+$0x0], $0xffff;
	v51 =	vperm.xlane v23, v45;
	v44 =	vsel vm3, v61, v44  }
0x1c9: {  	vm3 =	vlt.f32 v6, v31;
	v38 =	vmin.u32 v38, $0x7D3;
	v47 =	vshrl.u32 v44, $0x1  }
0x1ca: {  	v6 =	vsel vm3, v62, v41;
	v48 =	vadd.s32 $0xFFFFFFFF, v38;
	v63 =	vld.idx.msk [tilespmem:v58+s21+$0x0], $0xffff;
	vm3 =	vlt.f32 v51, v35  }
0x1cb: {  	v1 =	vshrl.u32 v6, $0x1;
	v0 =	vsel vm3, $0x1, v22;
	vm3 =	vlt.f32 v26, v36  }
0x1cc: {  	v29 =	vmax.f32 v12, v29;
	v2 =	vsel vm3, $0x8, v22;
	vm3 =	vlt.f32 v50, v33  }
0x1cd: {  	v43 =	vor.u32 v0, v45;
	v29 =	vmin.f32 v13, v29;
	v4 =	vsel vm3, v3, v46  }
0x1ce: {  	v5 =	vperm.xlane v24, v43;
	v7 =	vor.u32 $0x3, v2;
	v11 =	vor.u32 $0x4, v2;
	v47 =	vld.idx.msk [tilespmem:v47+s24+$0x0], $0xffff  }
0x1cf: {  	v43 =	vshll.u32 v43, $0x7;
	v50 =	vperm.xlane v23, v7;
	vm3 =	vlt.f32 v63, v34  }
0x1d0: {  	v9 =	vshrl.u32 v4, $0x3;
	v58 =	vld.idx.msk [tilespmem:v1+s24+$0x0], $0xffff;
	v40 =	vsel vm3, v8, v40;
	vm3 =	vlt.f32 v5, v35  }
0x1d1: {  	v1 =	vld.idx.msk [tilespmem:v48+s6+$0x0], $0xffff;
	v10 =	vsel vm3, $0x40, v22;
	vm3 =	vlt.f32 v50, v36;
	v14 =	vshrl.u32 v40, $0x3  }
0x1d2: {  	v3 =	vld.idx.msk [tilespmem:v38+s6+$0x0], $0xffff;
	v50 =	vsub.f32 v29, v12;
	v29 =	vsub.f32 v13, v29;
	v12 =	vadd.s32 $0x4, v40  }
0x1d3: {  	v46 =	vsel vm3, v11, v2;
	v41 =	vor.u32 v10, v43;
	vm3 =	vlt.f32 v47, v32  }
0x1d4: {  	v10 =	vadd.s32 $0x4, v4;
	v57 =	vor.u32 $0x1, v46;
	v60 =	vsel vm3, $0x1, v22  }
0x1d5: {  	v42 =	vld.idx.msk [tilespmem:v42+s25+$0x0], $0xffff;
	v59 =	vshrl.u32 v41, $0x6;
	v61 =	vor.u32 $0x2, v46;
	v44 =	vadd.s32 v60, v44  }
0x1d6: {  	v48 =	vld.idx.msk [tilespmem:v48+s25+$0x0], $0xffff;
	v43 =	vperm.xlane v23, v57;
	v30 =	vmax.f32 v1, v30;
	v44 =	vmax.u32 v44, $0x1  }
0x1d7: {  	v38 =	vld.idx.msk [tilespmem:v38+s25+$0x0], $0xffff;
	v11 =	vadd.f32 v29, v50;
	v30 =	vmin.f32 v3, v30;
	v44 =	vmin.u32 v44, $0x7D3  }
0x1d8: {  	v53 =	vld.idx.msk [tilespmem:v9+s22+$0x0], $0xffff;
	vm3 =	vlt.f32 v43, v36;
	v49 =	vsub.f32 v30, v1;
	v55 =	vadd.s32 $0xFFFFFFFF, v44  }
0x1d9: {  	v62 =	vld.idx.msk [tilespmem:v14+s22+$0x0], $0xffff;
	v30 =	vsub.f32 v3, v30;
	v43 =	vsel vm3, v61, v46;
	vm3 =	vlt.f32 v58, v31  }
0x1da: {  	v29 =	vmul.f32 v29, v42;
	v63 =	vperm.xlane v23, v43;
	v0 =	vld.idx.msk [tilespmem:v59+s19+$0x0], $0xffff;
	v2 =	vsel vm3, $0x1, v22  }
0x1db: {  	v59 =	vor.u32 $0x20, v41;
	v58 =	vadd.f32 v30, v49;
	v48 =	vmul.f32 v49, v48  }
0x1dc: {  	v30 =	vmul.f32 v30, v38;
	v6 =	vadd.s32 v2, v6;
	vm3 =	vlt.f32 v63, v36  }
0x1dd: {  	v6 =	vmax.u32 v6, $0x1;
	v9 =	vsel vm3, $0x1, v22;
	vm3 =	vlt.f32 v53, v33;
	v14 =	vld.idx.msk [tilespmem:v55+s6+$0x0], $0xffff  }
0x1de: {  	v30 =	vadd.f32 v30, v48;
	v45 =	vsel vm3, v10, v4;
	vm3 =	vlt.f32 v62, v34;
	v60 =	vld.idx.msk [tilespmem:v44+s6+$0x0], $0xffff  }
0x1df: {  	v40 =	vsel vm3, v12, v40;
	vm3 =	vlt.f32 v0, v35;
	v61 =	vshrl.u32 v45, $0x2  }
0x1e0: {  	v43 =	vor.u32 v9, v43;
	v41 =	vsel vm3, v59, v41;
	v63 =	vshrl.u32 v40, $0x2  }
0x1e1: {  	v6 =	vmin.u32 v6, $0x7D3;
	v62 =	vld.idx.msk [tilespmem:v52+s25+$0x0], $0xffff;
	v13 =	vperm.xlane v24, v43;
	v0 =	vshrl.u32 v41, $0x5  }
0x1e2: {  	v44 =	vld.idx.msk [tilespmem:v44+s25+$0x0], $0xffff;
	v43 =	vshll.u32 v43, $0x7;
	v59 =	vadd.s32 $0xFFFFFFFF, v6;
	v32 =	vmax.f32 v14, v32  }
0x1e3: {  	v8 =	vadd.s32 $0x2, v45;
	v9 =	vld.idx.msk [tilespmem:v55+s25+$0x0], $0xffff;
	vm3 =	vlt.f32 v13, v36;
	v32 =	vmin.f32 v60, v32  }
0x1e4: {  	v53 =	vsel vm3, $0x40, v22;
	v46 =	vld.idx.msk [tilespmem:v61+s23+$0x0], $0xffff;
	v56 =	vsub.f32 v32, v14;
	v32 =	vsub.f32 v60, v32  }
0x1e5: {  	v10 =	vadd.s32 $0x2, v40;
	vm3 =	veq.f32 v11, $0.0e+00;
	v43 =	vor.u32 v53, v43;
	v52 =	vld.idx.msk [tilespmem:v63+s23+$0x0], $0xffff  }
0x1e6: {  	v1 =	vsel vm3, $0x3F800000, v11;
	v53 =	vshrl.u32 v43, $0x6;
	v3 =	vld.idx.msk [tilespmem:v0+s20+$0x0], $0xffff;
	v47 =	vadd.f32 v32, v56  }
0x1e7: {  	v12 =	vor.u32 $0x10, v41;
	vm3 =	veq.f32 v58, $0.0e+00;
	(erf) = vrcp.f32 v1;
	v4 =	vld.idx.msk [tilespmem:v59+s6+$0x0], $0xffff  }
0x1e8: {  	v7 =	vld.idx.msk [tilespmem:v6+s6+$0x0], $0xffff;
	v50 =	vmul.f32 v50, v62;
	v2 =	vsel vm3, $0x3F800000, v58;
	vm3 =	veq.f32 v47, $0.0e+00  }
0x1e9: {  	(erf) = vrcp.f32 v2;
	v5 =	vsel vm3, $0x3F800000, v47;
	vm3 =	vlt.f32 v46, v33  }
0x1ea: {  	v14 =	vld.idx.msk [tilespmem:v59+s25+$0x0], $0xffff;
	v59 =	vmul.f32 v56, v9;
	v42 =	vsel vm3, v8, v45;
	vm3 =	vlt.f32 v52, v34  }
0x1eb: {  	v11 =	vld.idx.msk [tilespmem:v53+s19+$0x0], $0xffff;
	v45 =	vshrl.u32 v42, $0x1;
	v46 =	vsel vm3, v10, v40;
	vm3 =	vlt.f32 v3, v35  }
0x1ec: {  	v31 =	vmax.f32 v4, v31;
	v13 =	vshrl.u32 v46, $0x1;
	v41 =	vsel vm3, v12, v41  }
0x1ed: {  	v6 =	vld.idx.msk [tilespmem:v6+s25+$0x0], $0xffff;
	v44 =	vmul.f32 v32, v44;
	v31 =	vmin.f32 v7, v31;
	v57 =	vshrl.u32 v41, $0x4  }
0x1ee: {  	v61 =	vpop (erf);
	(erf) = vrcp.f32 v5;
	v37 =	vsub.f32 v31, v4;
	v58 =	vsub.f32 v7, v31;
	v40 =	vld [tilespmem:s31+$0xFFFFFFB0]  }
0x1ef: {  	v29 =	vadd.f32 v29, v50;
	v60 =	vor.u32 $0x20, v43;
	v32 =	vmul.f32 v61, v39  }
0x1f0: {  	v31 =	vadd.f32 v44, v59;
	v63 =	vpop (erf);
	vm3 =	vlt.f32 v11, v36;
	v62 =	vadd.f32 v58, v37;
	v45 =	vld.idx.msk [tilespmem:v45+s24+$0x0], $0xffff  }
0x1f1: {  	v29 =	vmul.f32 v63, v29;
	v39 =	vmul.f32 v37, v14;
	v43 =	vsel vm3, v60, v43;
	v0 =	vld.idx.msk [tilespmem:v13+s24+$0x0], $0xffff  }
0x1f2: {  	v2 =	vpop (erf);
	v6 =	vmul.f32 v58, v6;
	v1 =	vshrl.u32 v43, $0x5;
	vm3 =	veq.f32 v62, $0.0e+00;
	v3 =	vld.idx.msk [tilespmem:v57+s21+$0x0], $0xffff  }
0x1f3: {  	v30 =	vmul.f32 v2, v30;
	v10 =	vsel vm3, $0x3F800000, v62;
	vm3 =	vlt.f32 v26, v40  }
0x1f4: {  	v53 =	vor.u32 $0x8, v41;
	(erf) = vrcp.f32 v10;
	v11 =	vsel vm3, $0x8, v22  }
0x1f5: {  	v37 =	vld [tilespmem:s31+$0xFFFFFFC0];
	v12 =	vor.u32 $0x3, v11;
	v54 =	vor.u32 $0x4, v11;
	vm3 =	vlt.f32 v45, v33  }
0x1f6: {  	v57 =	vor.u32 $0x10, v43;
	v45 =	vsel vm3, $0x1, v22;
	vm3 =	vlt.f32 v0, v34  }
0x1f7: {  	v9 =	vpop (erf);
	v13 =	vld.idx.msk [tilespmem:v1+s20+$0x0], $0xffff;
	v38 =	vperm.xlane v23, v12;
	v14 =	vsel vm3, $0x1, v22;
	vm3 =	vlt.f32 v3, v35  }
0x1f8: {  	v31 =	vmul.f32 v9, v31;
	v42 =	vadd.s32 v45, v42;
	v41 =	vsel vm3, v53, v41  }
0x1f9: {  	vm3 =	vlt.f32 v38, v40;
	v42 =	vmax.u32 v42, $0x1;
	v46 =	vadd.s32 v14, v46  }
0x1fa: {  	v55 =	vsel vm3, v54, v11;
	vm3 =	vlt.f32 v26, v37;
	v42 =	vmin.u32 v42, $0x7D3  }
0x1fb: {  	v3 =	vshrl.u32 v41, $0x3;
	v46 =	vmax.u32 v46, $0x1;
	v38 =	vor.u32 $0x1, v55  }
0x1fc: {  	v56 =	vsel vm3, $0x8, v22;
	vm3 =	vlt.f32 v13, v36;
	v58 =	vperm.xlane v23, v38;
	v38 =	vld [tilespmem:s31+$0xFFFFFFD0]  }
0x1fd: {  	v60 =	vor.u32 $0x2, v55;
	v50 =	vadd.s32 $0xFFFFFFFF, v42;
	v59 =	vor.u32 $0x3, v56  }
0x1fe: {  	v43 =	vsel vm3, v57, v43;
	v47 =	vperm.xlane v23, v59;
	vm3 =	vlt.f32 v58, v40  }
0x1ff: {  	v46 =	vmin.u32 v46, $0x7D3;
	v61 =	vor.u32 $0x4, v56;
	v44 =	vsel vm3, v60, v55  }
0x200: {  	v62 =	vshrl.u32 v43, $0x4;
	vm3 =	vlt.f32 v47, v37;
	v49 =	vperm.xlane v23, v44  }
0x201: {  	v54 =	vadd.s32 $0xFFFFFFFF, v46;
	v45 =	vsel vm3, v61, v56;
	vm3 =	vlt.f32 v26, v38  }
0x202: {  	v0 =	vor.u32 $0x1, v45;
	v63 =	vsel vm3, $0x8, v22;
	vm3 =	vlt.f32 v49, v40  }
0x203: {  	v14 =	vld.idx.msk [tilespmem:v50+s6+$0x0], $0xffff;
	v49 =	vperm.xlane v23, v0;
	v1 =	vsel vm3, $0x1, v22;
	v2 =	vor.u32 $0x3, v63  }
0x204: {  	v7 =	vor.u32 $0x2, v45;
	v44 =	vor.u32 v1, v44;
	v4 =	vperm.xlane v23, v2  }
0x205: {  	v9 =	vld.idx.msk [tilespmem:v62+s21+$0x0], $0xffff;
	v0 =	vor.u32 $0x8, v43;
	vm3 =	vlt.f32 v49, v37;
	v5 =	vperm.xlane v24, v44  }
0x206: {  	v62 =	vld.idx.msk [tilespmem:v42+s6+$0x0], $0xffff;
	v8 =	vor.u32 $0x4, v63;
	v45 =	vsel vm3, v7, v45;
	vm3 =	vlt.f32 v4, v38  }
0x207: {  	v11 =	vperm.xlane v23, v45;
	v47 =	vsel vm3, v8, v63;
	vm3 =	vlt.f32 v5, v40  }
0x208: {  	v44 =	vshll.u32 v44, $0x7;
	v33 =	vmax.f32 v14, v33;
	v10 =	vsel vm3, $0x40, v22  }
0x209: {  	v12 =	vor.u32 $0x1, v47;
	vm3 =	vlt.f32 v11, v37;
	v44 =	vor.u32 v10, v44  }
0x20a: {  	v13 =	vperm.xlane v23, v12;
	v52 =	vsel vm3, $0x1, v22;
	v60 =	vshrl.u32 v44, $0x6  }
0x20b: {  	v33 =	vmin.f32 v62, v33;
	v8 =	vadd.s32 $0x4, v41;
	v45 =	vor.u32 v52, v45  }
0x20c: {  	v63 =	vld.idx.msk [tilespmem:v3+s22+$0x0], $0xffff;
	v61 =	vor.u32 $0x2, v47;
	vm3 =	vlt.f32 v13, v38;
	v52 =	vperm.xlane v24, v45  }
0x20d: {  	v51 =	vsub.f32 v33, v14;
	v47 =	vsel vm3, v61, v47;
	vm3 =	vlt.f32 v9, v36  }
0x20e: {  	v50 =	vld.idx.msk [tilespmem:v50+s25+$0x0], $0xffff;
	v43 =	vsel vm3, v0, v43;
	v1 =	vperm.xlane v23, v47;
	vm3 =	vlt.f32 v52, v37  }
0x20f: {  	v45 =	vshll.u32 v45, $0x7;
	v2 =	vshrl.u32 v43, $0x3;
	v7 =	vsel vm3, $0x40, v22;
	v3 =	vld.idx.msk [tilespmem:v60+s19+$0x0], $0xffff  }
0x210: {  	v42 =	vld.idx.msk [tilespmem:v42+s25+$0x0], $0xffff;
	v48 =	vsub.f32 v62, v33;
	vm3 =	vlt.f32 v1, v38;
	v45 =	vor.u32 v7, v45  }
0x211: {  	v49 =	vsel vm3, $0x1, v22;
	vm3 =	vlt.f32 v63, v35;
	v53 =	vshrl.u32 v45, $0x6  }
0x212: {  	v6 =	vadd.f32 v6, v39;
	v41 =	vsel vm3, v8, v41;
	v47 =	vor.u32 v49, v47  }
0x213: {  	v14 =	vadd.f32 v48, v51;
	v9 =	vld.idx.msk [tilespmem:v54+s6+$0x0], $0xffff;
	v11 =	vshrl.u32 v41, $0x2;
	v12 =	vperm.xlane v24, v47  }
0x214: {  	v50 =	vmul.f32 v51, v50;
	v13 =	vor.u32 $0x20, v44;
	v56 =	vld.idx.msk [tilespmem:v2+s22+$0x0], $0xffff;
	vm3 =	vlt.f32 v3, v40  }
0x215: {  	v10 =	vld.idx.msk [tilespmem:v46+s6+$0x0], $0xffff;
	v42 =	vmul.f32 v48, v42;
	v44 =	vsel vm3, v13, v44;
	vm3 =	vlt.f32 v12, v38  }
0x216: {  	v60 =	vpop (erf);
	v62 =	vshll.u32 v47, $0x7;
	v53 =	vld.idx.msk [tilespmem:v53+s19+$0x0], $0xffff;
	v61 =	vshrl.u32 v44, $0x5;
	v63 =	vsel vm3, $0x40, v22  }
0x217: {  	v39 =	vld [tilespmem:s31+$0xFFFFFFE0];
	v42 =	vadd.f32 v42, v50;
	v33 =	vmul.f32 v60, v6;
	v0 =	vor.u32 v63, v62  }
0x218: {  	v34 =	vmax.f32 v9, v34;
	vm3 =	veq.f32 v14, $0.0e+00;
	v1 =	vld.idx.msk [tilespmem:v11+s23+$0x0], $0xffff;
	v2 =	vshrl.u32 v0, $0x6  }
0x219: {  	v3 =	vadd.s32 $0x4, v43;
	v47 =	vsel vm3, $0x3F800000, v14;
	vm3 =	vlt.f32 v56, v36  }
0x21a: {  	v46 =	vld.idx.msk [tilespmem:v46+s25+$0x0], $0xffff;
	v5 =	vor.u32 $0x20, v45;
	v34 =	vmin.f32 v10, v34;
	v43 =	vsel vm3, v3, v43  }
0x21b: {  	v8 =	vadd.s32 $0x2, v41;
	v56 =	vshrl.u32 v43, $0x2;
	vm3 =	vlt.f32 v53, v37;
	v4 =	vld.idx.msk [tilespmem:v61+s20+$0x0], $0xffff  }
0x21c: {  	v51 =	vsub.f32 v34, v9;
	v45 =	vsel vm3, v5, v45;
	vm3 =	vlt.f32 v26, v39  }
0x21d: {  	v34 =	vsub.f32 v10, v34;
	v7 =	vsel vm3, $0x8, v22;
	vm3 =	vlt.f32 v1, v35;
	v9 =	vld.idx.msk [tilespmem:v2+s19+$0x0], $0xffff  }
0x21e: {  	v10 =	vshrl.u32 v45, $0x5;
	v41 =	vsel vm3, v8, v41;
	v11 =	vor.u32 $0x3, v7  }
0x21f: {  	v13 =	vadd.f32 v34, v51;
	v12 =	vshrl.u32 v41, $0x1;
	v55 =	vperm.xlane v23, v11  }
0x220: {  	v46 =	vmul.f32 v34, v46;
	v14 =	vor.u32 $0x10, v44;
	v56 =	vld.idx.msk [tilespmem:v56+s23+$0x0], $0xffff;
	vm3 =	vlt.f32 v4, v40  }
0x221: {  	v60 =	vor.u32 $0x4, v7;
	v44 =	vsel vm3, v14, v44;
	vm3 =	vlt.f32 v55, v39  }
0x222: {  	v54 =	vld.idx.msk [tilespmem:v54+s25+$0x0], $0xffff;
	v61 =	vor.u32 $0x20, v0;
	v49 =	vsel vm3, v60, v7;
	vm3 =	vlt.f32 v9, v38  }
0x223: {  	v52 =	vld.idx.msk [tilespmem:v10+s20+$0x0], $0xffff;
	v62 =	vshrl.u32 v44, $0x4;
	v6 =	vsel vm3, v61, v0;
	v63 =	vor.u32 $0x1, v49  }
0x224: {  	vm3 =	veq.f32 v13, $0.0e+00;
	v48 =	vld.idx.msk [tilespmem:v12+s24+$0x0], $0xffff;
	v0 =	vshrl.u32 v6, $0x5;
	v53 =	vperm.xlane v23, v63  }
0x225: {  	v1 =	vadd.s32 $0x2, v43;
	v58 =	vsel vm3, $0x3F800000, v13;
	vm3 =	vlt.f32 v56, v36  }
0x226: {  	v2 =	vor.u32 $0x2, v49;
	v56 =	vsel vm3, v1, v43;
	vm3 =	vlt.f32 v53, v39  }
0x227: {  	(erf) = vrcp.f32 v47;
	v5 =	vor.u32 $0x10, v45;
	v3 =	vsel vm3, v2, v49  }
0x228: {  	v12 =	vmul.f32 v51, v54;
	v4 =	vld.idx.msk [tilespmem:v62+s21+$0x0], $0xffff;
	vm3 =	vlt.f32 v52, v37;
	v7 =	vperm.xlane v23, v3  }
0x229: {  	v8 =	vshrl.u32 v56, $0x1;
	v45 =	vsel vm3, v5, v45;
	vm3 =	vlt.f32 v48, v35;
	v9 =	vld.idx.msk [tilespmem:v0+s20+$0x0], $0xffff  }
0x22a: {  	v10 =	vsel vm3, $0x1, v22;
	v11 =	vshrl.u32 v45, $0x4;
	vm3 =	vlt.f32 v7, v39  }
0x22b: {  	v59 =	vor.u32 $0x8, v44;
	v61 =	vor.u32 $0x10, v6;
	v43 =	vld [tilespmem:s31+$0xFFFFFFF0];
	v13 =	vsel vm3, $0x1, v22  }
0x22c: {  	v46 =	vadd.f32 v46, v12;
	(erf) = vrcp.f32 v58;
	v57 =	vor.u32 v13, v3  }
0x22d: {  	v41 =	vadd.s32 v10, v41;
	vm3 =	vlt.f32 v4, v40;
	v60 =	vperm.xlane v24, v57  }
0x22e: {  	v14 =	vmax.u32 v41, $0x1;
	v48 =	vld.idx.msk [tilespmem:v8+s24+$0x0], $0xffff;
	v47 =	vsel vm3, v59, v44;
	vm3 =	vlt.f32 v9, v38  }
0x22f: {  	v62 =	vshrl.u32 v47, $0x3;
	v63 =	vld.idx.msk [tilespmem:v11+s21+$0x0], $0xffff;
	v6 =	vsel vm3, v61, v6;
	vm3 =	vlt.f32 v60, v39  }
0x230: {  	v49 =	vmin.u32 v14, $0x7D3;
	v0 =	vsel vm3, $0x40, v22;
	vm3 =	vlt.f32 v26, v43  }
0x231: {  	v53 =	vadd.s32 $0xFFFFFFFF, v49;
	v41 =	vshll.u32 v57, $0x7;
	v1 =	vsel vm3, $0x8, v22  }
0x232: {  	v2 =	vshrl.u32 v6, $0x4;
	v3 =	vor.u32 v0, v41;
	v5 =	vor.u32 $0x3, v1  }
0x233: {  	vm3 =	vlt.f32 v48, v36;
	v41 =	vshrl.u32 v3, $0x6;
	v34 =	vperm.xlane v23, v5  }
0x234: {  	v7 =	vor.u32 $0x8, v45;
	v48 =	vsel vm3, $0x1, v22;
	v51 =	vld.idx.msk [tilespmem:v62+s22+$0x0], $0xffff;
	vm3 =	vlt.f32 v63, v37  }
0x235: {  	v8 =	vpop (erf);
	v9 =	vor.u32 $0x4, v1;
	v45 =	vsel vm3, v7, v45;
	vm3 =	vlt.f32 v34, v43  }
0x236: {  	v11 =	vadd.s32 v48, v56;
	v34 =	vmul.f32 v8, v42;
	v42 =	vld.idx.msk [tilespmem:v53+s6+$0x0], $0xffff;
	v52 =	vsel vm3, v9, v1  }
0x237: {  	v61 =	vadd.s32 $0x4, v47;
	v44 =	vmax.u32 v11, $0x1;
	v12 =	vld.idx.msk [tilespmem:v2+s21+$0x0], $0xffff;
	v13 =	vor.u32 $0x1, v52  }
0x238: {  	v10 =	vshrl.u32 v45, $0x3;
	v44 =	vmin.u32 v44, $0x7D3;
	v14 =	vld.idx.msk [tilespmem:v41+s19+$0x0], $0xffff;
	v60 =	vperm.xlane v23, v13  }
0x239: {  	v50 =	vld.idx.msk [tilespmem:v49+s6+$0x0], $0xffff;
	v0 =	vor.u32 $0x8, v6;
	v56 =	vadd.s32 $0xFFFFFFFF, v44;
	vm3 =	vlt.f32 v51, v40  }
0x23a: {  	v62 =	vor.u32 $0x2, v52;
	v41 =	vld [tilespmem:s31+$0x0];
	v47 =	vsel vm3, v61, v47;
	vm3 =	vlt.f32 v60, v43  }
0x23b: {  	v1 =	vor.u32 $0x20, v3;
	v63 =	vshrl.u32 v47, $0x2;
	v51 =	vsel vm3, v62, v52  }
0x23c: {  	v35 =	vmax.f32 v42, v35;
	vm3 =	vlt.f32 v12, v38;
	v52 =	vperm.xlane v23, v51  }
0x23d: {  	v57 =	vld.idx.msk [tilespmem:v10+s22+$0x0], $0xffff;
	v60 =	vadd.s32 $0x4, v45;
	v6 =	vsel vm3, v0, v6;
	vm3 =	vlt.f32 v14, v39  }
0x23e: {  	v13 =	vadd.s32 $0x2, v47;
	v48 =	vsel vm3, v1, v3;
	vm3 =	vlt.f32 v52, v43  }
0x23f: {  	v35 =	vmin.f32 v50, v35;
	v52 =	vsel vm3, $0x1, v22;
	vm3 =	vlt.f32 v26, v41  }
0x240: {  	v50 =	vsub.f32 v50, v35;
	v3 =	vsel vm3, $0x8, v22;
	v51 =	vor.u32 v52, v51  }
0x241: {  	v49 =	vld.idx.msk [tilespmem:v49+s25+$0x0], $0xffff;
	v5 =	vshrl.u32 v6, $0x3;
	v7 =	vperm.xlane v24, v51;
	v8 =	vor.u32 $0x3, v3  }
0x242: {  	v61 =	vshrl.u32 v48, $0x5;
	v4 =	vld.idx.msk [tilespmem:v63+s23+$0x0], $0xffff;
	vm3 =	vlt.f32 v57, v37;
	v59 =	vperm.xlane v23, v8  }
0x243: {  	v2 =	vld.idx.msk [tilespmem:v56+s6+$0x0], $0xffff;
	v45 =	vsel vm3, v60, v45;
	v51 =	vshll.u32 v51, $0x7;
	vm3 =	vlt.f32 v7, v43  }
0x244: {  	v9 =	vor.u32 $0x4, v3;
	v58 =	vsel vm3, $0x40, v22;
	vm3 =	vlt.f32 v59, v41  }
0x245: {  	v62 =	vld.idx.msk [tilespmem:v44+s6+$0x0], $0xffff;
	v1 =	vadd.s32 $0x4, v6;
	v51 =	vor.u32 v58, v51;
	v55 =	vsel vm3, v9, v3  }
0x246: {  	v49 =	vmul.f32 v50, v49;
	v10 =	vld.idx.msk [tilespmem:v5+s22+$0x0], $0xffff;
	v11 =	vshrl.u32 v51, $0x6;
	v12 =	vor.u32 $0x1, v55  }
0x247: {  	v60 =	vshrl.u32 v45, $0x2;
	v61 =	vld.idx.msk [tilespmem:v61+s20+$0x0], $0xffff;
	vm3 =	vlt.f32 v4, v40;
	v58 =	vperm.xlane v23, v12  }
0x248: {  	v63 =	vsub.f32 v35, v42;
	v36 =	vmax.f32 v2, v36;
	v42 =	vsel vm3, v13, v47  }
0x249: {  	v53 =	vld.idx.msk [tilespmem:v53+s25+$0x0], $0xffff;
	v14 =	vor.u32 $0x2, v55;
	v47 =	vshrl.u32 v42, $0x1;
	vm3 =	vlt.f32 v58, v41  }
0x24a: {  	v36 =	vmin.f32 v62, v36;
	v52 =	vadd.f32 v50, v63;
	v0 =	vsel vm3, v14, v55  }
0x24b: {  	v54 =	vsub.f32 v36, v2;
	vm3 =	vlt.f32 v10, v38;
	v2 =	vld.idx.msk [tilespmem:v11+s19+$0x0], $0xffff;
	v3 =	vperm.xlane v23, v0  }
0x24c: {  	v9 =	vld.idx.msk [tilespmem:v60+s23+$0x0], $0xffff;
	v10 =	vor.u32 $0x10, v48;
	v6 =	vsel vm3, v1, v6;
	vm3 =	vlt.f32 v61, v39  }
0x24d: {  	v44 =	vld.idx.msk [tilespmem:v44+s25+$0x0], $0xffff;
	v36 =	vsub.f32 v62, v36;
	v48 =	vsel vm3, v10, v48;
	vm3 =	vlt.f32 v3, v41  }
0x24e: {  	v53 =	vmul.f32 v63, v53;
	v47 =	vld.idx.msk [tilespmem:v47+s24+$0x0], $0xffff;
	v11 =	vshrl.u32 v6, $0x2;
	v12 =	vsel vm3, $0x1, v22  }
0x24f: {  	v13 =	vadd.f32 v36, v54;
	v14 =	vshrl.u32 v48, $0x4;
	v35 =	vor.u32 v12, v0  }
0x250: {  	v0 =	vor.u32 $0x20, v51;
	vm3 =	vlt.f32 v2, v43;
	v59 =	vperm.xlane v24, v35  }
0x251: {  	v1 =	vadd.s32 $0x2, v45;
	v51 =	vsel vm3, v0, v51;
	vm3 =	vlt.f32 v9, v37  }
0x252: {  	v36 =	vmul.f32 v36, v44;
	v45 =	vsel vm3, v1, v45;
	vm3 =	vlt.f32 v59, v41  }
0x253: {  	v4 =	vld.idx.msk [tilespmem:v11+s23+$0x0], $0xffff;
	v2 =	vshrl.u32 v51, $0x5;
	v3 =	vsel vm3, $0x40, v22;
	vm3 =	vlt.f32 v47, v40  }
0x254: {  	v35 =	vshll.u32 v35, $0x7;
	v7 =	vshrl.u32 v45, $0x1;
	v5 =	vsel vm3, $0x1, v22  }
0x255: {  	v9 =	vld.idx.msk [tilespmem:v14+s21+$0x0], $0xffff;
	v58 =	vor.u32 v3, v35;
	vm3 =	veq.f32 v52, $0.0e+00;
	v8 =	vadd.s32 v5, v42  }
0x256: {  	v10 =	vshrl.u32 v58, $0x6;
	v52 =	vsel vm3, $0x3F800000, v52;
	vm3 =	veq.f32 v13, $0.0e+00;
	v42 =	vld [tilespmem:s31+$0x10]  }
0x257: {  	v0 =	vor.u32 $0x8, v48;
	v21 =	vmax.u32 v8, $0x1;
	v12 =	vsel vm3, $0x3F800000, v13  }
0x258: {  	v11 =	vpop (erf);
	vm3 =	vlt.f32 v4, v38;
	v13 =	vadd.s32 $0x2, v6;
	v21 =	vmin.u32 v21, $0x7D3;
	v55 =	vld.idx.msk [tilespmem:v2+s20+$0x0], $0xffff  }
0x259: {  	v35 =	vmul.f32 v11, v46;
	v6 =	vsel vm3, v13, v6;
	v60 =	vadd.s32 $0xFFFFFFFF, v21;
	v14 =	vld.idx.msk [tilespmem:v7+s24+$0x0], $0xffff  }
0x25a: {  	(erf) = vrcp.f32 v52;
	vm3 =	vlt.f32 v9, v39;
	v2 =	vld.idx.msk [tilespmem:v56+s25+$0x0], $0xffff;
	v47 =	vshrl.u32 v6, $0x1  }
0x25b: {  	v4 =	vor.u32 $0x10, v51;
	v48 =	vsel vm3, v0, v48;
	v1 =	vld.idx.msk [tilespmem:v10+s19+$0x0], $0xffff;
	vm3 =	vlt.f32 v26, v42  }
0x25c: {  	(erf) = vrcp.f32 v12;
	v5 =	vshrl.u32 v48, $0x3;
	v3 =	vsel vm3, $0x8, v22  }
0x25d: {  	v10 =	vor.u32 $0x20, v58;
	vm3 =	vlt.f32 v55, v43;
	v7 =	vor.u32 $0x3, v3  }
0x25e: {  	v11 =	vor.u32 $0x4, v3;
	v57 =	vld.idx.msk [tilespmem:v60+s6+$0x0], $0xffff;
	v51 =	vsel vm3, v4, v51;
	vm3 =	vlt.f32 v14, v37  }
0x25f: {  	v55 =	vperm.xlane v23, v7;
	v47 =	vld.idx.msk [tilespmem:v47+s24+$0x0], $0xffff;
	v8 =	vshrl.u32 v51, $0x4;
	v9 =	vsel vm3, $0x1, v22  }
0x260: {  	v52 =	vmul.f32 v54, v2;
	vm3 =	vlt.f32 v1, v41;
	v45 =	vadd.s32 v9, v45  }
0x261: {  	v62 =	vld.idx.msk [tilespmem:v21+s6+$0x0], $0xffff;
	v1 =	vadd.s32 $0x4, v48;
	v58 =	vsel vm3, v10, v58;
	vm3 =	vlt.f32 v55, v42  }
0x262: {  	v9 =	vor.u32 $0x8, v51;
	v45 =	vmax.u32 v45, $0x1;
	v12 =	vsel vm3, v11, v3  }
0x263: {  	v13 =	vld.idx.msk [tilespmem:v5+s22+$0x0], $0xffff;
	v14 =	vshrl.u32 v58, $0x5;
	v61 =	vmin.u32 v45, $0x7D3;
	v56 =	vor.u32 $0x1, v12  }
0x264: {  	v40 =	vmax.f32 v57, v40;
	vm3 =	vlt.f32 v47, v38;
	v50 =	vld.idx.msk [tilespmem:v8+s21+$0x0], $0xffff;
	v56 =	vperm.xlane v23, v56  }
0x265: {  	v0 =	vor.u32 $0x2, v12;
	v47 =	vadd.s32 $0xFFFFFFFF, v61;
	v63 =	vsel vm3, $0x1, v22  }
0x266: {  	v59 =	vmin.f32 v62, v40;
	v6 =	vadd.s32 v63, v6;
	vm3 =	vlt.f32 v56, v42  }
0x267: {  	v57 =	vsub.f32 v59, v57;
	v59 =	vsub.f32 v62, v59;
	v45 =	vsel vm3, v0, v12  }
0x268: {  	v6 =	vmax.u32 v6, $0x1;
	vm3 =	vlt.f32 v13, v39;
	v2 =	vld.idx.msk [tilespmem:v14+s20+$0x0], $0xffff;
	v3 =	vperm.xlane v23, v45  }
0x269: {  	v21 =	vld.idx.msk [tilespmem:v21+s25+$0x0], $0xffff;
	v40 =	vmin.u32 v6, $0x7D3;
	v48 =	vsel vm3, v1, v48;
	vm3 =	vlt.f32 v50, v43  }
0x26a: {  	v54 =	vadd.s32 $0xFFFFFFFF, v40;
	v1 =	vld.idx.msk [tilespmem:v60+s25+$0x0], $0xffff;
	v50 =	vsel vm3, v9, v51;
	vm3 =	vlt.f32 v3, v42  }
0x26b: {  	v52 =	vadd.f32 v36, v52;
	v10 =	vshrl.u32 v50, $0x3;
	v13 =	vsel vm3, $0x1, v22  }
0x26c: {  	v11 =	vor.u32 $0x10, v58;
	v8 =	vadd.f32 v59, v57;
	v45 =	vor.u32 v13, v45  }
0x26d: {  	v0 =	vld.idx.msk [tilespmem:v47+s6+$0x0], $0xffff;
	v14 =	vshrl.u32 v48, $0x2;
	vm3 =	vlt.f32 v2, v41;
	v12 =	vperm.xlane v24, v45  }
0x26e: {  	v21 =	vmul.f32 v59, v21;
	v3 =	vadd.f32 v49, v53;
	v13 =	vld.idx.msk [tilespmem:v61+s6+$0x0], $0xffff;
	v46 =	vsel vm3, v11, v58  }
0x26f: {  	v7 =	vpop (erf);
	v11 =	vld.idx.msk [tilespmem:v54+s6+$0x0], $0xffff;
	v56 =	vmul.f32 v57, v1;
	v2 =	vshrl.u32 v46, $0x4;
	vm3 =	vlt.f32 v12, v42  }
0x270: {  	v36 =	vmul.f32 v7, v3;
	v45 =	vshll.u32 v45, $0x7;
	v6 =	vld.idx.msk [tilespmem:v10+s22+$0x0], $0xffff;
	v5 =	vsel vm3, $0x40, v22  }
0x271: {  	v3 =	vadd.s32 $0x2, v48;
	v1 =	vld.idx.msk [tilespmem:v40+s6+$0x0], $0xffff;
	v21 =	vadd.f32 v21, v56;
	v45 =	vor.u32 v5, v45  }
0x272: {  	v9 =	vpop (erf);
	v55 =	vld.idx.msk [tilespmem:v14+s23+$0x0], $0xffff;
	v10 =	vmax.f32 v0, v37;
	vm3 =	veq.f32 v8, $0.0e+00;
	v14 =	vshrl.u32 v45, $0x6  }
0x273: {  	v44 =	vld [tilespmem:s31+$0x20];
	v37 =	vmul.f32 v9, v52;
	v49 =	vmin.f32 v13, v10;
	v52 =	vsel vm3, $0x3F800000, v8  }
0x274: {  	v51 =	vsub.f32 v49, v0;
	v49 =	vsub.f32 v13, v49;
	v38 =	vmax.f32 v11, v38;
	v0 =	vld.idx.msk [tilespmem:v2+s21+$0x0], $0xffff  }
0x275: {  	v13 =	vor.u32 $0x8, v46;
	v2 =	vadd.s32 $0x4, v50;
	vm3 =	vlt.f32 v6, v43  }
0x276: {  	v47 =	vld.idx.msk [tilespmem:v47+s25+$0x0], $0xffff;
	v60 =	vor.u32 $0x20, v45;
	(erf) = vrcp.f32 v52;
	v6 =	vsel vm3, v2, v50  }
0x277: {  	v38 =	vmin.f32 v1, v38;
	vm3 =	vlt.f32 v55, v39;
	v4 =	vshrl.u32 v6, $0x2;
	v5 =	vld.idx.msk [tilespmem:v14+s19+$0x0], $0xffff  }
0x278: {  	v53 =	vsub.f32 v38, v11;
	v48 =	vsel vm3, v3, v48;
	vm3 =	vlt.f32 v26, v44  }
0x279: {  	v61 =	vld.idx.msk [tilespmem:v61+s25+$0x0], $0xffff;
	v38 =	vsub.f32 v1, v38;
	v12 =	vsel vm3, $0x8, v22;
	vm3 =	vlt.f32 v0, v41  }
0x27a: {  	v8 =	vld.idx.msk [tilespmem:v54+s25+$0x0], $0xffff;
	v7 =	vshrl.u32 v48, $0x1;
	v46 =	vsel vm3, v13, v46;
	v14 =	vor.u32 $0x3, v12  }
0x27b: {  	v47 =	vmul.f32 v51, v47;
	v9 =	vshrl.u32 v46, $0x3;
	v57 =	vperm.xlane v23, v14  }
0x27c: {  	v55 =	vadd.f32 v49, v51;
	v1 =	vadd.f32 v38, v53;
	v50 =	vld.idx.msk [tilespmem:v4+s23+$0x0], $0xffff;
	vm3 =	vlt.f32 v5, v42  }
0x27d: {  	v0 =	vor.u32 $0x4, v12;
	v58 =	vsel vm3, v60, v45;
	vm3 =	vlt.f32 v57, v44  }
0x27e: {  	v40 =	vld.idx.msk [tilespmem:v40+s25+$0x0], $0xffff;
	v49 =	vmul.f32 v49, v61;
	v45 =	vsel vm3, v0, v12;
	v3 =	vshrl.u32 v58, $0x5  }
0x27f: {  	v53 =	vmul.f32 v53, v8;
	v2 =	vld.idx.msk [tilespmem:v7+s24+$0x0], $0xffff;
	vm3 =	veq.f32 v55, $0.0e+00;
	v7 =	vor.u32 $0x1, v45  }
0x280: {  	v55 =	vsel vm3, $0x3F800000, v55;
	vm3 =	veq.f32 v1, $0.0e+00;
	v9 =	vld.idx.msk [tilespmem:v9+s22+$0x0], $0xffff;
	v62 =	vperm.xlane v23, v7  }
0x281: {  	v11 =	vadd.s32 $0x2, v6;
	v57 =	vsel vm3, $0x3F800000, v1;
	vm3 =	vlt.f32 v50, v43  }
0x282: {  	v12 =	vor.u32 $0x2, v45;
	v6 =	vsel vm3, v11, v6;
	vm3 =	vlt.f32 v62, v44  }
0x283: {  	v40 =	vmul.f32 v38, v40;
	v50 =	vsel vm3, v12, v45;
	v13 =	vshrl.u32 v6, $0x1;
	v0 =	vld.idx.msk [tilespmem:v3+s20+$0x0], $0xffff  }
0x284: {  	v5 =	vor.u32 $0x10, v58;
	vm3 =	vlt.f32 v2, v39;
	v45 =	vld [tilespmem:s31+$0x30];
	v1 =	vperm.xlane v23, v50  }
0x285: {  	v2 =	vadd.s32 $0x4, v46;
	v14 =	vsel vm3, $0x1, v22;
	vm3 =	vlt.f32 v9, v41  }
0x286: {  	v48 =	vadd.s32 v14, v48;
	v9 =	vsel vm3, v2, v46;
	vm3 =	vlt.f32 v1, v44  }
0x287: {  	v48 =	vmax.u32 v48, $0x1;
	v4 =	vshrl.u32 v9, $0x2;
	v3 =	vsel vm3, $0x1, v22  }
0x288: {  	v48 =	vmin.u32 v48, $0x7D3;
	v59 =	vld.idx.msk [tilespmem:v13+s24+$0x0], $0xffff;
	v46 =	vor.u32 v3, v50;
	vm3 =	vlt.f32 v0, v42  }
0x289: {  	v7 =	vperm.xlane v24, v46;
	v50 =	vsel vm3, v5, v58;
	vm3 =	vlt.f32 v26, v45  }
0x28a: {  	v47 =	vadd.f32 v49, v47;
	v52 =	vadd.s32 $0xFFFFFFFF, v48;
	v10 =	vsel vm3, $0x8, v22  }
0x28b: {  	v13 =	vshrl.u32 v50, $0x4;
	vm3 =	vlt.f32 v7, v44;
	v0 =	vor.u32 $0x3, v10  }
0x28c: {  	v46 =	vshll.u32 v46, $0x7;
	v14 =	vsel vm3, $0x40, v22;
	v1 =	vperm.xlane v23, v0  }
0x28d: {  	v60 =	vld.idx.msk [tilespmem:v4+s23+$0x0], $0xffff;
	v11 =	vor.u32 $0x4, v10;
	vm3 =	vlt.f32 v59, v43;
	v58 =	vor.u32 v14, v46  }
0x28e: {  	v12 =	vld.idx.msk [tilespmem:v48+s6+$0x0], $0xffff;
	v2 =	vsel vm3, $0x1, v22;
	v3 =	vshrl.u32 v58, $0x6;
	vm3 =	vlt.f32 v1, v45  }
0x28f: {  	v40 =	vadd.f32 v40, v53;
	(erf) = vrcp.f32 v55;
	v62 =	vld.idx.msk [tilespmem:v52+s6+$0x0], $0xffff;
	v54 =	vsel vm3, v11, v10  }
0x290: {  	(erf) = vrcp.f32 v57;
	v63 =	vadd.s32 $0x2, v9;
	v13 =	vld.idx.msk [tilespmem:v13+s21+$0x0], $0xffff;
	v46 =	vor.u32 $0x1, v54  }
0x291: {  	v6 =	vadd.s32 v2, v6;
	v2 =	vor.u32 $0x8, v50;
	v14 =	vperm.xlane v23, v46  }
0x292: {  	v6 =	vmax.u32 v6, $0x1;
	vm3 =	vlt.f32 v60, v41;
	v1 =	vor.u32 $0x2, v54  }
0x293: {  	v46 =	vmin.u32 v6, $0x7D3;
	v9 =	vsel vm3, v63, v9;
	v0 =	vld.idx.msk [tilespmem:v3+s19+$0x0], $0xffff;
	vm3 =	vlt.f32 v14, v45  }
0x294: {  	v39 =	vmax.f32 v62, v39;
	v6 =	vadd.s32 $0xFFFFFFFF, v46;
	v54 =	vsel vm3, v1, v54  }
0x295: {  	v39 =	vmin.f32 v12, v39;
	vm3 =	vlt.f32 v13, v42;
	v55 =	vperm.xlane v23, v54  }
0x296: {  	v3 =	vshrl.u32 v9, $0x1;
	v57 =	vsub.f32 v39, v62;
	v49 =	vsel vm3, v2, v50  }
0x297: {  	v52 =	vld.idx.msk [tilespmem:v52+s25+$0x0], $0xffff;
	v50 =	vsub.f32 v12, v39;
	v4 =	vshrl.u32 v49, $0x3;
	vm3 =	vlt.f32 v55, v45  }
0x298: {  	v51 =	vld [tilespmem:s31+$0x40];
	v8 =	vpop (erf);
	v7 =	vor.u32 $0x20, v58;
	v5 =	vsel vm3, $0x1, v22;
	vm3 =	vlt.f32 v0, v44  }
0x299: {  	v48 =	vld.idx.msk [tilespmem:v48+s25+$0x0], $0xffff;
	v11 =	vpop (erf);
	v10 =	vadd.f32 v50, v57;
	v55 =	vsel vm3, v7, v58;
	v54 =	vor.u32 v5, v54  }
0x29a: {  	v38 =	vmul.f32 v8, v21;
	v1 =	vpop (erf);
	v12 =	vld.idx.msk [tilespmem:v6+s6+$0x0], $0xffff;
	v13 =	vshrl.u32 v55, $0x5;
	v14 =	vperm.xlane v24, v54  }
0x29b: {  	v39 =	vmul.f32 v11, v47;
	v40 =	vmul.f32 v1, v40;
	v21 =	vld.idx.msk [tilespmem:v3+s24+$0x0], $0xffff;
	vm3 =	veq.f32 v10, $0.0e+00  }
0x29c: {  	v52 =	vmul.f32 v57, v52;
	v47 =	vsel vm3, $0x3F800000, v10;
	v0 =	vld.idx.msk [tilespmem:v4+s22+$0x0], $0xffff;
	vm3 =	vlt.f32 v14, v45  }
0x29d: {  	v54 =	vshll.u32 v54, $0x7;
	v2 =	vsel vm3, $0x40, v22;
	vm3 =	vlt.f32 v26, v51  }
0x29e: {  	v60 =	vld.idx.msk [tilespmem:v46+s6+$0x0], $0xffff;
	v48 =	vmul.f32 v50, v48;
	v54 =	vor.u32 v2, v54;
	v3 =	vsel vm3, $0x8, v22  }
0x29f: {  	(erf) = vrcp.f32 v47;
	v4 =	vld.idx.msk [tilespmem:v13+s20+$0x0], $0xffff;
	v5 =	vshrl.u32 v54, $0x6;
	v7 =	vor.u32 $0x3, v3  }
0x2a0: {  	v53 =	vld [tilespmem:s31+$0x50];
	v43 =	vmax.f32 v12, v43;
	vm3 =	vlt.f32 v21, v41;
	v21 =	vperm.xlane v23, v7  }
0x2a1: {  	v8 =	vsel vm3, $0x1, v22;
	v13 =	vadd.s32 $0x4, v49;
	vm3 =	vlt.f32 v0, v42  }
0x2a2: {  	v49 =	vsel vm3, v13, v49;
	vm3 =	vlt.f32 v21, v51;
	v21 =	vor.u32 $0x4, v3  }
0x2a3: {  	v14 =	vor.u32 $0x10, v55;
	v43 =	vmin.f32 v60, v43;
	v21 =	vsel vm3, v21, v3  }
0x2a4: {  	v56 =	vshrl.u32 v49, $0x2;
	vm3 =	vlt.f32 v4, v44;
	v0 =	vld.idx.msk [tilespmem:v5+s19+$0x0], $0xffff;
	v1 =	vor.u32 $0x1, v21  }
0x2a5: {  	v55 =	vsel vm3, v14, v55;
	v2 =	vperm.xlane v23, v1;
	vm3 =	vlt.f32 v26, v53  }
0x2a6: {  	v58 =	vsub.f32 v43, v12;
	v59 =	vsub.f32 v60, v43;
	v3 =	vsel vm3, $0x8, v22  }
0x2a7: {  	v4 =	vor.u32 $0x2, v21;
	vm3 =	vlt.f32 v2, v51;
	v5 =	vor.u32 $0x3, v3  }
0x2a8: {  	v11 =	vor.u32 $0x20, v54;
	v21 =	vsel vm3, v4, v21;
	v10 =	vperm.xlane v23, v5  }
0x2a9: {  	v7 =	vshrl.u32 v55, $0x4;
	v56 =	vld.idx.msk [tilespmem:v56+s23+$0x0], $0xffff;
	vm3 =	vlt.f32 v0, v45;
	v12 =	vperm.xlane v23, v21  }
0x2aa: {  	v13 =	vor.u32 $0x4, v3;
	v54 =	vsel vm3, v11, v54;
	vm3 =	vlt.f32 v10, v53  }
0x2ab: {  	v6 =	vld.idx.msk [tilespmem:v6+s25+$0x0], $0xffff;
	v43 =	vadd.f32 v48, v52;
	v50 =	vsel vm3, v13, v3;
	vm3 =	vlt.f32 v12, v51  }
0x2ac: {  	v14 =	vshrl.u32 v54, $0x5;
	v0 =	vsel vm3, $0x1, v22;
	v1 =	vor.u32 $0x1, v50  }
0x2ad: {  	v9 =	vadd.s32 v8, v9;
	v21 =	vor.u32 v0, v21;
	v3 =	vperm.xlane v23, v1  }
0x2ae: {  	v4 =	vadd.s32 $0x2, v49;
	v2 =	vld.idx.msk [tilespmem:v7+s21+$0x0], $0xffff;
	vm3 =	vlt.f32 v56, v42;
	v5 =	vperm.xlane v24, v21  }
0x2af: {  	v7 =	vor.u32 $0x2, v50;
	v49 =	vsel vm3, v4, v49;
	vm3 =	vlt.f32 v3, v53  }
0x2b0: {  	v6 =	vmul.f32 v58, v6;
	v56 =	vsel vm3, v7, v50;
	vm3 =	vlt.f32 v5, v51  }
0x2b1: {  	v9 =	vmax.u32 v9, $0x1;
	v21 =	vshll.u32 v21, $0x7;
	v57 =	vld.idx.msk [tilespmem:v14+s20+$0x0], $0xffff;
	v10 =	vsel vm3, $0x40, v22  }
0x2b2: {  	v9 =	vmin.u32 v9, $0x7D3;
	v50 =	vld [tilespmem:s31+$0x60];
	v11 =	vperm.xlane v23, v56;
	v21 =	vor.u32 v10, v21  }
0x2b3: {  	v46 =	vld.idx.msk [tilespmem:v46+s25+$0x0], $0xffff;
	v12 =	vor.u32 $0x8, v55;
	vm3 =	vlt.f32 v2, v44;
	v13 =	vshrl.u32 v21, $0x6  }
0x2b4: {  	v60 =	vadd.s32 $0xFFFFFFFF, v9;
	v55 =	vsel vm3, v12, v55;
	vm3 =	vlt.f32 v11, v53  }
0x2b5: {  	v0 =	vshrl.u32 v49, $0x1;
	v2 =	vor.u32 $0x10, v54;
	v14 =	vsel vm3, $0x1, v22  }
0x2b6: {  	v1 =	vshrl.u32 v55, $0x3;
	v56 =	vor.u32 v14, v56;
	vm3 =	vlt.f32 v57, v45  }
0x2b7: {  	v10 =	vperm.xlane v24, v56;
	v48 =	vsel vm3, v2, v54;
	vm3 =	vlt.f32 v26, v50  }
0x2b8: {  	v3 =	vadd.f32 v59, v58;
	v59 =	vmul.f32 v59, v46;
	v5 =	vsel vm3, $0x8, v22;
	v4 =	vld.idx.msk [tilespmem:v13+s19+$0x0], $0xffff  }
0x2b9: {  	v7 =	vshrl.u32 v48, $0x4;
	vm3 =	vlt.f32 v10, v53;
	v12 =	vor.u32 $0x3, v5  }
0x2ba: {  	v62 =	vld.idx.msk [tilespmem:v0+s24+$0x0], $0xffff;
	v56 =	vshll.u32 v56, $0x7;
	v11 =	vsel vm3, $0x40, v22;
	v12 =	vperm.xlane v23, v12  }
0x2bb: {  	v52 =	vld.idx.msk [tilespmem:v1+s22+$0x0], $0xffff;
	v8 =	vor.u32 $0x4, v5;
	vm3 =	veq.f32 v3, $0.0e+00;
	v11 =	vor.u32 v11, v56  }
0x2bc: {  	v47 =	vsel vm3, $0x3F800000, v3;
	v56 =	vshrl.u32 v11, $0x6;
	vm3 =	vlt.f32 v12, v50  }
0x2bd: {  	v0 =	vor.u32 $0x20, v21;
	v10 =	vld.idx.msk [tilespmem:v60+s6+$0x0], $0xffff;
	v12 =	vsel vm3, v8, v5;
	vm3 =	vlt.f32 v4, v51  }
0x2be: {  	v6 =	vadd.f32 v59, v6;
	v1 =	vld.idx.msk [tilespmem:v7+s21+$0x0], $0xffff;
	v2 =	vor.u32 $0x1, v12;
	v21 =	vsel vm3, v0, v21  }
0x2bf: {  	vm3 =	vlt.f32 v62, v42;
	v54 =	vperm.xlane v23, v2;
	v3 =	vshrl.u32 v21, $0x5  }
0x2c0: {  	v13 =	vadd.s32 $0x4, v55;
	v62 =	vsel vm3, $0x1, v22;
	vm3 =	vlt.f32 v52, v44  }
0x2c1: {  	v14 =	vor.u32 $0x2, v12;
	v52 =	vsel vm3, v13, v55;
	v55 =	vld.idx.msk [tilespmem:v56+s19+$0x0], $0xffff;
	vm3 =	vlt.f32 v54, v50  }
0x2c2: {  	v41 =	vmax.f32 v10, v41;
	v49 =	vadd.s32 v62, v49;
	v12 =	vsel vm3, v14, v12  }
0x2c3: {  	v63 =	vld.idx.msk [tilespmem:v9+s6+$0x0], $0xffff;
	v56 =	vshrl.u32 v52, $0x2;
	vm3 =	vlt.f32 v1, v45;
	v1 =	vperm.xlane v23, v12  }
0x2c4: {  	v4 =	vor.u32 $0x20, v11;
	v0 =	vor.u32 $0x8, v48;
	v49 =	vmax.u32 v49, $0x1;
	v2 =	vld.idx.msk [tilespmem:v3+s20+$0x0], $0xffff  }
0x2c5: {  	v48 =	vsel vm3, v0, v48;
	v49 =	vmin.u32 v49, $0x7D3;
	vm3 =	vlt.f32 v1, v50  }
0x2c6: {  	v3 =	vshrl.u32 v48, $0x3;
	v57 =	vsel vm3, $0x1, v22;
	vm3 =	vlt.f32 v55, v53  }
0x2c7: {  	v9 =	vld.idx.msk [tilespmem:v9+s25+$0x0], $0xffff;
	v61 =	vadd.s32 $0xFFFFFFFF, v49;
	v11 =	vsel vm3, v4, v11;
	v12 =	vor.u32 v57, v12  }
0x2c8: {  	v41 =	vmin.f32 v63, v41;
	v5 =	vld.idx.msk [tilespmem:v56+s23+$0x0], $0xffff;
	v7 =	vshrl.u32 v11, $0x5;
	v57 =	vperm.xlane v24, v12  }
0x2c9: {  	v60 =	vld.idx.msk [tilespmem:v60+s25+$0x0], $0xffff;
	v10 =	vsub.f32 v41, v10;
	vm3 =	vlt.f32 v2, v51;
	v2 =	vor.u32 $0x10, v21  }
0x2ca: {  	v46 =	vld [tilespmem:s31+$0x70];
	v41 =	vsub.f32 v63, v41;
	v21 =	vsel vm3, v2, v21;
	vm3 =	vlt.f32 v57, v50  }
0x2cb: {  	v12 =	vshll.u32 v12, $0x7;
	v54 =	vld.idx.msk [tilespmem:v3+s22+$0x0], $0xffff;
	v3 =	vshrl.u32 v21, $0x4;
	v14 =	vsel vm3, $0x40, v22  }
0x2cc: {  	(erf) = vrcp.f32 v47;
	v0 =	vadd.f32 v41, v10;
	v55 =	vld.idx.msk [tilespmem:v61+s6+$0x0], $0xffff;
	v12 =	vor.u32 v14, v12  }
0x2cd: {  	v1 =	vadd.s32 $0x2, v52;
	vm3 =	vlt.f32 v5, v44;
	v56 =	vld.idx.msk [tilespmem:v7+s20+$0x0], $0xffff;
	v58 =	vshrl.u32 v12, $0x6  }
0x2ce: {  	v9 =	vmul.f32 v41, v9;
	v10 =	vmul.f32 v10, v60;
	v52 =	vsel vm3, v1, v52  }
0x2cf: {  	v13 =	vadd.s32 $0x4, v48;
	v59 =	vld.idx.msk [tilespmem:v49+s6+$0x0], $0xffff;
	vm3 =	veq.f32 v0, $0.0e+00;
	v2 =	vshrl.u32 v52, $0x1  }
0x2d0: {  	v1 =	vor.u32 $0x8, v21;
	v47 =	vsel vm3, $0x3F800000, v0;
	vm3 =	vlt.f32 v54, v45;
	v57 =	vld.idx.msk [tilespmem:v3+s21+$0x0], $0xffff  }
0x2d1: {  	v42 =	vmax.f32 v55, v42;
	v41 =	vsel vm3, v13, v48;
	vm3 =	vlt.f32 v26, v46  }
0x2d2: {  	v14 =	vsel vm3, $0x8, v22;
	v3 =	vor.u32 $0x10, v11;
	vm3 =	vlt.f32 v56, v53;
	v4 =	vld.idx.msk [tilespmem:v58+s19+$0x0], $0xffff  }
0x2d3: {  	v5 =	vshrl.u32 v41, $0x2;
	v7 =	vor.u32 $0x3, v14;
	v11 =	vsel vm3, v3, v11  }
0x2d4: {  	v42 =	vmin.f32 v59, v42;
	v8 =	vld.idx.msk [tilespmem:v2+s24+$0x0], $0xffff;
	v54 =	vperm.xlane v23, v7;
	v0 =	vshrl.u32 v11, $0x4  }
0x2d5: {  	(erf) = vrcp.f32 v47;
	v47 =	vsub.f32 v42, v55;
	vm3 =	vlt.f32 v57, v51  }
0x2d6: {  	v2 =	vor.u32 $0x4, v14;
	v21 =	vsel vm3, v1, v21;
	vm3 =	vlt.f32 v54, v46  }
0x2d7: {  	v3 =	vor.u32 $0x20, v12;
	v48 =	vsel vm3, v2, v14;
	vm3 =	vlt.f32 v4, v50  }
0x2d8: {  	v4 =	vld.idx.msk [tilespmem:v5+s23+$0x0], $0xffff;
	v57 =	vshrl.u32 v21, $0x3;
	v12 =	vsel vm3, v3, v12;
	v5 =	vor.u32 $0x1, v48  }
0x2d9: {  	vm3 =	vlt.f32 v8, v44;
	v7 =	vld.idx.msk [tilespmem:v0+s21+$0x0], $0xffff;
	v8 =	vshrl.u32 v12, $0x5;
	v54 =	vperm.xlane v23, v5  }
0x2da: {  	v55 =	vsub.f32 v59, v42;
	v63 =	vadd.s32 $0x2, v41;
	v13 =	vsel vm3, $0x1, v22  }
0x2db: {  	v14 =	vor.u32 $0x2, v48;
	v52 =	vadd.s32 v13, v52;
	vm3 =	vlt.f32 v54, v46  }
0x2dc: {  	v2 =	vor.u32 $0x8, v11;
	v62 =	vmax.u32 v52, $0x1;
	v48 =	vsel vm3, v14, v48  }
0x2dd: {  	vm3 =	vlt.f32 v4, v45;
	v0 =	vld.idx.msk [tilespmem:v57+s22+$0x0], $0xffff;
	v56 =	vmin.u32 v62, $0x7D3;
	v1 =	vperm.xlane v23, v48  }
0x2de: {  	v52 =	vsel vm3, v63, v41;
	vm3 =	vlt.f32 v7, v53;
	v60 =	vadd.s32 $0xFFFFFFFF, v56;
	v3 =	vld.idx.msk [tilespmem:v8+s20+$0x0], $0xffff  }
0x2df: {  	v4 =	vshrl.u32 v52, $0x1;
	v11 =	vsel vm3, v2, v11;
	vm3 =	vlt.f32 v1, v46  }
0x2e0: {  	v9 =	vadd.f32 v9, v10;
	v49 =	vld.idx.msk [tilespmem:v49+s25+$0x0], $0xffff;
	v41 =	vshrl.u32 v11, $0x3;
	v5 =	vsel vm3, $0x1, v22  }
0x2e1: {  	v59 =	vadd.f32 v55, v47;
	v7 =	vadd.s32 $0x4, v21;
	v42 =	vor.u32 v5, v48;
	v48 =	vld.idx.msk [tilespmem:v61+s25+$0x0], $0xffff  }
0x2e2: {  	v63 =	vor.u32 $0x10, v12;
	vm3 =	vlt.f32 v0, v51;
	v54 =	vld.idx.msk [tilespmem:v56+s6+$0x0], $0xffff;
	v8 =	vperm.xlane v24, v42  }
0x2e3: {  	v21 =	vsel vm3, v7, v21;
	v7 =	vshll.u32 v42, $0x7;
	v10 =	vld.idx.msk [tilespmem:v60+s6+$0x0], $0xffff;
	vm3 =	vlt.f32 v3, v50  }
0x2e4: {  	v1 =	vpop (erf);
	v57 =	vld.idx.msk [tilespmem:v4+s24+$0x0], $0xffff;
	v0 =	vshrl.u32 v21, $0x2;
	v12 =	vsel vm3, v63, v12;
	vm3 =	vlt.f32 v8, v46  }
0x2e5: {  	v43 =	vmul.f32 v1, v43;
	v14 =	vpop (erf);
	v2 =	vld.idx.msk [tilespmem:v41+s22+$0x0], $0xffff;
	v3 =	vshrl.u32 v12, $0x4;
	v13 =	vsel vm3, $0x40, v22  }
0x2e6: {  	v42 =	vmul.f32 v14, v6;
	v41 =	vpop (erf);
	vm3 =	veq.f32 v59, $0.0e+00;
	v63 =	vor.u32 v13, v7  }
0x2e7: {  	v41 =	vmul.f32 v41, v9;
	v59 =	vsel vm3, $0x3F800000, v59;
	v13 =	vshrl.u32 v63, $0x6  }
0x2e8: {  	v56 =	vld.idx.msk [tilespmem:v56+s25+$0x0], $0xffff;
	v9 =	vmul.f32 v47, v48;
	v47 =	vmul.f32 v55, v49;
	v44 =	vmax.f32 v10, v44  }
0x2e9: {  	(erf) = vrcp.f32 v59;
	vm3 =	vlt.f32 v57, v45;
	v0 =	vld.idx.msk [tilespmem:v0+s23+$0x0], $0xffff;
	v44 =	vmin.f32 v54, v44  }
0x2ea: {  	v1 =	vsel vm3, $0x1, v22;
	vm3 =	vlt.f32 v2, v53;
	v2 =	vadd.s32 $0x4, v11;
	v3 =	vld.idx.msk [tilespmem:v3+s21+$0x0], $0xffff  }
0x2eb: {  	v61 =	vld.idx.msk [tilespmem:v60+s25+$0x0], $0xffff;
	v10 =	vsub.f32 v44, v10;
	v48 =	vadd.s32 v1, v52;
	v11 =	vsel vm3, v2, v11  }
0x2ec: {  	v44 =	vsub.f32 v54, v44;
	v48 =	vmax.u32 v48, $0x1;
	v49 =	vshrl.u32 v11, $0x2;
	v13 =	vld.idx.msk [tilespmem:v13+s19+$0x0], $0xffff  }
0x2ed: {  	v62 =	vadd.s32 $0x2, v21;
	v2 =	vor.u32 $0x20, v63;
	v52 =	vmin.u32 v48, $0x7D3;
	v48 =	vld [tilespmem:s31+$0x80]  }
0x2ee: {  	v55 =	vadd.f32 v44, v10;
	v57 =	vadd.s32 $0xFFFFFFFF, v52;
	vm3 =	vlt.f32 v0, v51  }
0x2ef: {  	v6 =	vsel vm3, v62, v21;
	v21 =	vor.u32 $0x8, v12;
	vm3 =	vlt.f32 v3, v50  }
0x2f0: {  	v10 =	vmul.f32 v10, v61;
	v0 =	vshrl.u32 v6, $0x1;
	v12 =	vsel vm3, v21, v12  }
0x2f1: {  	v56 =	vmul.f32 v44, v56;
	v21 =	vld.idx.msk [tilespmem:v49+s23+$0x0], $0xffff;
	v1 =	vshrl.u32 v12, $0x3;
	vm3 =	vlt.f32 v13, v46  }
0x2f2: {  	v9 =	vadd.f32 v47, v9;
	v13 =	vsel vm3, v2, v63;
	vm3 =	vlt.f32 v26, v48  }
0x2f3: {  	v10 =	vadd.f32 v56, v10;
	v4 =	vpop (erf);
	v54 =	vld.idx.msk [tilespmem:v57+s6+$0x0], $0xffff;
	v3 =	vsel vm3, $0x8, v22  }
0x2f4: {  	v60 =	vld.idx.msk [tilespmem:v52+s6+$0x0], $0xffff;
	v44 =	vmul.f32 v4, v9;
	v5 =	vshrl.u32 v13, $0x5;
	v7 =	vor.u32 $0x3, v3  }
0x2f5: {  	v59 =	vadd.s32 $0x4, v12;
	vm3 =	veq.f32 v55, $0.0e+00;
	v63 =	vld.idx.msk [tilespmem:v0+s24+$0x0], $0xffff;
	v0 =	vperm.xlane v23, v7  }
0x2f6: {  	v14 =	vsel vm3, $0x3F800000, v55;
	vm3 =	vlt.f32 v21, v53;
	v21 =	vadd.s32 $0x2, v11;
	v49 =	vld.idx.msk [tilespmem:v1+s22+$0x0], $0xffff  }
0x2f7: {  	v11 =	vsel vm3, v21, v11;
	v21 =	vor.u32 $0x4, v3;
	vm3 =	vlt.f32 v0, v48  }
0x2f8: {  	v45 =	vmax.f32 v54, v45;
	v1 =	vshrl.u32 v11, $0x1;
	v21 =	vsel vm3, v21, v3  }
0x2f9: {  	v0 =	vor.u32 $0x10, v13;
	v2 =	vmin.f32 v60, v45;
	v3 =	vld.idx.msk [tilespmem:v5+s20+$0x0], $0xffff;
	v47 =	vor.u32 $0x1, v21  }
0x2fa: {  	v58 =	vsub.f32 v2, v54;
	vm3 =	vlt.f32 v63, v51;
	v47 =	vperm.xlane v23, v47  }
0x2fb: {  	v52 =	vld.idx.msk [tilespmem:v52+s25+$0x0], $0xffff;
	v61 =	vor.u32 $0x2, v21;
	v8 =	vsel vm3, $0x1, v22;
	vm3 =	vlt.f32 v49, v50  }
0x2fc: {  	v6 =	vadd.s32 v8, v6;
	v12 =	vsel vm3, v59, v12;
	vm3 =	vlt.f32 v47, v48;
	v47 =	vld [tilespmem:s31+$0x90]  }
0x2fd: {  	v9 =	vsub.f32 v60, v2;
	v6 =	vmax.u32 v6, $0x1;
	v21 =	vsel vm3, v61, v21  }
0x2fe: {  	v62 =	vld.idx.msk [tilespmem:v1+s24+$0x0], $0xffff;
	v63 =	vshrl.u32 v12, $0x2;
	vm3 =	vlt.f32 v3, v46;
	v49 =	vperm.xlane v23, v21  }
0x2ff: {  	(erf) = vrcp.f32 v14;
	v54 =	vmin.u32 v6, $0x7D3;
	v13 =	vsel vm3, v0, v13  }
0x300: {  	v61 =	vadd.f32 v9, v58;
	v6 =	vshrl.u32 v13, $0x4;
	vm3 =	vlt.f32 v49, v48  }
0x301: {  	v9 =	vmul.f32 v9, v52;
	v1 =	vsel vm3, $0x1, v22;
	vm3 =	vlt.f32 v26, v47  }
0x302: {  	v56 =	vadd.s32 $0xFFFFFFFF, v54;
	v49 =	vsel vm3, $0x8, v22;
	v21 =	vor.u32 v1, v21  }
0x303: {  	vm3 =	vlt.f32 v62, v53;
	v55 =	vld.idx.msk [tilespmem:v63+s23+$0x0], $0xffff;
	v3 =	vperm.xlane v24, v21;
	v14 =	vor.u32 $0x3, v49  }
0x304: {  	v2 =	vsel vm3, $0x1, v22;
	v21 =	vshll.u32 v21, $0x7;
	v0 =	vperm.xlane v23, v14  }
0x305: {  	v1 =	vor.u32 $0x4, v49;
	v11 =	vadd.s32 v2, v11;
	v6 =	vld.idx.msk [tilespmem:v6+s21+$0x0], $0xffff;
	vm3 =	vlt.f32 v3, v48  }
0x306: {  	v57 =	vld.idx.msk [tilespmem:v57+s25+$0x0], $0xffff;
	v2 =	vadd.s32 $0x2, v12;
	v59 =	vsel vm3, $0x40, v22;
	vm3 =	vlt.f32 v0, v47  }
0x307: {  	v11 =	vmax.u32 v11, $0x1;
	v49 =	vsel vm3, v1, v49;
	v21 =	vor.u32 v59, v21;
	v59 =	vld.idx.msk [tilespmem:v56+s6+$0x0], $0xffff  }
0x308: {  	v14 =	vld.idx.msk [tilespmem:v54+s6+$0x0], $0xffff;
	vm3 =	vlt.f32 v55, v50;
	v3 =	vshrl.u32 v21, $0x6;
	v7 =	vor.u32 $0x1, v49  }
0x309: {  	v55 =	vmin.u32 v11, $0x7D3;
	v11 =	vsel vm3, v2, v12;
	v62 =	vperm.xlane v23, v7  }
0x30a: {  	v63 =	vor.u32 $0x8, v13;
	v15 =	vshrl.u32 v11, $0x1;
	vm3 =	vlt.f32 v6, v46  }
0x30b: {  	v0 =	vpop (erf);
	v1 =	vor.u32 $0x2, v49;
	v13 =	vsel vm3, v63, v13;
	vm3 =	vlt.f32 v62, v47  }
0x30c: {  	v45 =	vmul.f32 v0, v10;
	v10 =	vsel vm3, v1, v49;
	v49 =	vld [tilespmem:s31+$0xA0];
	v2 =	vmax.f32 v59, v51  }
0x30d: {  	v12 =	vmul.f32 v58, v57;
	v62 =	vadd.s32 $0xFFFFFFFF, v55;
	v3 =	vld.idx.msk [tilespmem:v3+s19+$0x0], $0xffff;
	v6 =	vmin.f32 v14, v2  }
0x30e: {  	vm3 =	veq.f32 v61, $0.0e+00;
	v0 =	vperm.xlane v23, v10;
	v63 =	vsub.f32 v6, v59  }
0x30f: {  	v6 =	vsub.f32 v14, v6;
	v1 =	vld.idx.msk [tilespmem:v15+s24+$0x0], $0xffff;
	v15 =	vshrl.u32 v13, $0x3;
	v59 =	vsel vm3, $0x3F800000, v61  }
0x310: {  	v51 =	vadd.f32 v9, v12;
	vm3 =	vlt.f32 v0, v47;
	(erf) = vrcp.f32 v59  }
0x311: {  	v9 =	vadd.f32 v6, v63;
	v52 =	vsel vm3, $0x1, v22;
	vm3 =	vlt.f32 v26, v49  }
0x312: {  	v10 =	vor.u32 v52, v10;
	v52 =	vld [tilespmem:s31+$0xB0];
	v2 =	vsel vm3, $0x8, v22;
	vm3 =	vlt.f32 v3, v48  }
0x313: {  	v12 =	vld.idx.msk [tilespmem:v62+s6+$0x0], $0xffff;
	v3 =	vor.u32 $0x20, v21;
	v4 =	vperm.xlane v24, v10;
	v5 =	vor.u32 $0x3, v2  }
0x314: {  	v21 =	vsel vm3, v3, v21;
	vm3 =	vlt.f32 v1, v50;
	v7 =	vld.idx.msk [tilespmem:v15+s22+$0x0], $0xffff;
	v15 =	vperm.xlane v23, v5  }
0x315: {  	v0 =	vsel vm3, $0x1, v22;
	v1 =	vshrl.u32 v21, $0x5;
	vm3 =	vlt.f32 v4, v47  }
0x316: {  	v60 =	vsel vm3, $0x40, v22;
	vm3 =	vlt.f32 v15, v49;
	v15 =	vor.u32 $0x4, v2  }
0x317: {  	v10 =	vshll.u32 v10, $0x7;
	v15 =	vsel vm3, v15, v2;
	vm3 =	vlt.f32 v26, v52  }
0x318: {  	v16 =	vld.idx.msk [tilespmem:v55+s6+$0x0], $0xffff;
	v53 =	vmax.f32 v12, v53;
	v10 =	vor.u32 v60, v10;
	v2 =	vsel vm3, $0x8, v22  }
0x319: {  	v11 =	vadd.s32 v0, v11;
	v60 =	vshrl.u32 v10, $0x6;
	v5 =	vor.u32 $0x3, v2  }
0x31a: {  	vm3 =	vlt.f32 v7, v46;
	v7 =	vadd.s32 $0x4, v13;
	v14 =	vperm.xlane v23, v5  }
0x31b: {  	v11 =	vmax.u32 v11, $0x1;
	v0 =	vor.u32 $0x1, v15;
	v13 =	vsel vm3, v7, v13;
	v61 =	vld.idx.msk [tilespmem:v1+s20+$0x0], $0xffff  }
0x31c: {  	v1 =	vor.u32 $0x4, v2;
	v5 =	vperm.xlane v23, v0;
	vm3 =	vlt.f32 v14, v52  }
0x31d: {  	v53 =	vmin.f32 v16, v53;
	v57 =	vmin.u32 v11, $0x7D3;
	v2 =	vsel vm3, v1, v2  }
0x31e: {  	v8 =	vor.u32 $0x2, v15;
	vm3 =	vlt.f32 v5, v49;
	v14 =	vor.u32 $0x1, v2  }
0x31f: {  	v58 =	vadd.s32 $0xFFFFFFFF, v57;
	v60 =	vld.idx.msk [tilespmem:v60+s19+$0x0], $0xffff;
	v5 =	vsel vm3, v8, v15;
	v14 =	vperm.xlane v23, v14  }
0x320: {  	vm3 =	vlt.f32 v61, v48;
	v15 =	vor.u32 $0x10, v21;
	v0 =	vperm.xlane v23, v5  }
0x321: {  	v1 =	vor.u32 $0x2, v2;
	v15 =	vsel vm3, v15, v21;
	vm3 =	vlt.f32 v14, v52  }
0x322: {  	v21 =	vshrl.u32 v13, $0x2;
	v11 =	vsel vm3, v1, v2;
	vm3 =	vlt.f32 v0, v49  }
0x323: {  	v14 =	vshrl.u32 v15, $0x4;
	v61 =	vsel vm3, $0x1, v22;
	v1 =	vperm.xlane v23, v11  }
0x324: {  	v2 =	vor.u32 $0x20, v10;
	vm3 =	vlt.f32 v60, v47;
	v5 =	vor.u32 v61, v5  }
0x325: {  	v10 =	vsel vm3, v2, v10;
	v4 =	vperm.xlane v24, v5;
	vm3 =	vlt.f32 v1, v52  }
0x326: {  	v1 =	vsub.f32 v53, v12;
	v12 =	vsub.f32 v16, v53;
	v16 =	vsel vm3, $0x1, v22  }
0x327: {  	v61 =	vld.idx.msk [tilespmem:v58+s6+$0x0], $0xffff;
	v0 =	vshrl.u32 v10, $0x5;
	vm3 =	vlt.f32 v4, v49;
	v11 =	vor.u32 v16, v11  }
0x328: {  	v5 =	vshll.u32 v5, $0x7;
	v16 =	vld.idx.msk [tilespmem:v21+s23+$0x0], $0xffff;
	v21 =	vsel vm3, $0x40, v22;
	v53 =	vperm.xlane v24, v11  }
0x329: {  	v2 =	vld.idx.msk [tilespmem:v57+s6+$0x0], $0xffff;
	v60 =	vadd.f32 v12, v1;
	vm3 =	veq.f32 v9, $0.0e+00;
	v5 =	vor.u32 v21, v5  }
0x32a: {  	v14 =	vld.idx.msk [tilespmem:v14+s21+$0x0], $0xffff;
	v9 =	vsel vm3, $0x3F800000, v9;
	v21 =	vshrl.u32 v5, $0x6;
	vm3 =	vlt.f32 v53, v52  }
0x32b: {  	v7 =	vadd.s32 $0x2, v13;
	v11 =	vshll.u32 v11, $0x7;
	v53 =	vld [tilespmem:s31+$0xC0];
	v3 =	vsel vm3, $0x40, v22  }
0x32c: {  	v59 =	vor.u32 $0x8, v15;
	v0 =	vld.idx.msk [tilespmem:v0+s20+$0x0], $0xffff;
	vm3 =	veq.f32 v60, $0.0e+00;
	v3 =	vor.u32 v3, v11  }
0x32d: {  	v4 =	vsel vm3, $0x3F800000, v60;
	vm3 =	vlt.f32 v16, v46;
	v16 =	vshrl.u32 v3, $0x6  }
0x32e: {  	v50 =	vmax.f32 v61, v50;
	(erf) = vrcp.f32 v9;
	v11 =	vsel vm3, v7, v13  }
0x32f: {  	v9 =	vmin.f32 v2, v50;
	vm3 =	vlt.f32 v14, v48;
	v13 =	vshrl.u32 v11, $0x1;
	v21 =	vld.idx.msk [tilespmem:v21+s19+$0x0], $0xffff  }
0x330: {  	v61 =	vsub.f32 v9, v61;
	v14 =	vsel vm3, v59, v15;
	vm3 =	vlt.f32 v26, v53  }
0x331: {  	v60 =	vor.u32 $0x10, v10;
	v15 =	vsel vm3, $0x8, v22;
	vm3 =	vlt.f32 v0, v47  }
0x332: {  	v50 =	vshrl.u32 v14, $0x3;
	v0 =	vsel vm3, v60, v10;
	v10 =	vld.idx.msk [tilespmem:v16+s19+$0x0], $0xffff;
	v16 =	vor.u32 $0x3, v15  }
0x333: {  	v7 =	vor.u32 $0x20, v5;
	v60 =	vshrl.u32 v0, $0x4;
	v16 =	vperm.xlane v23, v16  }
0x334: {  	(erf) = vrcp.f32 v4;
	v59 =	vsub.f32 v2, v9;
	v2 =	vld.idx.msk [tilespmem:v13+s24+$0x0], $0xffff;
	vm3 =	vlt.f32 v21, v49  }
0x335: {  	v13 =	vld.idx.msk [tilespmem:v56+s25+$0x0], $0xffff;
	v5 =	vsel vm3, v7, v5;
	vm3 =	vlt.f32 v16, v53;
	v7 =	vor.u32 $0x4, v15  }
0x336: {  	v21 =	vadd.f32 v59, v61;
	v16 =	vld.idx.msk [tilespmem:v54+s25+$0x0], $0xffff;
	v56 =	vshrl.u32 v5, $0x5;
	v9 =	vsel vm3, v7, v15  }
0x337: {  	v15 =	vld.idx.msk [tilespmem:v50+s22+$0x0], $0xffff;
	v7 =	vor.u32 $0x20, v3;
	vm3 =	vlt.f32 v10, v52;
	v54 =	vor.u32 $0x1, v9  }
0x338: {  	v10 =	vld.idx.msk [tilespmem:v60+s21+$0x0], $0xffff;
	v3 =	vsel vm3, v7, v3;
	vm3 =	veq.f32 v21, $0.0e+00;
	v50 =	vperm.xlane v23, v54  }
0x339: {  	v60 =	vsel vm3, $0x3F800000, v21;
	vm3 =	vlt.f32 v2, v46;
	v2 =	vshrl.u32 v3, $0x5  }
0x33a: {  	v54 =	vld [tilespmem:s31+$0xD0];
	v21 =	vsel vm3, $0x1, v22;
	vm3 =	vlt.f32 v50, v53;
	v50 =	vor.u32 $0x2, v9  }
0x33b: {  	v13 =	vmul.f32 v63, v13;
	v6 =	vmul.f32 v6, v16;
	v16 =	vld.idx.msk [tilespmem:v62+s25+$0x0], $0xffff;
	v9 =	vsel vm3, v50, v9  }
0x33c: {  	vm3 =	vlt.f32 v15, v48;
	v15 =	vadd.s32 $0x4, v14;
	v56 =	vld.idx.msk [tilespmem:v56+s20+$0x0], $0xffff;
	v50 =	vperm.xlane v23, v9  }
0x33d: {  	v7 =	vor.u32 $0x8, v0;
	v14 =	vsel vm3, v15, v14;
	vm3 =	vlt.f32 v10, v47  }
0x33e: {  	v13 =	vadd.f32 v6, v13;
	v6 =	vsel vm3, v7, v0;
	v0 =	vld.idx.msk [tilespmem:v2+s20+$0x0], $0xffff;
	vm3 =	vlt.f32 v50, v53  }
0x33f: {  	v8 =	vor.u32 $0x10, v3;
	v15 =	vpop (erf);
	v10 =	vsel vm3, $0x1, v22;
	vm3 =	vlt.f32 v26, v54  }
0x340: {  	v62 =	vld.idx.msk [tilespmem:v55+s25+$0x0], $0xffff;
	v11 =	vadd.s32 v21, v11;
	v50 =	vmul.f32 v15, v51;
	v63 =	vsel vm3, $0x8, v22  }
0x341: {  	v1 =	vmul.f32 v1, v16;
	vm3 =	vlt.f32 v56, v49;
	v56 =	vld [tilespmem:s31+$0xE0];
	v16 =	vor.u32 $0x3, v63  }
0x342: {  	v15 =	vor.u32 $0x10, v5;
	v9 =	vor.u32 v10, v9;
	v7 =	vperm.xlane v23, v16  }
0x343: {  	v5 =	vsel vm3, v15, v5;
	v15 =	vperm.xlane v24, v9;
	vm3 =	vlt.f32 v0, v52  }
0x344: {  	v55 =	vld [tilespmem:s31+$0xF0];
	v10 =	vor.u32 $0x4, v63;
	v0 =	vsel vm3, v8, v3;
	vm3 =	vlt.f32 v7, v54  }
0x345: {  	v11 =	vmax.u32 v11, $0x1;
	v3 =	vsel vm3, v10, v63;
	vm3 =	vlt.f32 v15, v53  }
0x346: {  	v2 =	vmul.f32 v12, v62;
	v10 =	vsel vm3, $0x40, v22;
	vm3 =	vlt.f32 v26, v56  }
0x347: {  	v11 =	vmin.u32 v11, $0x7D3;
	v62 =	vor.u32 $0x1, v3;
	v63 =	vsel vm3, $0x8, v22  }
0x348: {  	v1 =	vadd.f32 v2, v1;
	v12 =	vperm.xlane v23, v62;
	v7 =	vor.u32 $0x3, v63  }
0x349: {  	v8 =	vor.u32 $0x2, v3;
	vm3 =	vlt.f32 v26, v55;
	v2 =	vperm.xlane v23, v7  }
0x34a: {  	v15 =	vsel vm3, $0x8, v22;
	v62 =	vor.u32 $0x4, v63;
	vm3 =	vlt.f32 v12, v54  }
0x34b: {  	v51 =	vpop (erf);
	v12 =	vor.u32 $0x3, v15;
	v3 =	vsel vm3, v8, v3;
	vm3 =	vlt.f32 v2, v56  }
0x34c: {  	v51 =	vmul.f32 v51, v13;
	v4 =	vperm.xlane v23, v12;
	v2 =	vsel vm3, v62, v63  }
0x34d: {  	v9 =	vshll.u32 v9, $0x7;
	v12 =	vperm.xlane v23, v3;
	v13 =	vor.u32 $0x1, v2  }
0x34e: {  	vm3 =	vlt.f32 v4, v55;
	v63 =	vor.u32 $0x4, v15;
	v8 =	vperm.xlane v23, v13  }
0x34f: {  	v4 =	vsel vm3, v63, v15;
	vm3 =	vlt.f32 v12, v54;
	v62 =	vor.u32 $0x2, v2  }
0x350: {  	v15 =	vsel vm3, $0x1, v22;
	v16 =	vor.u32 $0x1, v4;
	vm3 =	vlt.f32 v8, v56  }
0x351: {  	v21 =	vshrl.u32 v5, $0x4;
	v16 =	vperm.xlane v23, v16;
	v2 =	vsel vm3, v62, v2  }
0x352: {  	v9 =	vor.u32 v10, v9;
	v13 =	vshrl.u32 v14, $0x2;
	v12 =	vperm.xlane v23, v2  }
0x353: {  	v3 =	vor.u32 v15, v3;
	v15 =	vor.u32 $0x2, v4;
	vm3 =	vlt.f32 v16, v55  }
0x354: {  	v16 =	vperm.xlane v24, v3;
	v4 =	vsel vm3, v15, v4;
	vm3 =	vlt.f32 v12, v56  }
0x355: {  	v3 =	vshll.u32 v3, $0x7;
	v63 =	vperm.xlane v23, v4;
	v15 =	vsel vm3, $0x1, v22  }
0x356: {  	v12 =	vshrl.u32 v9, $0x6;
	vm3 =	vlt.f32 v16, v54;
	v2 =	vor.u32 v15, v2  }
0x357: {  	v16 =	vsel vm3, $0x40, v22;
	vm3 =	vlt.f32 v63, v55;
	v10 =	vperm.xlane v24, v2  }
0x358: {  	v62 =	vshrl.u32 v0, $0x4;
	v13 =	vld.idx.msk [tilespmem:v13+s23+$0x0], $0xffff;
	v15 =	vsel vm3, $0x1, v22;
	v3 =	vor.u32 v16, v3  }
0x359: {  	v16 =	vld.idx.msk [tilespmem:v21+s21+$0x0], $0xffff;
	v4 =	vor.u32 v15, v4;
	v15 =	vshrl.u32 v3, $0x6;
	vm3 =	vlt.f32 v10, v56  }
0x35a: {  	v2 =	vshll.u32 v2, $0x7;
	v7 =	vperm.xlane v24, v4;
	v21 =	vsel vm3, $0x40, v22  }
0x35b: {  	(erf) = vrcp.f32 v60;
	v63 =	vshrl.u32 v6, $0x3;
	v12 =	vld.idx.msk [tilespmem:v12+s19+$0x0], $0xffff;
	v2 =	vor.u32 v21, v2  }
0x35c: {  	v4 =	vshll.u32 v4, $0x7;
	vm3 =	vlt.f32 v7, v55;
	v10 =	vshrl.u32 v2, $0x6  }
0x35d: {  	v62 =	vld.idx.msk [tilespmem:v62+s21+$0x0], $0xffff;
	v21 =	vsel vm3, $0x40, v22;
	vm3 =	vlt.f32 v13, v48;
	v13 =	vadd.s32 $0x2, v14  }
0x35e: {  	v4 =	vor.u32 v21, v4;
	v13 =	vsel vm3, v13, v14;
	v14 =	vld.idx.msk [tilespmem:v15+s19+$0x0], $0xffff;
	vm3 =	vlt.f32 v16, v49  }
0x35f: {  	v21 =	vld.idx.msk [tilespmem:v58+s25+$0x0], $0xffff;
	v16 =	vor.u32 $0x8, v5;
	v15 =	vshrl.u32 v4, $0x6;
	v58 =	vshrl.u32 v13, $0x1  }
0x360: {  	v63 =	vld.idx.msk [tilespmem:v63+s22+$0x0], $0xffff;
	v5 =	vsel vm3, v16, v5;
	vm3 =	vlt.f32 v12, v53;
	v12 =	vor.u32 $0x20, v9  }
0x361: {  	v8 =	vor.u32 $0x8, v0;
	v7 =	vshrl.u32 v5, $0x3;
	v9 =	vsel vm3, v12, v9;
	v12 =	vld.idx.msk [tilespmem:v57+s25+$0x0], $0xffff  }
0x362: {  	v16 =	vadd.s32 $0xFFFFFFFF, v11;
	vm3 =	vlt.f32 v62, v52;
	v62 =	vshrl.u32 v9, $0x5;
	v10 =	vld.idx.msk [tilespmem:v10+s19+$0x0], $0xffff  }
0x363: {  	v57 =	vor.u32 $0x20, v3;
	v0 =	vsel vm3, v8, v0;
	vm3 =	vlt.f32 v14, v54  }
0x364: {  	v21 =	vmul.f32 v61, v21;
	v61 =	vshrl.u32 v0, $0x3;
	v15 =	vld.idx.msk [tilespmem:v15+s19+$0x0], $0xffff;
	v3 =	vsel vm3, v57, v3  }
0x365: {  	v8 =	vadd.s32 $0x4, v6;
	v14 =	vld.idx.msk [tilespmem:v58+s24+$0x0], $0xffff;
	vm3 =	vlt.f32 v63, v47;
	v58 =	vshrl.u32 v3, $0x5  }
0x366: {  	v50 =	vmul.f32 v50, v25;
	v63 =	vsel vm3, v8, v6;
	v7 =	vld.idx.msk [tilespmem:v7+s22+$0x0], $0xffff;
	v6 =	vor.u32 $0x20, v2  }
0x367: {  	v57 =	vpop (erf);
	vm3 =	vlt.f32 v10, v56;
	v10 =	vmul.f32 v59, v12;
	v12 =	vshrl.u32 v63, $0x2;
	v59 =	vld.idx.msk [tilespmem:v62+s20+$0x0], $0xffff  }
0x368: {  	v60 =	vadd.s32 $0x4, v5;
	v57 =	vmul.f32 v57, v1;
	v62 =	vld.idx.msk [tilespmem:v16+s6+$0x0], $0xffff;
	v2 =	vsel vm3, v6, v2  }
0x369: {  	v1 =	vld.idx.msk [tilespmem:v61+s22+$0x0], $0xffff;
	v8 =	vshrl.u32 v2, $0x5;
	vm3 =	vlt.f32 v15, v55;
	v15 =	vor.u32 $0x20, v4  }
0x36a: {  	v6 =	vadd.f32 v10, v21;
	v4 =	vsel vm3, v15, v4;
	vm3 =	vlt.f32 v14, v48;
	v10 =	vld.idx.msk [tilespmem:v58+s20+$0x0], $0xffff  }
0x36b: {  	v15 =	vld.idx.msk [tilespmem:v11+s6+$0x0], $0xffff;
	v14 =	vshrl.u32 v4, $0x5;
	v21 =	vsel vm3, $0x1, v22;
	vm3 =	vlt.f32 v7, v49  }
0x36c: {  	v61 =	vor.u32 $0x10, v9;
	v12 =	vld.idx.msk [tilespmem:v12+s23+$0x0], $0xffff;
	v5 =	vsel vm3, v60, v5;
	vm3 =	vlt.f32 v59, v53  }
0x36d: {  	v46 =	vmax.f32 v62, v46;
	v58 =	vshrl.u32 v5, $0x2;
	v7 =	vsel vm3, v61, v9  }
0x36e: {  	v60 =	vadd.s32 $0x4, v0;
	vm3 =	vlt.f32 v1, v52;
	v8 =	vld.idx.msk [tilespmem:v8+s20+$0x0], $0xffff;
	v9 =	vshrl.u32 v7, $0x4  }
0x36f: {  	v59 =	vadd.s32 $0x2, v63;
	v61 =	vor.u32 $0x10, v3;
	v0 =	vsel vm3, v60, v0  }
0x370: {  	vm3 =	vlt.f32 v10, v54;
	v10 =	vld.idx.msk [tilespmem:v14+s20+$0x0], $0xffff;
	v14 =	vmin.f32 v15, v46;
	v46 =	vshrl.u32 v0, $0x2  }
0x371: {  	v13 =	vadd.s32 v21, v13;
	v1 =	vsel vm3, v61, v3;
	vm3 =	vlt.f32 v12, v47  }
0x372: {  	v13 =	vmax.u32 v13, $0x1;
	v60 =	vshrl.u32 v1, $0x4;
	v3 =	vsel vm3, v59, v63;
	v58 =	vld.idx.msk [tilespmem:v58+s23+$0x0], $0xffff  }
0x373: {  	v61 =	vor.u32 $0x10, v2;
	vm3 =	vlt.f32 v8, v56;
	v21 =	vshrl.u32 v3, $0x1;
	v9 =	vld.idx.msk [tilespmem:v9+s21+$0x0], $0xffff  }
0x374: {  	v13 =	vmin.u32 v13, $0x7D3;
	v63 =	vor.u32 $0x10, v4;
	v2 =	vsel vm3, v61, v2  }
0x375: {  	v59 =	vsub.f32 v14, v62;
	v8 =	vshrl.u32 v2, $0x4;
	vm3 =	vlt.f32 v10, v55;
	v46 =	vld.idx.msk [tilespmem:v46+s23+$0x0], $0xffff  }
0x376: {  	v10 =	vsub.f32 v15, v14;
	v15 =	vld.idx.msk [tilespmem:v16+s25+$0x0], $0xffff;
	v16 =	vadd.s32 $0xFFFFFFFF, v13;
	v4 =	vsel vm3, v63, v4  }
0x377: {  	v12 =	vld.idx.msk [tilespmem:v60+s21+$0x0], $0xffff;
	v60 =	vadd.s32 $0x2, v5;
	v14 =	vshrl.u32 v4, $0x4;
	vm3 =	vlt.f32 v58, v49  }
0x378: {  	v21 =	vld.idx.msk [tilespmem:v21+s24+$0x0], $0xffff;
	v5 =	vsel vm3, v60, v5;
	vm3 =	vlt.f32 v9, v53;
	v9 =	vor.u32 $0x8, v7  }
0x379: {  	v62 =	vor.u32 $0x8, v1;
	v60 =	vshrl.u32 v5, $0x1;
	v7 =	vsel vm3, v9, v7;
	v9 =	vld.idx.msk [tilespmem:v11+s25+$0x0], $0xffff  }
0x37a: {  	v61 =	vadd.s32 $0x2, v0;
	v8 =	vld.idx.msk [tilespmem:v8+s21+$0x0], $0xffff;
	vm3 =	vlt.f32 v46, v52;
	v46 =	vshrl.u32 v7, $0x3  }
0x37b: {  	v63 =	vor.u32 $0x8, v2;
	v58 =	vadd.f32 v10, v59;
	v11 =	vld.idx.msk [tilespmem:v16+s6+$0x0], $0xffff;
	v0 =	vsel vm3, v61, v0  }
0x37c: {  	v15 =	vmul.f32 v59, v15;
	vm3 =	vlt.f32 v12, v54;
	v12 =	vld.idx.msk [tilespmem:v14+s21+$0x0], $0xffff;
	v14 =	vshrl.u32 v0, $0x1  }
0x37d: {  	v59 =	vor.u32 $0x8, v4;
	v61 =	vld.idx.msk [tilespmem:v13+s6+$0x0], $0xffff;
	v1 =	vsel vm3, v62, v1;
	vm3 =	veq.f32 v58, $0.0e+00  }
0x37e: {  	v58 =	vsel vm3, $0x3F800000, v58;
	vm3 =	vlt.f32 v21, v47;
	v21 =	vshrl.u32 v1, $0x3;
	v60 =	vld.idx.msk [tilespmem:v60+s24+$0x0], $0xffff  }
0x37f: {  	v62 =	vsel vm3, $0x1, v22;
	v9 =	vmul.f32 v10, v9;
	vm3 =	vlt.f32 v8, v56;
	v10 =	vld.idx.msk [tilespmem:v46+s22+$0x0], $0xffff  }
0x380: {  	(erf) = vrcp.f32 v58;
	v3 =	vadd.s32 v62, v3;
	v2 =	vsel vm3, v63, v2  }
0x381: {  	v62 =	vmax.f32 v11, v48;
	v8 =	vshrl.u32 v2, $0x3;
	vm3 =	vlt.f32 v12, v55;
	v14 =	vld.idx.msk [tilespmem:v14+s24+$0x0], $0xffff  }
0x382: {  	v3 =	vmax.u32 v3, $0x1;
	v12 =	vmin.f32 v61, v62;
	v4 =	vsel vm3, v59, v4  }
0x383: {  	v3 =	vmin.u32 v3, $0x7D3;
	v21 =	vld.idx.msk [tilespmem:v21+s22+$0x0], $0xffff;
	v63 =	vshrl.u32 v4, $0x3;
	vm3 =	vlt.f32 v60, v49  }
0x384: {  	v62 =	vadd.s32 $0x4, v7;
	v60 =	vsel vm3, $0x1, v22;
	vm3 =	vlt.f32 v10, v53  }
0x385: {  	v16 =	vld.idx.msk [tilespmem:v16+s25+$0x0], $0xffff;
	v58 =	vadd.s32 $0xFFFFFFFF, v3;
	v11 =	vsub.f32 v12, v11;
	v7 =	vsel vm3, v62, v7  }
0x386: {  	v5 =	vadd.s32 v60, v5;
	v8 =	vld.idx.msk [tilespmem:v8+s22+$0x0], $0xffff;
	vm3 =	vlt.f32 v14, v52;
	v10 =	vshrl.u32 v7, $0x2  }
0x387: {  	v13 =	vld.idx.msk [tilespmem:v13+s25+$0x0], $0xffff;
	v12 =	vsub.f32 v61, v12;
	v5 =	vmax.u32 v5, $0x1;
	v14 =	vsel vm3, $0x1, v22  }
0x388: {  	vm3 =	vlt.f32 v21, v54;
	v21 =	vadd.s32 $0x4, v1;
	v5 =	vmin.u32 v5, $0x7D3;
	v46 =	vld.idx.msk [tilespmem:v63+s22+$0x0], $0xffff  }
0x389: {  	v60 =	vadd.f32 v12, v11;
	v1 =	vsel vm3, v21, v1;
	v21 =	vadd.s32 $0xFFFFFFFF, v5  }
0x38a: {  	v11 =	vmul.f32 v11, v16;
	v61 =	vld.idx.msk [tilespmem:v3+s6+$0x0], $0xffff;
	v0 =	vadd.s32 v14, v0;
	v14 =	vshrl.u32 v1, $0x2  }
0x38b: {  	v63 =	vadd.s32 $0x4, v2;
	v0 =	vmax.u32 v0, $0x1;
	vm3 =	vlt.f32 v8, v56;
	v10 =	vld.idx.msk [tilespmem:v10+s23+$0x0], $0xffff  }
0x38c: {  	v12 =	vmul.f32 v12, v13;
	v0 =	vmin.u32 v0, $0x7D3;
	v8 =	vld.idx.msk [tilespmem:v58+s6+$0x0], $0xffff;
	v2 =	vsel vm3, v63, v2  }
0x38d: {  	v48 =	vpop (erf);
	v3 =	vld.idx.msk [tilespmem:v3+s25+$0x0], $0xffff;
	v59 =	vshrl.u32 v2, $0x2;
	vm3 =	vlt.f32 v46, v55;
	v46 =	vadd.s32 $0x4, v4  }
0x38e: {  	v62 =	vadd.s32 $0xFFFFFFFF, v0;
	v13 =	vld.idx.msk [tilespmem:v21+s6+$0x0], $0xffff;
	v4 =	vsel vm3, v46, v4;
	v46 =	vmul.f32 v48, v6  }
0x38f: {  	v48 =	vadd.f32 v9, v15;
	v9 =	vld.idx.msk [tilespmem:v14+s23+$0x0], $0xffff;
	vm3 =	veq.f32 v60, $0.0e+00;
	v14 =	vshrl.u32 v4, $0x2  }
0x390: {  	v63 =	vadd.s32 $0x2, v7;
	v15 =	vpop (erf);
	v6 =	vadd.f32 v12, v11;
	v16 =	vsel vm3, $0x3F800000, v60;
	v60 =	vld.idx.msk [tilespmem:v5+s6+$0x0], $0xffff  }
0x391: {  	v58 =	vld.idx.msk [tilespmem:v58+s25+$0x0], $0xffff;
	vm3 =	vlt.f32 v10, v53;
	v48 =	vmul.f32 v15, v48;
	v47 =	vmax.f32 v8, v47  }
0x392: {  	(erf) = vrcp.f32 v16;
	v7 =	vsel vm3, v63, v7;
	v11 =	vmin.f32 v61, v47;
	v10 =	vld.idx.msk [tilespmem:v59+s23+$0x0], $0xffff  }
0x393: {  	v12 =	vld.idx.msk [tilespmem:v62+s6+$0x0], $0xffff;
	v15 =	vshrl.u32 v7, $0x1;
	v59 =	vadd.s32 $0x2, v1;
	v8 =	vsub.f32 v11, v8  }
0x394: {  	v16 =	vmax.f32 v13, v49;
	v11 =	vsub.f32 v61, v11;
	vm3 =	vlt.f32 v9, v54;
	v14 =	vld.idx.msk [tilespmem:v14+s23+$0x0], $0xffff  }
0x395: {  	v21 =	vld.idx.msk [tilespmem:v21+s25+$0x0], $0xffff;
	v1 =	vsel vm3, v59, v1;
	v16 =	vmin.f32 v60, v16;
	v59 =	vadd.s32 $0x2, v2  }
0x396: {  	v9 =	vld.idx.msk [tilespmem:v0+s6+$0x0], $0xffff;
	v61 =	vadd.f32 v11, v8;
	v8 =	vmul.f32 v8, v58;
	v63 =	vshrl.u32 v1, $0x1  }
0x397: {  	v5 =	vld.idx.msk [tilespmem:v5+s25+$0x0], $0xffff;
	v3 =	vmul.f32 v11, v3;
	v13 =	vsub.f32 v16, v13;
	vm3 =	vlt.f32 v10, v56  }
0x398: {  	v16 =	vsub.f32 v60, v16;
	v52 =	vmax.f32 v12, v52;
	v15 =	vld.idx.msk [tilespmem:v15+s24+$0x0], $0xffff;
	v2 =	vsel vm3, v59, v2  }
0x399: {  	v60 =	vadd.s32 $0x2, v4;
	v10 =	vshrl.u32 v2, $0x1;
	vm3 =	vlt.f32 v14, v55  }
0x39a: {  	v3 =	vadd.f32 v3, v8;
	v58 =	vadd.f32 v16, v13;
	v4 =	vsel vm3, v60, v4  }
0x39b: {  	v13 =	vmul.f32 v13, v21;
	v52 =	vmin.f32 v9, v52;
	v47 =	vld.idx.msk [tilespmem:v63+s24+$0x0], $0xffff;
	v63 =	vshrl.u32 v4, $0x1  }
0x39c: {  	v12 =	vsub.f32 v52, v12;
	v9 =	vsub.f32 v9, v52;
	vm3 =	veq.f32 v61, $0.0e+00  }
0x39d: {  	v5 =	vmul.f32 v16, v5;
	v14 =	vsel vm3, $0x3F800000, v61;
	vm3 =	vlt.f32 v15, v53  }
0x39e: {  	v52 =	vmul.f32 v32, v25;
	v15 =	vadd.f32 v9, v12;
	v59 =	vsel vm3, $0x1, v22;
	v10 =	vld.idx.msk [tilespmem:v10+s24+$0x0], $0xffff  }
0x39f: {  	(erf) = vrcp.f32 v14;
	vm3 =	veq.f32 v58, $0.0e+00;
	v7 =	vadd.s32 v59, v7  }
0x3a0: {  	v60 =	vsel vm3, $0x3F800000, v58;
	vm3 =	veq.f32 v15, $0.0e+00;
	v7 =	vmax.u32 v7, $0x1;
	v61 =	vld.idx.msk [tilespmem:v63+s24+$0x0], $0xffff  }
0x3a1: {  	v15 =	vsel vm3, $0x3F800000, v15;
	vm3 =	vlt.f32 v47, v54;
	v7 =	vmin.u32 v7, $0x7D3  }
0x3a2: {  	(erf) = vrcp.f32 v60;
	v63 =	vsel vm3, $0x1, v22;
	v49 =	vadd.s32 $0xFFFFFFFF, v7  }
0x3a3: {  	(erf) = vrcp.f32 v15;
	v15 =	vmul.f32 v27, v25;
	vm3 =	vlt.f32 v10, v56  }
0x3a4: {  	v0 =	vld.idx.msk [tilespmem:v0+s25+$0x0], $0xffff;
	v27 =	vmul.f32 v28, v25;
	v1 =	vadd.s32 v63, v1;
	v58 =	vsel vm3, $0x1, v22  }
0x3a5: {  	v59 =	vld.idx.msk [tilespmem:v62+s25+$0x0], $0xffff;
	v1 =	vmax.u32 v1, $0x1;
	v2 =	vadd.s32 v58, v2;
	vm3 =	vlt.f32 v61, v55  }
0x3a6: {  	v1 =	vmin.u32 v1, $0x7D3;
	v2 =	vmax.u32 v2, $0x1;
	v47 =	vsel vm3, $0x1, v22  }
0x3a7: {  	[tilespmem:s11+$0xFFFFFF20] =	vst v52;
	v28 =	vadd.s32 $0xFFFFFFFF, v1;
	v11 =	vld.idx.msk [tilespmem:v49+s6+$0x0], $0xffff;
	v2 =	vmin.u32 v2, $0x7D3;
	v4 =	vadd.s32 v47, v4  }
0x3a8: {  	[tilespmem:s11+$0xFFFFFF00] =	vst v15;
	v15 =	vmul.f32 v29, v25;
	v21 =	vld.idx.msk [tilespmem:v7+s6+$0x0], $0xffff;
	v47 =	vadd.s32 $0xFFFFFFFF, v2;
	v4 =	vmax.u32 v4, $0x1  }
0x3a9: {  	v5 =	vadd.f32 v5, v13;
	[tilespmem:s11+$0xFFFFFF10] =	vst v27;
	v27 =	vmul.f32 v31, v25;
	v4 =	vmin.u32 v4, $0x7D3  }
0x3aa: {  	v0 =	vmul.f32 v9, v0;
	v60 =	vmul.f32 v12, v59;
	[tilespmem:s11+$0xFFFFFF30] =	vst v15;
	v14 =	vld.idx.msk [tilespmem:v49+s25+$0x0], $0xffff;
	v16 =	vadd.s32 $0xFFFFFFFF, v4  }
0x3ab: {  	v29 =	vmul.f32 v30, v25;
	[tilespmem:s11+$0xFFFFFF50] =	vst v27;
	v27 =	vmul.f32 v34, v25;
	v49 =	vld.idx.msk [tilespmem:v1+s6+$0x0], $0xffff  }
0x3ac: {  	v34 =	vmul.f32 v35, v25;
	v61 =	vpop (erf);
	v0 =	vadd.f32 v0, v60;
	v9 =	vld.idx.msk [tilespmem:v28+s6+$0x0], $0xffff;
	v63 =	vmax.f32 v11, v53  }
0x3ad: {  	v62 =	vpop (erf);
	[tilespmem:s11+$0xFFFFFF70] =	vst v27;
	v27 =	vmul.f32 v36, v25;
	v53 =	vmin.f32 v21, v63;
	v58 =	vld.idx.msk [tilespmem:v47+s6+$0x0], $0xffff  }
0x3ae: {  	v6 =	vmul.f32 v61, v6;
	v3 =	vmul.f32 v62, v3;
	v10 =	vsub.f32 v21, v53;
	v21 =	vld.idx.msk [tilespmem:v2+s6+$0x0], $0xffff  }
0x3af: {  	[tilespmem:s11+$0xFFFFFF90] =	vst v27;
	v27 =	vmul.f32 v38, v25;
	v38 =	vmul.f32 v39, v25;
	v60 =	vld.idx.msk [tilespmem:v16+s6+$0x0], $0xffff  }
0x3b0: {  	v52 =	vpop (erf);
	v39 =	vmul.f32 v43, v25;
	v6 =	vmul.f32 v6, v25;
	v11 =	vsub.f32 v53, v11;
	v15 =	vld.idx.msk [tilespmem:v4+s6+$0x0], $0xffff  }
0x3b1: {  	v5 =	vmul.f32 v52, v5;
	v52 =	vmul.f32 v46, v25;
	v62 =	vmax.f32 v9, v54  }
0x3b2: {  	v61 =	vadd.f32 v10, v11;
	v11 =	vmul.f32 v11, v14;
	v14 =	vmin.f32 v49, v62  }
0x3b3: {  	[tilespmem:s11+$0x30] =	vst v50;
	v63 =	vmul.f32 v33, v25;
	v9 =	vsub.f32 v14, v9;
	v32 =	vmax.f32 v58, v56  }
0x3b4: {  	[tilespmem:s11+$0xFFFFFF40] =	vst v29;
	v33 =	vsub.f32 v49, v14;
	v29 =	vmin.f32 v21, v32;
	v35 =	vmax.f32 v60, v55  }
0x3b5: {  	[tilespmem:s11+$0xFFFFFF80] =	vst v34;
	v36 =	vsub.f32 v21, v29;
	v21 =	vmul.f32 v37, v25;
	v37 =	vmin.f32 v15, v35  }
0x3b6: {  	v59 =	vpop (erf);
	v3 =	vmul.f32 v3, v25;
	[tilespmem:s11+$0xFFFFFFB0] =	vst v27;
	v12 =	vsub.f32 v29, v58;
	v8 =	vsub.f32 v37, v60  }
0x3b7: {  	v0 =	vmul.f32 v59, v0;
	[tilespmem:s11+$0xFFFFFFA0] =	vst v21;
	v15 =	vsub.f32 v15, v37;
	v21 =	vadd.f32 v33, v9  }
0x3b8: {  	v7 =	vld.idx.msk [tilespmem:v7+s25+$0x0], $0xffff;
	v27 =	vmul.f32 v40, v25;
	[tilespmem:s11+$0xFFFFFFC0] =	vst v38;
	vm3 =	veq.f32 v61, $0.0e+00;
	v40 =	vadd.f32 v36, v12  }
0x3b9: {  	v1 =	vld.idx.msk [tilespmem:v1+s25+$0x0], $0xffff;
	[tilespmem:s11+$0xFFFFFFE0] =	vst v39;
	v13 =	vsel vm3, $0x3F800000, v61;
	vm3 =	veq.f32 v21, $0.0e+00;
	v43 =	vadd.f32 v15, v8  }
0x3ba: {  	v28 =	vld.idx.msk [tilespmem:v28+s25+$0x0], $0xffff;
	[tilespmem:s11+$0x80] =	vst v6;
	(erf) = vrcp.f32 v13;
	v21 =	vsel vm3, $0x3F800000, v21;
	vm3 =	veq.f32 v40, $0.0e+00  }
0x3bb: {  	[tilespmem:s11+$0x60] =	vst v52;
	v47 =	vld.idx.msk [tilespmem:v47+s25+$0x0], $0xffff;
	(erf) = vrcp.f32 v21;
	v13 =	vsel vm3, $0x3F800000, v40;
	vm3 =	veq.f32 v43, $0.0e+00  }
0x3bc: {  	v5 =	vmul.f32 v5, v25;
	[tilespmem:s11+$0x90] =	vst v3;
	v2 =	vld.idx.msk [tilespmem:v2+s25+$0x0], $0xffff;
	(erf) = vrcp.f32 v13;
	v49 =	vsel vm3, $0x3F800000, v43  }
0x3bd: {  	[tilespmem:s11+$0xFFFFFFD0] =	vst v27;
	v27 =	vmul.f32 v42, v25;
	v4 =	vld.idx.msk [tilespmem:v4+s25+$0x0], $0xffff;
	(erf) = vrcp.f32 v49  }
0x3be: {  	v0 =	vmul.f32 v0, v25;
	v53 =	vmul.f32 v48, v25;
	[tilespmem:s11+$0xA0] =	vst v5;
	v16 =	vld.idx.msk [tilespmem:v16+s25+$0x0], $0xffff  }
0x3bf: {  	[tilespmem:s11+$0xFFFFFFF0] =	vst v27;
	v27 =	vmul.f32 v44, v25;
	v7 =	vmul.f32 v10, v7  }
0x3c0: {  	[tilespmem:s11+$0xFFFFFF60] =	vst v63;
	v1 =	vmul.f32 v33, v1;
	v21 =	vmul.f32 v41, v25  }
0x3c1: {  	[tilespmem:s11+$0xB0] =	vst v0;
	v9 =	vmul.f32 v9, v28;
	v12 =	vmul.f32 v12, v47  }
0x3c2: {  	v7 =	vadd.f32 v7, v11;
	v2 =	vmul.f32 v36, v2;
	[tilespmem:s11+$0x0] =	vst v21;
	v21 =	vmul.f32 v45, v25  }
0x3c3: {  	[tilespmem:s11+$0x70] =	vst v53;
	v8 =	vmul.f32 v8, v16;
	v1 =	vadd.f32 v1, v9;
	v4 =	vmul.f32 v15, v4;
	v54 =	vpop (erf)  }
0x3c4: {  	v2 =	vadd.f32 v2, v12;
	v56 =	vmul.f32 v54, v7;
	[tilespmem:s11+$0x20] =	vst v21;
	v21 =	vmul.f32 v51, v25;
	v55 =	vpop (erf)  }
0x3c5: {  	s8 =	sadd.s32 $0x20, s8;
	[tilespmem:s11+$0x10] =	vst v27;
	v58 =	vadd.f32 v4, v8;
	v51 =	vmul.f32 v57, v25;
	v57 =	vpop (erf);
	v1 =	vmul.f32 v55, v1  }
0x3c6: {  	p1 =	slt.u32 s8, $0x3E0;
	v59 =	vmul.f32 v56, v25;
	[tilespmem:s11+$0x40] =	vst v21;
	v2 =	vmul.f32 v57, v2;
	v60 =	vpop (erf)  }
.Ltmp12:
0x3c7: {  	[tilespmem:s11+$0x50] =	vst v51;
	v61 =	vmul.f32 v1, v25;
	v62 =	vmul.f32 v60, v58;
	(pc) =	sbr.rel @p1 .LBB2_24-.Ltmp12, $4  }
0x3c8: {  	[tilespmem:s11+$0xC0] =	vst v59;
	v2 =	vmul.f32 v2, v25  }
0x3c9: {  	[tilespmem:s11+$0xD0] =	vst v61;
	v63 =	vmul.f32 v62, v25  }
0x3ca: {  	[tilespmem:s11+$0xE0] =	vst v2  }
0x3cb: {  	s31 =	sadd.s32 $0x200, s31;
	[tilespmem:s11+$0xF0] =	vst v63;
	s11 =	sadd.s32 $0x200, s11  }
0x3cc: {  	p1 =	sne.s32 s5, $0x7  }
.Ltmp13:
0x3cd: {  	_ = 	snop;
	(pc) =	sbr.rel @p1 .LBB2_27-.Ltmp13, $4  }
0x3ce: {  	_ = 	snop  }
0x3cf: {  	s8 =	sshrl.u32 s14, $0x3  }
0x3d0: {  	s8 =	sadd.s32 s4, s8  }
0x3d1: {  	[hbm4b:s8+s6] =	stream.linear.scatter [tilespmem:s26], [sflag:$0x2], $0x4000, $0x38;
	[tilespmem:$0x13080] =	vst v63  }
.Ltmp14:
0x3d2: {  	(pc) =	sbr.rel .LBB2_28-.Ltmp14, $4  }
0x3d3: {  	_ = 	snop  }
0x3d4: {  	_ =	swait.ge [sflag:s28], $0x4000  }
0x3d5: {  	[sflag:s28] =	ssyncset.done $0x0  }
0x3d6: {  	[sflag:s28] =	ssyncadd.s32 $0xFFFFC000  }
.LBB2_27:
0x3d7: {  	s2 =	sadd.s32 s2, s10  }
0x3d8: {  	s2 =	sshrl.u32 s2, $0x3  }
.Ltmp15:
0x3d9: {  	s2 =	sadd.s32 s0, s2;
	(pc) =	sbr.rel @p0 .LBB2_29-.Ltmp15, $4  }
0x3da: {  	[tilespmem:s16], [sflag:$0x1] =	stream.linear.gather [hbm4b:s2+s6], $0x4000, $0x38;
	[tilespmem:$0x13080] =	vst v63  }
0x3db: {  	_ =	swait.ge [sflag:s28], $0x4000  }
0x3dc: {  	[sflag:s28] =	ssyncset.done $0x0  }
0x3dd: {  	[sflag:s28] =	ssyncadd.s32 $0xFFFFC000  }
.LBB2_28:
0x3de: {  	_ =	swait.ge [sflag:s29], $0x4000  }
0x3df: {  	[sflag:s29] =	ssyncset.done $0x0  }
0x3e0: {  	[sflag:s29] =	ssyncadd.s32 $0xFFFFC000  }
.LBB2_29:
0x3e1: {  	s2 =	simm.s32 $0xFFFFFFE0;
	s8 =	simm.s32 $0xE900;
	s11 =	simm.s32 $0xA900  }
.LBB2_30:
0x3e2: {  	v33 =	vld [tilespmem:s11+$0xFFFFFF00];
	_ =	sdelay $0x2  }
0x3e3: {  	v28 =	vld [tilespmem:s11+$0xFFFFFF10];
	_ =	sdelay $0x1  }
0x3e4: {  	vm3 =	vlt.f32 v26, v33  }
0x3e5: {  	v0 =	vsel vm3, $0x8, v22  }
0x3e6: {  	v1 =	vor.u32 $0x3, v0  }
0x3e7: {  	vm3 =	vlt.f32 v26, v28;
	v1 =	vperm.xlane v23, v1  }
0x3e8: {  	v2 =	vsel vm3, $0x8, v22  }
0x3e9: {  	v45 =	vor.u32 $0x4, v0;
	v3 =	vor.u32 $0x3, v2;
	vm3 =	vlt.f32 v1, v33  }
0x3ea: {  	v3 =	vperm.xlane v23, v3;
	v0 =	vsel vm3, v45, v0  }
0x3eb: {  	v1 =	vor.u32 $0x1, v0  }
0x3ec: {  	v46 =	vor.u32 $0x4, v2;
	vm3 =	vlt.f32 v3, v28;
	v1 =	vperm.xlane v23, v1  }
0x3ed: {  	v2 =	vsel vm3, v46, v2  }
0x3ee: {  	v47 =	vor.u32 $0x2, v0;
	v3 =	vor.u32 $0x1, v2;
	vm3 =	vlt.f32 v1, v33  }
0x3ef: {  	v3 =	vperm.xlane v23, v3;
	v0 =	vsel vm3, v47, v0  }
0x3f0: {  	v1 =	vperm.xlane v23, v0  }
0x3f1: {  	v48 =	vor.u32 $0x2, v2;
	vm3 =	vlt.f32 v3, v28  }
0x3f2: {  	v2 =	vsel vm3, v48, v2;
	vm3 =	vlt.f32 v1, v33  }
0x3f3: {  	v49 =	vperm.xlane v23, v2;
	v50 =	vsel vm3, $0x1, v22  }
0x3f4: {  	v0 =	vor.u32 v50, v0  }
0x3f5: {  	vm3 =	vlt.f32 v49, v28;
	v51 =	vperm.xlane v24, v0  }
0x3f6: {  	v52 =	vsel vm3, $0x1, v22  }
0x3f7: {  	v2 =	vor.u32 v52, v2;
	vm3 =	vlt.f32 v51, v33  }
0x3f8: {  	v0 =	vshll.u32 v0, $0x7;
	v53 =	vperm.xlane v24, v2;
	v54 =	vsel vm3, $0x40, v22  }
0x3f9: {  	v0 =	vor.u32 v54, v0  }
0x3fa: {  	vm3 =	vlt.f32 v53, v28;
	v55 =	vshrl.u32 v0, $0x6  }
0x3fb: {  	v2 =	vshll.u32 v2, $0x7;
	v56 =	vsel vm3, $0x40, v22  }
0x3fc: {  	v27 =	vld [tilespmem:s11+$0xFFFFFF20];
	v2 =	vor.u32 v56, v2  }
0x3fd: {  	v3 =	vshrl.u32 v2, $0x6;
	_ =	sdelay $0x1  }
0x3fe: {  	v1 =	vld.idx.msk [tilespmem:v55+s19+$0x0], $0xffff;
	_ =	sdelay $0x1  }
0x3ff: {  	vm3 =	vlt.f32 v26, v27  }
0x400: {  	v4 =	vsel vm3, $0x8, v22;
	v3 =	vld.idx.msk [tilespmem:v3+s19+$0x0], $0xffff  }
0x401: {  	v5 =	vor.u32 $0x3, v4  }
0x402: {  	v57 =	vor.u32 $0x20, v0;
	v58 =	vperm.xlane v23, v5;
	vm3 =	vlt.f32 v1, v33  }
0x403: {  	v0 =	vsel vm3, v57, v0  }
0x404: {  	v61 =	vor.u32 $0x4, v4;
	vm4 =	vlt.f32 v58, v27;
	v59 =	vshrl.u32 v0, $0x5  }
0x405: {  	v60 =	vor.u32 $0x20, v2;
	v1 =	vsel vm4, v61, v4;
	vm3 =	vlt.f32 v3, v28  }
0x406: {  	v4 =	vor.u32 $0x1, v1;
	v2 =	vsel vm3, v60, v2  }
0x407: {  	v4 =	vperm.xlane v23, v4;
	v3 =	vshrl.u32 v2, $0x5;
	_ =	sdelay $0x1  }
0x408: {  	v62 =	vor.u32 $0x2, v1;
	vm3 =	vlt.f32 v4, v27;
	v5 =	vld.idx.msk [tilespmem:v59+s20+$0x0], $0xffff  }
0x409: {  	v1 =	vsel vm3, v62, v1  }
0x40a: {  	v4 =	vperm.xlane v23, v1  }
0x40b: {  	v3 =	vld.idx.msk [tilespmem:v3+s20+$0x0], $0xffff  }
0x40c: {  	vm13 =	vlt.f32 v4, v27  }
0x40d: {  	v63 =	vor.u32 $0x10, v0;
	v4 =	vsel vm13, $0x1, v22;
	vm3 =	vlt.f32 v5, v33  }
0x40e: {  	v1 =	vor.u32 v4, v1;
	v0 =	vsel vm3, v63, v0  }
0x40f: {  	v4 =	vperm.xlane v24, v1;
	v5 =	vshrl.u32 v0, $0x4  }
0x410: {  	v8 =	vor.u32 $0x10, v2;
	vm3 =	vlt.f32 v3, v28  }
0x411: {  	v2 =	vsel vm3, v8, v2;
	vm3 =	vlt.f32 v4, v27  }
0x412: {  	v1 =	vshll.u32 v1, $0x7;
	v3 =	vshrl.u32 v2, $0x4;
	v4 =	vsel vm3, $0x40, v22  }
0x413: {  	v1 =	vor.u32 v4, v1  }
0x414: {  	v10 =	vshrl.u32 v1, $0x6;
	v9 =	vld.idx.msk [tilespmem:v5+s21+$0x0], $0xffff  }
0x415: {  	v29 =	vld [tilespmem:s11+$0xFFFFFF30];
	_ =	sdelay $0x1  }
0x416: {  	v3 =	vld.idx.msk [tilespmem:v3+s21+$0x0], $0xffff;
	_ =	sdelay $0x1  }
0x417: {  	v11 =	vor.u32 $0x8, v0;
	v5 =	vld.idx.msk [tilespmem:v10+s19+$0x0], $0xffff;
	vm3 =	vlt.f32 v9, v33  }
0x418: {  	v0 =	vsel vm3, v11, v0;
	vm3 =	vlt.f32 v26, v29  }
0x419: {  	v13 =	vsel vm3, $0x8, v22;
	v6 =	vshrl.u32 v0, $0x3  }
0x41a: {  	v12 =	vor.u32 $0x8, v2;
	vm14 =	vlt.f32 v3, v28;
	v14 =	vor.u32 $0x3, v13  }
0x41b: {  	v2 =	vsel vm14, v12, v2;
	v3 =	vperm.xlane v23, v14  }
0x41c: {  	v30 =	vor.u32 $0x20, v1;
	v7 =	vshrl.u32 v2, $0x3;
	vm3 =	vlt.f32 v5, v27  }
0x41d: {  	v31 =	vor.u32 $0x4, v13;
	v1 =	vsel vm3, v30, v1;
	vm3 =	vlt.f32 v3, v29  }
0x41e: {  	v5 =	vshrl.u32 v1, $0x5;
	v3 =	vsel vm3, v31, v13;
	v32 =	vld.idx.msk [tilespmem:v6+s22+$0x0], $0xffff  }
0x41f: {  	v34 =	vor.u32 $0x1, v3  }
0x420: {  	v6 =	vperm.xlane v23, v34  }
0x421: {  	v7 =	vld.idx.msk [tilespmem:v7+s22+$0x0], $0xffff  }
0x422: {  	v35 =	vor.u32 $0x2, v3;
	vm3 =	vlt.f32 v6, v29  }
0x423: {  	v36 =	vadd.s32 $0x4, v0;
	v5 =	vld.idx.msk [tilespmem:v5+s20+$0x0], $0xffff;
	v3 =	vsel vm3, v35, v3;
	vm3 =	vlt.f32 v32, v33  }
0x424: {  	v30 =	vld [tilespmem:s11+$0xFFFFFF40];
	v0 =	vsel vm3, v36, v0  }
0x425: {  	v6 =	vperm.xlane v23, v3;
	v38 =	vshrl.u32 v0, $0x2  }
0x426: {  	v37 =	vadd.s32 $0x4, v2;
	vm3 =	vlt.f32 v7, v28  }
0x427: {  	v2 =	vsel vm3, v37, v2;
	vm3 =	vlt.f32 v6, v29  }
0x428: {  	v39 =	vor.u32 $0x10, v1;
	v6 =	vsel vm3, $0x1, v22;
	vm3 =	vlt.f32 v5, v27  }
0x429: {  	v3 =	vor.u32 v6, v3;
	v1 =	vsel vm3, v39, v1;
	vm3 =	vlt.f32 v26, v30  }
0x42a: {  	v40 =	vperm.xlane v24, v3;
	v41 =	vshrl.u32 v1, $0x4;
	v8 =	vsel vm3, $0x8, v22;
	v7 =	vld.idx.msk [tilespmem:v38+s23+$0x0], $0xffff  }
0x42b: {  	v42 =	vor.u32 $0x3, v8  }
0x42c: {  	v4 =	vshrl.u32 v2, $0x2;
	vm3 =	vlt.f32 v40, v29;
	v5 =	vperm.xlane v23, v42  }
0x42d: {  	v44 =	vadd.s32 $0x2, v0;
	v3 =	vshll.u32 v3, $0x7;
	v9 =	vsel vm3, $0x40, v22  }
0x42e: {  	v31 =	vld [tilespmem:s11+$0xFFFFFF60];
	v43 =	vor.u32 $0x4, v8;
	v3 =	vor.u32 v9, v3;
	vm3 =	vlt.f32 v5, v30  }
0x42f: {  	v9 =	vshrl.u32 v3, $0x6;
	v6 =	vld.idx.msk [tilespmem:v41+s21+$0x0], $0xffff;
	v5 =	vsel vm3, v43, v8;
	vm3 =	vlt.f32 v7, v33  }
0x430: {  	v8 =	vor.u32 $0x1, v5;
	v0 =	vsel vm3, v44, v0  }
0x431: {  	v4 =	vld.idx.msk [tilespmem:v4+s23+$0x0], $0xffff;
	v45 =	vperm.xlane v23, v8;
	v46 =	vshrl.u32 v0, $0x1;
	_ =	sdelay $0x1  }
0x432: {  	vm11 =	vlt.f32 v26, v31;
	v48 =	vor.u32 $0x2, v5;
	vm15 =	vlt.f32 v45, v30  }
0x433: {  	v49 =	vor.u32 $0x8, v1;
	v47 =	vld.idx.msk [tilespmem:v9+s19+$0x0], $0xffff;
	v5 =	vsel vm15, v48, v5;
	vm8 =	vlt.f32 v6, v27  }
0x434: {  	v14 =	vsel vm11, $0x8, v22;
	v1 =	vsel vm8, v49, v1;
	v51 =	vperm.xlane v23, v5  }
0x435: {  	v50 =	vadd.s32 $0x2, v2;
	vm3 =	vlt.f32 v4, v28;
	v52 =	vshrl.u32 v1, $0x3;
	v8 =	vld.idx.msk [tilespmem:v46+s24+$0x0], $0xffff  }
0x436: {  	v32 =	vld [tilespmem:s11+$0xFFFFFF50];
	v37 =	vor.u32 $0x3, v14;
	v2 =	vsel vm3, v50, v2;
	vm3 =	vlt.f32 v51, v30  }
0x437: {  	v42 =	vor.u32 $0x4, v14;
	v54 =	vor.u32 $0x20, v3;
	v6 =	vsel vm3, $0x1, v22  }
0x438: {  	v53 =	vshrl.u32 v2, $0x1;
	vm9 =	vlt.f32 v47, v29;
	v55 =	vor.u32 v6, v5  }
0x439: {  	v62 =	vadd.s32 $0x4, v1;
	v3 =	vsel vm9, v54, v3;
	v6 =	vperm.xlane v24, v55  }
0x43a: {  	v4 =	vshll.u32 v55, $0x7;
	v56 =	vshrl.u32 v3, $0x5;
	v7 =	vld.idx.msk [tilespmem:v52+s22+$0x0], $0xffff;
	vm3 =	vlt.f32 v8, v33  }
0x43b: {  	vm10 =	vlt.f32 v6, v30;
	v58 =	vsel vm3, $0x1, v22;
	vm3 =	vlt.f32 v26, v32  }
0x43c: {  	v38 =	vor.u32 $0x10, v3;
	v59 =	vsel vm10, $0x40, v22;
	v61 =	vsel vm3, $0x8, v22  }
0x43d: {  	v57 =	vld.idx.msk [tilespmem:v53+s24+$0x0], $0xffff;
	v6 =	vperm.xlane v23, v37;
	v4 =	vor.u32 v59, v4;
	v10 =	vor.u32 $0x3, v61  }
0x43e: {  	v0 =	vadd.s32 v58, v0;
	v60 =	vshrl.u32 v4, $0x6;
	v13 =	vperm.xlane v23, v10  }
0x43f: {  	v0 =	vmax.u32 v0, $0x1;
	v34 =	vor.u32 $0x4, v61;
	v5 =	vld.idx.msk [tilespmem:v56+s20+$0x0], $0xffff;
	vm3 =	vlt.f32 v7, v27  }
0x440: {  	v45 =	vor.u32 $0x20, v4;
	v63 =	vsel vm3, v62, v1;
	vm12 =	vlt.f32 v13, v32  }
0x441: {  	v35 =	vmin.u32 v0, $0x7D3;
	v7 =	vshrl.u32 v63, $0x2;
	v1 =	vsel vm12, v34, v61  }
0x442: {  	vm3 =	vlt.f32 v57, v28;
	v12 =	vadd.s32 $0xFFFFFFFF, v35;
	v39 =	vor.u32 $0x1, v1  }
0x443: {  	v11 =	vsel vm3, $0x1, v22;
	vm3 =	vlt.f32 v6, v31;
	v36 =	vld.idx.msk [tilespmem:v60+s19+$0x0], $0xffff;
	v40 =	vperm.xlane v23, v39  }
0x444: {  	v6 =	vsel vm3, v42, v14;
	v43 =	vor.u32 $0x2, v1;
	vm13 =	vlt.f32 v5, v29  }
0x445: {  	v44 =	vor.u32 $0x1, v6;
	v3 =	vsel vm13, v38, v3;
	vm14 =	vlt.f32 v40, v32  }
0x446: {  	v5 =	vperm.xlane v23, v44;
	v41 =	vshrl.u32 v3, $0x4;
	v7 =	vld.idx.msk [tilespmem:v7+s23+$0x0], $0xffff;
	v1 =	vsel vm14, v43, v1  }
0x447: {  	v49 =	vadd.s32 $0x2, v63;
	v2 =	vadd.s32 v11, v2;
	v9 =	vperm.xlane v23, v1  }
0x448: {  	v46 =	vor.u32 $0x2, v6;
	vm15 =	vlt.f32 v5, v31;
	vm3 =	vlt.f32 v36, v30  }
0x449: {  	v5 =	vsel vm15, v46, v6;
	v4 =	vsel vm3, v45, v4;
	vm3 =	vlt.f32 v9, v32  }
0x44a: {  	v2 =	vmax.u32 v2, $0x1;
	v48 =	vperm.xlane v23, v5;
	v47 =	vsel vm3, $0x1, v22  }
0x44b: {  	v51 =	vshrl.u32 v4, $0x5;
	vm3 =	vlt.f32 v7, v27;
	v50 =	vld.idx.msk [tilespmem:v41+s21+$0x0], $0xffff;
	v1 =	vor.u32 v47, v1  }
0x44c: {  	v0 =	vsel vm3, v49, v63;
	vm3 =	vlt.f32 v48, v31;
	v52 =	vperm.xlane v24, v1  }
0x44d: {  	v58 =	vor.u32 $0x8, v3;
	v6 =	vmin.u32 v2, $0x7D3;
	v53 =	vsel vm3, $0x1, v22  }
0x44e: {  	v13 =	vld.idx.msk [tilespmem:v12+s6+$0x0], $0xffff;
	v36 =	vadd.s32 $0xFFFFFFFF, v6;
	v2 =	vor.u32 v53, v5;
	vm3 =	vlt.f32 v52, v32  }
0x44f: {  	v54 =	vld.idx.msk [tilespmem:v35+s6+$0x0], $0xffff;
	v1 =	vshll.u32 v1, $0x7;
	v57 =	vperm.xlane v24, v2;
	v55 =	vsel vm3, $0x40, v22  }
0x450: {  	v56 =	vshrl.u32 v0, $0x1;
	vm3 =	vlt.f32 v50, v29;
	v1 =	vor.u32 v55, v1  }
0x451: {  	v10 =	vld.idx.msk [tilespmem:v51+s20+$0x0], $0xffff;
	v3 =	vsel vm3, v58, v3;
	vm3 =	vlt.f32 v57, v31;
	v59 =	vshrl.u32 v1, $0x6  }
0x452: {  	v60 =	vld.idx.msk [tilespmem:v12+s25+$0x0], $0xffff;
	v2 =	vshll.u32 v2, $0x7;
	v61 =	vsel vm3, $0x40, v22  }
0x453: {  	v14 =	vmax.f32 v13, v33;
	v15 =	vld.idx.msk [tilespmem:v36+s6+$0x0], $0xffff;
	v9 =	vshrl.u32 v3, $0x3;
	v2 =	vor.u32 v61, v2  }
0x454: {  	v14 =	vmin.f32 v54, v14;
	v50 =	vld.idx.msk [tilespmem:v6+s6+$0x0], $0xffff;
	v63 =	vshrl.u32 v2, $0x6  }
0x455: {  	v62 =	vsub.f32 v14, v13;
	v7 =	vsub.f32 v54, v14;
	v5 =	vld.idx.msk [tilespmem:v56+s24+$0x0], $0xffff  }
0x456: {  	v40 =	vor.u32 $0x10, v4;
	vm3 =	vlt.f32 v10, v30;
	v11 =	vld.idx.msk [tilespmem:v59+s19+$0x0], $0xffff  }
0x457: {  	v33 =	vld [tilespmem:s11+$0xFFFFFF70];
	v14 =	vadd.f32 v7, v62;
	v4 =	vsel vm3, v40, v4  }
0x458: {  	v38 =	vmul.f32 v62, v60;
	v43 =	vor.u32 $0x20, v1;
	v10 =	vshrl.u32 v4, $0x4;
	v9 =	vld.idx.msk [tilespmem:v9+s22+$0x0], $0xffff  }
0x459: {  	v44 =	vmax.f32 v15, v28;
	v46 =	vadd.s32 $0x4, v3;
	vm3 =	veq.f32 v14, $0.0e+00;
	v41 =	vld.idx.msk [tilespmem:v63+s19+$0x0], $0xffff  }
0x45a: {  	v34 =	vld [tilespmem:s11+$0xFFFFFF80];
	v49 =	vor.u32 $0x20, v2;
	v14 =	vsel vm3, $0x3F800000, v14;
	vm3 =	vlt.f32 v5, v27  }
0x45b: {  	v12 =	vmin.f32 v50, v44;
	v42 =	vsel vm3, $0x1, v22;
	vm3 =	vlt.f32 v11, v32  }
0x45c: {  	v54 =	vor.u32 $0x8, v4;
	v1 =	vsel vm3, v43, v1;
	vm3 =	vlt.f32 v26, v33  }
0x45d: {  	v10 =	vld.idx.msk [tilespmem:v10+s21+$0x0], $0xffff;
	v45 =	vsel vm3, $0x8, v22;
	vm3 =	vlt.f32 v9, v29;
	v47 =	vshrl.u32 v1, $0x5  }
0x45e: {  	v3 =	vsel vm3, v46, v3;
	v48 =	vor.u32 $0x3, v45;
	vm3 =	vlt.f32 v41, v31  }
0x45f: {  	v13 =	vperm.xlane v23, v48;
	v2 =	vsel vm3, v49, v2;
	vm3 =	vlt.f32 v26, v34  }
0x460: {  	v15 =	vsub.f32 v12, v15;
	v52 =	vor.u32 $0x4, v45;
	v51 =	vsel vm3, $0x8, v22  }
0x461: {  	v16 =	vshrl.u32 v2, $0x5;
	vm3 =	vlt.f32 v13, v33;
	v53 =	vor.u32 $0x3, v51  }
0x462: {  	v11 =	vsel vm3, v52, v45;
	vm3 =	vlt.f32 v10, v30;
	v10 =	vperm.xlane v23, v53  }
0x463: {  	v5 =	vsub.f32 v50, v12;
	v0 =	vadd.s32 v42, v0;
	v56 =	vor.u32 $0x4, v51;
	v9 =	vld.idx.msk [tilespmem:v47+s20+$0x0], $0xffff  }
0x464: {  	v4 =	vsel vm3, v54, v4;
	v55 =	vor.u32 $0x1, v11;
	vm3 =	vlt.f32 v10, v34  }
0x465: {  	v0 =	vmax.u32 v0, $0x1;
	v13 =	vperm.xlane v23, v55;
	v57 =	vsel vm3, v56, v51  }
0x466: {  	v39 =	vmin.u32 v0, $0x7D3;
	v60 =	vor.u32 $0x10, v1;
	v10 =	vor.u32 $0x1, v57  }
0x467: {  	v58 =	vor.u32 $0x2, v11;
	v16 =	vld.idx.msk [tilespmem:v16+s20+$0x0], $0xffff;
	vm3 =	vlt.f32 v13, v33;
	v10 =	vperm.xlane v23, v10  }
0x468: {  	v61 =	vor.u32 $0x2, v57;
	v8 =	vsel vm3, v58, v11;
	vm3 =	vlt.f32 v9, v32  }
0x469: {  	v11 =	vperm.xlane v23, v8;
	v1 =	vsel vm3, v60, v1;
	vm3 =	vlt.f32 v10, v34  }
0x46a: {  	(erf) = vrcp.f32 v14;
	v59 =	vadd.s32 $0xFFFFFFFF, v39;
	v0 =	vsel vm3, v61, v57  }
0x46b: {  	v62 =	vshrl.u32 v4, $0x3;
	vm3 =	vlt.f32 v11, v33;
	v21 =	vperm.xlane v23, v0  }
0x46c: {  	v6 =	vld.idx.msk [tilespmem:v6+s25+$0x0], $0xffff;
	v11 =	vsel vm3, $0x1, v22;
	vm3 =	vlt.f32 v16, v31;
	v16 =	vor.u32 $0x10, v2  }
0x46d: {  	v8 =	vor.u32 v11, v8;
	v2 =	vsel vm3, v16, v2;
	vm3 =	vlt.f32 v21, v34  }
0x46e: {  	v37 =	vld.idx.msk [tilespmem:v39+s6+$0x0], $0xffff;
	v63 =	vshrl.u32 v1, $0x4;
	v11 =	vperm.xlane v24, v8;
	v44 =	vsel vm3, $0x1, v22  }
0x46f: {  	v40 =	vshrl.u32 v3, $0x2;
	v47 =	vld.idx.msk [tilespmem:v35+s25+$0x0], $0xffff;
	v21 =	vshrl.u32 v2, $0x4;
	v0 =	vor.u32 v44, v0  }
0x470: {  	v45 =	vadd.f32 v5, v15;
	v16 =	vld.idx.msk [tilespmem:v59+s6+$0x0], $0xffff;
	vm3 =	vlt.f32 v11, v33;
	v12 =	vperm.xlane v24, v0  }
0x471: {  	v5 =	vmul.f32 v5, v6;
	v10 =	vld.idx.msk [tilespmem:v62+s22+$0x0], $0xffff;
	v8 =	vshll.u32 v8, $0x7;
	v11 =	vsel vm3, $0x40, v22  }
0x472: {  	v48 =	vadd.s32 $0x4, v4;
	v8 =	vor.u32 v11, v8;
	vm3 =	vlt.f32 v12, v34  }
0x473: {  	v9 =	vld.idx.msk [tilespmem:v63+s21+$0x0], $0xffff;
	v0 =	vshll.u32 v0, $0x7;
	v11 =	vshrl.u32 v8, $0x6;
	v12 =	vsel vm3, $0x40, v22  }
0x474: {  	v7 =	vmul.f32 v7, v47;
	v51 =	vor.u32 $0x8, v1;
	v21 =	vld.idx.msk [tilespmem:v21+s21+$0x0], $0xffff;
	v0 =	vor.u32 v12, v0  }
0x475: {  	v52 =	vld.idx.msk [tilespmem:v36+s25+$0x0], $0xffff;
	v27 =	vmax.f32 v16, v27;
	vm3 =	veq.f32 v45, $0.0e+00;
	v49 =	vshrl.u32 v0, $0x6  }
0x476: {  	v50 =	vmin.f32 v37, v27;
	v46 =	vsel vm3, $0x3F800000, v45;
	vm3 =	vlt.f32 v10, v30  }
0x477: {  	v27 =	vld.idx.msk [tilespmem:v40+s23+$0x0], $0xffff;
	v16 =	vsub.f32 v50, v16;
	v14 =	vsub.f32 v37, v50;
	v4 =	vsel vm3, v48, v4  }
0x478: {  	(erf) = vrcp.f32 v46;
	vm3 =	vlt.f32 v9, v32;
	v10 =	vshrl.u32 v4, $0x2;
	v11 =	vld.idx.msk [tilespmem:v11+s19+$0x0], $0xffff  }
0x479: {  	v1 =	vsel vm3, v51, v1;
	vm3 =	vlt.f32 v21, v31;
	v21 =	vor.u32 $0x8, v2  }
0x47a: {  	v15 =	vmul.f32 v15, v52;
	v9 =	vshrl.u32 v1, $0x3;
	v2 =	vsel vm3, v21, v2;
	v21 =	vld.idx.msk [tilespmem:v49+s19+$0x0], $0xffff  }
0x47b: {  	v7 =	vadd.f32 v7, v38;
	v55 =	vor.u32 $0x20, v8;
	v53 =	vadd.f32 v14, v16  }
0x47c: {  	v13 =	vld.idx.msk [tilespmem:v59+s25+$0x0], $0xffff;
	vm3 =	vlt.f32 v27, v29;
	v27 =	vadd.s32 $0x2, v3;
	v54 =	vshrl.u32 v2, $0x3  }
0x47d: {  	v59 =	vor.u32 $0x20, v0;
	v3 =	vsel vm3, v27, v3;
	v10 =	vld.idx.msk [tilespmem:v10+s23+$0x0], $0xffff;
	vm3 =	vlt.f32 v11, v33  }
0x47e: {  	v56 =	vshrl.u32 v3, $0x1;
	v8 =	vsel vm3, v55, v8;
	vm3 =	veq.f32 v53, $0.0e+00  }
0x47f: {  	v57 =	vld.idx.msk [tilespmem:v9+s22+$0x0], $0xffff;
	v58 =	vshrl.u32 v8, $0x5;
	v37 =	vsel vm3, $0x3F800000, v53;
	vm3 =	vlt.f32 v21, v34  }
0x480: {  	v35 =	vld [tilespmem:s11+$0xFFFFFF90];
	v60 =	vpop (erf);
	v5 =	vadd.f32 v5, v15;
	v62 =	vadd.s32 $0x2, v4;
	v0 =	vsel vm3, v59, v0  }
0x481: {  	v38 =	vadd.s32 $0x4, v1;
	v27 =	vmul.f32 v60, v7;
	v15 =	vld.idx.msk [tilespmem:v54+s22+$0x0], $0xffff;
	v21 =	vshrl.u32 v0, $0x5  }
0x482: {  	v41 =	vadd.s32 $0x4, v2;
	v61 =	vpop (erf);
	v46 =	vor.u32 $0x10, v8;
	vm3 =	vlt.f32 v10, v30  }
0x483: {  	v28 =	vmul.f32 v61, v5;
	v63 =	vld.idx.msk [tilespmem:v56+s24+$0x0], $0xffff;
	(erf) = vrcp.f32 v37;
	v4 =	vsel vm3, v62, v4  }
0x484: {  	v10 =	vmul.f32 v16, v13;
	vm3 =	vlt.f32 v57, v32;
	v36 =	vshrl.u32 v4, $0x1;
	v9 =	vld.idx.msk [tilespmem:v58+s20+$0x0], $0xffff  }
0x485: {  	v50 =	vor.u32 $0x10, v0;
	v1 =	vsel vm3, v38, v1;
	vm3 =	vlt.f32 v26, v35  }
0x486: {  	v40 =	vsel vm3, $0x8, v22;
	vm3 =	vlt.f32 v15, v31;
	v42 =	vshrl.u32 v1, $0x2;
	v43 =	vld.idx.msk [tilespmem:v21+s20+$0x0], $0xffff  }
0x487: {  	v56 =	vadd.s32 $0x2, v1;
	v2 =	vsel vm3, v41, v2;
	v44 =	vor.u32 $0x3, v40  }
0x488: {  	v48 =	vld.idx.msk [tilespmem:v39+s25+$0x0], $0xffff;
	vm3 =	vlt.f32 v63, v29;
	v45 =	vshrl.u32 v2, $0x2;
	v13 =	vperm.xlane v23, v44  }
0x489: {  	v47 =	vor.u32 $0x4, v40;
	v15 =	vsel vm3, $0x1, v22;
	v7 =	vld.idx.msk [tilespmem:v36+s24+$0x0], $0xffff;
	vm3 =	vlt.f32 v9, v33  }
0x48a: {  	v58 =	vadd.s32 $0x2, v2;
	v8 =	vsel vm3, v46, v8;
	vm3 =	vlt.f32 v13, v35  }
0x48b: {  	v3 =	vadd.s32 v15, v3;
	v49 =	vld.idx.msk [tilespmem:v42+s23+$0x0], $0xffff;
	v6 =	vsel vm3, v47, v40;
	vm3 =	vlt.f32 v43, v34  }
0x48c: {  	v15 =	vshrl.u32 v8, $0x4;
	v51 =	vor.u32 $0x1, v6;
	v0 =	vsel vm3, v50, v0  }
0x48d: {  	v3 =	vmax.u32 v3, $0x1;
	v5 =	vld.idx.msk [tilespmem:v45+s23+$0x0], $0xffff;
	v52 =	vperm.xlane v23, v51;
	v53 =	vshrl.u32 v0, $0x4  }
0x48e: {  	v3 =	vmin.u32 v3, $0x7D3;
	v13 =	vmul.f32 v14, v48;
	vm3 =	vlt.f32 v7, v30  }
0x48f: {  	v36 =	vld [tilespmem:s11+$0xFFFFFFA0];
	v55 =	vor.u32 $0x2, v6;
	v54 =	vsel vm3, $0x1, v22;
	vm3 =	vlt.f32 v52, v35  }
0x490: {  	v14 =	vadd.s32 $0xFFFFFFFF, v3;
	v6 =	vsel vm3, v55, v6;
	vm3 =	vlt.f32 v49, v32  }
0x491: {  	v62 =	vor.u32 $0x8, v8;
	v57 =	vld.idx.msk [tilespmem:v15+s21+$0x0], $0xffff;
	v15 =	vperm.xlane v23, v6;
	v1 =	vsel vm3, v56, v1  }
0x492: {  	v43 =	vor.u32 $0x8, v0;
	vm3 =	vlt.f32 v5, v31;
	v9 =	vshrl.u32 v1, $0x1;
	v59 =	vld.idx.msk [tilespmem:v53+s21+$0x0], $0xffff  }
0x493: {  	v4 =	vadd.s32 v54, v4;
	v2 =	vsel vm3, v58, v2;
	vm3 =	vlt.f32 v15, v35  }
0x494: {  	v4 =	vmax.u32 v4, $0x1;
	v60 =	vsel vm3, $0x1, v22;
	vm3 =	vlt.f32 v26, v36  }
0x495: {  	v61 =	vshrl.u32 v2, $0x1;
	v15 =	vsel vm3, $0x8, v22;
	v6 =	vor.u32 v60, v6  }
0x496: {  	vm3 =	vlt.f32 v57, v33;
	v41 =	vperm.xlane v24, v6;
	v42 =	vor.u32 $0x3, v15  }
0x497: {  	v63 =	vsel vm3, v62, v8;
	v9 =	vld.idx.msk [tilespmem:v9+s24+$0x0], $0xffff;
	v11 =	vperm.xlane v23, v42;
	vm3 =	vlt.f32 v59, v34  }
0x498: {  	v46 =	vld.idx.msk [tilespmem:v14+s6+$0x0], $0xffff;
	v4 =	vmin.u32 v4, $0x7D3;
	v0 =	vsel vm3, v43, v0;
	vm3 =	vlt.f32 v41, v35  }
0x499: {  	v45 =	vor.u32 $0x4, v15;
	v44 =	vsel vm3, $0x40, v22;
	vm3 =	vlt.f32 v11, v36  }
0x49a: {  	v10 =	vadd.f32 v13, v10;
	v50 =	vadd.s32 $0xFFFFFFFF, v4;
	v48 =	vld.idx.msk [tilespmem:v61+s24+$0x0], $0xffff;
	v8 =	vsel vm3, v45, v15  }
0x49b: {  	v6 =	vshll.u32 v6, $0x7;
	v16 =	vshrl.u32 v63, $0x3;
	v15 =	vld.idx.msk [tilespmem:v3+s6+$0x0], $0xffff;
	v47 =	vor.u32 $0x1, v8  }
0x49c: {  	v5 =	vor.u32 v44, v6;
	vm3 =	vlt.f32 v9, v32;
	v6 =	vperm.xlane v23, v47  }
0x49d: {  	v29 =	vmax.f32 v46, v29;
	v21 =	vshrl.u32 v0, $0x3;
	v51 =	vsel vm3, $0x1, v22  }
0x49e: {  	v14 =	vld.idx.msk [tilespmem:v14+s25+$0x0], $0xffff;
	v52 =	vor.u32 $0x2, v8;
	v1 =	vadd.s32 v51, v1;
	vm3 =	vlt.f32 v6, v36  }
0x49f: {  	v3 =	vld.idx.msk [tilespmem:v3+s25+$0x0], $0xffff;
	v49 =	vshrl.u32 v5, $0x6;
	v1 =	vmax.u32 v1, $0x1;
	v6 =	vsel vm3, v52, v8  }
0x4a0: {  	v16 =	vld.idx.msk [tilespmem:v16+s22+$0x0], $0xffff;
	v53 =	vmin.f32 v15, v29;
	v1 =	vmin.u32 v1, $0x7D3;
	vm3 =	vlt.f32 v48, v31  }
0x4a1: {  	v58 =	vld.idx.msk [tilespmem:v4+s6+$0x0], $0xffff;
	v54 =	vperm.xlane v23, v6;
	v11 =	vsub.f32 v53, v46;
	v8 =	vsub.f32 v15, v53  }
0x4a2: {  	v62 =	vor.u32 $0x20, v5;
	v21 =	vld.idx.msk [tilespmem:v21+s22+$0x0], $0xffff;
	v55 =	vadd.s32 $0xFFFFFFFF, v1;
	v15 =	vsel vm3, $0x1, v22  }
0x4a3: {  	v57 =	vld.idx.msk [tilespmem:v50+s6+$0x0], $0xffff;
	v2 =	vadd.s32 v15, v2;
	vm3 =	vlt.f32 v54, v36;
	v60 =	vadd.f32 v8, v11  }
0x4a4: {  	v56 =	vld.idx.msk [tilespmem:v49+s19+$0x0], $0xffff;
	v2 =	vmax.u32 v2, $0x1;
	v11 =	vmul.f32 v11, v14;
	v3 =	vmul.f32 v8, v3  }
0x4a5: {  	v59 =	vsel vm3, $0x1, v22;
	vm3 =	vlt.f32 v16, v33;
	v16 =	vadd.s32 $0x4, v63  }
0x4a6: {  	v2 =	vmin.u32 v2, $0x7D3;
	v7 =	vsel vm3, v16, v63;
	v6 =	vor.u32 v59, v6  }
0x4a7: {  	vm3 =	vlt.f32 v21, v34;
	v16 =	vadd.s32 $0x4, v0;
	v42 =	vadd.s32 $0xFFFFFFFF, v2;
	v61 =	vld.idx.msk [tilespmem:v55+s6+$0x0], $0xffff  }
0x4a8: {  	v63 =	vld.idx.msk [tilespmem:v1+s6+$0x0], $0xffff;
	v21 =	vperm.xlane v24, v6;
	v0 =	vsel vm3, v16, v0;
	v16 =	vmax.f32 v57, v30  }
0x4a9: {  	v4 =	vld.idx.msk [tilespmem:v4+s25+$0x0], $0xffff;
	vm3 =	vlt.f32 v56, v35;
	v44 =	vmin.f32 v58, v16;
	v16 =	vshrl.u32 v7, $0x2  }
0x4aa: {  	v13 =	vld.idx.msk [tilespmem:v50+s25+$0x0], $0xffff;
	v6 =	vshll.u32 v6, $0x7;
	v5 =	vsel vm3, v62, v5;
	v15 =	vshrl.u32 v0, $0x2  }
0x4ab: {  	vm3 =	vlt.f32 v21, v36;
	v12 =	vsub.f32 v44, v57;
	v9 =	vsub.f32 v58, v44  }
0x4ac: {  	v46 =	vshrl.u32 v5, $0x5;
	v21 =	vsel vm3, $0x40, v22;
	v45 =	vmax.f32 v61, v32  }
0x4ad: {  	v1 =	vld.idx.msk [tilespmem:v1+s25+$0x0], $0xffff;
	vm3 =	veq.f32 v60, $0.0e+00;
	v41 =	vadd.f32 v9, v12;
	v29 =	vmin.f32 v63, v45  }
0x4ae: {  	v47 =	vsel vm3, $0x3F800000, v60;
	v16 =	vld.idx.msk [tilespmem:v16+s23+$0x0], $0xffff;
	v39 =	vsub.f32 v29, v61;
	v29 =	vsub.f32 v63, v29  }
0x4af: {  	v6 =	vor.u32 v21, v6;
	v51 =	vld.idx.msk [tilespmem:v42+s6+$0x0], $0xffff;
	v12 =	vmul.f32 v12, v13;
	v4 =	vmul.f32 v9, v4  }
0x4b0: {  	v48 =	vshrl.u32 v6, $0x6;
	vm3 =	veq.f32 v41, $0.0e+00;
	v15 =	vld.idx.msk [tilespmem:v15+s23+$0x0], $0xffff;
	v21 =	vadd.f32 v29, v39  }
0x4b1: {  	v3 =	vadd.f32 v3, v11;
	(erf) = vrcp.f32 v47;
	v49 =	vsel vm3, $0x3F800000, v41;
	v50 =	vld.idx.msk [tilespmem:v46+s20+$0x0], $0xffff  }
0x4b2: {  	v53 =	vld.idx.msk [tilespmem:v55+s25+$0x0], $0xffff;
	v4 =	vadd.f32 v4, v12;
	(erf) = vrcp.f32 v49;
	vm3 =	veq.f32 v21, $0.0e+00  }
0x4b3: {  	v52 =	vsel vm3, $0x3F800000, v21;
	v21 =	vld.idx.msk [tilespmem:v2+s6+$0x0], $0xffff;
	vm3 =	vlt.f32 v16, v33;
	v16 =	vadd.s32 $0x2, v7  }
0x4b4: {  	v55 =	vmax.f32 v51, v31;
	(erf) = vrcp.f32 v52;
	v7 =	vsel vm3, v16, v7  }
0x4b5: {  	vm3 =	vlt.f32 v15, v34;
	v15 =	vadd.s32 $0x2, v0;
	v16 =	vld.idx.msk [tilespmem:v48+s19+$0x0], $0xffff;
	v54 =	vshrl.u32 v7, $0x1  }
0x4b6: {  	v0 =	vsel vm3, v15, v0;
	vm3 =	vlt.f32 v50, v35;
	v15 =	vor.u32 $0x10, v5  }
0x4b7: {  	v11 =	vmul.f32 v39, v53;
	v56 =	vshrl.u32 v0, $0x1;
	v5 =	vsel vm3, v15, v5  }
0x4b8: {  	v1 =	vmul.f32 v29, v1;
	v2 =	vld.idx.msk [tilespmem:v2+s25+$0x0], $0xffff;
	v58 =	vshrl.u32 v5, $0x4;
	v15 =	vmin.f32 v21, v55  }
0x4b9: {  	v40 =	vld [tilespmem:s11+$0xFFFFFFB0];
	v8 =	vsub.f32 v15, v51;
	v59 =	vsub.f32 v21, v15  }
0x4ba: {  	v57 =	vld.idx.msk [tilespmem:v42+s25+$0x0], $0xffff;
	v1 =	vadd.f32 v1, v11;
	vm3 =	vlt.f32 v16, v36;
	v15 =	vor.u32 $0x20, v6;
	v16 =	vpop (erf)  }
0x4bb: {  	v46 =	vor.u32 $0x8, v5;
	v14 =	vld.idx.msk [tilespmem:v54+s24+$0x0], $0xffff;
	v6 =	vsel vm3, v15, v6;
	v60 =	vpop (erf);
	v21 =	vadd.f32 v59, v8  }
0x4bc: {  	v32 =	vmul.f32 v16, v10;
	v61 =	vld.idx.msk [tilespmem:v56+s24+$0x0], $0xffff;
	v15 =	vshrl.u32 v6, $0x5;
	v29 =	vmul.f32 v60, v3  }
0x4bd: {  	v62 =	vpop (erf);
	v2 =	vmul.f32 v59, v2;
	v49 =	vor.u32 $0x10, v6;
	v63 =	vld.idx.msk [tilespmem:v58+s21+$0x0], $0xffff;
	vm3 =	veq.f32 v21, $0.0e+00  }
0x4be: {  	v30 =	vmul.f32 v62, v4;
	v39 =	vpop (erf);
	v41 =	vsel vm3, $0x3F800000, v21;
	vm3 =	vlt.f32 v26, v40  }
0x4bf: {  	v31 =	vmul.f32 v39, v1;
	v1 =	vmul.f32 v8, v57;
	v42 =	vsel vm3, $0x8, v22  }
0x4c0: {  	vm3 =	vlt.f32 v14, v33;
	(erf) = vrcp.f32 v41;
	v43 =	vor.u32 $0x3, v42  }
0x4c1: {  	v37 =	vld [tilespmem:s11+$0xFFFFFFC0];
	v44 =	vsel vm3, $0x1, v22;
	vm3 =	vlt.f32 v61, v34;
	v47 =	vor.u32 $0x4, v42  }
0x4c2: {  	v8 =	vperm.xlane v23, v43;
	v12 =	vsel vm3, $0x1, v22;
	vm3 =	vlt.f32 v63, v35  }
0x4c3: {  	v45 =	vld.idx.msk [tilespmem:v15+s20+$0x0], $0xffff;
	v1 =	vadd.f32 v2, v1;
	v7 =	vadd.s32 v44, v7;
	v5 =	vsel vm3, v46, v5  }
0x4c4: {  	v7 =	vmax.u32 v7, $0x1;
	v0 =	vadd.s32 v12, v0;
	vm3 =	vlt.f32 v8, v40  }
0x4c5: {  	v7 =	vmin.u32 v7, $0x7D3;
	v15 =	vshrl.u32 v5, $0x3;
	v3 =	vsel vm3, v47, v42  }
0x4c6: {  	v0 =	vmax.u32 v0, $0x1;
	vm3 =	vlt.f32 v26, v37;
	v8 =	vor.u32 $0x1, v3  }
0x4c7: {  	v38 =	vld [tilespmem:s11+$0xFFFFFFD0];
	v4 =	vadd.s32 $0xFFFFFFFF, v7;
	v48 =	vsel vm3, $0x8, v22;
	v8 =	vperm.xlane v23, v8  }
0x4c8: {  	vm3 =	vlt.f32 v45, v36;
	v51 =	vor.u32 $0x2, v3;
	v50 =	vor.u32 $0x3, v48  }
0x4c9: {  	v6 =	vsel vm3, v49, v6;
	v10 =	vperm.xlane v23, v50;
	vm3 =	vlt.f32 v8, v40  }
0x4ca: {  	v0 =	vmin.u32 v0, $0x7D3;
	v52 =	vor.u32 $0x4, v48;
	v3 =	vsel vm3, v51, v3  }
0x4cb: {  	v53 =	vshrl.u32 v6, $0x4;
	vm3 =	vlt.f32 v10, v37;
	v8 =	vperm.xlane v23, v3  }
0x4cc: {  	v47 =	vor.u32 $0x8, v6;
	v9 =	vsel vm3, v52, v48;
	vm3 =	vlt.f32 v26, v38  }
0x4cd: {  	v54 =	vsel vm3, $0x8, v22;
	v55 =	vor.u32 $0x1, v9;
	vm3 =	vlt.f32 v8, v40  }
0x4ce: {  	v43 =	vld.idx.msk [tilespmem:v4+s6+$0x0], $0xffff;
	v8 =	vperm.xlane v23, v55;
	v57 =	vor.u32 $0x3, v54;
	v56 =	vsel vm3, $0x1, v22  }
0x4cf: {  	v46 =	vld.idx.msk [tilespmem:v15+s22+$0x0], $0xffff;
	v15 =	vadd.s32 $0xFFFFFFFF, v0;
	v58 =	vperm.xlane v23, v57;
	v3 =	vor.u32 v56, v3  }
0x4d0: {  	v60 =	vor.u32 $0x2, v9;
	vm3 =	vlt.f32 v8, v37;
	v59 =	vperm.xlane v24, v3  }
0x4d1: {  	v16 =	vld.idx.msk [tilespmem:v7+s6+$0x0], $0xffff;
	v61 =	vor.u32 $0x4, v54;
	v8 =	vsel vm3, v60, v9;
	vm3 =	vlt.f32 v58, v38  }
0x4d2: {  	v9 =	vsel vm3, v61, v54;
	v39 =	vperm.xlane v23, v8;
	vm3 =	vlt.f32 v59, v40  }
0x4d3: {  	v62 =	vld.idx.msk [tilespmem:v53+s21+$0x0], $0xffff;
	v21 =	vmax.f32 v43, v33;
	v3 =	vshll.u32 v3, $0x7;
	v63 =	vsel vm3, $0x40, v22  }
0x4d4: {  	v41 =	vor.u32 $0x1, v9;
	vm3 =	vlt.f32 v39, v37;
	v3 =	vor.u32 v63, v3  }
0x4d5: {  	v42 =	vperm.xlane v23, v41;
	v13 =	vsel vm3, $0x1, v22;
	v44 =	vshrl.u32 v3, $0x6  }
0x4d6: {  	v52 =	vmin.f32 v16, v21;
	v54 =	vadd.s32 $0x4, v5;
	v8 =	vor.u32 v13, v8  }
0x4d7: {  	v45 =	vor.u32 $0x2, v9;
	vm3 =	vlt.f32 v42, v38;
	v13 =	vperm.xlane v24, v8  }
0x4d8: {  	v12 =	vsub.f32 v52, v43;
	v9 =	vsel vm3, v45, v9;
	vm3 =	vlt.f32 v62, v36  }
0x4d9: {  	v4 =	vld.idx.msk [tilespmem:v4+s25+$0x0], $0xffff;
	v6 =	vsel vm3, v47, v6;
	v48 =	vperm.xlane v23, v9;
	vm3 =	vlt.f32 v13, v37  }
0x4da: {  	v8 =	vshll.u32 v8, $0x7;
	v49 =	vshrl.u32 v6, $0x3;
	v51 =	vsel vm3, $0x40, v22;
	v50 =	vld.idx.msk [tilespmem:v44+s19+$0x0], $0xffff  }
0x4db: {  	v7 =	vld.idx.msk [tilespmem:v7+s25+$0x0], $0xffff;
	v10 =	vsub.f32 v16, v52;
	vm3 =	vlt.f32 v48, v38;
	v8 =	vor.u32 v51, v8  }
0x4dc: {  	v61 =	vpop (erf);
	v53 =	vsel vm3, $0x1, v22;
	vm3 =	vlt.f32 v46, v35;
	v21 =	vshrl.u32 v8, $0x6  }
0x4dd: {  	v55 =	vld.idx.msk [tilespmem:v15+s6+$0x0], $0xffff;
	v33 =	vmul.f32 v61, v1;
	v5 =	vsel vm3, v54, v5;
	v9 =	vor.u32 v53, v9  }
0x4de: {  	v56 =	vld.idx.msk [tilespmem:v0+s6+$0x0], $0xffff;
	v60 =	vadd.f32 v10, v12;
	v57 =	vshrl.u32 v5, $0x2;
	v16 =	vperm.xlane v24, v9  }
0x4df: {  	v4 =	vmul.f32 v12, v4;
	v59 =	vor.u32 $0x20, v3;
	v58 =	vld.idx.msk [tilespmem:v49+s22+$0x0], $0xffff;
	vm3 =	vlt.f32 v50, v40  }
0x4e0: {  	v7 =	vmul.f32 v10, v7;
	v3 =	vsel vm3, v59, v3;
	vm3 =	vlt.f32 v16, v38  }
0x4e1: {  	v9 =	vshll.u32 v9, $0x7;
	v21 =	vld.idx.msk [tilespmem:v21+s19+$0x0], $0xffff;
	v16 =	vshrl.u32 v3, $0x5;
	v62 =	vsel vm3, $0x40, v22  }
0x4e2: {  	v39 =	vld [tilespmem:s11+$0xFFFFFFE0];
	v4 =	vadd.f32 v7, v4;
	v45 =	vmax.f32 v55, v34;
	v63 =	vor.u32 v62, v9  }
0x4e3: {  	v13 =	vmin.f32 v56, v45;
	vm3 =	veq.f32 v60, $0.0e+00;
	v14 =	vld.idx.msk [tilespmem:v57+s23+$0x0], $0xffff;
	v46 =	vshrl.u32 v63, $0x6  }
0x4e4: {  	v15 =	vld.idx.msk [tilespmem:v15+s25+$0x0], $0xffff;
	v47 =	vadd.s32 $0x4, v6;
	v44 =	vsel vm3, $0x3F800000, v60;
	vm3 =	vlt.f32 v58, v36  }
0x4e5: {  	v0 =	vld.idx.msk [tilespmem:v0+s25+$0x0], $0xffff;
	v48 =	vsub.f32 v13, v55;
	v11 =	vsub.f32 v56, v13;
	v2 =	vsel vm3, v47, v6  }
0x4e6: {  	v6 =	vshrl.u32 v2, $0x2;
	vm3 =	vlt.f32 v21, v37;
	v21 =	vor.u32 $0x20, v8;
	v16 =	vld.idx.msk [tilespmem:v16+s20+$0x0], $0xffff  }
0x4e7: {  	v41 =	vadd.f32 v11, v48;
	v8 =	vsel vm3, v21, v8;
	vm3 =	vlt.f32 v26, v39  }
0x4e8: {  	v50 =	vadd.s32 $0x2, v5;
	v49 =	vsel vm3, $0x8, v22;
	vm3 =	vlt.f32 v14, v35;
	v21 =	vld.idx.msk [tilespmem:v46+s19+$0x0], $0xffff  }
0x4e9: {  	v51 =	vshrl.u32 v8, $0x5;
	v5 =	vsel vm3, v50, v5;
	v52 =	vor.u32 $0x3, v49  }
0x4ea: {  	v12 =	vmul.f32 v48, v15;
	v53 =	vshrl.u32 v5, $0x1;
	v34 =	vperm.xlane v23, v52  }
0x4eb: {  	v0 =	vmul.f32 v11, v0;
	v6 =	vld.idx.msk [tilespmem:v6+s23+$0x0], $0xffff;
	vm3 =	vlt.f32 v16, v40;
	v16 =	vor.u32 $0x10, v3  }
0x4ec: {  	v3 =	vsel vm3, v16, v3;
	vm3 =	vlt.f32 v34, v39;
	v16 =	vor.u32 $0x4, v49  }
0x4ed: {  	v13 =	vsel vm3, v16, v49;
	vm3 =	vlt.f32 v21, v38;
	v16 =	vor.u32 $0x20, v63  }
0x4ee: {  	v14 =	vld.idx.msk [tilespmem:v51+s20+$0x0], $0xffff;
	v21 =	vshrl.u32 v3, $0x4;
	v1 =	vsel vm3, v16, v63;
	v16 =	vor.u32 $0x1, v13  }
0x4ef: {  	vm3 =	veq.f32 v41, $0.0e+00;
	v10 =	vld.idx.msk [tilespmem:v53+s24+$0x0], $0xffff;
	v54 =	vshrl.u32 v1, $0x5;
	v16 =	vperm.xlane v23, v16  }
0x4f0: {  	v55 =	vadd.s32 $0x2, v2;
	v41 =	vsel vm3, $0x3F800000, v41;
	vm3 =	vlt.f32 v6, v36  }
0x4f1: {  	v56 =	vor.u32 $0x2, v13;
	v2 =	vsel vm3, v55, v2;
	vm3 =	vlt.f32 v16, v39  }
0x4f2: {  	v0 =	vadd.f32 v0, v12;
	(erf) = vrcp.f32 v44;
	v6 =	vsel vm3, v56, v13  }
0x4f3: {  	v58 =	vor.u32 $0x10, v8;
	v57 =	vld.idx.msk [tilespmem:v21+s21+$0x0], $0xffff;
	vm3 =	vlt.f32 v14, v37;
	v13 =	vperm.xlane v23, v6  }
0x4f4: {  	v59 =	vshrl.u32 v2, $0x1;
	v8 =	vsel vm3, v58, v8;
	vm3 =	vlt.f32 v10, v35;
	v60 =	vld.idx.msk [tilespmem:v54+s20+$0x0], $0xffff  }
0x4f5: {  	v61 =	vsel vm3, $0x1, v22;
	v16 =	vshrl.u32 v8, $0x4;
	vm3 =	vlt.f32 v13, v39  }
0x4f6: {  	v43 =	vld [tilespmem:s11+$0xFFFFFFF0];
	v62 =	vor.u32 $0x8, v3;
	v34 =	vor.u32 $0x10, v1;
	v13 =	vsel vm3, $0x1, v22  }
0x4f7: {  	(erf) = vrcp.f32 v41;
	v5 =	vadd.s32 v61, v5;
	v6 =	vor.u32 v13, v6  }
0x4f8: {  	v5 =	vmax.u32 v5, $0x1;
	vm3 =	vlt.f32 v57, v40;
	v63 =	vperm.xlane v24, v6  }
0x4f9: {  	v9 =	vld.idx.msk [tilespmem:v59+s24+$0x0], $0xffff;
	v5 =	vmin.u32 v5, $0x7D3;
	v3 =	vsel vm3, v62, v3;
	vm3 =	vlt.f32 v60, v38  }
0x4fa: {  	v42 =	vshrl.u32 v3, $0x3;
	v44 =	vld.idx.msk [tilespmem:v16+s21+$0x0], $0xffff;
	v1 =	vsel vm3, v34, v1;
	vm3 =	vlt.f32 v63, v39  }
0x4fb: {  	v11 =	vadd.s32 $0xFFFFFFFF, v5;
	v45 =	vsel vm3, $0x40, v22;
	vm3 =	vlt.f32 v26, v43  }
0x4fc: {  	v6 =	vshll.u32 v6, $0x7;
	v15 =	vshrl.u32 v1, $0x4;
	v46 =	vsel vm3, $0x8, v22  }
0x4fd: {  	v49 =	vor.u32 $0x8, v8;
	v6 =	vor.u32 v45, v6;
	v47 =	vor.u32 $0x3, v46  }
0x4fe: {  	v21 =	vpop (erf);
	vm3 =	vlt.f32 v9, v36;
	v48 =	vshrl.u32 v6, $0x6;
	v7 =	vperm.xlane v23, v47  }
0x4ff: {  	v34 =	vmul.f32 v21, v4;
	v16 =	vsel vm3, $0x1, v22;
	v10 =	vld.idx.msk [tilespmem:v42+s22+$0x0], $0xffff;
	vm3 =	vlt.f32 v44, v37  }
0x500: {  	v50 =	vor.u32 $0x4, v46;
	v4 =	vld.idx.msk [tilespmem:v11+s6+$0x0], $0xffff;
	v8 =	vsel vm3, v49, v8;
	vm3 =	vlt.f32 v7, v43  }
0x501: {  	v52 =	vadd.s32 $0x4, v3;
	v55 =	vor.u32 $0x8, v1;
	v51 =	vld.idx.msk [tilespmem:v15+s21+$0x0], $0xffff;
	v7 =	vsel vm3, v50, v46  }
0x502: {  	v57 =	vor.u32 $0x20, v6;
	v2 =	vadd.s32 v16, v2;
	v15 =	vld.idx.msk [tilespmem:v5+s6+$0x0], $0xffff;
	v14 =	vor.u32 $0x1, v7  }
0x503: {  	v2 =	vmax.u32 v2, $0x1;
	v13 =	vshrl.u32 v8, $0x3;
	v9 =	vld.idx.msk [tilespmem:v48+s19+$0x0], $0xffff;
	v14 =	vperm.xlane v23, v14  }
0x504: {  	v44 =	vmin.u32 v2, $0x7D3;
	v49 =	vadd.s32 $0x4, v8;
	vm3 =	vlt.f32 v10, v40  }
0x505: {  	v41 =	vld [tilespmem:s11+$0x0];
	v53 =	vor.u32 $0x2, v7;
	v2 =	vsel vm3, v52, v3;
	vm3 =	vlt.f32 v14, v43  }
0x506: {  	v58 =	vmax.f32 v4, v35;
	v10 =	vadd.s32 $0xFFFFFFFF, v44;
	v3 =	vsel vm3, v53, v7  }
0x507: {  	v54 =	vshrl.u32 v2, $0x2;
	vm3 =	vlt.f32 v51, v38;
	v56 =	vperm.xlane v23, v3  }
0x508: {  	v13 =	vld.idx.msk [tilespmem:v13+s22+$0x0], $0xffff;
	v59 =	vmin.f32 v15, v58;
	v1 =	vsel vm3, v55, v1;
	vm3 =	vlt.f32 v9, v39  }
0x509: {  	v4 =	vsub.f32 v59, v4;
	v6 =	vsel vm3, v57, v6;
	vm3 =	vlt.f32 v56, v43  }
0x50a: {  	v7 =	vsub.f32 v15, v59;
	v60 =	vsel vm3, $0x1, v22;
	vm3 =	vlt.f32 v26, v41  }
0x50b: {  	v11 =	vld.idx.msk [tilespmem:v11+s25+$0x0], $0xffff;
	v63 =	vshrl.u32 v1, $0x3;
	v16 =	vsel vm3, $0x8, v22;
	v3 =	vor.u32 v60, v3  }
0x50c: {  	v58 =	vadd.f32 v7, v4;
	v48 =	vperm.xlane v24, v3;
	v21 =	vor.u32 $0x3, v16  }
0x50d: {  	v50 =	vshrl.u32 v6, $0x5;
	v62 =	vld.idx.msk [tilespmem:v54+s23+$0x0], $0xffff;
	vm3 =	vlt.f32 v13, v37;
	v21 =	vperm.xlane v23, v21  }
0x50e: {  	v5 =	vld.idx.msk [tilespmem:v5+s25+$0x0], $0xffff;
	v8 =	vsel vm3, v49, v8;
	v3 =	vshll.u32 v3, $0x7;
	vm3 =	vlt.f32 v48, v43  }
0x50f: {  	v45 =	vld.idx.msk [tilespmem:v44+s6+$0x0], $0xffff;
	v14 =	vsel vm3, $0x40, v22;
	vm3 =	vlt.f32 v21, v41;
	v21 =	vor.u32 $0x4, v16  }
0x510: {  	v61 =	vld.idx.msk [tilespmem:v10+s6+$0x0], $0xffff;
	v4 =	vmul.f32 v4, v11;
	v3 =	vor.u32 v14, v3;
	v52 =	vsel vm3, v21, v16  }
0x511: {  	v53 =	vld.idx.msk [tilespmem:v63+s22+$0x0], $0xffff;
	v55 =	vshrl.u32 v8, $0x2;
	v54 =	vshrl.u32 v3, $0x6;
	v16 =	vor.u32 $0x1, v52  }
0x512: {  	v42 =	vld.idx.msk [tilespmem:v50+s20+$0x0], $0xffff;
	vm3 =	vlt.f32 v62, v40;
	v21 =	vadd.s32 $0x2, v2;
	v16 =	vperm.xlane v23, v16  }
0x513: {  	v5 =	vmul.f32 v7, v5;
	v56 =	vadd.s32 $0x4, v1;
	v2 =	vsel vm3, v21, v2  }
0x514: {  	v21 =	vshrl.u32 v2, $0x1;
	vm3 =	vlt.f32 v16, v41;
	v16 =	vor.u32 $0x2, v52  }
0x515: {  	v57 =	vor.u32 $0x10, v6;
	v4 =	vadd.f32 v5, v4;
	v14 =	vsel vm3, v16, v52  }
0x516: {  	v51 =	vmax.f32 v61, v36;
	vm3 =	vlt.f32 v53, v38;
	v13 =	vld.idx.msk [tilespmem:v54+s19+$0x0], $0xffff;
	v15 =	vperm.xlane v23, v14  }
0x517: {  	v35 =	vmin.f32 v45, v51;
	v16 =	vld.idx.msk [tilespmem:v55+s23+$0x0], $0xffff;
	v1 =	vsel vm3, v56, v1;
	vm3 =	vlt.f32 v42, v39  }
0x518: {  	v12 =	vsub.f32 v35, v61;
	v6 =	vsel vm3, v57, v6;
	vm3 =	vlt.f32 v15, v41  }
0x519: {  	v36 =	vsub.f32 v45, v35;
	v62 =	vadd.s32 $0x2, v8;
	v15 =	vld.idx.msk [tilespmem:v21+s24+$0x0], $0xffff;
	v59 =	vsel vm3, $0x1, v22  }
0x51a: {  	v61 =	vor.u32 $0x20, v3;
	v21 =	vshrl.u32 v1, $0x2;
	v14 =	vor.u32 v59, v14  }
0x51b: {  	v60 =	vshrl.u32 v6, $0x4;
	vm3 =	vlt.f32 v13, v43;
	v35 =	vperm.xlane v24, v14  }
0x51c: {  	v45 =	vadd.f32 v36, v12;
	v3 =	vsel vm3, v61, v3;
	vm3 =	vlt.f32 v16, v37  }
0x51d: {  	v14 =	vshll.u32 v14, $0x7;
	v8 =	vsel vm3, v62, v8;
	vm3 =	vlt.f32 v35, v41  }
0x51e: {  	v48 =	vpop (erf);
	v52 =	vld.idx.msk [tilespmem:v10+s25+$0x0], $0xffff;
	v63 =	vshrl.u32 v3, $0x5;
	v16 =	vsel vm3, $0x40, v22;
	vm3 =	vlt.f32 v15, v40  }
0x51f: {  	v35 =	vmul.f32 v48, v0;
	v15 =	vld.idx.msk [tilespmem:v21+s23+$0x0], $0xffff;
	v46 =	vshrl.u32 v8, $0x1;
	v21 =	vsel vm3, $0x1, v22  }
0x520: {  	v14 =	vor.u32 v16, v14;
	vm3 =	veq.f32 v58, $0.0e+00;
	v16 =	vld.idx.msk [tilespmem:v60+s21+$0x0], $0xffff;
	v2 =	vadd.s32 v21, v2  }
0x521: {  	v42 =	vld [tilespmem:s11+$0x10];
	v21 =	vshrl.u32 v14, $0x6;
	v9 =	vsel vm3, $0x3F800000, v58;
	vm3 =	veq.f32 v45, $0.0e+00  }
0x522: {  	v54 =	vor.u32 $0x10, v3;
	v2 =	vmax.u32 v2, $0x1;
	v49 =	vsel vm3, $0x3F800000, v45  }
0x523: {  	(erf) = vrcp.f32 v9;
	v9 =	vmul.f32 v12, v52;
	v2 =	vmin.u32 v2, $0x7D3;
	v13 =	vld.idx.msk [tilespmem:v63+s20+$0x0], $0xffff  }
0x524: {  	v45 =	vadd.s32 $0xFFFFFFFF, v2;
	vm3 =	vlt.f32 v15, v38;
	v15 =	vadd.s32 $0x2, v1;
	v50 =	vld.idx.msk [tilespmem:v46+s24+$0x0], $0xffff  }
0x525: {  	v1 =	vsel vm3, v15, v1;
	vm3 =	vlt.f32 v16, v39;
	v15 =	vor.u32 $0x8, v6  }
0x526: {  	v51 =	vshrl.u32 v1, $0x1;
	v16 =	vld.idx.msk [tilespmem:v21+s19+$0x0], $0xffff;
	v6 =	vsel vm3, v15, v6;
	vm3 =	vlt.f32 v26, v42  }
0x527: {  	(erf) = vrcp.f32 v49;
	v53 =	vsel vm3, $0x8, v22;
	v21 =	vshrl.u32 v6, $0x3  }
0x528: {  	v62 =	vadd.s32 $0x4, v6;
	vm3 =	vlt.f32 v13, v43;
	v55 =	vor.u32 $0x3, v53  }
0x529: {  	v46 =	vld.idx.msk [tilespmem:v2+s6+$0x0], $0xffff;
	v57 =	vor.u32 $0x4, v53;
	v3 =	vsel vm3, v54, v3;
	vm3 =	vlt.f32 v50, v37  }
0x52a: {  	v15 =	vld.idx.msk [tilespmem:v45+s6+$0x0], $0xffff;
	v13 =	vperm.xlane v23, v55;
	v56 =	vshrl.u32 v3, $0x4;
	v47 =	vsel vm3, $0x1, v22  }
0x52b: {  	v49 =	vor.u32 $0x8, v3;
	v11 =	vld.idx.msk [tilespmem:v51+s24+$0x0], $0xffff;
	vm3 =	vlt.f32 v16, v41;
	v16 =	vor.u32 $0x20, v14  }
0x52c: {  	v8 =	vadd.s32 v47, v8;
	v14 =	vsel vm3, v16, v14;
	vm3 =	vlt.f32 v13, v42  }
0x52d: {  	v48 =	vld.idx.msk [tilespmem:v44+s25+$0x0], $0xffff;
	v8 =	vmax.u32 v8, $0x1;
	v58 =	vsel vm3, v57, v53;
	v60 =	vshrl.u32 v14, $0x5  }
0x52e: {  	v59 =	vld.idx.msk [tilespmem:v21+s22+$0x0], $0xffff;
	v8 =	vmin.u32 v8, $0x7D3;
	v53 =	vor.u32 $0x10, v14;
	v13 =	vor.u32 $0x1, v58  }
0x52f: {  	v16 =	vmax.f32 v15, v40;
	v61 =	vor.u32 $0x2, v58;
	v7 =	vld.idx.msk [tilespmem:v56+s21+$0x0], $0xffff;
	v13 =	vperm.xlane v23, v13  }
0x530: {  	v2 =	vld.idx.msk [tilespmem:v2+s25+$0x0], $0xffff;
	v21 =	vadd.s32 $0xFFFFFFFF, v8;
	v16 =	vmin.f32 v46, v16;
	vm3 =	vlt.f32 v11, v38  }
0x531: {  	v15 =	vsub.f32 v16, v15;
	v11 =	vsel vm3, $0x1, v22;
	vm3 =	vlt.f32 v13, v42  }
0x532: {  	v16 =	vsub.f32 v46, v16;
	v13 =	vmul.f32 v36, v48;
	v0 =	vsel vm3, v61, v58  }
0x533: {  	v1 =	vadd.s32 v11, v1;
	vm3 =	vlt.f32 v59, v39;
	v63 =	vld.idx.msk [tilespmem:v60+s20+$0x0], $0xffff;
	v47 =	vperm.xlane v23, v0  }
0x534: {  	v60 =	vadd.f32 v16, v15;
	v6 =	vsel vm3, v62, v6;
	vm3 =	vlt.f32 v7, v43  }
0x535: {  	v44 =	vld [tilespmem:s11+$0x20];
	v2 =	vmul.f32 v16, v2;
	v3 =	vsel vm3, v49, v3;
	vm3 =	vlt.f32 v47, v42  }
0x536: {  	v1 =	vmax.u32 v1, $0x1;
	v7 =	vld.idx.msk [tilespmem:v21+s6+$0x0], $0xffff;
	v50 =	vshrl.u32 v3, $0x3;
	v51 =	vsel vm3, $0x1, v22  }
0x537: {  	v56 =	vld.idx.msk [tilespmem:v45+s25+$0x0], $0xffff;
	v40 =	vmin.u32 v1, $0x7D3;
	v52 =	vshrl.u32 v6, $0x2;
	v0 =	vor.u32 v51, v0  }
0x538: {  	v55 =	vld.idx.msk [tilespmem:v8+s6+$0x0], $0xffff;
	v59 =	vpop (erf);
	v10 =	vadd.s32 $0xFFFFFFFF, v40;
	vm3 =	vlt.f32 v63, v41;
	v54 =	vperm.xlane v24, v0  }
0x539: {  	v8 =	vld.idx.msk [tilespmem:v8+s25+$0x0], $0xffff;
	v9 =	vadd.f32 v13, v9;
	v36 =	vmul.f32 v59, v4;
	v11 =	vsel vm3, v53, v14  }
0x53a: {  	v61 =	vpop (erf);
	v21 =	vld.idx.msk [tilespmem:v21+s25+$0x0], $0xffff;
	v0 =	vshll.u32 v0, $0x7;
	v57 =	vshrl.u32 v11, $0x4;
	vm3 =	vlt.f32 v54, v42  }
0x53b: {  	v62 =	vmax.f32 v7, v37;
	v37 =	vmul.f32 v61, v9;
	v1 =	vld.idx.msk [tilespmem:v50+s22+$0x0], $0xffff;
	v58 =	vsel vm3, $0x40, v22  }
0x53c: {  	v12 =	vld.idx.msk [tilespmem:v52+s23+$0x0], $0xffff;
	v9 =	vmul.f32 v15, v56;
	v56 =	vadd.s32 $0x2, v6;
	v0 =	vor.u32 v58, v0  }
0x53d: {  	v61 =	vor.u32 $0x8, v11;
	v63 =	vld.idx.msk [tilespmem:v10+s6+$0x0], $0xffff;
	v52 =	vmin.f32 v55, v62;
	v48 =	vshrl.u32 v0, $0x6  }
0x53e: {  	v54 =	vld.idx.msk [tilespmem:v40+s6+$0x0], $0xffff;
	vm3 =	veq.f32 v60, $0.0e+00;
	v7 =	vsub.f32 v52, v7;
	v4 =	vsub.f32 v55, v52  }
0x53f: {  	v55 =	vadd.s32 $0x4, v3;
	v2 =	vadd.f32 v2, v9;
	v5 =	vsel vm3, $0x3F800000, v60;
	v53 =	vld.idx.msk [tilespmem:v57+s21+$0x0], $0xffff  }
0x540: {  	(erf) = vrcp.f32 v5;
	v57 =	vadd.f32 v4, v7;
	vm3 =	vlt.f32 v1, v43  }
0x541: {  	v7 =	vmul.f32 v7, v21;
	v4 =	vmul.f32 v4, v8;
	v1 =	vsel vm3, v55, v3  }
0x542: {  	v38 =	vmax.f32 v63, v38;
	vm3 =	vlt.f32 v12, v39;
	v58 =	vshrl.u32 v1, $0x2;
	v15 =	vld.idx.msk [tilespmem:v48+s19+$0x0], $0xffff  }
0x543: {  	v38 =	vmin.f32 v54, v38;
	v3 =	vsel vm3, v56, v6;
	vm3 =	vlt.f32 v26, v44  }
0x544: {  	v59 =	vshrl.u32 v3, $0x1;
	v60 =	vsel vm3, $0x8, v22;
	vm3 =	vlt.f32 v53, v41  }
0x545: {  	v4 =	vadd.f32 v4, v7;
	v11 =	vsel vm3, v61, v11;
	v62 =	vor.u32 $0x3, v60  }
0x546: {  	v46 =	vsub.f32 v38, v63;
	v63 =	vshrl.u32 v11, $0x3;
	v13 =	vperm.xlane v23, v62  }
0x547: {  	v14 =	vsub.f32 v54, v38;
	v6 =	vld.idx.msk [tilespmem:v58+s23+$0x0], $0xffff;
	vm3 =	vlt.f32 v15, v42;
	v15 =	vor.u32 $0x20, v0  }
0x548: {  	v52 =	vor.u32 $0x4, v60;
	v0 =	vsel vm3, v15, v0;
	vm3 =	vlt.f32 v13, v44  }
0x549: {  	v15 =	vadd.f32 v14, v46;
	v16 =	vld.idx.msk [tilespmem:v59+s24+$0x0], $0xffff;
	v13 =	vsel vm3, v52, v60;
	v53 =	vshrl.u32 v0, $0x5  }
0x54a: {  	v56 =	vadd.s32 $0x2, v1;
	vm3 =	veq.f32 v57, $0.0e+00;
	v54 =	vor.u32 $0x1, v13  }
0x54b: {  	v12 =	vsel vm3, $0x3F800000, v57;
	vm3 =	veq.f32 v15, $0.0e+00;
	v55 =	vld.idx.msk [tilespmem:v63+s22+$0x0], $0xffff;
	v45 =	vperm.xlane v23, v54  }
0x54c: {  	v61 =	vadd.s32 $0x4, v11;
	v15 =	vsel vm3, $0x3F800000, v15;
	vm3 =	vlt.f32 v6, v43  }
0x54d: {  	v57 =	vor.u32 $0x2, v13;
	v1 =	vsel vm3, v56, v1;
	vm3 =	vlt.f32 v45, v44  }
0x54e: {  	v6 =	vsel vm3, v57, v13;
	vm3 =	vlt.f32 v16, v39;
	v58 =	vshrl.u32 v1, $0x1;
	v16 =	vld.idx.msk [tilespmem:v53+s20+$0x0], $0xffff  }
0x54f: {  	v47 =	vor.u32 $0x10, v0;
	v45 =	vld [tilespmem:s11+$0x30];
	v59 =	vsel vm3, $0x1, v22;
	v60 =	vperm.xlane v23, v6  }
0x550: {  	v48 =	vld.idx.msk [tilespmem:v10+s25+$0x0], $0xffff;
	(erf) = vrcp.f32 v12;
	vm3 =	vlt.f32 v55, v41;
	v3 =	vadd.s32 v59, v3  }
0x551: {  	v9 =	vsel vm3, v61, v11;
	v3 =	vmax.u32 v3, $0x1;
	vm3 =	vlt.f32 v60, v44  }
0x552: {  	v63 =	vshrl.u32 v9, $0x2;
	v3 =	vmin.u32 v3, $0x7D3;
	v62 =	vsel vm3, $0x1, v22  }
0x553: {  	v11 =	vadd.s32 $0xFFFFFFFF, v3;
	v13 =	vld.idx.msk [tilespmem:v58+s24+$0x0], $0xffff;
	v5 =	vor.u32 v62, v6;
	vm3 =	vlt.f32 v16, v42  }
0x554: {  	v16 =	vperm.xlane v24, v5;
	v0 =	vsel vm3, v47, v0;
	vm3 =	vlt.f32 v26, v45  }
0x555: {  	v12 =	vmul.f32 v46, v48;
	(erf) = vrcp.f32 v15;
	v49 =	vsel vm3, $0x8, v22  }
0x556: {  	v50 =	vshrl.u32 v0, $0x4;
	vm3 =	vlt.f32 v16, v44;
	v21 =	vor.u32 $0x3, v49  }
0x557: {  	v5 =	vshll.u32 v5, $0x7;
	v16 =	vsel vm3, $0x40, v22;
	v52 =	vperm.xlane v23, v21  }
0x558: {  	v54 =	vor.u32 $0x4, v49;
	v21 =	vld.idx.msk [tilespmem:v63+s23+$0x0], $0xffff;
	vm3 =	vlt.f32 v13, v43;
	v5 =	vor.u32 v16, v5  }
0x559: {  	v51 =	vld.idx.msk [tilespmem:v11+s6+$0x0], $0xffff;
	v53 =	vsel vm3, $0x1, v22;
	v16 =	vshrl.u32 v5, $0x6;
	vm3 =	vlt.f32 v52, v45  }
0x55a: {  	v59 =	vadd.s32 $0x2, v9;
	v62 =	vor.u32 $0x8, v0;
	v55 =	vld.idx.msk [tilespmem:v3+s6+$0x0], $0xffff;
	v8 =	vsel vm3, v54, v49  }
0x55b: {  	v47 =	vor.u32 $0x20, v5;
	v1 =	vadd.s32 v53, v1;
	v56 =	vld.idx.msk [tilespmem:v50+s21+$0x0], $0xffff;
	v57 =	vor.u32 $0x1, v8  }
0x55c: {  	v54 =	vpop (erf);
	v1 =	vmax.u32 v1, $0x1;
	v13 =	vor.u32 $0x2, v8;
	v6 =	vperm.xlane v23, v57  }
0x55d: {  	v61 =	vld.idx.msk [tilespmem:v40+s25+$0x0], $0xffff;
	v38 =	vmul.f32 v54, v2;
	v46 =	vmin.u32 v1, $0x7D3;
	vm3 =	vlt.f32 v21, v41  }
0x55e: {  	v58 =	vmax.f32 v51, v39;
	v1 =	vsel vm3, v59, v9;
	v60 =	vld.idx.msk [tilespmem:v16+s19+$0x0], $0xffff;
	vm3 =	vlt.f32 v6, v45  }
0x55f: {  	v10 =	vmin.f32 v55, v58;
	v6 =	vadd.s32 $0xFFFFFFFF, v46;
	v8 =	vsel vm3, v13, v8  }
0x560: {  	v11 =	vld.idx.msk [tilespmem:v11+s25+$0x0], $0xffff;
	v21 =	vshrl.u32 v1, $0x1;
	vm3 =	vlt.f32 v56, v42;
	v15 =	vperm.xlane v23, v8  }
0x561: {  	v3 =	vld.idx.msk [tilespmem:v3+s25+$0x0], $0xffff;
	v16 =	vsub.f32 v10, v51;
	v7 =	vsub.f32 v55, v10;
	v0 =	vsel vm3, v62, v0  }
0x562: {  	v56 =	vpop (erf);
	v13 =	vmul.f32 v14, v61;
	v63 =	vshrl.u32 v0, $0x3;
	vm3 =	vlt.f32 v15, v45  }
0x563: {  	v51 =	vld [tilespmem:s11+$0x40];
	v39 =	vmul.f32 v56, v4;
	v15 =	vsel vm3, $0x1, v22;
	vm3 =	vlt.f32 v60, v44  }
0x564: {  	v55 =	vadd.f32 v7, v16;
	v4 =	vld.idx.msk [tilespmem:v46+s6+$0x0], $0xffff;
	v5 =	vsel vm3, v47, v5;
	v8 =	vor.u32 v15, v8  }
0x565: {  	v11 =	vmul.f32 v16, v11;
	v57 =	vld.idx.msk [tilespmem:v6+s6+$0x0], $0xffff;
	v15 =	vshrl.u32 v5, $0x5;
	v58 =	vperm.xlane v24, v8  }
0x566: {  	v49 =	vadd.s32 $0x4, v0;
	v3 =	vmul.f32 v7, v3;
	v59 =	vld.idx.msk [tilespmem:v21+s24+$0x0], $0xffff;
	vm3 =	veq.f32 v55, $0.0e+00  }
0x567: {  	v60 =	vadd.f32 v13, v12;
	v9 =	vsel vm3, $0x3F800000, v55;
	v10 =	vld.idx.msk [tilespmem:v63+s22+$0x0], $0xffff;
	vm3 =	vlt.f32 v58, v45  }
0x568: {  	v61 =	vpop (erf);
	v8 =	vshll.u32 v8, $0x7;
	v62 =	vsel vm3, $0x40, v22;
	vm3 =	vlt.f32 v26, v51  }
0x569: {  	v40 =	vmul.f32 v61, v60;
	v8 =	vor.u32 v62, v8;
	v63 =	vsel vm3, $0x8, v22  }
0x56a: {  	v54 =	vor.u32 $0x10, v5;
	v47 =	vld.idx.msk [tilespmem:v15+s20+$0x0], $0xffff;
	v15 =	vshrl.u32 v8, $0x6;
	v16 =	vor.u32 $0x3, v63  }
0x56b: {  	v53 =	vld [tilespmem:s11+$0x50];
	v21 =	vmax.f32 v57, v43;
	vm3 =	vlt.f32 v59, v41;
	v48 =	vperm.xlane v23, v16  }
0x56c: {  	v52 =	vmin.f32 v4, v21;
	v16 =	vsel vm3, $0x1, v22;
	vm3 =	vlt.f32 v10, v42  }
0x56d: {  	v50 =	vor.u32 $0x4, v63;
	v0 =	vsel vm3, v49, v0;
	vm3 =	vlt.f32 v48, v51  }
0x56e: {  	(erf) = vrcp.f32 v9;
	v7 =	vsub.f32 v52, v57;
	v2 =	vsel vm3, v50, v63  }
0x56f: {  	v21 =	vshrl.u32 v0, $0x2;
	vm3 =	vlt.f32 v47, v44;
	v55 =	vld.idx.msk [tilespmem:v15+s19+$0x0], $0xffff;
	v15 =	vor.u32 $0x1, v2  }
0x570: {  	v5 =	vsel vm3, v54, v5;
	v56 =	vperm.xlane v23, v15;
	vm3 =	vlt.f32 v26, v53  }
0x571: {  	v61 =	vor.u32 $0x20, v8;
	v4 =	vsub.f32 v4, v52;
	v57 =	vsel vm3, $0x8, v22  }
0x572: {  	v58 =	vor.u32 $0x2, v2;
	vm3 =	vlt.f32 v56, v51;
	v15 =	vor.u32 $0x3, v57  }
0x573: {  	v6 =	vld.idx.msk [tilespmem:v6+s25+$0x0], $0xffff;
	v1 =	vadd.s32 v16, v1;
	v2 =	vsel vm3, v58, v2;
	v60 =	vperm.xlane v23, v15  }
0x574: {  	v59 =	vshrl.u32 v5, $0x4;
	v15 =	vld.idx.msk [tilespmem:v21+s23+$0x0], $0xffff;
	vm3 =	vlt.f32 v55, v45;
	v21 =	vperm.xlane v23, v2  }
0x575: {  	v62 =	vor.u32 $0x4, v57;
	v8 =	vsel vm3, v61, v8;
	vm3 =	vlt.f32 v60, v53  }
0x576: {  	v52 =	vadd.f32 v4, v7;
	v12 =	vsel vm3, v62, v57;
	vm3 =	vlt.f32 v21, v51  }
0x577: {  	v13 =	vshrl.u32 v8, $0x5;
	v63 =	vsel vm3, $0x1, v22;
	v16 =	vor.u32 $0x1, v12  }
0x578: {  	v6 =	vmul.f32 v7, v6;
	v2 =	vor.u32 v63, v2;
	v43 =	vperm.xlane v23, v16  }
0x579: {  	v21 =	vld.idx.msk [tilespmem:v59+s21+$0x0], $0xffff;
	vm3 =	vlt.f32 v15, v42;
	v15 =	vadd.s32 $0x2, v0;
	v16 =	vperm.xlane v24, v2  }
0x57a: {  	v47 =	vor.u32 $0x2, v12;
	v0 =	vsel vm3, v15, v0;
	vm3 =	vlt.f32 v43, v53  }
0x57b: {  	v1 =	vmax.u32 v1, $0x1;
	v12 =	vsel vm3, v47, v12;
	vm3 =	vlt.f32 v16, v51  }
0x57c: {  	v1 =	vmin.u32 v1, $0x7D3;
	v2 =	vshll.u32 v2, $0x7;
	v13 =	vld.idx.msk [tilespmem:v13+s20+$0x0], $0xffff;
	v48 =	vsel vm3, $0x40, v22  }
0x57d: {  	v50 =	vld [tilespmem:s11+$0x60];
	v10 =	vadd.s32 $0xFFFFFFFF, v1;
	v15 =	vperm.xlane v23, v12;
	v2 =	vor.u32 v48, v2  }
0x57e: {  	v16 =	vor.u32 $0x8, v5;
	vm3 =	vlt.f32 v21, v44;
	v14 =	vshrl.u32 v2, $0x6  }
0x57f: {  	v5 =	vsel vm3, v16, v5;
	v16 =	vshrl.u32 v0, $0x1;
	vm3 =	vlt.f32 v15, v53  }
0x580: {  	v49 =	vor.u32 $0x10, v8;
	v43 =	vadd.f32 v3, v11;
	v15 =	vsel vm3, $0x1, v22  }
0x581: {  	v21 =	vshrl.u32 v5, $0x3;
	v12 =	vor.u32 v15, v12;
	vm3 =	vlt.f32 v13, v45  }
0x582: {  	v15 =	vperm.xlane v24, v12;
	v3 =	vsel vm3, v49, v8;
	vm3 =	vlt.f32 v26, v50  }
0x583: {  	v60 =	vor.u32 $0x20, v2;
	v63 =	vadd.s32 $0x4, v5;
	v55 =	vsel vm3, $0x8, v22;
	v54 =	vld.idx.msk [tilespmem:v14+s19+$0x0], $0xffff  }
0x584: {  	v16 =	vld.idx.msk [tilespmem:v16+s24+$0x0], $0xffff;
	vm3 =	vlt.f32 v15, v53;
	v15 =	vshrl.u32 v3, $0x4;
	v57 =	vor.u32 $0x3, v55  }
0x585: {  	v12 =	vshll.u32 v12, $0x7;
	v14 =	vld.idx.msk [tilespmem:v10+s6+$0x0], $0xffff;
	v56 =	vsel vm3, $0x40, v22;
	v48 =	vperm.xlane v23, v57  }
0x586: {  	v58 =	vld.idx.msk [tilespmem:v21+s22+$0x0], $0xffff;
	v59 =	vor.u32 $0x4, v55;
	vm3 =	veq.f32 v52, $0.0e+00;
	v12 =	vor.u32 v56, v12  }
0x587: {  	v8 =	vsel vm3, $0x3F800000, v52;
	v21 =	vshrl.u32 v12, $0x6;
	vm3 =	vlt.f32 v48, v50  }
0x588: {  	v48 =	vld.idx.msk [tilespmem:v1+s6+$0x0], $0xffff;
	(erf) = vrcp.f32 v8;
	v13 =	vsel vm3, v59, v55;
	vm3 =	vlt.f32 v54, v51  }
0x589: {  	v55 =	vor.u32 $0x8, v3;
	v15 =	vld.idx.msk [tilespmem:v15+s21+$0x0], $0xffff;
	v61 =	vor.u32 $0x1, v13;
	v2 =	vsel vm3, v60, v2  }
0x58a: {  	vm3 =	vlt.f32 v16, v42;
	v11 =	vperm.xlane v23, v61;
	v16 =	vshrl.u32 v2, $0x5  }
0x58b: {  	v41 =	vmax.f32 v14, v41;
	v62 =	vsel vm3, $0x1, v22;
	vm3 =	vlt.f32 v58, v44  }
0x58c: {  	v52 =	vor.u32 $0x2, v13;
	v5 =	vsel vm3, v63, v5;
	v49 =	vld.idx.msk [tilespmem:v21+s19+$0x0], $0xffff;
	vm3 =	vlt.f32 v11, v50  }
0x58d: {  	v59 =	vor.u32 $0x20, v12;
	v21 =	vmin.f32 v48, v41;
	v11 =	vsel vm3, v52, v13  }
0x58e: {  	v10 =	vld.idx.msk [tilespmem:v10+s25+$0x0], $0xffff;
	v54 =	vshrl.u32 v5, $0x2;
	vm3 =	vlt.f32 v15, v45;
	v15 =	vperm.xlane v23, v11  }
0x58f: {  	v0 =	vadd.s32 v62, v0;
	v62 =	vor.u32 $0x10, v2;
	v56 =	vsub.f32 v21, v14;
	v57 =	vld.idx.msk [tilespmem:v16+s20+$0x0], $0xffff  }
0x590: {  	v1 =	vld.idx.msk [tilespmem:v1+s25+$0x0], $0xffff;
	v0 =	vmax.u32 v0, $0x1;
	v3 =	vsel vm3, v55, v3;
	vm3 =	vlt.f32 v15, v50  }
0x591: {  	v58 =	vshrl.u32 v3, $0x3;
	v15 =	vsel vm3, $0x1, v22;
	vm3 =	vlt.f32 v49, v53  }
0x592: {  	v21 =	vsub.f32 v48, v21;
	v16 =	vld.idx.msk [tilespmem:v46+s25+$0x0], $0xffff;
	v9 =	vsel vm3, v59, v12;
	v11 =	vor.u32 v15, v11  }
0x593: {  	v0 =	vmin.u32 v0, $0x7D3;
	v60 =	vld.idx.msk [tilespmem:v54+s23+$0x0], $0xffff;
	v15 =	vshrl.u32 v9, $0x5;
	v61 =	vperm.xlane v24, v11  }
0x594: {  	v47 =	vadd.s32 $0xFFFFFFFF, v0;
	v7 =	vmul.f32 v56, v10;
	vm3 =	vlt.f32 v57, v51  }
0x595: {  	v1 =	vmul.f32 v21, v1;
	v2 =	vsel vm3, v62, v2;
	vm3 =	vlt.f32 v61, v50  }
0x596: {  	v11 =	vshll.u32 v11, $0x7;
	v63 =	vld.idx.msk [tilespmem:v58+s22+$0x0], $0xffff;
	v48 =	vshrl.u32 v2, $0x4;
	v41 =	vsel vm3, $0x40, v22  }
0x597: {  	v46 =	vld [tilespmem:s11+$0x70];
	v4 =	vmul.f32 v4, v16;
	v16 =	vadd.f32 v21, v56;
	v11 =	vor.u32 v41, v11  }
0x598: {  	v49 =	vadd.s32 $0x2, v5;
	vm3 =	vlt.f32 v60, v44;
	v15 =	vld.idx.msk [tilespmem:v15+s20+$0x0], $0xffff;
	v41 =	vshrl.u32 v11, $0x6  }
0x599: {  	v1 =	vadd.f32 v1, v7;
	v5 =	vsel vm3, v49, v5;
	vm3 =	veq.f32 v16, $0.0e+00  }
0x59a: {  	v4 =	vadd.f32 v4, v6;
	v6 =	vld.idx.msk [tilespmem:v47+s6+$0x0], $0xffff;
	v52 =	vsel vm3, $0x3F800000, v16;
	v16 =	vshrl.u32 v5, $0x1  }
0x59b: {  	v54 =	vadd.s32 $0x4, v3;
	v57 =	vor.u32 $0x10, v9;
	vm3 =	vlt.f32 v63, v45;
	v55 =	vld.idx.msk [tilespmem:v48+s21+$0x0], $0xffff  }
0x59c: {  	v12 =	vld.idx.msk [tilespmem:v0+s6+$0x0], $0xffff;
	v61 =	vor.u32 $0x8, v2;
	v3 =	vsel vm3, v54, v3;
	vm3 =	vlt.f32 v26, v46  }
0x59d: {  	v63 =	vor.u32 $0x20, v11;
	v56 =	vsel vm3, $0x8, v22;
	vm3 =	vlt.f32 v15, v53;
	v15 =	vld.idx.msk [tilespmem:v41+s19+$0x0], $0xffff  }
0x59e: {  	v21 =	vshrl.u32 v3, $0x2;
	v58 =	vor.u32 $0x3, v56;
	v9 =	vsel vm3, v57, v9  }
0x59f: {  	(erf) = vrcp.f32 v52;
	v16 =	vld.idx.msk [tilespmem:v16+s24+$0x0], $0xffff;
	v14 =	vperm.xlane v23, v58;
	v60 =	vshrl.u32 v9, $0x4  }
0x5a0: {  	v59 =	vmax.f32 v6, v42;
	v62 =	vor.u32 $0x4, v56;
	vm3 =	vlt.f32 v55, v51  }
0x5a1: {  	v41 =	vmin.f32 v12, v59;
	v2 =	vsel vm3, v61, v2;
	vm3 =	vlt.f32 v14, v46  }
0x5a2: {  	v6 =	vsub.f32 v41, v6;
	v10 =	vsel vm3, v62, v56;
	vm3 =	vlt.f32 v15, v50  }
0x5a3: {  	v48 =	vld.idx.msk [tilespmem:v21+s23+$0x0], $0xffff;
	v15 =	vshrl.u32 v2, $0x3;
	v11 =	vsel vm3, v63, v11;
	v49 =	vor.u32 $0x1, v10  }
0x5a4: {  	vm3 =	vlt.f32 v16, v44;
	v16 =	vld.idx.msk [tilespmem:v60+s21+$0x0], $0xffff;
	v21 =	vshrl.u32 v11, $0x5;
	v13 =	vperm.xlane v23, v49  }
0x5a5: {  	v12 =	vsub.f32 v12, v41;
	v58 =	vor.u32 $0x8, v9;
	v52 =	vsel vm3, $0x1, v22  }
0x5a6: {  	v0 =	vld.idx.msk [tilespmem:v0+s25+$0x0], $0xffff;
	v54 =	vor.u32 $0x2, v10;
	v5 =	vadd.s32 v52, v5;
	vm3 =	vlt.f32 v13, v46  }
0x5a7: {  	v55 =	vadd.s32 $0x2, v3;
	v5 =	vmax.u32 v5, $0x1;
	v8 =	vsel vm3, v54, v10  }
0x5a8: {  	vm3 =	vlt.f32 v48, v45;
	v56 =	vld.idx.msk [tilespmem:v15+s22+$0x0], $0xffff;
	v5 =	vmin.u32 v5, $0x7D3;
	v57 =	vperm.xlane v23, v8  }
0x5a9: {  	v3 =	vsel vm3, v55, v3;
	vm3 =	vlt.f32 v16, v53;
	v49 =	vadd.s32 $0xFFFFFFFF, v5;
	v15 =	vld.idx.msk [tilespmem:v21+s20+$0x0], $0xffff  }
0x5aa: {  	v16 =	vshrl.u32 v3, $0x1;
	v9 =	vsel vm3, v58, v9;
	vm3 =	vlt.f32 v57, v46  }
0x5ab: {  	v0 =	vmul.f32 v12, v0;
	v62 =	vpop (erf);
	v10 =	vshrl.u32 v9, $0x3;
	v14 =	vsel vm3, $0x1, v22  }
0x5ac: {  	v59 =	vadd.s32 $0x4, v2;
	v43 =	vmul.f32 v62, v43;
	v8 =	vor.u32 v14, v8;
	v14 =	vld.idx.msk [tilespmem:v47+s25+$0x0], $0xffff  }
0x5ad: {  	v61 =	vor.u32 $0x10, v11;
	vm3 =	vlt.f32 v56, v51;
	v56 =	vld.idx.msk [tilespmem:v5+s6+$0x0], $0xffff;
	v60 =	vperm.xlane v24, v8  }
0x5ae: {  	v21 =	vadd.f32 v12, v6;
	v2 =	vsel vm3, v59, v2;
	v54 =	vld.idx.msk [tilespmem:v49+s6+$0x0], $0xffff;
	vm3 =	vlt.f32 v15, v50  }
0x5af: {  	v15 =	vld.idx.msk [tilespmem:v16+s24+$0x0], $0xffff;
	v16 =	vshrl.u32 v2, $0x2;
	v11 =	vsel vm3, v61, v11;
	vm3 =	vlt.f32 v60, v46  }
0x5b0: {  	v52 =	vpop (erf);
	v8 =	vshll.u32 v8, $0x7;
	v10 =	vld.idx.msk [tilespmem:v10+s22+$0x0], $0xffff;
	v63 =	vshrl.u32 v11, $0x4;
	v41 =	vsel vm3, $0x40, v22  }
0x5b1: {  	v42 =	vmul.f32 v52, v4;
	v55 =	vpop (erf);
	v62 =	vadd.s32 $0x4, v9;
	v8 =	vor.u32 v41, v8  }
0x5b2: {  	vm3 =	veq.f32 v21, $0.0e+00;
	v41 =	vmul.f32 v55, v1;
	v57 =	vshrl.u32 v8, $0x6  }
0x5b3: {  	v5 =	vld.idx.msk [tilespmem:v5+s25+$0x0], $0xffff;
	v58 =	vsel vm3, $0x3F800000, v21;
	v59 =	vmul.f32 v6, v14;
	v55 =	vadd.s32 $0x2, v2  }
0x5b4: {  	(erf) = vrcp.f32 v58;
	v44 =	vmax.f32 v54, v44;
	vm3 =	vlt.f32 v15, v45;
	v60 =	vld.idx.msk [tilespmem:v16+s23+$0x0], $0xffff  }
0x5b5: {  	v47 =	vmin.f32 v56, v44;
	v61 =	vsel vm3, $0x1, v22;
	vm3 =	vlt.f32 v10, v53;
	v63 =	vld.idx.msk [tilespmem:v63+s21+$0x0], $0xffff  }
0x5b6: {  	v7 =	vsub.f32 v47, v54;
	v54 =	vld.idx.msk [tilespmem:v49+s25+$0x0], $0xffff;
	v3 =	vadd.s32 v61, v3;
	v6 =	vsel vm3, v62, v9  }
0x5b7: {  	v58 =	vor.u32 $0x20, v8;
	v3 =	vmax.u32 v3, $0x1;
	v10 =	vshrl.u32 v6, $0x2;
	v52 =	vld.idx.msk [tilespmem:v57+s19+$0x0], $0xffff  }
0x5b8: {  	v48 =	vld [tilespmem:s11+$0x80];
	v0 =	vadd.f32 v0, v59;
	v9 =	vsub.f32 v56, v47;
	v3 =	vmin.u32 v3, $0x7D3  }
0x5b9: {  	v56 =	vor.u32 $0x8, v11;
	v15 =	vadd.s32 $0xFFFFFFFF, v3;
	vm3 =	vlt.f32 v60, v51  }
0x5ba: {  	v57 =	vadd.f32 v9, v7;
	v1 =	vsel vm3, v55, v2;
	vm3 =	vlt.f32 v63, v50  }
0x5bb: {  	v5 =	vmul.f32 v9, v5;
	v16 =	vshrl.u32 v1, $0x1;
	v2 =	vsel vm3, v56, v11  }
0x5bc: {  	v7 =	vmul.f32 v7, v54;
	v10 =	vld.idx.msk [tilespmem:v10+s23+$0x0], $0xffff;
	v11 =	vshrl.u32 v2, $0x3;
	vm3 =	vlt.f32 v52, v46  }
0x5bd: {  	v60 =	vpop (erf);
	v4 =	vsel vm3, v58, v8;
	vm3 =	vlt.f32 v26, v48  }
0x5be: {  	v5 =	vadd.f32 v5, v7;
	v44 =	vmul.f32 v60, v0;
	v13 =	vld.idx.msk [tilespmem:v15+s6+$0x0], $0xffff;
	v59 =	vsel vm3, $0x8, v22  }
0x5bf: {  	v9 =	vld.idx.msk [tilespmem:v3+s6+$0x0], $0xffff;
	vm3 =	veq.f32 v57, $0.0e+00;
	v21 =	vshrl.u32 v4, $0x5;
	v61 =	vor.u32 $0x3, v59  }
0x5c0: {  	v52 =	vadd.s32 $0x2, v6;
	v62 =	vsel vm3, $0x3F800000, v57;
	v63 =	vld.idx.msk [tilespmem:v16+s24+$0x0], $0xffff;
	v49 =	vperm.xlane v23, v61  }
0x5c1: {  	v55 =	vor.u32 $0x4, v59;
	vm3 =	vlt.f32 v10, v53;
	(erf) = vrcp.f32 v62;
	v54 =	vld.idx.msk [tilespmem:v11+s22+$0x0], $0xffff  }
0x5c2: {  	v61 =	vadd.s32 $0x4, v2;
	v6 =	vsel vm3, v52, v6;
	vm3 =	vlt.f32 v49, v48  }
0x5c3: {  	v56 =	vmax.f32 v13, v45;
	v57 =	vshrl.u32 v6, $0x1;
	v7 =	vsel vm3, v55, v59  }
0x5c4: {  	v49 =	vor.u32 $0x10, v4;
	v58 =	vmin.f32 v9, v56;
	v59 =	vld.idx.msk [tilespmem:v21+s20+$0x0], $0xffff;
	v60 =	vor.u32 $0x1, v7  }
0x5c5: {  	v3 =	vld.idx.msk [tilespmem:v3+s25+$0x0], $0xffff;
	v13 =	vsub.f32 v58, v13;
	vm3 =	vlt.f32 v63, v51;
	v11 =	vperm.xlane v23, v60  }
0x5c6: {  	v0 =	vsub.f32 v9, v58;
	v12 =	vsel vm3, $0x1, v22;
	vm3 =	vlt.f32 v54, v50  }
0x5c7: {  	v47 =	vld [tilespmem:s11+$0x90];
	v62 =	vor.u32 $0x2, v7;
	v2 =	vsel vm3, v61, v2;
	vm3 =	vlt.f32 v11, v48  }
0x5c8: {  	v1 =	vadd.s32 v12, v1;
	v14 =	vadd.f32 v0, v13;
	v7 =	vsel vm3, v62, v7  }
0x5c9: {  	v63 =	vld.idx.msk [tilespmem:v57+s24+$0x0], $0xffff;
	v45 =	vshrl.u32 v2, $0x2;
	vm3 =	vlt.f32 v59, v46;
	v10 =	vperm.xlane v23, v7  }
0x5ca: {  	v0 =	vmul.f32 v0, v3;
	v1 =	vmax.u32 v1, $0x1;
	v11 =	vld.idx.msk [tilespmem:v15+s25+$0x0], $0xffff;
	v4 =	vsel vm3, v49, v4  }
0x5cb: {  	v54 =	vmin.u32 v1, $0x7D3;
	v52 =	vshrl.u32 v4, $0x4;
	vm3 =	vlt.f32 v10, v48  }
0x5cc: {  	v56 =	vadd.s32 $0xFFFFFFFF, v54;
	v55 =	vsel vm3, $0x1, v22;
	vm3 =	vlt.f32 v26, v47  }
0x5cd: {  	v49 =	vadd.s32 $0x2, v2;
	v57 =	vsel vm3, $0x8, v22;
	v7 =	vor.u32 v55, v7  }
0x5ce: {  	vm3 =	vlt.f32 v63, v53;
	v58 =	vld.idx.msk [tilespmem:v45+s23+$0x0], $0xffff;
	v60 =	vperm.xlane v24, v7;
	v61 =	vor.u32 $0x3, v57  }
0x5cf: {  	v13 =	vmul.f32 v13, v11;
	v59 =	vsel vm3, $0x1, v22;
	v62 =	vperm.xlane v23, v61  }
0x5d0: {  	v7 =	vshll.u32 v7, $0x7;
	v45 =	vor.u32 $0x4, v57;
	v1 =	vld.idx.msk [tilespmem:v52+s21+$0x0], $0xffff;
	vm3 =	vlt.f32 v60, v48  }
0x5d1: {  	v6 =	vadd.s32 v59, v6;
	v63 =	vsel vm3, $0x40, v22;
	vm3 =	vlt.f32 v62, v47  }
0x5d2: {  	v9 =	vld.idx.msk [tilespmem:v56+s6+$0x0], $0xffff;
	v6 =	vmax.u32 v6, $0x1;
	v8 =	vsel vm3, v45, v57;
	v7 =	vor.u32 v63, v7  }
0x5d3: {  	v16 =	vld.idx.msk [tilespmem:v54+s6+$0x0], $0xffff;
	vm3 =	vlt.f32 v58, v50;
	v12 =	vshrl.u32 v7, $0x6;
	v15 =	vor.u32 $0x1, v8  }
0x5d4: {  	v55 =	vmin.u32 v6, $0x7D3;
	v2 =	vsel vm3, v49, v2;
	v57 =	vperm.xlane v23, v15  }
0x5d5: {  	v58 =	vor.u32 $0x8, v4;
	v10 =	vshrl.u32 v2, $0x1;
	vm3 =	vlt.f32 v1, v46  }
0x5d6: {  	v59 =	vor.u32 $0x2, v8;
	v1 =	vsel vm3, v58, v4;
	vm3 =	vlt.f32 v57, v47  }
0x5d7: {  	v62 =	vadd.s32 $0xFFFFFFFF, v55;
	v49 =	vld [tilespmem:s11+$0xA0];
	v52 =	vmax.f32 v9, v51;
	v4 =	vsel vm3, v59, v8  }
0x5d8: {  	v51 =	vadd.f32 v0, v13;
	v57 =	vmin.f32 v16, v52;
	v8 =	vld.idx.msk [tilespmem:v12+s19+$0x0], $0xffff;
	v58 =	vperm.xlane v23, v4  }
0x5d9: {  	v60 =	vshrl.u32 v1, $0x3;
	vm3 =	veq.f32 v14, $0.0e+00;
	v6 =	vsub.f32 v57, v9  }
0x5da: {  	v15 =	vpop (erf);
	v63 =	vsub.f32 v16, v57;
	v59 =	vld.idx.msk [tilespmem:v10+s24+$0x0], $0xffff;
	v10 =	vsel vm3, $0x3F800000, v14;
	vm3 =	vlt.f32 v58, v47  }
0x5db: {  	v61 =	vor.u32 $0x20, v7;
	v45 =	vmul.f32 v15, v5;
	v11 =	vsel vm3, $0x1, v22  }
0x5dc: {  	v5 =	vld.idx.msk [tilespmem:v62+s6+$0x0], $0xffff;
	v0 =	vadd.f32 v63, v6;
	vm3 =	vlt.f32 v26, v49;
	v4 =	vor.u32 v11, v4  }
0x5dd: {  	v52 =	vld [tilespmem:s11+$0xB0];
	v12 =	vsel vm3, $0x8, v22;
	vm3 =	vlt.f32 v8, v48;
	v11 =	vperm.xlane v24, v4  }
0x5de: {  	v57 =	vor.u32 $0x3, v12;
	v4 =	vshll.u32 v4, $0x7;
	v7 =	vsel vm3, v61, v7  }
0x5df: {  	v3 =	vld.idx.msk [tilespmem:v60+s22+$0x0], $0xffff;
	vm3 =	vlt.f32 v59, v50;
	v58 =	vperm.xlane v23, v57;
	v61 =	vor.u32 $0x4, v12  }
0x5e0: {  	v59 =	vsel vm3, $0x1, v22;
	v60 =	vshrl.u32 v7, $0x5;
	vm3 =	vlt.f32 v11, v47  }
0x5e1: {  	v57 =	vmax.f32 v5, v53;
	v11 =	vsel vm3, $0x40, v22;
	vm3 =	vlt.f32 v58, v49  }
0x5e2: {  	v2 =	vadd.s32 v59, v2;
	v8 =	vsel vm3, v61, v12;
	vm3 =	vlt.f32 v26, v52;
	v12 =	vld.idx.msk [tilespmem:v55+s6+$0x0], $0xffff  }
0x5e3: {  	v59 =	vadd.s32 $0x4, v1;
	v2 =	vmax.u32 v2, $0x1;
	v53 =	vsel vm3, $0x8, v22  }
0x5e4: {  	vm3 =	vlt.f32 v3, v46;
	v3 =	vor.u32 v11, v4;
	v58 =	vor.u32 $0x3, v53  }
0x5e5: {  	v15 =	vshrl.u32 v3, $0x6;
	v4 =	vperm.xlane v23, v58;
	v11 =	vld.idx.msk [tilespmem:v60+s20+$0x0], $0xffff;
	v60 =	vor.u32 $0x1, v8  }
0x5e6: {  	v1 =	vsel vm3, v59, v1;
	v61 =	vor.u32 $0x4, v53;
	v13 =	vperm.xlane v23, v60  }
0x5e7: {  	v60 =	vor.u32 $0x10, v7;
	vm3 =	vlt.f32 v4, v52;
	v14 =	vmin.f32 v12, v57  }
0x5e8: {  	v57 =	vmin.u32 v2, $0x7D3;
	v2 =	vsel vm3, v61, v53;
	vm3 =	vlt.f32 v13, v49  }
0x5e9: {  	v53 =	vor.u32 $0x2, v8;
	v58 =	vadd.s32 $0xFFFFFFFF, v57;
	v9 =	vor.u32 $0x1, v2  }
0x5ea: {  	v5 =	vsub.f32 v14, v5;
	v13 =	vld.idx.msk [tilespmem:v15+s19+$0x0], $0xffff;
	v4 =	vsel vm3, v53, v8;
	v59 =	vperm.xlane v23, v9  }
0x5eb: {  	v12 =	vsub.f32 v12, v14;
	vm3 =	vlt.f32 v11, v48;
	v61 =	vperm.xlane v23, v4  }
0x5ec: {  	v53 =	vor.u32 $0x2, v2;
	v7 =	vsel vm3, v60, v7;
	vm3 =	vlt.f32 v59, v52  }
0x5ed: {  	v59 =	vshrl.u32 v1, $0x2;
	v2 =	vsel vm3, v53, v2;
	vm3 =	vlt.f32 v61, v49  }
0x5ee: {  	v60 =	vshrl.u32 v7, $0x4;
	v11 =	vsel vm3, $0x1, v22;
	v15 =	vperm.xlane v23, v2  }
0x5ef: {  	v61 =	vor.u32 $0x20, v3;
	vm3 =	vlt.f32 v13, v47;
	v4 =	vor.u32 v11, v4  }
0x5f0: {  	v3 =	vsel vm3, v61, v3;
	v11 =	vperm.xlane v24, v4;
	vm3 =	vlt.f32 v15, v52  }
0x5f1: {  	(erf) = vrcp.f32 v10;
	v16 =	vadd.f32 v12, v5;
	v53 =	vsel vm3, $0x1, v22  }
0x5f2: {  	v14 =	vld.idx.msk [tilespmem:v58+s6+$0x0], $0xffff;
	v15 =	vshrl.u32 v3, $0x5;
	vm3 =	vlt.f32 v11, v49;
	v2 =	vor.u32 v53, v2  }
0x5f3: {  	v4 =	vshll.u32 v4, $0x7;
	v9 =	vld.idx.msk [tilespmem:v59+s23+$0x0], $0xffff;
	v11 =	vsel vm3, $0x40, v22;
	v13 =	vperm.xlane v24, v2  }
0x5f4: {  	v21 =	vld.idx.msk [tilespmem:v57+s6+$0x0], $0xffff;
	v61 =	vor.u32 $0x8, v7;
	vm3 =	veq.f32 v0, $0.0e+00;
	v4 =	vor.u32 v11, v4  }
0x5f5: {  	v8 =	vld.idx.msk [tilespmem:v60+s21+$0x0], $0xffff;
	v0 =	vsel vm3, $0x3F800000, v0;
	v11 =	vshrl.u32 v4, $0x6;
	vm3 =	vlt.f32 v13, v52  }
0x5f6: {  	v59 =	vadd.s32 $0x2, v1;
	v53 =	vld [tilespmem:s11+$0xC0];
	v2 =	vshll.u32 v2, $0x7;
	v13 =	vsel vm3, $0x40, v22  }
0x5f7: {  	v60 =	vmax.f32 v14, v50;
	v15 =	vld.idx.msk [tilespmem:v15+s20+$0x0], $0xffff;
	vm3 =	veq.f32 v16, $0.0e+00;
	v2 =	vor.u32 v13, v2  }
0x5f8: {  	v10 =	vsel vm3, $0x3F800000, v16;
	vm3 =	vlt.f32 v9, v46;
	v13 =	vshrl.u32 v2, $0x6  }
0x5f9: {  	(erf) = vrcp.f32 v0;
	v0 =	vmin.f32 v21, v60;
	v1 =	vsel vm3, v59, v1  }
0x5fa: {  	v50 =	vor.u32 $0x20, v4;
	vm3 =	vlt.f32 v8, v48;
	v9 =	vshrl.u32 v1, $0x1;
	v11 =	vld.idx.msk [tilespmem:v11+s19+$0x0], $0xffff  }
0x5fb: {  	v59 =	vsub.f32 v21, v0;
	v7 =	vsel vm3, v61, v7;
	vm3 =	vlt.f32 v26, v53  }
0x5fc: {  	v8 =	vsel vm3, $0x8, v22;
	vm3 =	vlt.f32 v15, v47;
	v15 =	vor.u32 $0x10, v3  }
0x5fd: {  	v16 =	vshrl.u32 v7, $0x3;
	v3 =	vsel vm3, v15, v3;
	v15 =	vor.u32 $0x3, v8;
	v13 =	vld.idx.msk [tilespmem:v13+s19+$0x0], $0xffff  }
0x5fe: {  	v61 =	vsub.f32 v0, v14;
	v14 =	vshrl.u32 v3, $0x4;
	v15 =	vperm.xlane v23, v15  }
0x5ff: {  	v60 =	vor.u32 $0x20, v2;
	(erf) = vrcp.f32 v10;
	v0 =	vld.idx.msk [tilespmem:v9+s24+$0x0], $0xffff;
	vm3 =	vlt.f32 v11, v49  }
0x600: {  	v11 =	vld.idx.msk [tilespmem:v56+s25+$0x0], $0xffff;
	v56 =	vor.u32 $0x4, v8;
	v4 =	vsel vm3, v50, v4;
	vm3 =	vlt.f32 v15, v53  }
0x601: {  	v21 =	vadd.f32 v59, v61;
	v15 =	vld.idx.msk [tilespmem:v54+s25+$0x0], $0xffff;
	v50 =	vshrl.u32 v4, $0x5;
	v8 =	vsel vm3, v56, v8  }
0x602: {  	v9 =	vld.idx.msk [tilespmem:v16+s22+$0x0], $0xffff;
	v56 =	vadd.s32 $0x4, v7;
	vm3 =	vlt.f32 v13, v52;
	v16 =	vor.u32 $0x1, v8  }
0x603: {  	v13 =	vld.idx.msk [tilespmem:v14+s21+$0x0], $0xffff;
	v2 =	vsel vm3, v60, v2;
	vm3 =	veq.f32 v21, $0.0e+00;
	v54 =	vperm.xlane v23, v16  }
0x604: {  	v60 =	vsel vm3, $0x3F800000, v21;
	vm3 =	vlt.f32 v0, v46;
	v0 =	vshrl.u32 v2, $0x5  }
0x605: {  	v14 =	vor.u32 $0x2, v8;
	v16 =	vsel vm3, $0x1, v22;
	vm3 =	vlt.f32 v54, v53;
	v54 =	vld [tilespmem:s11+$0xD0]  }
0x606: {  	v6 =	vmul.f32 v6, v11;
	v11 =	vmul.f32 v63, v15;
	v15 =	vld.idx.msk [tilespmem:v62+s25+$0x0], $0xffff;
	v8 =	vsel vm3, v14, v8  }
0x607: {  	v63 =	vor.u32 $0x8, v3;
	vm3 =	vlt.f32 v9, v48;
	v62 =	vld.idx.msk [tilespmem:v50+s20+$0x0], $0xffff;
	v21 =	vperm.xlane v23, v8  }
0x608: {  	v1 =	vadd.s32 v16, v1;
	v7 =	vsel vm3, v56, v7;
	vm3 =	vlt.f32 v13, v47  }
0x609: {  	v50 =	vpop (erf);
	v11 =	vadd.f32 v11, v6;
	v6 =	vsel vm3, v63, v3;
	v0 =	vld.idx.msk [tilespmem:v0+s20+$0x0], $0xffff;
	vm3 =	vlt.f32 v21, v53  }
0x60a: {  	v50 =	vmul.f32 v50, v51;
	v56 =	vpop (erf);
	v9 =	vsel vm3, $0x1, v22;
	vm3 =	vlt.f32 v26, v54  }
0x60b: {  	v3 =	vld.idx.msk [tilespmem:v55+s25+$0x0], $0xffff;
	v51 =	vmul.f32 v56, v11;
	v5 =	vmul.f32 v5, v15;
	v11 =	vsel vm3, $0x8, v22  }
0x60c: {  	v56 =	vld [tilespmem:s11+$0xE0];
	vm3 =	vlt.f32 v62, v49;
	v62 =	vor.u32 $0x10, v4;
	v63 =	vor.u32 $0x3, v11  }
0x60d: {  	v8 =	vor.u32 v9, v8;
	v4 =	vsel vm3, v62, v4;
	v9 =	vperm.xlane v23, v63  }
0x60e: {  	v55 =	vld [tilespmem:s11+$0xF0];
	v62 =	vor.u32 $0x10, v2;
	v63 =	vperm.xlane v24, v8;
	vm3 =	vlt.f32 v0, v52  }
0x60f: {  	v0 =	vsel vm3, v62, v2;
	vm3 =	vlt.f32 v9, v54;
	v62 =	vor.u32 $0x4, v11  }
0x610: {  	v3 =	vmul.f32 v12, v3;
	v2 =	vsel vm3, v62, v11;
	vm3 =	vlt.f32 v63, v53  }
0x611: {  	v1 =	vmax.u32 v1, $0x1;
	v9 =	vsel vm3, $0x40, v22;
	vm3 =	vlt.f32 v26, v56  }
0x612: {  	v3 =	vadd.f32 v3, v5;
	v11 =	vor.u32 $0x1, v2;
	v12 =	vsel vm3, $0x8, v22  }
0x613: {  	v11 =	vperm.xlane v23, v11;
	vm3 =	vlt.f32 v26, v55;
	v63 =	vor.u32 $0x3, v12  }
0x614: {  	v62 =	vor.u32 $0x2, v2;
	v13 =	vsel vm3, $0x8, v22;
	v5 =	vperm.xlane v23, v63  }
0x615: {  	v14 =	vor.u32 $0x4, v12;
	vm3 =	vlt.f32 v11, v54;
	v63 =	vor.u32 $0x3, v13  }
0x616: {  	v2 =	vsel vm3, v62, v2;
	v10 =	vperm.xlane v23, v63;
	vm3 =	vlt.f32 v5, v56  }
0x617: {  	v15 =	vshrl.u32 v4, $0x4;
	v11 =	vperm.xlane v23, v2;
	v5 =	vsel vm3, v14, v12  }
0x618: {  	v62 =	vor.u32 $0x4, v13;
	vm3 =	vlt.f32 v10, v55;
	v12 =	vor.u32 $0x1, v5  }
0x619: {  	v10 =	vsel vm3, v62, v13;
	vm3 =	vlt.f32 v11, v54;
	v63 =	vperm.xlane v23, v12  }
0x61a: {  	v8 =	vshll.u32 v8, $0x7;
	v13 =	vsel vm3, $0x1, v22;
	v62 =	vor.u32 $0x1, v10  }
0x61b: {  	v14 =	vperm.xlane v23, v62;
	vm3 =	vlt.f32 v63, v56;
	v63 =	vor.u32 $0x2, v5  }
0x61c: {  	v12 =	vshrl.u32 v7, $0x2;
	v2 =	vor.u32 v13, v2;
	v5 =	vsel vm3, v63, v5  }
0x61d: {  	v62 =	vor.u32 $0x2, v10;
	vm3 =	vlt.f32 v14, v55;
	v11 =	vperm.xlane v23, v5  }
0x61e: {  	v16 =	vshrl.u32 v0, $0x4;
	v14 =	vperm.xlane v24, v2;
	v10 =	vsel vm3, v62, v10  }
0x61f: {  	v8 =	vor.u32 v9, v8;
	v63 =	vperm.xlane v23, v10;
	vm3 =	vlt.f32 v11, v56  }
0x620: {  	v11 =	vshrl.u32 v8, $0x6;
	v62 =	vsel vm3, $0x1, v22;
	vm3 =	vlt.f32 v14, v54  }
0x621: {  	v14 =	vsel vm3, $0x40, v22;
	v5 =	vor.u32 v62, v5;
	vm3 =	vlt.f32 v63, v55  }
0x622: {  	v2 =	vshll.u32 v2, $0x7;
	v12 =	vld.idx.msk [tilespmem:v12+s23+$0x0], $0xffff;
	v63 =	vperm.xlane v24, v5;
	v62 =	vsel vm3, $0x1, v22  }
0x623: {  	v1 =	vmin.u32 v1, $0x7D3;
	v2 =	vor.u32 v14, v2;
	v10 =	vor.u32 v62, v10  }
0x624: {  	v13 =	vshrl.u32 v2, $0x6;
	v62 =	vld.idx.msk [tilespmem:v15+s21+$0x0], $0xffff;
	vm3 =	vlt.f32 v63, v56;
	v63 =	vperm.xlane v24, v10  }
0x625: {  	v21 =	vshrl.u32 v6, $0x3;
	v5 =	vshll.u32 v5, $0x7;
	v15 =	vsel vm3, $0x40, v22  }
0x626: {  	v11 =	vld.idx.msk [tilespmem:v11+s19+$0x0], $0xffff;
	v10 =	vshll.u32 v10, $0x7;
	v5 =	vor.u32 v15, v5;
	vm3 =	vlt.f32 v63, v55  }
0x627: {  	v16 =	vld.idx.msk [tilespmem:v16+s21+$0x0], $0xffff;
	v63 =	vadd.s32 $0x2, v7;
	v15 =	vsel vm3, $0x40, v22;
	vm3 =	vlt.f32 v12, v48  }
0x628: {  	v9 =	vshrl.u32 v5, $0x6;
	v10 =	vor.u32 v15, v10;
	v7 =	vsel vm3, v63, v7  }
0x629: {  	v12 =	vld.idx.msk [tilespmem:v13+s19+$0x0], $0xffff;
	vm3 =	vlt.f32 v62, v49;
	v62 =	vor.u32 $0x8, v4;
	v13 =	vshrl.u32 v10, $0x6  }
0x62a: {  	v14 =	vadd.s32 $0xFFFFFFFF, v1;
	v15 =	vld.idx.msk [tilespmem:v58+s25+$0x0], $0xffff;
	v58 =	vshrl.u32 v7, $0x1;
	v4 =	vsel vm3, v62, v4  }
0x62b: {  	v21 =	vld.idx.msk [tilespmem:v21+s22+$0x0], $0xffff;
	vm3 =	vlt.f32 v11, v53;
	v11 =	vor.u32 $0x20, v8;
	v62 =	vshrl.u32 v4, $0x3  }
0x62c: {  	v8 =	vsel vm3, v11, v8;
	v11 =	vld.idx.msk [tilespmem:v57+s25+$0x0], $0xffff;
	vm3 =	vlt.f32 v16, v52;
	v16 =	vor.u32 $0x8, v0  }
0x62d: {  	v57 =	vshrl.u32 v8, $0x5;
	v0 =	vsel vm3, v16, v0;
	v9 =	vld.idx.msk [tilespmem:v9+s19+$0x0], $0xffff  }
0x62e: {  	v63 =	vor.u32 $0x20, v2;
	v16 =	vshrl.u32 v0, $0x3;
	vm3 =	vlt.f32 v12, v54;
	v13 =	vld.idx.msk [tilespmem:v13+s19+$0x0], $0xffff  }
0x62f: {  	v15 =	vmul.f32 v61, v15;
	v2 =	vsel vm3, v63, v2;
	v12 =	vld.idx.msk [tilespmem:v58+s24+$0x0], $0xffff  }
0x630: {  	vm3 =	vlt.f32 v21, v47;
	v21 =	vadd.s32 $0x4, v6;
	v58 =	vshrl.u32 v2, $0x5;
	v61 =	vld.idx.msk [tilespmem:v62+s22+$0x0], $0xffff  }
0x631: {  	(erf) = vrcp.f32 v60;
	v63 =	vor.u32 $0x20, v5;
	v21 =	vsel vm3, v21, v6;
	v62 =	vld.idx.msk [tilespmem:v14+s6+$0x0], $0xffff  }
0x632: {  	vm3 =	vlt.f32 v9, v56;
	v9 =	vmul.f32 v59, v11;
	v11 =	vshrl.u32 v21, $0x2;
	v59 =	vld.idx.msk [tilespmem:v57+s20+$0x0], $0xffff;
	v57 =	vpop (erf)  }
0x633: {  	v5 =	vsel vm3, v63, v5;
	v57 =	vmul.f32 v57, v3;
	v3 =	vld.idx.msk [tilespmem:v16+s22+$0x0], $0xffff;
	v16 =	vadd.s32 $0x4, v4  }
0x634: {  	v63 =	vshrl.u32 v5, $0x5;
	vm3 =	vlt.f32 v13, v55;
	v13 =	vor.u32 $0x20, v10  }
0x635: {  	v6 =	vadd.f32 v9, v15;
	v9 =	vsel vm3, v13, v10;
	vm3 =	vlt.f32 v12, v48;
	v60 =	vld.idx.msk [tilespmem:v58+s20+$0x0], $0xffff  }
0x636: {  	v13 =	vld.idx.msk [tilespmem:v1+s6+$0x0], $0xffff;
	v12 =	vshrl.u32 v9, $0x5;
	v15 =	vsel vm3, $0x1, v22;
	vm3 =	vlt.f32 v61, v49  }
0x637: {  	v46 =	vmax.f32 v62, v46;
	v4 =	vsel vm3, v16, v4  }
0x638: {  	v11 =	vld.idx.msk [tilespmem:v11+s23+$0x0], $0xffff;
	vm3 =	vlt.f32 v59, v53;
	v16 =	vor.u32 $0x10, v8;
	v58 =	vshrl.u32 v4, $0x2  }
0x639: {  	v8 =	vsel vm3, v16, v8;
	vm3 =	vlt.f32 v3, v52;
	v16 =	vld.idx.msk [tilespmem:v63+s20+$0x0], $0xffff;
	v63 =	vadd.s32 $0x4, v0  }
0x63a: {  	v59 =	vshrl.u32 v8, $0x4;
	v0 =	vsel vm3, v63, v0;
	vm3 =	vlt.f32 v60, v54  }
0x63b: {  	v60 =	vor.u32 $0x10, v2;
	v10 =	vld.idx.msk [tilespmem:v12+s20+$0x0], $0xffff;
	v12 =	vmin.f32 v13, v46;
	v46 =	vshrl.u32 v0, $0x2  }
0x63c: {  	v61 =	vadd.s32 $0x2, v21;
	v7 =	vadd.s32 v15, v7;
	v2 =	vsel vm3, v60, v2  }
0x63d: {  	v1 =	vld.idx.msk [tilespmem:v1+s25+$0x0], $0xffff;
	v7 =	vmax.u32 v7, $0x1;
	vm3 =	vlt.f32 v11, v47;
	v63 =	vshrl.u32 v2, $0x4  }
0x63e: {  	v7 =	vmin.u32 v7, $0x7D3;
	v3 =	vsel vm3, v61, v21;
	v21 =	vld.idx.msk [tilespmem:v58+s23+$0x0], $0xffff  }
0x63f: {  	v61 =	vor.u32 $0x10, v9;
	vm3 =	vlt.f32 v16, v56;
	v16 =	vor.u32 $0x10, v5;
	v60 =	vld.idx.msk [tilespmem:v59+s21+$0x0], $0xffff  }
0x640: {  	v15 =	vshrl.u32 v3, $0x1;
	v59 =	vsub.f32 v12, v62;
	v5 =	vsel vm3, v16, v5;
	v46 =	vld.idx.msk [tilespmem:v46+s23+$0x0], $0xffff  }
0x641: {  	v16 =	vshrl.u32 v5, $0x4;
	vm3 =	vlt.f32 v10, v55;
	v10 =	vsub.f32 v13, v12;
	v13 =	vld.idx.msk [tilespmem:v14+s25+$0x0], $0xffff  }
0x642: {  	v14 =	vadd.s32 $0xFFFFFFFF, v7;
	v9 =	vsel vm3, v61, v9;
	v11 =	vld.idx.msk [tilespmem:v63+s21+$0x0], $0xffff;
	v63 =	vor.u32 $0x8, v2  }
0x643: {  	v12 =	vshrl.u32 v9, $0x4;
	vm3 =	vlt.f32 v21, v49;
	v21 =	vadd.s32 $0x2, v4  }
0x644: {  	v58 =	vadd.f32 v10, v59;
	v1 =	vmul.f32 v10, v1;
	v4 =	vsel vm3, v21, v4  }
0x645: {  	v15 =	vld.idx.msk [tilespmem:v15+s24+$0x0], $0xffff;
	vm3 =	vlt.f32 v60, v53;
	v21 =	vor.u32 $0x8, v8;
	v60 =	vshrl.u32 v4, $0x1  }
0x646: {  	v8 =	vsel vm3, v21, v8;
	v21 =	vadd.s32 $0x2, v0;
	v16 =	vld.idx.msk [tilespmem:v16+s21+$0x0], $0xffff;
	vm3 =	vlt.f32 v46, v52  }
0x647: {  	v46 =	vshrl.u32 v8, $0x3;
	v13 =	vmul.f32 v59, v13;
	v0 =	vsel vm3, v21, v0  }
0x648: {  	v59 =	vor.u32 $0x8, v9;
	vm3 =	vlt.f32 v11, v54;
	v12 =	vld.idx.msk [tilespmem:v12+s21+$0x0], $0xffff;
	v21 =	vshrl.u32 v0, $0x1  }
0x649: {  	v11 =	vld.idx.msk [tilespmem:v14+s6+$0x0], $0xffff;
	v2 =	vsel vm3, v63, v2;
	vm3 =	veq.f32 v58, $0.0e+00;
	v1 =	vadd.f32 v1, v13  }
0x64a: {  	v61 =	vld.idx.msk [tilespmem:v7+s6+$0x0], $0xffff;
	v58 =	vsel vm3, $0x3F800000, v58;
	vm3 =	vlt.f32 v15, v47;
	v15 =	vshrl.u32 v2, $0x3  }
0x64b: {  	v62 =	vsel vm3, $0x1, v22;
	v60 =	vld.idx.msk [tilespmem:v60+s24+$0x0], $0xffff;
	vm3 =	vlt.f32 v16, v56;
	v16 =	vor.u32 $0x8, v5  }
0x64c: {  	(erf) = vrcp.f32 v58;
	v10 =	vld.idx.msk [tilespmem:v46+s22+$0x0], $0xffff;
	v3 =	vadd.s32 v62, v3;
	v5 =	vsel vm3, v16, v5  }
0x64d: {  	v3 =	vmax.u32 v3, $0x1;
	v16 =	vshrl.u32 v5, $0x3;
	vm3 =	vlt.f32 v12, v55;
	v21 =	vld.idx.msk [tilespmem:v21+s24+$0x0], $0xffff  }
0x64e: {  	v62 =	vmax.f32 v11, v48;
	v3 =	vmin.u32 v3, $0x7D3;
	v9 =	vsel vm3, v59, v9  }
0x64f: {  	v12 =	vmin.f32 v61, v62;
	v15 =	vld.idx.msk [tilespmem:v15+s22+$0x0], $0xffff;
	v58 =	vadd.s32 $0xFFFFFFFF, v3;
	v46 =	vshrl.u32 v9, $0x3  }
0x650: {  	v7 =	vld.idx.msk [tilespmem:v7+s25+$0x0], $0xffff;
	v11 =	vsub.f32 v12, v11;
	v12 =	vsub.f32 v61, v12;
	vm3 =	vlt.f32 v60, v49  }
0x651: {  	v60 =	vadd.s32 $0x4, v8;
	v63 =	vsel vm3, $0x1, v22;
	vm3 =	vlt.f32 v10, v53  }
0x652: {  	v4 =	vadd.s32 v63, v4;
	v8 =	vsel vm3, v60, v8;
	v62 =	vld.idx.msk [tilespmem:v16+s22+$0x0], $0xffff;
	vm3 =	vlt.f32 v21, v52  }
0x653: {  	v14 =	vld.idx.msk [tilespmem:v14+s25+$0x0], $0xffff;
	v4 =	vmax.u32 v4, $0x1;
	v16 =	vshrl.u32 v8, $0x2;
	v21 =	vsel vm3, $0x1, v22  }
0x654: {  	vm3 =	vlt.f32 v15, v54;
	v15 =	vadd.s32 $0x4, v2;
	v4 =	vmin.u32 v4, $0x7D3;
	v46 =	vld.idx.msk [tilespmem:v46+s22+$0x0], $0xffff  }
0x655: {  	v7 =	vmul.f32 v12, v7;
	v10 =	vld.idx.msk [tilespmem:v58+s6+$0x0], $0xffff;
	v2 =	vsel vm3, v15, v2;
	v15 =	vadd.s32 $0xFFFFFFFF, v4  }
0x656: {  	v63 =	vadd.s32 $0x4, v5;
	v61 =	vld.idx.msk [tilespmem:v3+s6+$0x0], $0xffff;
	v0 =	vadd.s32 v21, v0;
	v21 =	vshrl.u32 v2, $0x2  }
0x657: {  	v60 =	vadd.f32 v12, v11;
	v3 =	vld.idx.msk [tilespmem:v3+s25+$0x0], $0xffff;
	v0 =	vmax.u32 v0, $0x1;
	vm3 =	vlt.f32 v62, v56  }
0x658: {  	v11 =	vmul.f32 v11, v14;
	v0 =	vmin.u32 v0, $0x7D3;
	v16 =	vld.idx.msk [tilespmem:v16+s23+$0x0], $0xffff;
	v5 =	vsel vm3, v63, v5  }
0x659: {  	v58 =	vld.idx.msk [tilespmem:v58+s25+$0x0], $0xffff;
	v59 =	vshrl.u32 v5, $0x2;
	vm3 =	vlt.f32 v46, v55;
	v46 =	vadd.s32 $0x4, v9  }
0x65a: {  	v48 =	vpop (erf);
	v62 =	vadd.s32 $0xFFFFFFFF, v0;
	v47 =	vmax.f32 v10, v47;
	v12 =	vld.idx.msk [tilespmem:v15+s6+$0x0], $0xffff;
	v9 =	vsel vm3, v46, v9  }
0x65b: {  	v46 =	vmul.f32 v48, v6;
	v6 =	vld.idx.msk [tilespmem:v21+s23+$0x0], $0xffff;
	vm3 =	veq.f32 v60, $0.0e+00;
	v48 =	vpop (erf);
	v13 =	vshrl.u32 v9, $0x2  }
0x65c: {  	v15 =	vld.idx.msk [tilespmem:v15+s25+$0x0], $0xffff;
	v21 =	vsel vm3, $0x3F800000, v60;
	v48 =	vmul.f32 v48, v1;
	v1 =	vadd.f32 v7, v11  }
0x65d: {  	v60 =	vld.idx.msk [tilespmem:v4+s6+$0x0], $0xffff;
	v11 =	vmin.f32 v61, v47;
	vm3 =	vlt.f32 v16, v53;
	v16 =	vadd.s32 $0x2, v8  }
0x65e: {  	v10 =	vsub.f32 v11, v10;
	v11 =	vsub.f32 v61, v11;
	v7 =	vsel vm3, v16, v8;
	v8 =	vld.idx.msk [tilespmem:v59+s23+$0x0], $0xffff  }
0x65f: {  	(erf) = vrcp.f32 v21;
	v14 =	vld.idx.msk [tilespmem:v62+s6+$0x0], $0xffff;
	v16 =	vshrl.u32 v7, $0x1;
	v59 =	vadd.s32 $0x2, v2  }
0x660: {  	v21 =	vmax.f32 v12, v49;
	v61 =	vadd.f32 v11, v10;
	vm3 =	vlt.f32 v6, v54;
	v13 =	vld.idx.msk [tilespmem:v13+s23+$0x0], $0xffff  }
0x661: {  	v4 =	vld.idx.msk [tilespmem:v4+s25+$0x0], $0xffff;
	v10 =	vmul.f32 v10, v58;
	v3 =	vmul.f32 v11, v3;
	v2 =	vsel vm3, v59, v2  }
0x662: {  	v6 =	vld.idx.msk [tilespmem:v0+s6+$0x0], $0xffff;
	v21 =	vmin.f32 v60, v21;
	v59 =	vadd.s32 $0x2, v5;
	v63 =	vshrl.u32 v2, $0x1  }
0x663: {  	v3 =	vadd.f32 v3, v10;
	v12 =	vsub.f32 v21, v12;
	vm3 =	vlt.f32 v8, v56  }
0x664: {  	v21 =	vsub.f32 v60, v21;
	v52 =	vmax.f32 v14, v52;
	v16 =	vld.idx.msk [tilespmem:v16+s24+$0x0], $0xffff;
	v5 =	vsel vm3, v59, v5  }
0x665: {  	v60 =	vadd.s32 $0x2, v9;
	v8 =	vshrl.u32 v5, $0x1;
	vm3 =	vlt.f32 v13, v55  }
0x666: {  	v58 =	vadd.f32 v21, v12;
	v12 =	vmul.f32 v12, v15;
	v9 =	vsel vm3, v60, v9  }
0x667: {  	v4 =	vmul.f32 v21, v4;
	v52 =	vmin.f32 v6, v52;
	v47 =	vld.idx.msk [tilespmem:v63+s24+$0x0], $0xffff;
	v63 =	vshrl.u32 v9, $0x1  }
0x668: {  	v14 =	vsub.f32 v52, v14;
	v6 =	vsub.f32 v6, v52;
	vm3 =	veq.f32 v61, $0.0e+00  }
0x669: {  	v52 =	vmul.f32 v32, v25;
	v13 =	vsel vm3, $0x3F800000, v61;
	vm3 =	vlt.f32 v16, v53  }
0x66a: {  	v4 =	vadd.f32 v4, v12;
	v16 =	vadd.f32 v6, v14;
	v59 =	vsel vm3, $0x1, v22;
	v8 =	vld.idx.msk [tilespmem:v8+s24+$0x0], $0xffff  }
0x66b: {  	(erf) = vrcp.f32 v13;
	vm3 =	veq.f32 v58, $0.0e+00;
	v7 =	vadd.s32 v59, v7  }
0x66c: {  	v60 =	vsel vm3, $0x3F800000, v58;
	vm3 =	veq.f32 v16, $0.0e+00;
	v7 =	vmax.u32 v7, $0x1;
	v61 =	vld.idx.msk [tilespmem:v63+s24+$0x0], $0xffff  }
0x66d: {  	v16 =	vsel vm3, $0x3F800000, v16;
	vm3 =	vlt.f32 v47, v54;
	v7 =	vmin.u32 v7, $0x7D3  }
0x66e: {  	(erf) = vrcp.f32 v60;
	v63 =	vsel vm3, $0x1, v22;
	v49 =	vadd.s32 $0xFFFFFFFF, v7  }
0x66f: {  	(erf) = vrcp.f32 v16;
	v16 =	vmul.f32 v27, v25;
	vm3 =	vlt.f32 v8, v56  }
0x670: {  	v0 =	vld.idx.msk [tilespmem:v0+s25+$0x0], $0xffff;
	v27 =	vmul.f32 v28, v25;
	v2 =	vadd.s32 v63, v2;
	v58 =	vsel vm3, $0x1, v22  }
0x671: {  	v2 =	vmax.u32 v2, $0x1;
	v5 =	vadd.s32 v58, v5;
	vm3 =	vlt.f32 v61, v55  }
0x672: {  	v59 =	vld.idx.msk [tilespmem:v62+s25+$0x0], $0xffff;
	v2 =	vmin.u32 v2, $0x7D3;
	v5 =	vmax.u32 v5, $0x1;
	v47 =	vsel vm3, $0x1, v22  }
0x673: {  	[tilespmem:s8+$0xFFFFFF20] =	vst v52;
	v28 =	vadd.s32 $0xFFFFFFFF, v2;
	v11 =	vld.idx.msk [tilespmem:v49+s6+$0x0], $0xffff;
	v5 =	vmin.u32 v5, $0x7D3;
	v9 =	vadd.s32 v47, v9  }
0x674: {  	[tilespmem:s8+$0xFFFFFF10] =	vst v27;
	v27 =	vmul.f32 v31, v25;
	v15 =	vld.idx.msk [tilespmem:v7+s6+$0x0], $0xffff;
	v47 =	vadd.s32 $0xFFFFFFFF, v5;
	v9 =	vmax.u32 v9, $0x1  }
0x675: {  	v0 =	vmul.f32 v6, v0;
	[tilespmem:s8+$0xFFFFFF00] =	vst v16;
	v16 =	vmul.f32 v29, v25;
	v9 =	vmin.u32 v9, $0x7D3  }
0x676: {  	v29 =	vmul.f32 v30, v25;
	[tilespmem:s8+$0xFFFFFF50] =	vst v27;
	v27 =	vmul.f32 v34, v25;
	v13 =	vld.idx.msk [tilespmem:v49+s25+$0x0], $0xffff;
	v21 =	vadd.s32 $0xFFFFFFFF, v9  }
0x677: {  	v60 =	vmul.f32 v14, v59;
	[tilespmem:s8+$0xFFFFFF30] =	vst v16;
	v34 =	vmul.f32 v35, v25;
	v61 =	vpop (erf);
	v49 =	vld.idx.msk [tilespmem:v2+s6+$0x0], $0xffff  }
0x678: {  	v62 =	vpop (erf);
	[tilespmem:s8+$0xFFFFFF70] =	vst v27;
	v27 =	vmul.f32 v36, v25;
	v6 =	vld.idx.msk [tilespmem:v28+s6+$0x0], $0xffff;
	v63 =	vmax.f32 v11, v53  }
0x679: {  	v1 =	vmul.f32 v61, v1;
	v3 =	vmul.f32 v62, v3;
	v53 =	vmin.f32 v15, v63;
	v58 =	vld.idx.msk [tilespmem:v47+s6+$0x0], $0xffff  }
0x67a: {  	[tilespmem:s8+$0xFFFFFF90] =	vst v27;
	v27 =	vmul.f32 v38, v25;
	v8 =	vsub.f32 v15, v53;
	v15 =	vld.idx.msk [tilespmem:v5+s6+$0x0], $0xffff  }
0x67b: {  	v0 =	vadd.f32 v0, v60;
	v52 =	vpop (erf);
	v38 =	vmul.f32 v39, v25;
	v39 =	vmul.f32 v43, v25;
	v60 =	vld.idx.msk [tilespmem:v21+s6+$0x0], $0xffff  }
0x67c: {  	v1 =	vmul.f32 v1, v25;
	v59 =	vpop (erf);
	v4 =	vmul.f32 v52, v4;
	v11 =	vsub.f32 v53, v11;
	v16 =	vld.idx.msk [tilespmem:v9+s6+$0x0], $0xffff  }
0x67d: {  	v3 =	vmul.f32 v3, v25;
	v0 =	vmul.f32 v59, v0;
	v62 =	vmax.f32 v6, v54  }
0x67e: {  	v61 =	vadd.f32 v8, v11;
	v11 =	vmul.f32 v11, v13;
	v13 =	vmin.f32 v49, v62  }
0x67f: {  	[tilespmem:s8+$0xFFFFFF40] =	vst v29;
	v63 =	vmul.f32 v33, v25;
	v6 =	vsub.f32 v13, v6;
	v32 =	vmax.f32 v58, v56  }
0x680: {  	[tilespmem:s8+$0xFFFFFF80] =	vst v34;
	v33 =	vsub.f32 v49, v13;
	v29 =	vmin.f32 v15, v32;
	v35 =	vmax.f32 v60, v55  }
0x681: {  	[tilespmem:s8+$0xFFFFFFB0] =	vst v27;
	v36 =	vsub.f32 v15, v29;
	v15 =	vmul.f32 v37, v25;
	v37 =	vmin.f32 v16, v35  }
0x682: {  	v27 =	vmul.f32 v40, v25;
	[tilespmem:s8+$0xFFFFFFC0] =	vst v38;
	v14 =	vsub.f32 v29, v58;
	v10 =	vsub.f32 v37, v60  }
0x683: {  	v4 =	vmul.f32 v4, v25;
	[tilespmem:s8+$0xFFFFFFA0] =	vst v15;
	v15 =	vsub.f32 v16, v37;
	v16 =	vadd.f32 v33, v6  }
0x684: {  	v7 =	vld.idx.msk [tilespmem:v7+s25+$0x0], $0xffff;
	[tilespmem:s8+$0xFFFFFFD0] =	vst v27;
	v27 =	vmul.f32 v42, v25;
	vm3 =	veq.f32 v61, $0.0e+00;
	v40 =	vadd.f32 v36, v14  }
0x685: {  	v2 =	vld.idx.msk [tilespmem:v2+s25+$0x0], $0xffff;
	[tilespmem:s8+$0xFFFFFFE0] =	vst v39;
	v12 =	vsel vm3, $0x3F800000, v61;
	vm3 =	veq.f32 v16, $0.0e+00;
	v42 =	vadd.f32 v15, v10  }
0x686: {  	v28 =	vld.idx.msk [tilespmem:v28+s25+$0x0], $0xffff;
	[tilespmem:s8+$0x80] =	vst v1;
	(erf) = vrcp.f32 v12;
	v16 =	vsel vm3, $0x3F800000, v16;
	vm3 =	veq.f32 v40, $0.0e+00  }
0x687: {  	[tilespmem:s8+$0x90] =	vst v3;
	v43 =	vld.idx.msk [tilespmem:v47+s25+$0x0], $0xffff;
	(erf) = vrcp.f32 v16;
	v12 =	vsel vm3, $0x3F800000, v40;
	vm3 =	veq.f32 v42, $0.0e+00  }
0x688: {  	v5 =	vld.idx.msk [tilespmem:v5+s25+$0x0], $0xffff;
	[tilespmem:s8+$0xFFFFFFF0] =	vst v27;
	v27 =	vmul.f32 v44, v25;
	(erf) = vrcp.f32 v12;
	v44 =	vsel vm3, $0x3F800000, v42  }
0x689: {  	v0 =	vmul.f32 v0, v25;
	[tilespmem:s8+$0xA0] =	vst v4;
	v21 =	vld.idx.msk [tilespmem:v21+s25+$0x0], $0xffff;
	(erf) = vrcp.f32 v44  }
0x68a: {  	v47 =	vmul.f32 v57, v25;
	[tilespmem:s8+$0xFFFFFF60] =	vst v63;
	v9 =	vld.idx.msk [tilespmem:v9+s25+$0x0], $0xffff;
	v7 =	vmul.f32 v8, v7  }
0x68b: {  	[tilespmem:s8+$0xB0] =	vst v0;
	v2 =	vmul.f32 v33, v2;
	v16 =	vmul.f32 v41, v25  }
0x68c: {  	[tilespmem:s8+$0x50] =	vst v47;
	v6 =	vmul.f32 v6, v28;
	v49 =	vmul.f32 v14, v43  }
0x68d: {  	v5 =	vmul.f32 v36, v5;
	[tilespmem:s8+$0x0] =	vst v16;
	v16 =	vmul.f32 v45, v25  }
0x68e: {  	[tilespmem:s8+$0x10] =	vst v27;
	v7 =	vadd.f32 v7, v11;
	v10 =	vmul.f32 v10, v21;
	v45 =	vmul.f32 v50, v25  }
0x68f: {  	v2 =	vadd.f32 v2, v6;
	v53 =	vmul.f32 v15, v9;
	v50 =	vmul.f32 v46, v25;
	v52 =	vpop (erf);
	[tilespmem:s8+$0x20] =	vst v16  }
0x690: {  	v5 =	vadd.f32 v5, v49;
	v55 =	vmul.f32 v52, v7;
	v16 =	vmul.f32 v51, v25;
	[tilespmem:s8+$0x30] =	vst v45;
	v54 =	vpop (erf)  }
0x691: {  	s2 =	sadd.s32 $0x20, s2;
	v57 =	vadd.f32 v53, v10;
	v51 =	vmul.f32 v48, v25;
	[tilespmem:s8+$0x60] =	vst v50;
	v56 =	vpop (erf);
	v2 =	vmul.f32 v54, v2  }
0x692: {  	p0 =	slt.u32 s2, $0x3E0;
	v1 =	vmul.f32 v55, v25;
	[tilespmem:s8+$0x40] =	vst v16;
	v58 =	vmul.f32 v56, v5;
	v59 =	vpop (erf)  }
.Ltmp16:
0x693: {  	[tilespmem:s8+$0x70] =	vst v51;
	v60 =	vmul.f32 v2, v25;
	v61 =	vmul.f32 v59, v57;
	(pc) =	sbr.rel @p0 .LBB2_30-.Ltmp16, $4  }
0x694: {  	[tilespmem:s8+$0xC0] =	vst v1;
	v62 =	vmul.f32 v58, v25  }
0x695: {  	[tilespmem:s8+$0xD0] =	vst v60;
	v63 =	vmul.f32 v61, v25  }
0x696: {  	[tilespmem:s8+$0xE0] =	vst v62  }
0x697: {  	s11 =	sadd.s32 $0x200, s11;
	[tilespmem:s8+$0xF0] =	vst v63;
	s8 =	sadd.s32 $0x200, s8  }
0x698: {  	s5 =	sadd.s32 $0x1, s5  }
0x699: {  	p0 =	sne.s32 s5, $0x8  }
.Ltmp17:
0x69a: {  	_ = 	snop;
	(pc) =	sbr.rel @p0 .LBB2_23-.Ltmp17, $3  }
0x69b: {  	_ =	sdelay $0x1  }
0x69c: {  	s1 =	sadd.s32 s4, s1  }
0x69d: {  	[hbm4b:s1+s6] =	stream.linear.scatter [tilespmem:s30], [sflag:$0x4], $0x4000, $0x38;
	[tilespmem:$0x13080] =	vst v63  }
0x69e: {  	s1 =	simm.s32 $0x2  }
0x69f: {  	_ =	swait.ge [sflag:s1], $0x4000  }
0x6a0: {  	[sflag:s1] =	ssyncset.done $0x0  }
0x6a1: {  	[sflag:s1] =	ssyncadd.s32 $0xFFFFC000  }
0x6a2: {  	_ =	swait.ge [sflag:s29], $0x4000  }
0x6a3: {  	s3 =	sadd.s32 $0x1, s3;
	s31 =	rddreg [dreg:$0x6]  }
0x6a4: {  	v0 =	vld [tilespmem:$0x1FFA0];
	p0 =	sne.s32 s3, s31  }
.Ltmp18:
0x6a5: {  	v2 =	vld [tilespmem:$0x1FFB0];
	(pc) =	sbr.rel @p0 .LBB2_1-.Ltmp18, $4  }
.Ltmp19:
0x6a6: {  	v3 =	vld [tilespmem:$0x1FFC0];
	(pc) =	sbr.rel @!p0 .LBB2_33-.Ltmp19, $4  }
0x6a7: {  	v4 =	vld [tilespmem:$0x1FFD0]  }
0x6a8: {  	[sflag:s29] =	ssyncset.done $0x0;
	v7 =	vld [tilespmem:$0x1FFE0]  }
0x6a9: {  	v1 =	vlaneseq.u32;
	v5 =	vimm.s32 $0xF;
	v8 =	vld [tilespmem:$0x1FFF0];
	[sflag:s29] =	ssyncadd.s32 $0xFFFFC000  }
0x6aa: {  	_ = 	snop  }
.LBB2_16:
.Ltmp20:
0x6ab: {  	(pc) =	sbr.rel .LBB2_22-.Ltmp20, $2  }
0x6ac: {  	_ =	sdelay $0x2  }
0x6ad: {  	s1 =	simm.s32 $0x12C80;
	p1 =	por $0x0, $0x0  }
.LBB2_11:
.Ltmp21:
0x6ae: {  	(pc) =	sbr.rel .LBB2_15-.Ltmp21, $2  }
0x6af: {  	_ =	sdelay $0x2  }
0x6b0: {  	s8 =	simm.s32 $0x12A80;
	p2 =	por $0x0, $0x0  }
.LBB2_18:
.Ltmp22:
0x6b1: {  	(pc) =	sbr.rel .LBB2_22-.Ltmp22, $2  }
0x6b2: {  	_ =	sdelay $0x2  }
0x6b3: {  	s1 =	simm.s32 $0x12C80  }
.LBB2_13:
.Ltmp23:
0x6b4: {  	(pc) =	sbr.rel .LBB2_15-.Ltmp23, $2  }
0x6b5: {  	_ =	sdelay $0x2  }
0x6b6: {  	s8 =	simm.s32 $0x12A80  }
.LBB2_20:
.Ltmp24:
0x6b7: {  	(pc) =	sbr.rel .LBB2_22-.Ltmp24, $2  }
0x6b8: {  	_ =	sdelay $0x2  }
0x6b9: {  	s1 =	simm.s32 $0x12C80  }
.LBB2_33:
0x6ba: {  	_ =	sfence.sel $0x180000  }
0x6bb: {  	[bflag:$0x0] =	sbarrier.arrive $0xFFFF  }
0x6bc: {  	_ =	strace $0x90000047  }
0x6bd: {  	s0 =	stileid.u32;
	[bflag:$0x2] =	sbarrier.arrive $0xFFFF  }
0x6be: {  	p0 =	sne.s32 s0, $0x0;
	s0 =	rddreg [dreg:$0x4]  }
0x6bf: {  	s0 =	sadd.s32 @!p0 $0x100000, s0  }
0x6c0: {  	[sflag:s0] =	ssyncadd.tile.s32 @!p0 $0x1;
	_ =	shalt  }
.Lfunc_end2:
_tile_overlayer_lowered:
.L_overlay_start_2:
0x6c1: {  	(tag) =	ssettag $0x2  }
0x6c2: {  	s0 =	rddreg [dreg:$0x0];
	s2 =	stileid.u32  }
0x6c3: {  	s1 =	rddreg [dreg:$0x1];
	p0 =	sne.s32 s2, $0x0  }
0x6c4: {  	s3 =	rddreg [dreg:$0x2];
	[bflag:$0x3] =	sbarrier.arrive $0xFFFF;
	s2 =	simm.s32 @!p0 $0x1C05  }
0x6c5: {  	[timem:s3], [sflag:s2] =	dma.local @!p0 [hbm:s0], s1  }
0x6c6: {  	s0 =	simm.s32 @!p0 $0x5  }
0x6c7: {  	_ =	swait.ge @!p0 [sflag:s0], s1  }
0x6c8: {  	s1 =	ssub.s32 @!p0 $0x0, s1;
	[sflag:s0] =	ssyncset.done @!p0 $0x0  }
0x6c9: {  	[sflag:s0] =	ssyncadd.s32 @!p0 s1  }
0x6ca: {  	[bflag:$0x3] =	sbarrier.arrive $0xFFFF  }
0x6cb: {  	_ =	shalt  }

</sc_bundles>
